<compile_context>
chip_gen: v7x
topology: tpu7x:2x2x1
jax: 0.10.2.dev20260603
libtpu: 0.0.44.dev20260713+nightly
codegen_flags: <defaults>
</compile_context>

<pallas_src>
import functools

import jax
import jax.numpy as jnp
from jax import lax
from jax.experimental import pallas as pl
from jax.experimental.pallas import tpu as pltpu
from jax.experimental.pallas import tpu_sc as plsc

NC = 2
NS = 16
NW = NC * NS

B = 16384
E = 16
N_DNS = 10
N_DSEQ = 50
N_SNS = 26
N_SSEQ = 20

C = 16
B_PER_W = B // NW
N_CHUNKS = B_PER_W // C

TW = 4096
V = 1000000
NTB = -(-V // TW)
VP = NTB * TW


def _streams(segs):
  out = []
  for off, n in segs:
    p = 0
    while p < n:
      sz = min(128, n - p)
      out.append((off + p, sz))
      p += sz
  return out


def _make_sc_kernel(n_scalar, n_seq, n_groups, assemble):
  off_seq = C * n_scalar
  ipc = C * (n_scalar + n_seq)
  streams = _streams([(0, C * n_scalar), (off_seq, C * n_seq)])

  def body(table, ids_cat, *rest):
    outs = rest[:n_groups]
    idx0, idx1, buf0, buf1 = rest[n_groups:n_groups + 4]
    a = rest[n_groups + 4:n_groups + 4 + 2 * n_groups]
    aset0, aset1 = a[:n_groups], a[n_groups:]
    gsem0, gsem1, isem, wsem0, wsem1 = rest[n_groups + 4 + 2 * n_groups:]
    wid = lax.axis_index("s") * NC + lax.axis_index("c")
    base_chunk = wid * N_CHUNKS
    zeros = jnp.zeros((16,), jnp.float32)

    def stage(c, idx):
      off = pl.multiple_of((base_chunk + c) * ipc, 8)
      pltpu.async_copy(ids_cat.at[pl.ds(off, ipc)], idx, isem)

    def wait_ids(idx):
      pltpu.make_async_copy(ids_cat.at[pl.ds(0, ipc)], idx, isem).wait()

    def permute(idx):
      def pv(t, _):
        v = idx[pl.ds(t * 16, 16)]
        g = ((v & jnp.int32(~(TW - 1)))
             | ((v & jnp.int32(511)) << 3)
             | ((v >> 9) & jnp.int32(7)))
        idx[pl.ds(t * 16, 16)] = g
        return 0
      lax.fori_loop(0, ipc // 16, pv, 0)

    def fire(idx, buf, gsem):
      for off, sz in streams:
        pltpu.async_copy(table.at[idx.at[pl.ds(off, sz)]],
                         buf.at[pl.ds(off, sz), :], gsem)

    def drain(gsem):
      for _, sz in streams:
        pltpu.make_async_copy(table.at[idx0.at[pl.ds(0, sz)]],
                              buf0.at[pl.ds(0, sz), :], gsem).wait()

    def drain_writes(aset, wsem):
      for k in range(n_groups):
        pltpu.make_async_copy(aset[k], outs[k].at[pl.ds(0, C), :], wsem).wait()

    def process(c, buf, aset, wsem):
      def row_body(i, _):
        sb = off_seq + i * n_seq
        acc = buf[sb]
        for t in range(1, n_seq):
          acc = acc + buf[sb + t]
        mean = acc * (1.0 / n_seq)
        assemble(buf, i, mean, aset, zeros)
        return 0
      lax.fori_loop(0, C, row_body, 0)
      off = pl.multiple_of(wid * B_PER_W + c * C, C)
      for k in range(n_groups):
        pltpu.async_copy(aset[k], outs[k].at[pl.ds(off, C), :], wsem)

    pltpu.sync_copy(
        ids_cat.at[pl.ds(pl.multiple_of(base_chunk * ipc, 8), ipc)], idx0)
    permute(idx0)
    fire(idx0, buf0, gsem0)
    stage(1, idx1)

    def pair_body(h, _):
      ca = 2 * h
      wait_ids(idx1)
      permute(idx1)
      fire(idx1, buf1, gsem1)
      drain(gsem0)

      @pl.when(h < (N_CHUNKS // 2) - 1)
      def _():
        stage(ca + 2, idx0)

      @pl.when(h > 0)
      def _():
        drain_writes(aset0, wsem0)
      process(ca, buf0, aset0, wsem0)

      @pl.when(h < (N_CHUNKS // 2) - 1)
      def _():
        wait_ids(idx0)
        permute(idx0)
        fire(idx0, buf0, gsem0)
      drain(gsem1)

      @pl.when(h < (N_CHUNKS // 2) - 1)
      def _():
        stage(ca + 3, idx1)

      @pl.when(h > 0)
      def _():
        drain_writes(aset1, wsem1)
      process(ca + 1, buf1, aset1, wsem1)
      return 0

    lax.fori_loop(0, N_CHUNKS // 2, pair_body, 0)
    drain_writes(aset0, wsem0)
    drain_writes(aset1, wsem1)

  return functools.partial(
      pl.kernel,
      out_type=tuple(jax.ShapeDtypeStruct((B, 128), jnp.float32)
                     for _ in range(n_groups)),
      mesh=plsc.VectorSubcoreMesh(core_axis_name="c", subcore_axis_name="s"),
      compiler_params=pltpu.CompilerParams(use_tc_tiling_on_sc=False),
      scratch_types=[
          pltpu.VMEM((ipc,), jnp.int32),
          pltpu.VMEM((ipc,), jnp.int32),
          pltpu.VMEM((ipc, E), jnp.float32),
          pltpu.VMEM((ipc, E), jnp.float32),
      ]
      + [pltpu.VMEM((C, 128), jnp.float32) for _ in range(2 * n_groups)]
      + [pltpu.SemaphoreType.DMA] * 5,
  )(body)


def _assemble_dense(buf, i, mean, aset, zeros):
  a0, a1 = aset
  dn = i * N_DNS
  for j in range(8):
    a0[i, pl.ds(16 * j, 16)] = buf[dn + j]
  a1[i, pl.ds(0, 16)] = buf[dn + 8]
  a1[i, pl.ds(16, 16)] = buf[dn + 9]
  a1[i, pl.ds(32, 16)] = mean
  for j in range(5):
    a1[i, pl.ds(48 + 16 * j, 16)] = zeros


def _assemble_sparse(buf, i, mean, aset, zeros):
  a0, a1, a2, a3 = aset
  sn = i * N_SNS
  for j in range(8):
    a0[i, pl.ds(16 * j, 16)] = buf[sn + j]
  for j in range(8):
    a1[i, pl.ds(16 * j, 16)] = buf[sn + 8 + j]
  for j in range(8):
    a2[i, pl.ds(16 * j, 16)] = buf[sn + 16 + j]
  a3[i, pl.ds(0, 16)] = buf[sn + 24]
  a3[i, pl.ds(16, 16)] = buf[sn + 25]
  a3[i, pl.ds(32, 16)] = mean
  for j in range(5):
    a3[i, pl.ds(48 + 16 * j, 16)] = zeros


_sc_dense = _make_sc_kernel(N_DNS, N_DSEQ, 2, _assemble_dense)
_sc_sparse = _make_sc_kernel(N_SNS, N_SSEQ, 4, _assemble_sparse)


def _tr_body(in_ref, out_ref):
  x = in_ref[...]
  xs = jnp.concatenate([x[:, 512 * k:512 * (k + 1)] for k in range(8)], axis=0)
  out_ref[...] = xs.T


def _tc_transpose(table_t):
  out = pl.pallas_call(
      _tr_body,
      grid=(NTB,),
      in_specs=[pl.BlockSpec((E, TW), lambda i: (0, i))],
      out_specs=pl.BlockSpec((TW // 8, 128), lambda i: (i, 0)),
      out_shape=jax.ShapeDtypeStruct((VP * E // 128, 128), jnp.float32),
  )(table_t)
  return out.reshape(VP, E)


BM = 512
NG = 6


def _tc_body(x0_ref, x1_ref, x2_ref, x3_ref, x4_ref, x5_ref,
             w_ref, b_ref, out_ref):
  w = w_ref[...]
  xs = (x0_ref, x1_ref, x2_ref, x3_ref, x4_ref, x5_ref)
  acc = b_ref[0:1, :].astype(jnp.float32) + jnp.zeros((BM, 128), jnp.float32)
  for k in range(NG):
    acc += jnp.dot(xs[k][...], w[128 * k:128 * (k + 1)],
                   preferred_element_type=jnp.float32)
  out_ref[...] = jnp.maximum(acc, 0.0)


def _tc_matmul(xs, wpad, b8):
  grid = (B // BM,)
  return pl.pallas_call(
      _tc_body,
      grid=grid,
      in_specs=[pl.BlockSpec((BM, 128), lambda i: (i, 0)) for _ in range(NG)]
      + [
          pl.BlockSpec((NG * 128, 128), lambda i: (0, 0)),
          pl.BlockSpec((8, 128), lambda i: (0, 0)),
      ],
      out_specs=pl.BlockSpec((BM, 128), lambda i: (i, 0)),
      out_shape=jax.ShapeDtypeStruct((B, 128), jnp.float32),
  )(*xs, wpad, b8)


def kernel(dense_scalar_ids, dense_seq_ids, sparse_scalar_ids, sparse_seq_ids,
           dense_table, sparse_table, W, b):
  nch = B // C
  dense_cat = jnp.concatenate(
      [dense_scalar_ids.reshape(nch, C * N_DNS),
       dense_seq_ids.reshape(nch, C * N_DSEQ)], axis=1).reshape(-1)
  sparse_cat = jnp.concatenate(
      [sparse_scalar_ids.reshape(nch, C * N_SNS),
       sparse_seq_ids.reshape(nch, C * N_SSEQ)], axis=1).reshape(-1)
  dt = _tc_transpose(dense_table.T)
  xd = _sc_dense(dt, dense_cat)
  st = _tc_transpose(sparse_table.T)
  xsp = _sc_sparse(st, sparse_cat)
  zpad = jnp.zeros((80, 128), W.dtype)
  wpad = jnp.concatenate([W[0:176], zpad, W[176:608], zpad], axis=0)
  b8 = jnp.broadcast_to(b, (8, 128))
  return _tc_matmul(list(xd) + list(xsp), wpad, b8)

# --- scband reference (transcript-rebuilt; emitter-appended) ---
"""Pipeline reference for scband-channel-embedding-layers-38740605009948 (READ-ONLY COPY).

The authoritative reference and input builder live on the scoring server;
editing this copy changes nothing except your own understanding.
"""

import jax, jax.numpy as jnp
import numpy as np

B = 16384
VOCAB = 1000000
DENSE_E = 16
SPARSE_E = 16
N_DENSE_SCALAR = 10
DENSE_SEQ_LEN = 50
N_SPARSE_SCALAR = 26
SPARSE_SEQ_LEN = 20
CONCAT_DIM = N_DENSE_SCALAR * DENSE_E + DENSE_E + N_SPARSE_SCALAR * SPARSE_E + SPARSE_E


def setup_inputs(seed: int = 0) -> dict:
    key = jax.random.key(seed)
    ks = jax.random.split(key, 8)
    dense_scalar_ids = jax.random.randint(ks[0], (B, N_DENSE_SCALAR), 0, VOCAB, dtype=jnp.int32)
    dense_seq_ids = jax.random.randint(ks[1], (B, DENSE_SEQ_LEN), 0, VOCAB, dtype=jnp.int32)
    sparse_scalar_ids = jax.random.randint(ks[2], (B, N_SPARSE_SCALAR), 0, VOCAB, dtype=jnp.int32)
    sparse_seq_ids = jax.random.randint(ks[3], (B, SPARSE_SEQ_LEN), 0, VOCAB, dtype=jnp.int32)
    dense_table = jax.random.normal(ks[4], (VOCAB, DENSE_E), dtype=jnp.float32) * 0.01
    sparse_table = jax.random.normal(ks[5], (VOCAB, SPARSE_E), dtype=jnp.float32) * 0.01
    W = jax.random.normal(ks[6], (CONCAT_DIM, 128), dtype=jnp.float32) * 0.1
    b = jax.random.normal(ks[7], (128,), dtype=jnp.float32) * 0.1
    return {
        "dense_scalar_ids": dense_scalar_ids,
        "dense_seq_ids": dense_seq_ids,
        "sparse_scalar_ids": sparse_scalar_ids,
        "sparse_seq_ids": sparse_seq_ids,
        "dense_table": dense_table,
        "sparse_table": sparse_table,
        "W": W,
        "b": b,
    }


def reference(dense_scalar_ids, dense_seq_ids, sparse_scalar_ids, sparse_seq_ids, dense_table, sparse_table, W, b):
    # embedding_inputs_concat: consecutive dim-1 features form one non-sequence block,
    # then the sequence feature forms its own block. Concatenate ids along axis 1.
    dense_ids = jnp.concatenate([dense_scalar_ids, dense_seq_ids], axis=1)  # [B, 10+50]
    sparse_ids = jnp.concatenate([sparse_scalar_ids, sparse_seq_ids], axis=1)  # [B, 26+20]
    # unified embedding lookup (dynamic hash table approximated by dense table)
    dense_emb = jnp.take(dense_table, dense_ids, axis=0)  # [B, 60, 16]
    sparse_emb = jnp.take(sparse_table, sparse_ids, axis=0)  # [B, 46, 16]
    # embedding_out_split + per-block handling
    d_ns = dense_emb[:, :N_DENSE_SCALAR, :].reshape(dense_emb.shape[0], -1)  # flatten non-seq block
    d_seq = jnp.mean(dense_emb[:, N_DENSE_SCALAR:, :], axis=1)  # sequence: mean over time, flatten
    s_ns = sparse_emb[:, :N_SPARSE_SCALAR, :].reshape(sparse_emb.shape[0], -1)
    s_seq = jnp.mean(sparse_emb[:, N_SPARSE_SCALAR:, :], axis=1)
    embeddings_concat = jnp.concatenate([d_ns, d_seq, s_ns, s_seq], axis=1)  # [B, 608]
    return jax.nn.relu(embeddings_concat @ W + b)

if __name__ == "__main__":
    import jax
    _d = setup_inputs()
    print(jax.jit(kernel)(*tuple(_d.values())))

</pallas_src>

<mosaic_0001>
#map = affine_map<(d0, d1) -> (0, 0)>
#map1 = affine_map<(d0, d1) -> (0)>
module attributes {stable_mosaic.version = 14 : i64} {
  func.func @body(%arg0: i32, %arg1: i32, %arg2: memref<1003520x16xf32, #tpu.memory_space<hbm>>, %arg3: memref<753664xi32, #tpu.memory_space<hbm>>, %arg4: memref<16384x128xf32, #tpu.memory_space<hbm>>, %arg5: memref<16384x128xf32, #tpu.memory_space<hbm>>, %arg6: memref<16384x128xf32, #tpu.memory_space<hbm>>, %arg7: memref<16384x128xf32, #tpu.memory_space<hbm>>, %arg8: memref<736xi32, #tpu.memory_space<vmem>>, %arg9: memref<736xi32, #tpu.memory_space<vmem>>, %arg10: memref<736x16xf32, #tpu.memory_space<vmem>>, %arg11: memref<736x16xf32, #tpu.memory_space<vmem>>, %arg12: memref<16x128xf32, #tpu.memory_space<vmem>>, %arg13: memref<16x128xf32, #tpu.memory_space<vmem>>, %arg14: memref<16x128xf32, #tpu.memory_space<vmem>>, %arg15: memref<16x128xf32, #tpu.memory_space<vmem>>, %arg16: memref<16x128xf32, #tpu.memory_space<vmem>>, %arg17: memref<16x128xf32, #tpu.memory_space<vmem>>, %arg18: memref<16x128xf32, #tpu.memory_space<vmem>>, %arg19: memref<16x128xf32, #tpu.memory_space<vmem>>, %arg20: memref<!tpu.dma_semaphore, #tpu.memory_space<semaphore_mem>>, %arg21: memref<!tpu.dma_semaphore, #tpu.memory_space<semaphore_mem>>, %arg22: memref<!tpu.dma_semaphore, #tpu.memory_space<semaphore_mem>>, %arg23: memref<!tpu.dma_semaphore, #tpu.memory_space<semaphore_mem>>, %arg24: memref<!tpu.dma_semaphore, #tpu.memory_space<semaphore_mem>>) attributes {dimension_semantics = [#tpu.dimension_semantics<core_parallel>, #tpu.dimension_semantics<subcore_parallel>], iteration_bounds = array<i64: 2, 16>, scalar_prefetch = 0 : i64, scratch_operands = 17 : i64, tpu.core_type = #tpu.core_type<sc_vector_subcore>, window_params = [{transform_indices = #map}, {transform_indices = #map1}, {transform_indices = #map}, {transform_indices = #map}, {transform_indices = #map}, {transform_indices = #map}]} {
    %mul3A = arith.constant 2 : i32
    %mul3A_0 = arith.muli %arg1, %mul3A : i32
    %add3A = arith.addi %mul3A_0, %arg0 : i32
    %mul3A_1 = arith.constant 32 : i32
    %mul3A_2 = arith.muli %add3A, %mul3A_1 : i32
    %broadcast_in_dim3A = arith.constant 0.000000e+00 : f32
    %broadcast_in_dim3A_3 = vector.broadcast %broadcast_in_dim3A : f32 to vector<16xf32>
    %mul3A_4 = arith.constant 736 : i32
    %mul3A_5 = arith.muli %mul3A_2, %mul3A_4 : i32
    %multiple_of3A = tpu.assume_multiple %mul3A_5, 8 : i32
    "tpu.region"() ({
      %run_scoped3A = tpu.sem_alloc : memref<!tpu.dma_semaphore, #tpu.memory_space<semaphore_mem>>
      %dma_start3A_128 = tpu.memref_slice %arg3[%multiple_of3A] : memref<753664xi32, #tpu.memory_space<hbm>> -> memref<736xi32, #tpu.memory_space<hbm>>
      %dma_start3A_129 = tpu.memref_slice %arg3[%multiple_of3A] : memref<753664xi32, #tpu.memory_space<hbm>> -> memref<736xi32, #tpu.memory_space<hbm>>
      tpu.enqueue_dma source(%dma_start3A_129 : memref<736xi32, #tpu.memory_space<hbm>>) target(%arg8 : memref<736xi32, #tpu.memory_space<vmem>>) target_semaphore(%run_scoped3A : memref<!tpu.dma_semaphore, #tpu.memory_space<semaphore_mem>>)
      %dma_wait3A_130 = tpu.memref_slice %arg3[%multiple_of3A] : memref<753664xi32, #tpu.memory_space<hbm>> -> memref<736xi32, #tpu.memory_space<hbm>>
      %dma_wait3A_131 = tpu.memref_slice %arg3[%multiple_of3A] : memref<753664xi32, #tpu.memory_space<hbm>> -> memref<736xi32, #tpu.memory_space<hbm>>
      tpu.wait_dma2 semaphore(%run_scoped3A : memref<!tpu.dma_semaphore, #tpu.memory_space<semaphore_mem>>) src(%dma_wait3A_131 : memref<736xi32, #tpu.memory_space<hbm>>) dst(%arg8 : memref<736xi32, #tpu.memory_space<vmem>>)
      tpu.yield
    }) : () -> ()
    %scan3A = arith.constant 0 : i32
    %scan3A_6 = arith.constant 0 : i32
    %scan3A_7 = arith.constant 46 : i32
    %scan3A_8 = arith.addi %scan3A_6, %scan3A_7 : i32
    %scan3A_9 = arith.constant 1 : i32
    %scan3A_10 = scf.for %scan3A_128 = %scan3A_6 to %scan3A_8 step %scan3A_9 iter_args(%scan3A_129 = %scan3A) -> (i32)  : i32 {
      %mul3A_130 = arith.constant 16 : i32
      %mul3A_131 = arith.muli %scan3A_128, %mul3A_130 : i32
      %get3A = arith.index_cast %mul3A_131 : i32 to index
      %get3A_132 = tpu.vector_load %arg8[%get3A] {strides = array<i32>} : memref<736xi32, #tpu.memory_space<vmem>>, vector<16xi32>,
      %get3A_133 = vector.shape_cast %get3A_132 : vector<16xi32> to vector<16xi32>
      %and3A = arith.constant -4096 : i32
      %and3A_134 = vector.broadcast %and3A : i32 to vector<16xi32>
      %and3A_135 = arith.andi %get3A_133, %and3A_134 : vector<16xi32>
      %and3A_136 = arith.constant 511 : i32
      %and3A_137 = vector.broadcast %and3A_136 : i32 to vector<16xi32>
      %and3A_138 = arith.andi %get3A_133, %and3A_137 : vector<16xi32>
      %shift_left3A = arith.constant 3 : i32
      %shift_left3A_139 = vector.broadcast %shift_left3A : i32 to vector<16xi32>
      %shift_left3A_140 = arith.shli %and3A_138, %shift_left3A_139 : vector<16xi32>
      %or3A = arith.ori %and3A_135, %shift_left3A_140 : vector<16xi32>
      %shift_right_arithmetic3A = arith.constant 9 : i32
      %shift_right_arithmetic3A_141 = vector.broadcast %shift_right_arithmetic3A : i32 to vector<16xi32>
      %shift_right_arithmetic3A_142 = arith.shrsi %get3A_133, %shift_right_arithmetic3A_141 : vector<16xi32>
      %and3A_143 = arith.constant 7 : i32
      %and3A_144 = vector.broadcast %and3A_143 : i32 to vector<16xi32>
      %and3A_145 = arith.andi %shift_right_arithmetic3A_142, %and3A_144 : vector<16xi32>
      %or3A_146 = arith.ori %or3A, %and3A_145 : vector<16xi32>
      %mul3A_147 = arith.constant 16 : i32
      %mul3A_148 = arith.muli %scan3A_128, %mul3A_147 : i32
      %swap3A = arith.index_cast %mul3A_148 : i32 to index
      %swap3A_149 = tpu.vector_load %arg8[%swap3A] {strides = array<i32>} : memref<736xi32, #tpu.memory_space<vmem>>, vector<16xi32>,
      %swap3A_150 = vector.shape_cast %swap3A_149 : vector<16xi32> to vector<16xi32>
      %swap3A_151 = vector.shape_cast %or3A_146 : vector<16xi32> to vector<16xi32>
      tpu.vector_store %arg8[%swap3A], %swap3A_151 {strides = array<i32>} : memref<736xi32, #tpu.memory_space<vmem>>, vector<16xi32>,
      %scan3A_152 = arith.constant 0 : i32
      scf.yield %scan3A_152 : i32
    }
    %scan3A_11 = arith.constant 46 : i32
    %dma_start3A = arith.constant 0 : i32
    %dma_start3A_12 = arith.constant 0 : i32
    %dma_start3A_13 = tpu.memref_slice %arg10[%dma_start3A, %dma_start3A_12] : memref<736x16xf32, #tpu.memory_space<vmem>> -> memref<128x16xf32, #tpu.memory_space<vmem>>
    %dma_start3A_14 = arith.constant 0 : i32
    %dma_start3A_15 = tpu.memref_slice %arg8[%dma_start3A_14] : memref<736xi32, #tpu.memory_space<vmem>> -> memref<128xi32, #tpu.memory_space<vmem>>
    %dma_start3A_16 = arith.constant 0 : i32
    %dma_start3A_17 = arith.constant 0 : i32
    %dma_start3A_18 = tpu.memref_slice %arg2[%dma_start3A_16, %dma_start3A_17] : memref<1003520x16xf32, #tpu.memory_space<hbm>> -> memref<1003520x16xf32, #tpu.memory_space<hbm>>
    tpu.enqueue_indirect_dma source(%dma_start3A_18 : memref<1003520x16xf32, #tpu.memory_space<hbm>>) target(%dma_start3A_13 : memref<128x16xf32, #tpu.memory_space<vmem>>) offsets(%dma_start3A_15 : memref<128xi32, #tpu.memory_space<vmem>>) semaphore(%arg20 : memref<!tpu.dma_semaphore, #tpu.memory_space<semaphore_mem>>)
    %dma_start3A_19 = arith.constant 128 : i32
    %dma_start3A_20 = arith.constant 0 : i32
    %dma_start3A_21 = tpu.memref_slice %arg10[%dma_start3A_19, %dma_start3A_20] : memref<736x16xf32, #tpu.memory_space<vmem>> -> memref<128x16xf32, #tpu.memory_space<vmem>>
    %dma_start3A_22 = arith.constant 128 : i32
    %dma_start3A_23 = tpu.memref_slice %arg8[%dma_start3A_22] : memref<736xi32, #tpu.memory_space<vmem>> -> memref<128xi32, #tpu.memory_space<vmem>>
    %dma_start3A_24 = arith.constant 0 : i32
    %dma_start3A_25 = arith.constant 0 : i32
    %dma_start3A_26 = tpu.memref_slice %arg2[%dma_start3A_24, %dma_start3A_25] : memref<1003520x16xf32, #tpu.memory_space<hbm>> -> memref<1003520x16xf32, #tpu.memory_space<hbm>>
    tpu.enqueue_indirect_dma source(%dma_start3A_26 : memref<1003520x16xf32, #tpu.memory_space<hbm>>) target(%dma_start3A_21 : memref<128x16xf32, #tpu.memory_space<vmem>>) offsets(%dma_start3A_23 : memref<128xi32, #tpu.memory_space<vmem>>) semaphore(%arg20 : memref<!tpu.dma_semaphore, #tpu.memory_space<semaphore_mem>>)
    %dma_start3A_27 = arith.constant 256 : i32
    %dma_start3A_28 = arith.constant 0 : i32
    %dma_start3A_29 = tpu.memref_slice %arg10[%dma_start3A_27, %dma_start3A_28] : memref<736x16xf32, #tpu.memory_space<vmem>> -> memref<128x16xf32, #tpu.memory_space<vmem>>
    %dma_start3A_30 = arith.constant 256 : i32
    %dma_start3A_31 = tpu.memref_slice %arg8[%dma_start3A_30] : memref<736xi32, #tpu.memory_space<vmem>> -> memref<128xi32, #tpu.memory_space<vmem>>
    %dma_start3A_32 = arith.constant 0 : i32
    %dma_start3A_33 = arith.constant 0 : i32
    %dma_start3A_34 = tpu.memref_slice %arg2[%dma_start3A_32, %dma_start3A_33] : memref<1003520x16xf32, #tpu.memory_space<hbm>> -> memref<1003520x16xf32, #tpu.memory_space<hbm>>
    tpu.enqueue_indirect_dma source(%dma_start3A_34 : memref<1003520x16xf32, #tpu.memory_space<hbm>>) target(%dma_start3A_29 : memref<128x16xf32, #tpu.memory_space<vmem>>) offsets(%dma_start3A_31 : memref<128xi32, #tpu.memory_space<vmem>>) semaphore(%arg20 : memref<!tpu.dma_semaphore, #tpu.memory_space<semaphore_mem>>)
    %dma_start3A_35 = arith.constant 384 : i32
    %dma_start3A_36 = arith.constant 0 : i32
    %dma_start3A_37 = tpu.memref_slice %arg10[%dma_start3A_35, %dma_start3A_36] : memref<736x16xf32, #tpu.memory_space<vmem>> -> memref<32x16xf32, #tpu.memory_space<vmem>>
    %dma_start3A_38 = arith.constant 384 : i32
    %dma_start3A_39 = tpu.memref_slice %arg8[%dma_start3A_38] : memref<736xi32, #tpu.memory_space<vmem>> -> memref<32xi32, #tpu.memory_space<vmem>>
    %dma_start3A_40 = arith.constant 0 : i32
    %dma_start3A_41 = arith.constant 0 : i32
    %dma_start3A_42 = tpu.memref_slice %arg2[%dma_start3A_40, %dma_start3A_41] : memref<1003520x16xf32, #tpu.memory_space<hbm>> -> memref<1003520x16xf32, #tpu.memory_space<hbm>>
    tpu.enqueue_indirect_dma source(%dma_start3A_42 : memref<1003520x16xf32, #tpu.memory_space<hbm>>) target(%dma_start3A_37 : memref<32x16xf32, #tpu.memory_space<vmem>>) offsets(%dma_start3A_39 : memref<32xi32, #tpu.memory_space<vmem>>) semaphore(%arg20 : memref<!tpu.dma_semaphore, #tpu.memory_space<semaphore_mem>>)
    %dma_start3A_43 = arith.constant 416 : i32
    %dma_start3A_44 = arith.constant 0 : i32
    %dma_start3A_45 = tpu.memref_slice %arg10[%dma_start3A_43, %dma_start3A_44] : memref<736x16xf32, #tpu.memory_space<vmem>> -> memref<128x16xf32, #tpu.memory_space<vmem>>
    %dma_start3A_46 = arith.constant 416 : i32
    %dma_start3A_47 = tpu.memref_slice %arg8[%dma_start3A_46] : memref<736xi32, #tpu.memory_space<vmem>> -> memref<128xi32, #tpu.memory_space<vmem>>
    %dma_start3A_48 = arith.constant 0 : i32
    %dma_start3A_49 = arith.constant 0 : i32
    %dma_start3A_50 = tpu.memref_slice %arg2[%dma_start3A_48, %dma_start3A_49] : memref<1003520x16xf32, #tpu.memory_space<hbm>> -> memref<1003520x16xf32, #tpu.memory_space<hbm>>
    tpu.enqueue_indirect_dma source(%dma_start3A_50 : memref<1003520x16xf32, #tpu.memory_space<hbm>>) target(%dma_start3A_45 : memref<128x16xf32, #tpu.memory_space<vmem>>) offsets(%dma_start3A_47 : memref<128xi32, #tpu.memory_space<vmem>>) semaphore(%arg20 : memref<!tpu.dma_semaphore, #tpu.memory_space<semaphore_mem>>)
    %dma_start3A_51 = arith.constant 544 : i32
    %dma_start3A_52 = arith.constant 0 : i32
    %dma_start3A_53 = tpu.memref_slice %arg10[%dma_start3A_51, %dma_start3A_52] : memref<736x16xf32, #tpu.memory_space<vmem>> -> memref<128x16xf32, #tpu.memory_space<vmem>>
    %dma_start3A_54 = arith.constant 544 : i32
    %dma_start3A_55 = tpu.memref_slice %arg8[%dma_start3A_54] : memref<736xi32, #tpu.memory_space<vmem>> -> memref<128xi32, #tpu.memory_space<vmem>>
    %dma_start3A_56 = arith.constant 0 : i32
    %dma_start3A_57 = arith.constant 0 : i32
    %dma_start3A_58 = tpu.memref_slice %arg2[%dma_start3A_56, %dma_start3A_57] : memref<1003520x16xf32, #tpu.memory_space<hbm>> -> memref<1003520x16xf32, #tpu.memory_space<hbm>>
    tpu.enqueue_indirect_dma source(%dma_start3A_58 : memref<1003520x16xf32, #tpu.memory_space<hbm>>) target(%dma_start3A_53 : memref<128x16xf32, #tpu.memory_space<vmem>>) offsets(%dma_start3A_55 : memref<128xi32, #tpu.memory_space<vmem>>) semaphore(%arg20 : memref<!tpu.dma_semaphore, #tpu.memory_space<semaphore_mem>>)
    %dma_start3A_59 = arith.constant 672 : i32
    %dma_start3A_60 = arith.constant 0 : i32
    %dma_start3A_61 = tpu.memref_slice %arg10[%dma_start3A_59, %dma_start3A_60] : memref<736x16xf32, #tpu.memory_space<vmem>> -> memref<64x16xf32, #tpu.memory_space<vmem>>
    %dma_start3A_62 = arith.constant 672 : i32
    %dma_start3A_63 = tpu.memref_slice %arg8[%dma_start3A_62] : memref<736xi32, #tpu.memory_space<vmem>> -> memref<64xi32, #tpu.memory_space<vmem>>
    %dma_start3A_64 = arith.constant 0 : i32
    %dma_start3A_65 = arith.constant 0 : i32
    %dma_start3A_66 = tpu.memref_slice %arg2[%dma_start3A_64, %dma_start3A_65] : memref<1003520x16xf32, #tpu.memory_space<hbm>> -> memref<1003520x16xf32, #tpu.memory_space<hbm>>
    tpu.enqueue_indirect_dma source(%dma_start3A_66 : memref<1003520x16xf32, #tpu.memory_space<hbm>>) target(%dma_start3A_61 : memref<64x16xf32, #tpu.memory_space<vmem>>) offsets(%dma_start3A_63 : memref<64xi32, #tpu.memory_space<vmem>>) semaphore(%arg20 : memref<!tpu.dma_semaphore, #tpu.memory_space<semaphore_mem>>)
    %add3A_67 = arith.constant 1 : i32
    %add3A_68 = arith.addi %mul3A_2, %add3A_67 : i32
    %mul3A_69 = arith.constant 736 : i32
    %mul3A_70 = arith.muli %add3A_68, %mul3A_69 : i32
    %multiple_of3A_71 = tpu.assume_multiple %mul3A_70, 8 : i32
    %dma_start3A_72 = tpu.memref_slice %arg3[%multiple_of3A_71] : memref<753664xi32, #tpu.memory_space<hbm>> -> memref<736xi32, #tpu.memory_space<hbm>>
    %dma_start3A_73 = tpu.memref_slice %arg3[%multiple_of3A_71] : memref<753664xi32, #tpu.memory_space<hbm>> -> memref<736xi32, #tpu.memory_space<hbm>>
    tpu.enqueue_dma source(%dma_start3A_73 : memref<736xi32, #tpu.memory_space<hbm>>) target(%arg9 : memref<736xi32, #tpu.memory_space<vmem>>) target_semaphore(%arg22 : memref<!tpu.dma_semaphore, #tpu.memory_space<semaphore_mem>>)
    %scan3A_74 = arith.constant 0 : i32
    %scan3A_75 = arith.constant 0 : i32
    %scan3A_76 = arith.constant 16 : i32
    %scan3A_77 = arith.addi %scan3A_75, %scan3A_76 : i32
    %scan3A_78 = arith.constant 1 : i32
    %scan3A_79 = scf.for %scan3A_128 = %scan3A_75 to %scan3A_77 step %scan3A_78 iter_args(%scan3A_129 = %scan3A_74) -> (i32)  : i32 {
      %mul3A_130 = arith.constant 2 : i32
      %mul3A_131 = arith.muli %mul3A_130, %scan3A_128 : i32
      %dma_wait3A_132 = arith.constant 0 : i32
      %dma_wait3A_133 = tpu.memref_slice %arg3[%dma_wait3A_132] : memref<753664xi32, #tpu.memory_space<hbm>> -> memref<736xi32, #tpu.memory_space<hbm>>
      %dma_wait3A_134 = arith.constant 0 : i32
      %dma_wait3A_135 = tpu.memref_slice %arg3[%dma_wait3A_134] : memref<753664xi32, #tpu.memory_space<hbm>> -> memref<736xi32, #tpu.memory_space<hbm>>
      tpu.wait_dma2 semaphore(%arg22 : memref<!tpu.dma_semaphore, #tpu.memory_space<semaphore_mem>>) src(%dma_wait3A_135 : memref<736xi32, #tpu.memory_space<hbm>>) dst(%arg9 : memref<736xi32, #tpu.memory_space<vmem>>)
      %scan3A_136 = arith.constant 0 : i32
      %scan3A_137 = arith.constant 0 : i32
      %scan3A_138 = arith.constant 46 : i32
      %scan3A_139 = arith.addi %scan3A_137, %scan3A_138 : i32
      %scan3A_140 = arith.constant 1 : i32
      %scan3A_141 = scf.for %scan3A_393 = %scan3A_137 to %scan3A_139 step %scan3A_140 iter_args(%scan3A_394 = %scan3A_136) -> (i32)  : i32 {
        %mul3A_395 = arith.constant 16 : i32
        %mul3A_396 = arith.muli %scan3A_393, %mul3A_395 : i32
        %get3A = arith.index_cast %mul3A_396 : i32 to index
        %get3A_397 = tpu.vector_load %arg9[%get3A] {strides = array<i32>} : memref<736xi32, #tpu.memory_space<vmem>>, vector<16xi32>,
        %get3A_398 = vector.shape_cast %get3A_397 : vector<16xi32> to vector<16xi32>
        %and3A = arith.constant -4096 : i32
        %and3A_399 = vector.broadcast %and3A : i32 to vector<16xi32>
        %and3A_400 = arith.andi %get3A_398, %and3A_399 : vector<16xi32>
        %and3A_401 = arith.constant 511 : i32
        %and3A_402 = vector.broadcast %and3A_401 : i32 to vector<16xi32>
        %and3A_403 = arith.andi %get3A_398, %and3A_402 : vector<16xi32>
        %shift_left3A = arith.constant 3 : i32
        %shift_left3A_404 = vector.broadcast %shift_left3A : i32 to vector<16xi32>
        %shift_left3A_405 = arith.shli %and3A_403, %shift_left3A_404 : vector<16xi32>
        %or3A = arith.ori %and3A_400, %shift_left3A_405 : vector<16xi32>
        %shift_right_arithmetic3A = arith.constant 9 : i32
        %shift_right_arithmetic3A_406 = vector.broadcast %shift_right_arithmetic3A : i32 to vector<16xi32>
        %shift_right_arithmetic3A_407 = arith.shrsi %get3A_398, %shift_right_arithmetic3A_406 : vector<16xi32>
        %and3A_408 = arith.constant 7 : i32
        %and3A_409 = vector.broadcast %and3A_408 : i32 to vector<16xi32>
        %and3A_410 = arith.andi %shift_right_arithmetic3A_407, %and3A_409 : vector<16xi32>
        %or3A_411 = arith.ori %or3A, %and3A_410 : vector<16xi32>
        %mul3A_412 = arith.constant 16 : i32
        %mul3A_413 = arith.muli %scan3A_393, %mul3A_412 : i32
        %swap3A = arith.index_cast %mul3A_413 : i32 to index
        %swap3A_414 = tpu.vector_load %arg9[%swap3A] {strides = array<i32>} : memref<736xi32, #tpu.memory_space<vmem>>, vector<16xi32>,
        %swap3A_415 = vector.shape_cast %swap3A_414 : vector<16xi32> to vector<16xi32>
        %swap3A_416 = vector.shape_cast %or3A_411 : vector<16xi32> to vector<16xi32>
        tpu.vector_store %arg9[%swap3A], %swap3A_416 {strides = array<i32>} : memref<736xi32, #tpu.memory_space<vmem>>, vector<16xi32>,
        %scan3A_417 = arith.constant 0 : i32
        scf.yield %scan3A_417 : i32
      }
      %scan3A_142 = arith.constant 46 : i32
      %dma_start3A_143 = arith.constant 0 : i32
      %dma_start3A_144 = arith.constant 0 : i32
      %dma_start3A_145 = tpu.memref_slice %arg11[%dma_start3A_143, %dma_start3A_144] : memref<736x16xf32, #tpu.memory_space<vmem>> -> memref<128x16xf32, #tpu.memory_space<vmem>>
      %dma_start3A_146 = arith.constant 0 : i32
      %dma_start3A_147 = tpu.memref_slice %arg9[%dma_start3A_146] : memref<736xi32, #tpu.memory_space<vmem>> -> memref<128xi32, #tpu.memory_space<vmem>>
      %dma_start3A_148 = arith.constant 0 : i32
      %dma_start3A_149 = arith.constant 0 : i32
      %dma_start3A_150 = tpu.memref_slice %arg2[%dma_start3A_148, %dma_start3A_149] : memref<1003520x16xf32, #tpu.memory_space<hbm>> -> memref<1003520x16xf32, #tpu.memory_space<hbm>>
      tpu.enqueue_indirect_dma source(%dma_start3A_150 : memref<1003520x16xf32, #tpu.memory_space<hbm>>) target(%dma_start3A_145 : memref<128x16xf32, #tpu.memory_space<vmem>>) offsets(%dma_start3A_147 : memref<128xi32, #tpu.memory_space<vmem>>) semaphore(%arg21 : memref<!tpu.dma_semaphore, #tpu.memory_space<semaphore_mem>>)
      %dma_start3A_151 = arith.constant 128 : i32
      %dma_start3A_152 = arith.constant 0 : i32
      %dma_start3A_153 = tpu.memref_slice %arg11[%dma_start3A_151, %dma_start3A_152] : memref<736x16xf32, #tpu.memory_space<vmem>> -> memref<128x16xf32, #tpu.memory_space<vmem>>
      %dma_start3A_154 = arith.constant 128 : i32
      %dma_start3A_155 = tpu.memref_slice %arg9[%dma_start3A_154] : memref<736xi32, #tpu.memory_space<vmem>> -> memref<128xi32, #tpu.memory_space<vmem>>
      %dma_start3A_156 = arith.constant 0 : i32
      %dma_start3A_157 = arith.constant 0 : i32
      %dma_start3A_158 = tpu.memref_slice %arg2[%dma_start3A_156, %dma_start3A_157] : memref<1003520x16xf32, #tpu.memory_space<hbm>> -> memref<1003520x16xf32, #tpu.memory_space<hbm>>
      tpu.enqueue_indirect_dma source(%dma_start3A_158 : memref<1003520x16xf32, #tpu.memory_space<hbm>>) target(%dma_start3A_153 : memref<128x16xf32, #tpu.memory_space<vmem>>) offsets(%dma_start3A_155 : memref<128xi32, #tpu.memory_space<vmem>>) semaphore(%arg21 : memref<!tpu.dma_semaphore, #tpu.memory_space<semaphore_mem>>)
      %dma_start3A_159 = arith.constant 256 : i32
      %dma_start3A_160 = arith.constant 0 : i32
      %dma_start3A_161 = tpu.memref_slice %arg11[%dma_start3A_159, %dma_start3A_160] : memref<736x16xf32, #tpu.memory_space<vmem>> -> memref<128x16xf32, #tpu.memory_space<vmem>>
      %dma_start3A_162 = arith.constant 256 : i32
      %dma_start3A_163 = tpu.memref_slice %arg9[%dma_start3A_162] : memref<736xi32, #tpu.memory_space<vmem>> -> memref<128xi32, #tpu.memory_space<vmem>>
      %dma_start3A_164 = arith.constant 0 : i32
      %dma_start3A_165 = arith.constant 0 : i32
      %dma_start3A_166 = tpu.memref_slice %arg2[%dma_start3A_164, %dma_start3A_165] : memref<1003520x16xf32, #tpu.memory_space<hbm>> -> memref<1003520x16xf32, #tpu.memory_space<hbm>>
      tpu.enqueue_indirect_dma source(%dma_start3A_166 : memref<1003520x16xf32, #tpu.memory_space<hbm>>) target(%dma_start3A_161 : memref<128x16xf32, #tpu.memory_space<vmem>>) offsets(%dma_start3A_163 : memref<128xi32, #tpu.memory_space<vmem>>) semaphore(%arg21 : memref<!tpu.dma_semaphore, #tpu.memory_space<semaphore_mem>>)
      %dma_start3A_167 = arith.constant 384 : i32
      %dma_start3A_168 = arith.constant 0 : i32
      %dma_start3A_169 = tpu.memref_slice %arg11[%dma_start3A_167, %dma_start3A_168] : memref<736x16xf32, #tpu.memory_space<vmem>> -> memref<32x16xf32, #tpu.memory_space<vmem>>
      %dma_start3A_170 = arith.constant 384 : i32
      %dma_start3A_171 = tpu.memref_slice %arg9[%dma_start3A_170] : memref<736xi32, #tpu.memory_space<vmem>> -> memref<32xi32, #tpu.memory_space<vmem>>
      %dma_start3A_172 = arith.constant 0 : i32
      %dma_start3A_173 = arith.constant 0 : i32
      %dma_start3A_174 = tpu.memref_slice %arg2[%dma_start3A_172, %dma_start3A_173] : memref<1003520x16xf32, #tpu.memory_space<hbm>> -> memref<1003520x16xf32, #tpu.memory_space<hbm>>
      tpu.enqueue_indirect_dma source(%dma_start3A_174 : memref<1003520x16xf32, #tpu.memory_space<hbm>>) target(%dma_start3A_169 : memref<32x16xf32, #tpu.memory_space<vmem>>) offsets(%dma_start3A_171 : memref<32xi32, #tpu.memory_space<vmem>>) semaphore(%arg21 : memref<!tpu.dma_semaphore, #tpu.memory_space<semaphore_mem>>)
      %dma_start3A_175 = arith.constant 416 : i32
      %dma_start3A_176 = arith.constant 0 : i32
      %dma_start3A_177 = tpu.memref_slice %arg11[%dma_start3A_175, %dma_start3A_176] : memref<736x16xf32, #tpu.memory_space<vmem>> -> memref<128x16xf32, #tpu.memory_space<vmem>>
      %dma_start3A_178 = arith.constant 416 : i32
      %dma_start3A_179 = tpu.memref_slice %arg9[%dma_start3A_178] : memref<736xi32, #tpu.memory_space<vmem>> -> memref<128xi32, #tpu.memory_space<vmem>>
      %dma_start3A_180 = arith.constant 0 : i32
      %dma_start3A_181 = arith.constant 0 : i32
      %dma_start3A_182 = tpu.memref_slice %arg2[%dma_start3A_180, %dma_start3A_181] : memref<1003520x16xf32, #tpu.memory_space<hbm>> -> memref<1003520x16xf32, #tpu.memory_space<hbm>>
      tpu.enqueue_indirect_dma source(%dma_start3A_182 : memref<1003520x16xf32, #tpu.memory_space<hbm>>) target(%dma_start3A_177 : memref<128x16xf32, #tpu.memory_space<vmem>>) offsets(%dma_start3A_179 : memref<128xi32, #tpu.memory_space<vmem>>) semaphore(%arg21 : memref<!tpu.dma_semaphore, #tpu.memory_space<semaphore_mem>>)
      %dma_start3A_183 = arith.constant 544 : i32
      %dma_start3A_184 = arith.constant 0 : i32
      %dma_start3A_185 = tpu.memref_slice %arg11[%dma_start3A_183, %dma_start3A_184] : memref<736x16xf32, #tpu.memory_space<vmem>> -> memref<128x16xf32, #tpu.memory_space<vmem>>
      %dma_start3A_186 = arith.constant 544 : i32
      %dma_start3A_187 = tpu.memref_slice %arg9[%dma_start3A_186] : memref<736xi32, #tpu.memory_space<vmem>> -> memref<128xi32, #tpu.memory_space<vmem>>
      %dma_start3A_188 = arith.constant 0 : i32
      %dma_start3A_189 = arith.constant 0 : i32
      %dma_start3A_190 = tpu.memref_slice %arg2[%dma_start3A_188, %dma_start3A_189] : memref<1003520x16xf32, #tpu.memory_space<hbm>> -> memref<1003520x16xf32, #tpu.memory_space<hbm>>
      tpu.enqueue_indirect_dma source(%dma_start3A_190 : memref<1003520x16xf32, #tpu.memory_space<hbm>>) target(%dma_start3A_185 : memref<128x16xf32, #tpu.memory_space<vmem>>) offsets(%dma_start3A_187 : memref<128xi32, #tpu.memory_space<vmem>>) semaphore(%arg21 : memref<!tpu.dma_semaphore, #tpu.memory_space<semaphore_mem>>)
      %dma_start3A_191 = arith.constant 672 : i32
      %dma_start3A_192 = arith.constant 0 : i32
      %dma_start3A_193 = tpu.memref_slice %arg11[%dma_start3A_191, %dma_start3A_192] : memref<736x16xf32, #tpu.memory_space<vmem>> -> memref<64x16xf32, #tpu.memory_space<vmem>>
      %dma_start3A_194 = arith.constant 672 : i32
      %dma_start3A_195 = tpu.memref_slice %arg9[%dma_start3A_194] : memref<736xi32, #tpu.memory_space<vmem>> -> memref<64xi32, #tpu.memory_space<vmem>>
      %dma_start3A_196 = arith.constant 0 : i32
      %dma_start3A_197 = arith.constant 0 : i32
      %dma_start3A_198 = tpu.memref_slice %arg2[%dma_start3A_196, %dma_start3A_197] : memref<1003520x16xf32, #tpu.memory_space<hbm>> -> memref<1003520x16xf32, #tpu.memory_space<hbm>>
      tpu.enqueue_indirect_dma source(%dma_start3A_198 : memref<1003520x16xf32, #tpu.memory_space<hbm>>) target(%dma_start3A_193 : memref<64x16xf32, #tpu.memory_space<vmem>>) offsets(%dma_start3A_195 : memref<64xi32, #tpu.memory_space<vmem>>) semaphore(%arg21 : memref<!tpu.dma_semaphore, #tpu.memory_space<semaphore_mem>>)
      %dma_wait3A_199 = arith.constant 0 : i32
      %dma_wait3A_200 = arith.constant 0 : i32
      %dma_wait3A_201 = tpu.memref_slice %arg10[%dma_wait3A_199, %dma_wait3A_200] : memref<736x16xf32, #tpu.memory_space<vmem>> -> memref<128x16xf32, #tpu.memory_space<vmem>>
      %dma_wait3A_202 = arith.constant 0 : i32
      %dma_wait3A_203 = tpu.memref_slice %arg8[%dma_wait3A_202] : memref<736xi32, #tpu.memory_space<vmem>> -> memref<128xi32, #tpu.memory_space<vmem>>
      %dma_wait3A_204 = arith.constant 0 : i32
      %dma_wait3A_205 = arith.constant 0 : i32
      %dma_wait3A_206 = tpu.memref_slice %arg2[%dma_wait3A_204, %dma_wait3A_205] : memref<1003520x16xf32, #tpu.memory_space<hbm>> -> memref<1003520x16xf32, #tpu.memory_space<hbm>>
      tpu.wait_indirect_dma semaphore(%arg20 : memref<!tpu.dma_semaphore, #tpu.memory_space<semaphore_mem>>) src(%dma_wait3A_206 : memref<1003520x16xf32, #tpu.memory_space<hbm>>) dst(%dma_wait3A_201 : memref<128x16xf32, #tpu.memory_space<vmem>>)
      %dma_wait3A_207 = arith.constant 0 : i32
      %dma_wait3A_208 = arith.constant 0 : i32
      %dma_wait3A_209 = tpu.memref_slice %arg10[%dma_wait3A_207, %dma_wait3A_208] : memref<736x16xf32, #tpu.memory_space<vmem>> -> memref<128x16xf32, #tpu.memory_space<vmem>>
      %dma_wait3A_210 = arith.constant 0 : i32
      %dma_wait3A_211 = tpu.memref_slice %arg8[%dma_wait3A_210] : memref<736xi32, #tpu.memory_space<vmem>> -> memref<128xi32, #tpu.memory_space<vmem>>
      %dma_wait3A_212 = arith.constant 0 : i32
      %dma_wait3A_213 = arith.constant 0 : i32
      %dma_wait3A_214 = tpu.memref_slice %arg2[%dma_wait3A_212, %dma_wait3A_213] : memref<1003520x16xf32, #tpu.memory_space<hbm>> -> memref<1003520x16xf32, #tpu.memory_space<hbm>>
      tpu.wait_indirect_dma semaphore(%arg20 : memref<!tpu.dma_semaphore, #tpu.memory_space<semaphore_mem>>) src(%dma_wait3A_214 : memref<1003520x16xf32, #tpu.memory_space<hbm>>) dst(%dma_wait3A_209 : memref<128x16xf32, #tpu.memory_space<vmem>>)
      %dma_wait3A_215 = arith.constant 0 : i32
      %dma_wait3A_216 = arith.constant 0 : i32
      %dma_wait3A_217 = tpu.memref_slice %arg10[%dma_wait3A_215, %dma_wait3A_216] : memref<736x16xf32, #tpu.memory_space<vmem>> -> memref<128x16xf32, #tpu.memory_space<vmem>>
      %dma_wait3A_218 = arith.constant 0 : i32
      %dma_wait3A_219 = tpu.memref_slice %arg8[%dma_wait3A_218] : memref<736xi32, #tpu.memory_space<vmem>> -> memref<128xi32, #tpu.memory_space<vmem>>
      %dma_wait3A_220 = arith.constant 0 : i32
      %dma_wait3A_221 = arith.constant 0 : i32
      %dma_wait3A_222 = tpu.memref_slice %arg2[%dma_wait3A_220, %dma_wait3A_221] : memref<1003520x16xf32, #tpu.memory_space<hbm>> -> memref<1003520x16xf32, #tpu.memory_space<hbm>>
      tpu.wait_indirect_dma semaphore(%arg20 : memref<!tpu.dma_semaphore, #tpu.memory_space<semaphore_mem>>) src(%dma_wait3A_222 : memref<1003520x16xf32, #tpu.memory_space<hbm>>) dst(%dma_wait3A_217 : memref<128x16xf32, #tpu.memory_space<vmem>>)
      %dma_wait3A_223 = arith.constant 0 : i32
      %dma_wait3A_224 = arith.constant 0 : i32
      %dma_wait3A_225 = tpu.memref_slice %arg10[%dma_wait3A_223, %dma_wait3A_224] : memref<736x16xf32, #tpu.memory_space<vmem>> -> memref<32x16xf32, #tpu.memory_space<vmem>>
      %dma_wait3A_226 = arith.constant 0 : i32
      %dma_wait3A_227 = tpu.memref_slice %arg8[%dma_wait3A_226] : memref<736xi32, #tpu.memory_space<vmem>> -> memref<32xi32, #tpu.memory_space<vmem>>
      %dma_wait3A_228 = arith.constant 0 : i32
      %dma_wait3A_229 = arith.constant 0 : i32
      %dma_wait3A_230 = tpu.memref_slice %arg2[%dma_wait3A_228, %dma_wait3A_229] : memref<1003520x16xf32, #tpu.memory_space<hbm>> -> memref<1003520x16xf32, #tpu.memory_space<hbm>>
      tpu.wait_indirect_dma semaphore(%arg20 : memref<!tpu.dma_semaphore, #tpu.memory_space<semaphore_mem>>) src(%dma_wait3A_230 : memref<1003520x16xf32, #tpu.memory_space<hbm>>) dst(%dma_wait3A_225 : memref<32x16xf32, #tpu.memory_space<vmem>>)
      %dma_wait3A_231 = arith.constant 0 : i32
      %dma_wait3A_232 = arith.constant 0 : i32
      %dma_wait3A_233 = tpu.memref_slice %arg10[%dma_wait3A_231, %dma_wait3A_232] : memref<736x16xf32, #tpu.memory_space<vmem>> -> memref<128x16xf32, #tpu.memory_space<vmem>>
      %dma_wait3A_234 = arith.constant 0 : i32
      %dma_wait3A_235 = tpu.memref_slice %arg8[%dma_wait3A_234] : memref<736xi32, #tpu.memory_space<vmem>> -> memref<128xi32, #tpu.memory_space<vmem>>
      %dma_wait3A_236 = arith.constant 0 : i32
      %dma_wait3A_237 = arith.constant 0 : i32
      %dma_wait3A_238 = tpu.memref_slice %arg2[%dma_wait3A_236, %dma_wait3A_237] : memref<1003520x16xf32, #tpu.memory_space<hbm>> -> memref<1003520x16xf32, #tpu.memory_space<hbm>>
      tpu.wait_indirect_dma semaphore(%arg20 : memref<!tpu.dma_semaphore, #tpu.memory_space<semaphore_mem>>) src(%dma_wait3A_238 : memref<1003520x16xf32, #tpu.memory_space<hbm>>) dst(%dma_wait3A_233 : memref<128x16xf32, #tpu.memory_space<vmem>>)
      %dma_wait3A_239 = arith.constant 0 : i32
      %dma_wait3A_240 = arith.constant 0 : i32
      %dma_wait3A_241 = tpu.memref_slice %arg10[%dma_wait3A_239, %dma_wait3A_240] : memref<736x16xf32, #tpu.memory_space<vmem>> -> memref<128x16xf32, #tpu.memory_space<vmem>>
      %dma_wait3A_242 = arith.constant 0 : i32
      %dma_wait3A_243 = tpu.memref_slice %arg8[%dma_wait3A_242] : memref<736xi32, #tpu.memory_space<vmem>> -> memref<128xi32, #tpu.memory_space<vmem>>
      %dma_wait3A_244 = arith.constant 0 : i32
      %dma_wait3A_245 = arith.constant 0 : i32
      %dma_wait3A_246 = tpu.memref_slice %arg2[%dma_wait3A_244, %dma_wait3A_245] : memref<1003520x16xf32, #tpu.memory_space<hbm>> -> memref<1003520x16xf32, #tpu.memory_space<hbm>>
      tpu.wait_indirect_dma semaphore(%arg20 : memref<!tpu.dma_semaphore, #tpu.memory_space<semaphore_mem>>) src(%dma_wait3A_246 : memref<1003520x16xf32, #tpu.memory_space<hbm>>) dst(%dma_wait3A_241 : memref<128x16xf32, #tpu.memory_space<vmem>>)
      %dma_wait3A_247 = arith.constant 0 : i32
      %dma_wait3A_248 = arith.constant 0 : i32
      %dma_wait3A_249 = tpu.memref_slice %arg10[%dma_wait3A_247, %dma_wait3A_248] : memref<736x16xf32, #tpu.memory_space<vmem>> -> memref<64x16xf32, #tpu.memory_space<vmem>>
      %dma_wait3A_250 = arith.constant 0 : i32
      %dma_wait3A_251 = tpu.memref_slice %arg8[%dma_wait3A_250] : memref<736xi32, #tpu.memory_space<vmem>> -> memref<64xi32, #tpu.memory_space<vmem>>
      %dma_wait3A_252 = arith.constant 0 : i32
      %dma_wait3A_253 = arith.constant 0 : i32
      %dma_wait3A_254 = tpu.memref_slice %arg2[%dma_wait3A_252, %dma_wait3A_253] : memref<1003520x16xf32, #tpu.memory_space<hbm>> -> memref<1003520x16xf32, #tpu.memory_space<hbm>>
      tpu.wait_indirect_dma semaphore(%arg20 : memref<!tpu.dma_semaphore, #tpu.memory_space<semaphore_mem>>) src(%dma_wait3A_254 : memref<1003520x16xf32, #tpu.memory_space<hbm>>) dst(%dma_wait3A_249 : memref<64x16xf32, #tpu.memory_space<vmem>>)
      %lt3A = arith.constant 15 : i32
      %lt3A_255 = arith.cmpi slt, %scan3A_128, %lt3A : i32
      %convert_element_type3A = arith.extui %lt3A_255 : i1 to i32
      %cond3A = arith.constant 0 : i32
      %cond3A_256 = arith.cmpi ne, %convert_element_type3A, %cond3A : i32
      scf.if %cond3A_256 {
        %add3A_393 = arith.constant 2 : i32
        %add3A_394 = arith.addi %mul3A_131, %add3A_393 : i32
        %add3A_395 = arith.addi %mul3A_2, %add3A_394 : i32
        %mul3A_396 = arith.constant 736 : i32
        %mul3A_397 = arith.muli %add3A_395, %mul3A_396 : i32
        %multiple_of3A_398 = tpu.assume_multiple %mul3A_397, 8 : i32
        %dma_start3A_399 = tpu.memref_slice %arg3[%multiple_of3A_398] : memref<753664xi32, #tpu.memory_space<hbm>> -> memref<736xi32, #tpu.memory_space<hbm>>
        %dma_start3A_400 = tpu.memref_slice %arg3[%multiple_of3A_398] : memref<753664xi32, #tpu.memory_space<hbm>> -> memref<736xi32, #tpu.memory_space<hbm>>
        tpu.enqueue_dma source(%dma_start3A_400 : memref<736xi32, #tpu.memory_space<hbm>>) target(%arg8 : memref<736xi32, #tpu.memory_space<vmem>>) target_semaphore(%arg22 : memref<!tpu.dma_semaphore, #tpu.memory_space<semaphore_mem>>)
      } else {
      }
      %gt3A = arith.constant 0 : i32
      %gt3A_257 = arith.cmpi sgt, %scan3A_128, %gt3A : i32
      %convert_element_type3A_258 = arith.extui %gt3A_257 : i1 to i32
      %cond3A_259 = arith.constant 0 : i32
      %cond3A_260 = arith.cmpi ne, %convert_element_type3A_258, %cond3A_259 : i32
      scf.if %cond3A_260 {
        %dma_wait3A_393 = arith.constant 0 : i32
        %dma_wait3A_394 = arith.constant 0 : i32
        %dma_wait3A_395 = tpu.memref_slice %arg4[%dma_wait3A_393, %dma_wait3A_394] : memref<16384x128xf32, #tpu.memory_space<hbm>> -> memref<16x128xf32, #tpu.memory_space<hbm>>
        %dma_wait3A_396 = arith.constant 0 : i32
        %dma_wait3A_397 = arith.constant 0 : i32
        %dma_wait3A_398 = tpu.memref_slice %arg4[%dma_wait3A_396, %dma_wait3A_397] : memref<16384x128xf32, #tpu.memory_space<hbm>> -> memref<16x128xf32, #tpu.memory_space<hbm>>
        tpu.wait_dma2 semaphore(%arg23 : memref<!tpu.dma_semaphore, #tpu.memory_space<semaphore_mem>>) src(%arg12 : memref<16x128xf32, #tpu.memory_space<vmem>>) dst(%dma_wait3A_398 : memref<16x128xf32, #tpu.memory_space<hbm>>)
        %dma_wait3A_399 = arith.constant 0 : i32
        %dma_wait3A_400 = arith.constant 0 : i32
        %dma_wait3A_401 = tpu.memref_slice %arg5[%dma_wait3A_399, %dma_wait3A_400] : memref<16384x128xf32, #tpu.memory_space<hbm>> -> memref<16x128xf32, #tpu.memory_space<hbm>>
        %dma_wait3A_402 = arith.constant 0 : i32
        %dma_wait3A_403 = arith.constant 0 : i32
        %dma_wait3A_404 = tpu.memref_slice %arg5[%dma_wait3A_402, %dma_wait3A_403] : memref<16384x128xf32, #tpu.memory_space<hbm>> -> memref<16x128xf32, #tpu.memory_space<hbm>>
        tpu.wait_dma2 semaphore(%arg23 : memref<!tpu.dma_semaphore, #tpu.memory_space<semaphore_mem>>) src(%arg13 : memref<16x128xf32, #tpu.memory_space<vmem>>) dst(%dma_wait3A_404 : memref<16x128xf32, #tpu.memory_space<hbm>>)
        %dma_wait3A_405 = arith.constant 0 : i32
        %dma_wait3A_406 = arith.constant 0 : i32
        %dma_wait3A_407 = tpu.memref_slice %arg6[%dma_wait3A_405, %dma_wait3A_406] : memref<16384x128xf32, #tpu.memory_space<hbm>> -> memref<16x128xf32, #tpu.memory_space<hbm>>
        %dma_wait3A_408 = arith.constant 0 : i32
        %dma_wait3A_409 = arith.constant 0 : i32
        %dma_wait3A_410 = tpu.memref_slice %arg6[%dma_wait3A_408, %dma_wait3A_409] : memref<16384x128xf32, #tpu.memory_space<hbm>> -> memref<16x128xf32, #tpu.memory_space<hbm>>
        tpu.wait_dma2 semaphore(%arg23 : memref<!tpu.dma_semaphore, #tpu.memory_space<semaphore_mem>>) src(%arg14 : memref<16x128xf32, #tpu.memory_space<vmem>>) dst(%dma_wait3A_410 : memref<16x128xf32, #tpu.memory_space<hbm>>)
        %dma_wait3A_411 = arith.constant 0 : i32
        %dma_wait3A_412 = arith.constant 0 : i32
        %dma_wait3A_413 = tpu.memref_slice %arg7[%dma_wait3A_411, %dma_wait3A_412] : memref<16384x128xf32, #tpu.memory_space<hbm>> -> memref<16x128xf32, #tpu.memory_space<hbm>>
        %dma_wait3A_414 = arith.constant 0 : i32
        %dma_wait3A_415 = arith.constant 0 : i32
        %dma_wait3A_416 = tpu.memref_slice %arg7[%dma_wait3A_414, %dma_wait3A_415] : memref<16384x128xf32, #tpu.memory_space<hbm>> -> memref<16x128xf32, #tpu.memory_space<hbm>>
        tpu.wait_dma2 semaphore(%arg23 : memref<!tpu.dma_semaphore, #tpu.memory_space<semaphore_mem>>) src(%arg15 : memref<16x128xf32, #tpu.memory_space<vmem>>) dst(%dma_wait3A_416 : memref<16x128xf32, #tpu.memory_space<hbm>>)
      } else {
      }
      %scan3A_261 = arith.constant 0 : i32
      %scan3A_262 = arith.constant 0 : i32
      %scan3A_263 = arith.constant 16 : i32
      %scan3A_264 = arith.addi %scan3A_262, %scan3A_263 : i32
      %scan3A_265 = arith.constant 1 : i32
      %scan3A_266 = scf.for %scan3A_393 = %scan3A_262 to %scan3A_264 step %scan3A_265 iter_args(%scan3A_394 = %scan3A_261) -> (i32)  : i32 {
        %mul3A_395 = arith.constant 20 : i32
        %mul3A_396 = arith.muli %scan3A_393, %mul3A_395 : i32
        %add3A_397 = arith.constant 416 : i32
        %add3A_398 = arith.addi %add3A_397, %mul3A_396 : i32
        %get3A = arith.index_cast %add3A_398 : i32 to index
        %get3A_399 = arith.constant 0 : index
        %get3A_400 = tpu.vector_load %arg10[%get3A, %get3A_399] {strides = array<i32>} : memref<736x16xf32, #tpu.memory_space<vmem>>, vector<1x16xf32>,
        %get3A_401 = vector.shape_cast %get3A_400 : vector<1x16xf32> to vector<16xf32>
        %add3A_402 = arith.constant 1 : i32
        %add3A_403 = arith.addi %add3A_398, %add3A_402 : i32
        %get3A_404 = arith.index_cast %add3A_403 : i32 to index
        %get3A_405 = arith.constant 0 : index
        %get3A_406 = tpu.vector_load %arg10[%get3A_404, %get3A_405] {strides = array<i32>} : memref<736x16xf32, #tpu.memory_space<vmem>>, vector<1x16xf32>,
        %get3A_407 = vector.shape_cast %get3A_406 : vector<1x16xf32> to vector<16xf32>
        %add3A_408 = arith.addf %get3A_401, %get3A_407 : vector<16xf32>
        %add3A_409 = arith.constant 2 : i32
        %add3A_410 = arith.addi %add3A_398, %add3A_409 : i32
        %get3A_411 = arith.index_cast %add3A_410 : i32 to index
        %get3A_412 = arith.constant 0 : index
        %get3A_413 = tpu.vector_load %arg10[%get3A_411, %get3A_412] {strides = array<i32>} : memref<736x16xf32, #tpu.memory_space<vmem>>, vector<1x16xf32>,
        %get3A_414 = vector.shape_cast %get3A_413 : vector<1x16xf32> to vector<16xf32>
        %add3A_415 = arith.addf %add3A_408, %get3A_414 : vector<16xf32>
        %add3A_416 = arith.constant 3 : i32
        %add3A_417 = arith.addi %add3A_398, %add3A_416 : i32
        %get3A_418 = arith.index_cast %add3A_417 : i32 to index
        %get3A_419 = arith.constant 0 : index
        %get3A_420 = tpu.vector_load %arg10[%get3A_418, %get3A_419] {strides = array<i32>} : memref<736x16xf32, #tpu.memory_space<vmem>>, vector<1x16xf32>,
        %get3A_421 = vector.shape_cast %get3A_420 : vector<1x16xf32> to vector<16xf32>
        %add3A_422 = arith.addf %add3A_415, %get3A_421 : vector<16xf32>
        %add3A_423 = arith.constant 4 : i32
        %add3A_424 = arith.addi %add3A_398, %add3A_423 : i32
        %get3A_425 = arith.index_cast %add3A_424 : i32 to index
        %get3A_426 = arith.constant 0 : index
        %get3A_427 = tpu.vector_load %arg10[%get3A_425, %get3A_426] {strides = array<i32>} : memref<736x16xf32, #tpu.memory_space<vmem>>, vector<1x16xf32>,
        %get3A_428 = vector.shape_cast %get3A_427 : vector<1x16xf32> to vector<16xf32>
        %add3A_429 = arith.addf %add3A_422, %get3A_428 : vector<16xf32>
        %add3A_430 = arith.constant 5 : i32
        %add3A_431 = arith.addi %add3A_398, %add3A_430 : i32
        %get3A_432 = arith.index_cast %add3A_431 : i32 to index
        %get3A_433 = arith.constant 0 : index
        %get3A_434 = tpu.vector_load %arg10[%get3A_432, %get3A_433] {strides = array<i32>} : memref<736x16xf32, #tpu.memory_space<vmem>>, vector<1x16xf32>,
        %get3A_435 = vector.shape_cast %get3A_434 : vector<1x16xf32> to vector<16xf32>
        %add3A_436 = arith.addf %add3A_429, %get3A_435 : vector<16xf32>
        %add3A_437 = arith.constant 6 : i32
        %add3A_438 = arith.addi %add3A_398, %add3A_437 : i32
        %get3A_439 = arith.index_cast %add3A_438 : i32 to index
        %get3A_440 = arith.constant 0 : index
        %get3A_441 = tpu.vector_load %arg10[%get3A_439, %get3A_440] {strides = array<i32>} : memref<736x16xf32, #tpu.memory_space<vmem>>, vector<1x16xf32>,
        %get3A_442 = vector.shape_cast %get3A_441 : vector<1x16xf32> to vector<16xf32>
        %add3A_443 = arith.addf %add3A_436, %get3A_442 : vector<16xf32>
        %add3A_444 = arith.constant 7 : i32
        %add3A_445 = arith.addi %add3A_398, %add3A_444 : i32
        %get3A_446 = arith.index_cast %add3A_445 : i32 to index
        %get3A_447 = arith.constant 0 : index
        %get3A_448 = tpu.vector_load %arg10[%get3A_446, %get3A_447] {strides = array<i32>} : memref<736x16xf32, #tpu.memory_space<vmem>>, vector<1x16xf32>,
        %get3A_449 = vector.shape_cast %get3A_448 : vector<1x16xf32> to vector<16xf32>
        %add3A_450 = arith.addf %add3A_443, %get3A_449 : vector<16xf32>
        %add3A_451 = arith.constant 8 : i32
        %add3A_452 = arith.addi %add3A_398, %add3A_451 : i32
        %get3A_453 = arith.index_cast %add3A_452 : i32 to index
        %get3A_454 = arith.constant 0 : index
        %get3A_455 = tpu.vector_load %arg10[%get3A_453, %get3A_454] {strides = array<i32>} : memref<736x16xf32, #tpu.memory_space<vmem>>, vector<1x16xf32>,
        %get3A_456 = vector.shape_cast %get3A_455 : vector<1x16xf32> to vector<16xf32>
        %add3A_457 = arith.addf %add3A_450, %get3A_456 : vector<16xf32>
        %add3A_458 = arith.constant 9 : i32
        %add3A_459 = arith.addi %add3A_398, %add3A_458 : i32
        %get3A_460 = arith.index_cast %add3A_459 : i32 to index
        %get3A_461 = arith.constant 0 : index
        %get3A_462 = tpu.vector_load %arg10[%get3A_460, %get3A_461] {strides = array<i32>} : memref<736x16xf32, #tpu.memory_space<vmem>>, vector<1x16xf32>,
        %get3A_463 = vector.shape_cast %get3A_462 : vector<1x16xf32> to vector<16xf32>
        %add3A_464 = arith.addf %add3A_457, %get3A_463 : vector<16xf32>
        %add3A_465 = arith.constant 10 : i32
        %add3A_466 = arith.addi %add3A_398, %add3A_465 : i32
        %get3A_467 = arith.index_cast %add3A_466 : i32 to index
        %get3A_468 = arith.constant 0 : index
        %get3A_469 = tpu.vector_load %arg10[%get3A_467, %get3A_468] {strides = array<i32>} : memref<736x16xf32, #tpu.memory_space<vmem>>, vector<1x16xf32>,
        %get3A_470 = vector.shape_cast %get3A_469 : vector<1x16xf32> to vector<16xf32>
        %add3A_471 = arith.addf %add3A_464, %get3A_470 : vector<16xf32>
        %add3A_472 = arith.constant 11 : i32
        %add3A_473 = arith.addi %add3A_398, %add3A_472 : i32
        %get3A_474 = arith.index_cast %add3A_473 : i32 to index
        %get3A_475 = arith.constant 0 : index
        %get3A_476 = tpu.vector_load %arg10[%get3A_474, %get3A_475] {strides = array<i32>} : memref<736x16xf32, #tpu.memory_space<vmem>>, vector<1x16xf32>,
        %get3A_477 = vector.shape_cast %get3A_476 : vector<1x16xf32> to vector<16xf32>
        %add3A_478 = arith.addf %add3A_471, %get3A_477 : vector<16xf32>
        %add3A_479 = arith.constant 12 : i32
        %add3A_480 = arith.addi %add3A_398, %add3A_479 : i32
        %get3A_481 = arith.index_cast %add3A_480 : i32 to index
        %get3A_482 = arith.constant 0 : index
        %get3A_483 = tpu.vector_load %arg10[%get3A_481, %get3A_482] {strides = array<i32>} : memref<736x16xf32, #tpu.memory_space<vmem>>, vector<1x16xf32>,
        %get3A_484 = vector.shape_cast %get3A_483 : vector<1x16xf32> to vector<16xf32>
        %add3A_485 = arith.addf %add3A_478, %get3A_484 : vector<16xf32>
        %add3A_486 = arith.constant 13 : i32
        %add3A_487 = arith.addi %add3A_398, %add3A_486 : i32
        %get3A_488 = arith.index_cast %add3A_487 : i32 to index
        %get3A_489 = arith.constant 0 : index
        %get3A_490 = tpu.vector_load %arg10[%get3A_488, %get3A_489] {strides = array<i32>} : memref<736x16xf32, #tpu.memory_space<vmem>>, vector<1x16xf32>,
        %get3A_491 = vector.shape_cast %get3A_490 : vector<1x16xf32> to vector<16xf32>
        %add3A_492 = arith.addf %add3A_485, %get3A_491 : vector<16xf32>
        %add3A_493 = arith.constant 14 : i32
        %add3A_494 = arith.addi %add3A_398, %add3A_493 : i32
        %get3A_495 = arith.index_cast %add3A_494 : i32 to index
        %get3A_496 = arith.constant 0 : index
        %get3A_497 = tpu.vector_load %arg10[%get3A_495, %get3A_496] {strides = array<i32>} : memref<736x16xf32, #tpu.memory_space<vmem>>, vector<1x16xf32>,
        %get3A_498 = vector.shape_cast %get3A_497 : vector<1x16xf32> to vector<16xf32>
        %add3A_499 = arith.addf %add3A_492, %get3A_498 : vector<16xf32>
        %add3A_500 = arith.constant 15 : i32
        %add3A_501 = arith.addi %add3A_398, %add3A_500 : i32
        %get3A_502 = arith.index_cast %add3A_501 : i32 to index
        %get3A_503 = arith.constant 0 : index
        %get3A_504 = tpu.vector_load %arg10[%get3A_502, %get3A_503] {strides = array<i32>} : memref<736x16xf32, #tpu.memory_space<vmem>>, vector<1x16xf32>,
        %get3A_505 = vector.shape_cast %get3A_504 : vector<1x16xf32> to vector<16xf32>
        %add3A_506 = arith.addf %add3A_499, %get3A_505 : vector<16xf32>
        %add3A_507 = arith.constant 16 : i32
        %add3A_508 = arith.addi %add3A_398, %add3A_507 : i32
        %get3A_509 = arith.index_cast %add3A_508 : i32 to index
        %get3A_510 = arith.constant 0 : index
        %get3A_511 = tpu.vector_load %arg10[%get3A_509, %get3A_510] {strides = array<i32>} : memref<736x16xf32, #tpu.memory_space<vmem>>, vector<1x16xf32>,
        %get3A_512 = vector.shape_cast %get3A_511 : vector<1x16xf32> to vector<16xf32>
        %add3A_513 = arith.addf %add3A_506, %get3A_512 : vector<16xf32>
        %add3A_514 = arith.constant 17 : i32
        %add3A_515 = arith.addi %add3A_398, %add3A_514 : i32
        %get3A_516 = arith.index_cast %add3A_515 : i32 to index
        %get3A_517 = arith.constant 0 : index
        %get3A_518 = tpu.vector_load %arg10[%get3A_516, %get3A_517] {strides = array<i32>} : memref<736x16xf32, #tpu.memory_space<vmem>>, vector<1x16xf32>,
        %get3A_519 = vector.shape_cast %get3A_518 : vector<1x16xf32> to vector<16xf32>
        %add3A_520 = arith.addf %add3A_513, %get3A_519 : vector<16xf32>
        %add3A_521 = arith.constant 18 : i32
        %add3A_522 = arith.addi %add3A_398, %add3A_521 : i32
        %get3A_523 = arith.index_cast %add3A_522 : i32 to index
        %get3A_524 = arith.constant 0 : index
        %get3A_525 = tpu.vector_load %arg10[%get3A_523, %get3A_524] {strides = array<i32>} : memref<736x16xf32, #tpu.memory_space<vmem>>, vector<1x16xf32>,
        %get3A_526 = vector.shape_cast %get3A_525 : vector<1x16xf32> to vector<16xf32>
        %add3A_527 = arith.addf %add3A_520, %get3A_526 : vector<16xf32>
        %add3A_528 = arith.constant 19 : i32
        %add3A_529 = arith.addi %add3A_398, %add3A_528 : i32
        %get3A_530 = arith.index_cast %add3A_529 : i32 to index
        %get3A_531 = arith.constant 0 : index
        %get3A_532 = tpu.vector_load %arg10[%get3A_530, %get3A_531] {strides = array<i32>} : memref<736x16xf32, #tpu.memory_space<vmem>>, vector<1x16xf32>,
        %get3A_533 = vector.shape_cast %get3A_532 : vector<1x16xf32> to vector<16xf32>
        %add3A_534 = arith.addf %add3A_527, %get3A_533 : vector<16xf32>
        %mul3A_535 = arith.constant 5.000000e-02 : f32
        %mul3A_536 = vector.broadcast %mul3A_535 : f32 to vector<16xf32>
        %mul3A_537 = arith.mulf %add3A_534, %mul3A_536 : vector<16xf32>
        %mul3A_538 = arith.constant 26 : i32
        %mul3A_539 = arith.muli %scan3A_393, %mul3A_538 : i32
        %add3A_540 = arith.constant 0 : i32
        %add3A_541 = arith.addi %mul3A_539, %add3A_540 : i32
        %get3A_542 = arith.index_cast %add3A_541 : i32 to index
        %get3A_543 = arith.constant 0 : index
        %get3A_544 = tpu.vector_load %arg10[%get3A_542, %get3A_543] {strides = array<i32>} : memref<736x16xf32, #tpu.memory_space<vmem>>, vector<1x16xf32>,
        %get3A_545 = vector.shape_cast %get3A_544 : vector<1x16xf32> to vector<16xf32>
        %swap3A = arith.index_cast %scan3A_393 : i32 to index
        %swap3A_546 = arith.constant 0 : index
        %swap3A_547 = tpu.vector_load %arg12[%swap3A, %swap3A_546] {strides = array<i32>} : memref<16x128xf32, #tpu.memory_space<vmem>>, vector<1x16xf32>,
        %swap3A_548 = vector.shape_cast %swap3A_547 : vector<1x16xf32> to vector<16xf32>
        %swap3A_549 = vector.shape_cast %get3A_545 : vector<16xf32> to vector<1x16xf32>
        tpu.vector_store %arg12[%swap3A, %swap3A_546], %swap3A_549 {strides = array<i32>} : memref<16x128xf32, #tpu.memory_space<vmem>>, vector<1x16xf32>,
        %add3A_550 = arith.constant 1 : i32
        %add3A_551 = arith.addi %mul3A_539, %add3A_550 : i32
        %get3A_552 = arith.index_cast %add3A_551 : i32 to index
        %get3A_553 = arith.constant 0 : index
        %get3A_554 = tpu.vector_load %arg10[%get3A_552, %get3A_553] {strides = array<i32>} : memref<736x16xf32, #tpu.memory_space<vmem>>, vector<1x16xf32>,
        %get3A_555 = vector.shape_cast %get3A_554 : vector<1x16xf32> to vector<16xf32>
        %swap3A_556 = arith.index_cast %scan3A_393 : i32 to index
        %swap3A_557 = arith.constant 16 : index
        %swap3A_558 = tpu.vector_load %arg12[%swap3A_556, %swap3A_557] {strides = array<i32>} : memref<16x128xf32, #tpu.memory_space<vmem>>, vector<1x16xf32>,
        %swap3A_559 = vector.shape_cast %swap3A_558 : vector<1x16xf32> to vector<16xf32>
        %swap3A_560 = vector.shape_cast %get3A_555 : vector<16xf32> to vector<1x16xf32>
        tpu.vector_store %arg12[%swap3A_556, %swap3A_557], %swap3A_560 {strides = array<i32>} : memref<16x128xf32, #tpu.memory_space<vmem>>, vector<1x16xf32>,
        %add3A_561 = arith.constant 2 : i32
        %add3A_562 = arith.addi %mul3A_539, %add3A_561 : i32
        %get3A_563 = arith.index_cast %add3A_562 : i32 to index
        %get3A_564 = arith.constant 0 : index
        %get3A_565 = tpu.vector_load %arg10[%get3A_563, %get3A_564] {strides = array<i32>} : memref<736x16xf32, #tpu.memory_space<vmem>>, vector<1x16xf32>,
        %get3A_566 = vector.shape_cast %get3A_565 : vector<1x16xf32> to vector<16xf32>
        %swap3A_567 = arith.index_cast %scan3A_393 : i32 to index
        %swap3A_568 = arith.constant 32 : index
        %swap3A_569 = tpu.vector_load %arg12[%swap3A_567, %swap3A_568] {strides = array<i32>} : memref<16x128xf32, #tpu.memory_space<vmem>>, vector<1x16xf32>,
        %swap3A_570 = vector.shape_cast %swap3A_569 : vector<1x16xf32> to vector<16xf32>
        %swap3A_571 = vector.shape_cast %get3A_566 : vector<16xf32> to vector<1x16xf32>
        tpu.vector_store %arg12[%swap3A_567, %swap3A_568], %swap3A_571 {strides = array<i32>} : memref<16x128xf32, #tpu.memory_space<vmem>>, vector<1x16xf32>,
        %add3A_572 = arith.constant 3 : i32
        %add3A_573 = arith.addi %mul3A_539, %add3A_572 : i32
        %get3A_574 = arith.index_cast %add3A_573 : i32 to index
        %get3A_575 = arith.constant 0 : index
        %get3A_576 = tpu.vector_load %arg10[%get3A_574, %get3A_575] {strides = array<i32>} : memref<736x16xf32, #tpu.memory_space<vmem>>, vector<1x16xf32>,
        %get3A_577 = vector.shape_cast %get3A_576 : vector<1x16xf32> to vector<16xf32>
        %swap3A_578 = arith.index_cast %scan3A_393 : i32 to index
        %swap3A_579 = arith.constant 48 : index
        %swap3A_580 = tpu.vector_load %arg12[%swap3A_578, %swap3A_579] {strides = array<i32>} : memref<16x128xf32, #tpu.memory_space<vmem>>, vector<1x16xf32>,
        %swap3A_581 = vector.shape_cast %swap3A_580 : vector<1x16xf32> to vector<16xf32>
        %swap3A_582 = vector.shape_cast %get3A_577 : vector<16xf32> to vector<1x16xf32>
        tpu.vector_store %arg12[%swap3A_578, %swap3A_579], %swap3A_582 {strides = array<i32>} : memref<16x128xf32, #tpu.memory_space<vmem>>, vector<1x16xf32>,
        %add3A_583 = arith.constant 4 : i32
        %add3A_584 = arith.addi %mul3A_539, %add3A_583 : i32
        %get3A_585 = arith.index_cast %add3A_584 : i32 to index
        %get3A_586 = arith.constant 0 : index
        %get3A_587 = tpu.vector_load %arg10[%get3A_585, %get3A_586] {strides = array<i32>} : memref<736x16xf32, #tpu.memory_space<vmem>>, vector<1x16xf32>,
        %get3A_588 = vector.shape_cast %get3A_587 : vector<1x16xf32> to vector<16xf32>
        %swap3A_589 = arith.index_cast %scan3A_393 : i32 to index
        %swap3A_590 = arith.constant 64 : index
        %swap3A_591 = tpu.vector_load %arg12[%swap3A_589, %swap3A_590] {strides = array<i32>} : memref<16x128xf32, #tpu.memory_space<vmem>>, vector<1x16xf32>,
        %swap3A_592 = vector.shape_cast %swap3A_591 : vector<1x16xf32> to vector<16xf32>
        %swap3A_593 = vector.shape_cast %get3A_588 : vector<16xf32> to vector<1x16xf32>
        tpu.vector_store %arg12[%swap3A_589, %swap3A_590], %swap3A_593 {strides = array<i32>} : memref<16x128xf32, #tpu.memory_space<vmem>>, vector<1x16xf32>,
        %add3A_594 = arith.constant 5 : i32
        %add3A_595 = arith.addi %mul3A_539, %add3A_594 : i32
        %get3A_596 = arith.index_cast %add3A_595 : i32 to index
        %get3A_597 = arith.constant 0 : index
        %get3A_598 = tpu.vector_load %arg10[%get3A_596, %get3A_597] {strides = array<i32>} : memref<736x16xf32, #tpu.memory_space<vmem>>, vector<1x16xf32>,
        %get3A_599 = vector.shape_cast %get3A_598 : vector<1x16xf32> to vector<16xf32>
        %swap3A_600 = arith.index_cast %scan3A_393 : i32 to index
        %swap3A_601 = arith.constant 80 : index
        %swap3A_602 = tpu.vector_load %arg12[%swap3A_600, %swap3A_601] {strides = array<i32>} : memref<16x128xf32, #tpu.memory_space<vmem>>, vector<1x16xf32>,
        %swap3A_603 = vector.shape_cast %swap3A_602 : vector<1x16xf32> to vector<16xf32>
        %swap3A_604 = vector.shape_cast %get3A_599 : vector<16xf32> to vector<1x16xf32>
        tpu.vector_store %arg12[%swap3A_600, %swap3A_601], %swap3A_604 {strides = array<i32>} : memref<16x128xf32, #tpu.memory_space<vmem>>, vector<1x16xf32>,
        %add3A_605 = arith.constant 6 : i32
        %add3A_606 = arith.addi %mul3A_539, %add3A_605 : i32
        %get3A_607 = arith.index_cast %add3A_606 : i32 to index
        %get3A_608 = arith.constant 0 : index
        %get3A_609 = tpu.vector_load %arg10[%get3A_607, %get3A_608] {strides = array<i32>} : memref<736x16xf32, #tpu.memory_space<vmem>>, vector<1x16xf32>,
        %get3A_610 = vector.shape_cast %get3A_609 : vector<1x16xf32> to vector<16xf32>
        %swap3A_611 = arith.index_cast %scan3A_393 : i32 to index
        %swap3A_612 = arith.constant 96 : index
        %swap3A_613 = tpu.vector_load %arg12[%swap3A_611, %swap3A_612] {strides = array<i32>} : memref<16x128xf32, #tpu.memory_space<vmem>>, vector<1x16xf32>,
        %swap3A_614 = vector.shape_cast %swap3A_613 : vector<1x16xf32> to vector<16xf32>
        %swap3A_615 = vector.shape_cast %get3A_610 : vector<16xf32> to vector<1x16xf32>
        tpu.vector_store %arg12[%swap3A_611, %swap3A_612], %swap3A_615 {strides = array<i32>} : memref<16x128xf32, #tpu.memory_space<vmem>>, vector<1x16xf32>,
        %add3A_616 = arith.constant 7 : i32
        %add3A_617 = arith.addi %mul3A_539, %add3A_616 : i32
        %get3A_618 = arith.index_cast %add3A_617 : i32 to index
        %get3A_619 = arith.constant 0 : index
        %get3A_620 = tpu.vector_load %arg10[%get3A_618, %get3A_619] {strides = array<i32>} : memref<736x16xf32, #tpu.memory_space<vmem>>, vector<1x16xf32>,
        %get3A_621 = vector.shape_cast %get3A_620 : vector<1x16xf32> to vector<16xf32>
        %swap3A_622 = arith.index_cast %scan3A_393 : i32 to index
        %swap3A_623 = arith.constant 112 : index
        %swap3A_624 = tpu.vector_load %arg12[%swap3A_622, %swap3A_623] {strides = array<i32>} : memref<16x128xf32, #tpu.memory_space<vmem>>, vector<1x16xf32>,
        %swap3A_625 = vector.shape_cast %swap3A_624 : vector<1x16xf32> to vector<16xf32>
        %swap3A_626 = vector.shape_cast %get3A_621 : vector<16xf32> to vector<1x16xf32>
        tpu.vector_store %arg12[%swap3A_622, %swap3A_623], %swap3A_626 {strides = array<i32>} : memref<16x128xf32, #tpu.memory_space<vmem>>, vector<1x16xf32>,
        %add3A_627 = arith.constant 8 : i32
        %add3A_628 = arith.addi %mul3A_539, %add3A_627 : i32
        %add3A_629 = arith.constant 0 : i32
        %add3A_630 = arith.addi %add3A_628, %add3A_629 : i32
        %get3A_631 = arith.index_cast %add3A_630 : i32 to index
        %get3A_632 = arith.constant 0 : index
        %get3A_633 = tpu.vector_load %arg10[%get3A_631, %get3A_632] {strides = array<i32>} : memref<736x16xf32, #tpu.memory_space<vmem>>, vector<1x16xf32>,
        %get3A_634 = vector.shape_cast %get3A_633 : vector<1x16xf32> to vector<16xf32>
        %swap3A_635 = arith.index_cast %scan3A_393 : i32 to index
        %swap3A_636 = arith.constant 0 : index
        %swap3A_637 = tpu.vector_load %arg13[%swap3A_635, %swap3A_636] {strides = array<i32>} : memref<16x128xf32, #tpu.memory_space<vmem>>, vector<1x16xf32>,
        %swap3A_638 = vector.shape_cast %swap3A_637 : vector<1x16xf32> to vector<16xf32>
        %swap3A_639 = vector.shape_cast %get3A_634 : vector<16xf32> to vector<1x16xf32>
        tpu.vector_store %arg13[%swap3A_635, %swap3A_636], %swap3A_639 {strides = array<i32>} : memref<16x128xf32, #tpu.memory_space<vmem>>, vector<1x16xf32>,
        %add3A_640 = arith.constant 8 : i32
        %add3A_641 = arith.addi %mul3A_539, %add3A_640 : i32
        %add3A_642 = arith.constant 1 : i32
        %add3A_643 = arith.addi %add3A_641, %add3A_642 : i32
        %get3A_644 = arith.index_cast %add3A_643 : i32 to index
        %get3A_645 = arith.constant 0 : index
        %get3A_646 = tpu.vector_load %arg10[%get3A_644, %get3A_645] {strides = array<i32>} : memref<736x16xf32, #tpu.memory_space<vmem>>, vector<1x16xf32>,
        %get3A_647 = vector.shape_cast %get3A_646 : vector<1x16xf32> to vector<16xf32>
        %swap3A_648 = arith.index_cast %scan3A_393 : i32 to index
        %swap3A_649 = arith.constant 16 : index
        %swap3A_650 = tpu.vector_load %arg13[%swap3A_648, %swap3A_649] {strides = array<i32>} : memref<16x128xf32, #tpu.memory_space<vmem>>, vector<1x16xf32>,
        %swap3A_651 = vector.shape_cast %swap3A_650 : vector<1x16xf32> to vector<16xf32>
        %swap3A_652 = vector.shape_cast %get3A_647 : vector<16xf32> to vector<1x16xf32>
        tpu.vector_store %arg13[%swap3A_648, %swap3A_649], %swap3A_652 {strides = array<i32>} : memref<16x128xf32, #tpu.memory_space<vmem>>, vector<1x16xf32>,
        %add3A_653 = arith.constant 8 : i32
        %add3A_654 = arith.addi %mul3A_539, %add3A_653 : i32
        %add3A_655 = arith.constant 2 : i32
        %add3A_656 = arith.addi %add3A_654, %add3A_655 : i32
        %get3A_657 = arith.index_cast %add3A_656 : i32 to index
        %get3A_658 = arith.constant 0 : index
        %get3A_659 = tpu.vector_load %arg10[%get3A_657, %get3A_658] {strides = array<i32>} : memref<736x16xf32, #tpu.memory_space<vmem>>, vector<1x16xf32>,
        %get3A_660 = vector.shape_cast %get3A_659 : vector<1x16xf32> to vector<16xf32>
        %swap3A_661 = arith.index_cast %scan3A_393 : i32 to index
        %swap3A_662 = arith.constant 32 : index
        %swap3A_663 = tpu.vector_load %arg13[%swap3A_661, %swap3A_662] {strides = array<i32>} : memref<16x128xf32, #tpu.memory_space<vmem>>, vector<1x16xf32>,
        %swap3A_664 = vector.shape_cast %swap3A_663 : vector<1x16xf32> to vector<16xf32>
        %swap3A_665 = vector.shape_cast %get3A_660 : vector<16xf32> to vector<1x16xf32>
        tpu.vector_store %arg13[%swap3A_661, %swap3A_662], %swap3A_665 {strides = array<i32>} : memref<16x128xf32, #tpu.memory_space<vmem>>, vector<1x16xf32>,
        %add3A_666 = arith.constant 8 : i32
        %add3A_667 = arith.addi %mul3A_539, %add3A_666 : i32
        %add3A_668 = arith.constant 3 : i32
        %add3A_669 = arith.addi %add3A_667, %add3A_668 : i32
        %get3A_670 = arith.index_cast %add3A_669 : i32 to index
        %get3A_671 = arith.constant 0 : index
        %get3A_672 = tpu.vector_load %arg10[%get3A_670, %get3A_671] {strides = array<i32>} : memref<736x16xf32, #tpu.memory_space<vmem>>, vector<1x16xf32>,
        %get3A_673 = vector.shape_cast %get3A_672 : vector<1x16xf32> to vector<16xf32>
        %swap3A_674 = arith.index_cast %scan3A_393 : i32 to index
        %swap3A_675 = arith.constant 48 : index
        %swap3A_676 = tpu.vector_load %arg13[%swap3A_674, %swap3A_675] {strides = array<i32>} : memref<16x128xf32, #tpu.memory_space<vmem>>, vector<1x16xf32>,
        %swap3A_677 = vector.shape_cast %swap3A_676 : vector<1x16xf32> to vector<16xf32>
        %swap3A_678 = vector.shape_cast %get3A_673 : vector<16xf32> to vector<1x16xf32>
        tpu.vector_store %arg13[%swap3A_674, %swap3A_675], %swap3A_678 {strides = array<i32>} : memref<16x128xf32, #tpu.memory_space<vmem>>, vector<1x16xf32>,
        %add3A_679 = arith.constant 8 : i32
        %add3A_680 = arith.addi %mul3A_539, %add3A_679 : i32
        %add3A_681 = arith.constant 4 : i32
        %add3A_682 = arith.addi %add3A_680, %add3A_681 : i32
        %get3A_683 = arith.index_cast %add3A_682 : i32 to index
        %get3A_684 = arith.constant 0 : index
        %get3A_685 = tpu.vector_load %arg10[%get3A_683, %get3A_684] {strides = array<i32>} : memref<736x16xf32, #tpu.memory_space<vmem>>, vector<1x16xf32>,
        %get3A_686 = vector.shape_cast %get3A_685 : vector<1x16xf32> to vector<16xf32>
        %swap3A_687 = arith.index_cast %scan3A_393 : i32 to index
        %swap3A_688 = arith.constant 64 : index
        %swap3A_689 = tpu.vector_load %arg13[%swap3A_687, %swap3A_688] {strides = array<i32>} : memref<16x128xf32, #tpu.memory_space<vmem>>, vector<1x16xf32>,
        %swap3A_690 = vector.shape_cast %swap3A_689 : vector<1x16xf32> to vector<16xf32>
        %swap3A_691 = vector.shape_cast %get3A_686 : vector<16xf32> to vector<1x16xf32>
        tpu.vector_store %arg13[%swap3A_687, %swap3A_688], %swap3A_691 {strides = array<i32>} : memref<16x128xf32, #tpu.memory_space<vmem>>, vector<1x16xf32>,
        %add3A_692 = arith.constant 8 : i32
        %add3A_693 = arith.addi %mul3A_539, %add3A_692 : i32
        %add3A_694 = arith.constant 5 : i32
        %add3A_695 = arith.addi %add3A_693, %add3A_694 : i32
        %get3A_696 = arith.index_cast %add3A_695 : i32 to index
        %get3A_697 = arith.constant 0 : index
        %get3A_698 = tpu.vector_load %arg10[%get3A_696, %get3A_697] {strides = array<i32>} : memref<736x16xf32, #tpu.memory_space<vmem>>, vector<1x16xf32>,
        %get3A_699 = vector.shape_cast %get3A_698 : vector<1x16xf32> to vector<16xf32>
        %swap3A_700 = arith.index_cast %scan3A_393 : i32 to index
        %swap3A_701 = arith.constant 80 : index
        %swap3A_702 = tpu.vector_load %arg13[%swap3A_700, %swap3A_701] {strides = array<i32>} : memref<16x128xf32, #tpu.memory_space<vmem>>, vector<1x16xf32>,
        %swap3A_703 = vector.shape_cast %swap3A_702 : vector<1x16xf32> to vector<16xf32>
        %swap3A_704 = vector.shape_cast %get3A_699 : vector<16xf32> to vector<1x16xf32>
        tpu.vector_store %arg13[%swap3A_700, %swap3A_701], %swap3A_704 {strides = array<i32>} : memref<16x128xf32, #tpu.memory_space<vmem>>, vector<1x16xf32>,
        %add3A_705 = arith.constant 8 : i32
        %add3A_706 = arith.addi %mul3A_539, %add3A_705 : i32
        %add3A_707 = arith.constant 6 : i32
        %add3A_708 = arith.addi %add3A_706, %add3A_707 : i32
        %get3A_709 = arith.index_cast %add3A_708 : i32 to index
        %get3A_710 = arith.constant 0 : index
        %get3A_711 = tpu.vector_load %arg10[%get3A_709, %get3A_710] {strides = array<i32>} : memref<736x16xf32, #tpu.memory_space<vmem>>, vector<1x16xf32>,
        %get3A_712 = vector.shape_cast %get3A_711 : vector<1x16xf32> to vector<16xf32>
        %swap3A_713 = arith.index_cast %scan3A_393 : i32 to index
        %swap3A_714 = arith.constant 96 : index
        %swap3A_715 = tpu.vector_load %arg13[%swap3A_713, %swap3A_714] {strides = array<i32>} : memref<16x128xf32, #tpu.memory_space<vmem>>, vector<1x16xf32>,
        %swap3A_716 = vector.shape_cast %swap3A_715 : vector<1x16xf32> to vector<16xf32>
        %swap3A_717 = vector.shape_cast %get3A_712 : vector<16xf32> to vector<1x16xf32>
        tpu.vector_store %arg13[%swap3A_713, %swap3A_714], %swap3A_717 {strides = array<i32>} : memref<16x128xf32, #tpu.memory_space<vmem>>, vector<1x16xf32>,
        %add3A_718 = arith.constant 8 : i32
        %add3A_719 = arith.addi %mul3A_539, %add3A_718 : i32
        %add3A_720 = arith.constant 7 : i32
        %add3A_721 = arith.addi %add3A_719, %add3A_720 : i32
        %get3A_722 = arith.index_cast %add3A_721 : i32 to index
        %get3A_723 = arith.constant 0 : index
        %get3A_724 = tpu.vector_load %arg10[%get3A_722, %get3A_723] {strides = array<i32>} : memref<736x16xf32, #tpu.memory_space<vmem>>, vector<1x16xf32>,
        %get3A_725 = vector.shape_cast %get3A_724 : vector<1x16xf32> to vector<16xf32>
        %swap3A_726 = arith.index_cast %scan3A_393 : i32 to index
        %swap3A_727 = arith.constant 112 : index
        %swap3A_728 = tpu.vector_load %arg13[%swap3A_726, %swap3A_727] {strides = array<i32>} : memref<16x128xf32, #tpu.memory_space<vmem>>, vector<1x16xf32>,
        %swap3A_729 = vector.shape_cast %swap3A_728 : vector<1x16xf32> to vector<16xf32>
        %swap3A_730 = vector.shape_cast %get3A_725 : vector<16xf32> to vector<1x16xf32>
        tpu.vector_store %arg13[%swap3A_726, %swap3A_727], %swap3A_730 {strides = array<i32>} : memref<16x128xf32, #tpu.memory_space<vmem>>, vector<1x16xf32>,
        %add3A_731 = arith.constant 16 : i32
        %add3A_732 = arith.addi %mul3A_539, %add3A_731 : i32
        %add3A_733 = arith.constant 0 : i32
        %add3A_734 = arith.addi %add3A_732, %add3A_733 : i32
        %get3A_735 = arith.index_cast %add3A_734 : i32 to index
        %get3A_736 = arith.constant 0 : index
        %get3A_737 = tpu.vector_load %arg10[%get3A_735, %get3A_736] {strides = array<i32>} : memref<736x16xf32, #tpu.memory_space<vmem>>, vector<1x16xf32>,
        %get3A_738 = vector.shape_cast %get3A_737 : vector<1x16xf32> to vector<16xf32>
        %swap3A_739 = arith.index_cast %scan3A_393 : i32 to index
        %swap3A_740 = arith.constant 0 : index
        %swap3A_741 = tpu.vector_load %arg14[%swap3A_739, %swap3A_740] {strides = array<i32>} : memref<16x128xf32, #tpu.memory_space<vmem>>, vector<1x16xf32>,
        %swap3A_742 = vector.shape_cast %swap3A_741 : vector<1x16xf32> to vector<16xf32>
        %swap3A_743 = vector.shape_cast %get3A_738 : vector<16xf32> to vector<1x16xf32>
        tpu.vector_store %arg14[%swap3A_739, %swap3A_740], %swap3A_743 {strides = array<i32>} : memref<16x128xf32, #tpu.memory_space<vmem>>, vector<1x16xf32>,
        %add3A_744 = arith.constant 16 : i32
        %add3A_745 = arith.addi %mul3A_539, %add3A_744 : i32
        %add3A_746 = arith.constant 1 : i32
        %add3A_747 = arith.addi %add3A_745, %add3A_746 : i32
        %get3A_748 = arith.index_cast %add3A_747 : i32 to index
        %get3A_749 = arith.constant 0 : index
        %get3A_750 = tpu.vector_load %arg10[%get3A_748, %get3A_749] {strides = array<i32>} : memref<736x16xf32, #tpu.memory_space<vmem>>, vector<1x16xf32>,
        %get3A_751 = vector.shape_cast %get3A_750 : vector<1x16xf32> to vector<16xf32>
        %swap3A_752 = arith.index_cast %scan3A_393 : i32 to index
        %swap3A_753 = arith.constant 16 : index
        %swap3A_754 = tpu.vector_load %arg14[%swap3A_752, %swap3A_753] {strides = array<i32>} : memref<16x128xf32, #tpu.memory_space<vmem>>, vector<1x16xf32>,
        %swap3A_755 = vector.shape_cast %swap3A_754 : vector<1x16xf32> to vector<16xf32>
        %swap3A_756 = vector.shape_cast %get3A_751 : vector<16xf32> to vector<1x16xf32>
        tpu.vector_store %arg14[%swap3A_752, %swap3A_753], %swap3A_756 {strides = array<i32>} : memref<16x128xf32, #tpu.memory_space<vmem>>, vector<1x16xf32>,
        %add3A_757 = arith.constant 16 : i32
        %add3A_758 = arith.addi %mul3A_539, %add3A_757 : i32
        %add3A_759 = arith.constant 2 : i32
        %add3A_760 = arith.addi %add3A_758, %add3A_759 : i32
        %get3A_761 = arith.index_cast %add3A_760 : i32 to index
        %get3A_762 = arith.constant 0 : index
        %get3A_763 = tpu.vector_load %arg10[%get3A_761, %get3A_762] {strides = array<i32>} : memref<736x16xf32, #tpu.memory_space<vmem>>, vector<1x16xf32>,
        %get3A_764 = vector.shape_cast %get3A_763 : vector<1x16xf32> to vector<16xf32>
        %swap3A_765 = arith.index_cast %scan3A_393 : i32 to index
        %swap3A_766 = arith.constant 32 : index
        %swap3A_767 = tpu.vector_load %arg14[%swap3A_765, %swap3A_766] {strides = array<i32>} : memref<16x128xf32, #tpu.memory_space<vmem>>, vector<1x16xf32>,
        %swap3A_768 = vector.shape_cast %swap3A_767 : vector<1x16xf32> to vector<16xf32>
        %swap3A_769 = vector.shape_cast %get3A_764 : vector<16xf32> to vector<1x16xf32>
        tpu.vector_store %arg14[%swap3A_765, %swap3A_766], %swap3A_769 {strides = array<i32>} : memref<16x128xf32, #tpu.memory_space<vmem>>, vector<1x16xf32>,
        %add3A_770 = arith.constant 16 : i32
        %add3A_771 = arith.addi %mul3A_539, %add3A_770 : i32
        %add3A_772 = arith.constant 3 : i32
        %add3A_773 = arith.addi %add3A_771, %add3A_772 : i32
        %get3A_774 = arith.index_cast %add3A_773 : i32 to index
        %get3A_775 = arith.constant 0 : index
        %get3A_776 = tpu.vector_load %arg10[%get3A_774, %get3A_775] {strides = array<i32>} : memref<736x16xf32, #tpu.memory_space<vmem>>, vector<1x16xf32>,
        %get3A_777 = vector.shape_cast %get3A_776 : vector<1x16xf32> to vector<16xf32>
        %swap3A_778 = arith.index_cast %scan3A_393 : i32 to index
        %swap3A_779 = arith.constant 48 : index
        %swap3A_780 = tpu.vector_load %arg14[%swap3A_778, %swap3A_779] {strides = array<i32>} : memref<16x128xf32, #tpu.memory_space<vmem>>, vector<1x16xf32>,
        %swap3A_781 = vector.shape_cast %swap3A_780 : vector<1x16xf32> to vector<16xf32>
        %swap3A_782 = vector.shape_cast %get3A_777 : vector<16xf32> to vector<1x16xf32>
        tpu.vector_store %arg14[%swap3A_778, %swap3A_779], %swap3A_782 {strides = array<i32>} : memref<16x128xf32, #tpu.memory_space<vmem>>, vector<1x16xf32>,
        %add3A_783 = arith.constant 16 : i32
        %add3A_784 = arith.addi %mul3A_539, %add3A_783 : i32
        %add3A_785 = arith.constant 4 : i32
        %add3A_786 = arith.addi %add3A_784, %add3A_785 : i32
        %get3A_787 = arith.index_cast %add3A_786 : i32 to index
        %get3A_788 = arith.constant 0 : index
        %get3A_789 = tpu.vector_load %arg10[%get3A_787, %get3A_788] {strides = array<i32>} : memref<736x16xf32, #tpu.memory_space<vmem>>, vector<1x16xf32>,
        %get3A_790 = vector.shape_cast %get3A_789 : vector<1x16xf32> to vector<16xf32>
        %swap3A_791 = arith.index_cast %scan3A_393 : i32 to index
        %swap3A_792 = arith.constant 64 : index
        %swap3A_793 = tpu.vector_load %arg14[%swap3A_791, %swap3A_792] {strides = array<i32>} : memref<16x128xf32, #tpu.memory_space<vmem>>, vector<1x16xf32>,
        %swap3A_794 = vector.shape_cast %swap3A_793 : vector<1x16xf32> to vector<16xf32>
        %swap3A_795 = vector.shape_cast %get3A_790 : vector<16xf32> to vector<1x16xf32>
        tpu.vector_store %arg14[%swap3A_791, %swap3A_792], %swap3A_795 {strides = array<i32>} : memref<16x128xf32, #tpu.memory_space<vmem>>, vector<1x16xf32>,
        %add3A_796 = arith.constant 16 : i32
        %add3A_797 = arith.addi %mul3A_539, %add3A_796 : i32
        %add3A_798 = arith.constant 5 : i32
        %add3A_799 = arith.addi %add3A_797, %add3A_798 : i32
        %get3A_800 = arith.index_cast %add3A_799 : i32 to index
        %get3A_801 = arith.constant 0 : index
        %get3A_802 = tpu.vector_load %arg10[%get3A_800, %get3A_801] {strides = array<i32>} : memref<736x16xf32, #tpu.memory_space<vmem>>, vector<1x16xf32>,
        %get3A_803 = vector.shape_cast %get3A_802 : vector<1x16xf32> to vector<16xf32>
        %swap3A_804 = arith.index_cast %scan3A_393 : i32 to index
        %swap3A_805 = arith.constant 80 : index
        %swap3A_806 = tpu.vector_load %arg14[%swap3A_804, %swap3A_805] {strides = array<i32>} : memref<16x128xf32, #tpu.memory_space<vmem>>, vector<1x16xf32>,
        %swap3A_807 = vector.shape_cast %swap3A_806 : vector<1x16xf32> to vector<16xf32>
        %swap3A_808 = vector.shape_cast %get3A_803 : vector<16xf32> to vector<1x16xf32>
        tpu.vector_store %arg14[%swap3A_804, %swap3A_805], %swap3A_808 {strides = array<i32>} : memref<16x128xf32, #tpu.memory_space<vmem>>, vector<1x16xf32>,
        %add3A_809 = arith.constant 16 : i32
        %add3A_810 = arith.addi %mul3A_539, %add3A_809 : i32
        %add3A_811 = arith.constant 6 : i32
        %add3A_812 = arith.addi %add3A_810, %add3A_811 : i32
        %get3A_813 = arith.index_cast %add3A_812 : i32 to index
        %get3A_814 = arith.constant 0 : index
        %get3A_815 = tpu.vector_load %arg10[%get3A_813, %get3A_814] {strides = array<i32>} : memref<736x16xf32, #tpu.memory_space<vmem>>, vector<1x16xf32>,
        %get3A_816 = vector.shape_cast %get3A_815 : vector<1x16xf32> to vector<16xf32>
        %swap3A_817 = arith.index_cast %scan3A_393 : i32 to index
        %swap3A_818 = arith.constant 96 : index
        %swap3A_819 = tpu.vector_load %arg14[%swap3A_817, %swap3A_818] {strides = array<i32>} : memref<16x128xf32, #tpu.memory_space<vmem>>, vector<1x16xf32>,
        %swap3A_820 = vector.shape_cast %swap3A_819 : vector<1x16xf32> to vector<16xf32>
        %swap3A_821 = vector.shape_cast %get3A_816 : vector<16xf32> to vector<1x16xf32>
        tpu.vector_store %arg14[%swap3A_817, %swap3A_818], %swap3A_821 {strides = array<i32>} : memref<16x128xf32, #tpu.memory_space<vmem>>, vector<1x16xf32>,
        %add3A_822 = arith.constant 16 : i32
        %add3A_823 = arith.addi %mul3A_539, %add3A_822 : i32
        %add3A_824 = arith.constant 7 : i32
        %add3A_825 = arith.addi %add3A_823, %add3A_824 : i32
        %get3A_826 = arith.index_cast %add3A_825 : i32 to index
        %get3A_827 = arith.constant 0 : index
        %get3A_828 = tpu.vector_load %arg10[%get3A_826, %get3A_827] {strides = array<i32>} : memref<736x16xf32, #tpu.memory_space<vmem>>, vector<1x16xf32>,
        %get3A_829 = vector.shape_cast %get3A_828 : vector<1x16xf32> to vector<16xf32>
        %swap3A_830 = arith.index_cast %scan3A_393 : i32 to index
        %swap3A_831 = arith.constant 112 : index
        %swap3A_832 = tpu.vector_load %arg14[%swap3A_830, %swap3A_831] {strides = array<i32>} : memref<16x128xf32, #tpu.memory_space<vmem>>, vector<1x16xf32>,
        %swap3A_833 = vector.shape_cast %swap3A_832 : vector<1x16xf32> to vector<16xf32>
        %swap3A_834 = vector.shape_cast %get3A_829 : vector<16xf32> to vector<1x16xf32>
        tpu.vector_store %arg14[%swap3A_830, %swap3A_831], %swap3A_834 {strides = array<i32>} : memref<16x128xf32, #tpu.memory_space<vmem>>, vector<1x16xf32>,
        %add3A_835 = arith.constant 24 : i32
        %add3A_836 = arith.addi %mul3A_539, %add3A_835 : i32
        %get3A_837 = arith.index_cast %add3A_836 : i32 to index
        %get3A_838 = arith.constant 0 : index
        %get3A_839 = tpu.vector_load %arg10[%get3A_837, %get3A_838] {strides = array<i32>} : memref<736x16xf32, #tpu.memory_space<vmem>>, vector<1x16xf32>,
        %get3A_840 = vector.shape_cast %get3A_839 : vector<1x16xf32> to vector<16xf32>
        %swap3A_841 = arith.index_cast %scan3A_393 : i32 to index
        %swap3A_842 = arith.constant 0 : index
        %swap3A_843 = tpu.vector_load %arg15[%swap3A_841, %swap3A_842] {strides = array<i32>} : memref<16x128xf32, #tpu.memory_space<vmem>>, vector<1x16xf32>,
        %swap3A_844 = vector.shape_cast %swap3A_843 : vector<1x16xf32> to vector<16xf32>
        %swap3A_845 = vector.shape_cast %get3A_840 : vector<16xf32> to vector<1x16xf32>
        tpu.vector_store %arg15[%swap3A_841, %swap3A_842], %swap3A_845 {strides = array<i32>} : memref<16x128xf32, #tpu.memory_space<vmem>>, vector<1x16xf32>,
        %add3A_846 = arith.constant 25 : i32
        %add3A_847 = arith.addi %mul3A_539, %add3A_846 : i32
        %get3A_848 = arith.index_cast %add3A_847 : i32 to index
        %get3A_849 = arith.constant 0 : index
        %get3A_850 = tpu.vector_load %arg10[%get3A_848, %get3A_849] {strides = array<i32>} : memref<736x16xf32, #tpu.memory_space<vmem>>, vector<1x16xf32>,
        %get3A_851 = vector.shape_cast %get3A_850 : vector<1x16xf32> to vector<16xf32>
        %swap3A_852 = arith.index_cast %scan3A_393 : i32 to index
        %swap3A_853 = arith.constant 16 : index
        %swap3A_854 = tpu.vector_load %arg15[%swap3A_852, %swap3A_853] {strides = array<i32>} : memref<16x128xf32, #tpu.memory_space<vmem>>, vector<1x16xf32>,
        %swap3A_855 = vector.shape_cast %swap3A_854 : vector<1x16xf32> to vector<16xf32>
        %swap3A_856 = vector.shape_cast %get3A_851 : vector<16xf32> to vector<1x16xf32>
        tpu.vector_store %arg15[%swap3A_852, %swap3A_853], %swap3A_856 {strides = array<i32>} : memref<16x128xf32, #tpu.memory_space<vmem>>, vector<1x16xf32>,
        %swap3A_857 = arith.index_cast %scan3A_393 : i32 to index
        %swap3A_858 = arith.constant 32 : index
        %swap3A_859 = tpu.vector_load %arg15[%swap3A_857, %swap3A_858] {strides = array<i32>} : memref<16x128xf32, #tpu.memory_space<vmem>>, vector<1x16xf32>,
        %swap3A_860 = vector.shape_cast %swap3A_859 : vector<1x16xf32> to vector<16xf32>
        %swap3A_861 = vector.shape_cast %mul3A_537 : vector<16xf32> to vector<1x16xf32>
        tpu.vector_store %arg15[%swap3A_857, %swap3A_858], %swap3A_861 {strides = array<i32>} : memref<16x128xf32, #tpu.memory_space<vmem>>, vector<1x16xf32>,
        %swap3A_862 = arith.index_cast %scan3A_393 : i32 to index
        %swap3A_863 = arith.constant 48 : index
        %swap3A_864 = tpu.vector_load %arg15[%swap3A_862, %swap3A_863] {strides = array<i32>} : memref<16x128xf32, #tpu.memory_space<vmem>>, vector<1x16xf32>,
        %swap3A_865 = vector.shape_cast %swap3A_864 : vector<1x16xf32> to vector<16xf32>
        %swap3A_866 = vector.shape_cast %broadcast_in_dim3A_3 : vector<16xf32> to vector<1x16xf32>
        tpu.vector_store %arg15[%swap3A_862, %swap3A_863], %swap3A_866 {strides = array<i32>} : memref<16x128xf32, #tpu.memory_space<vmem>>, vector<1x16xf32>,
        %swap3A_867 = arith.index_cast %scan3A_393 : i32 to index
        %swap3A_868 = arith.constant 64 : index
        %swap3A_869 = tpu.vector_load %arg15[%swap3A_867, %swap3A_868] {strides = array<i32>} : memref<16x128xf32, #tpu.memory_space<vmem>>, vector<1x16xf32>,
        %swap3A_870 = vector.shape_cast %swap3A_869 : vector<1x16xf32> to vector<16xf32>
        %swap3A_871 = vector.shape_cast %broadcast_in_dim3A_3 : vector<16xf32> to vector<1x16xf32>
        tpu.vector_store %arg15[%swap3A_867, %swap3A_868], %swap3A_871 {strides = array<i32>} : memref<16x128xf32, #tpu.memory_space<vmem>>, vector<1x16xf32>,
        %swap3A_872 = arith.index_cast %scan3A_393 : i32 to index
        %swap3A_873 = arith.constant 80 : index
        %swap3A_874 = tpu.vector_load %arg15[%swap3A_872, %swap3A_873] {strides = array<i32>} : memref<16x128xf32, #tpu.memory_space<vmem>>, vector<1x16xf32>,
        %swap3A_875 = vector.shape_cast %swap3A_874 : vector<1x16xf32> to vector<16xf32>
        %swap3A_876 = vector.shape_cast %broadcast_in_dim3A_3 : vector<16xf32> to vector<1x16xf32>
        tpu.vector_store %arg15[%swap3A_872, %swap3A_873], %swap3A_876 {strides = array<i32>} : memref<16x128xf32, #tpu.memory_space<vmem>>, vector<1x16xf32>,
        %swap3A_877 = arith.index_cast %scan3A_393 : i32 to index
        %swap3A_878 = arith.constant 96 : index
        %swap3A_879 = tpu.vector_load %arg15[%swap3A_877, %swap3A_878] {strides = array<i32>} : memref<16x128xf32, #tpu.memory_space<vmem>>, vector<1x16xf32>,
        %swap3A_880 = vector.shape_cast %swap3A_879 : vector<1x16xf32> to vector<16xf32>
        %swap3A_881 = vector.shape_cast %broadcast_in_dim3A_3 : vector<16xf32> to vector<1x16xf32>
        tpu.vector_store %arg15[%swap3A_877, %swap3A_878], %swap3A_881 {strides = array<i32>} : memref<16x128xf32, #tpu.memory_space<vmem>>, vector<1x16xf32>,
        %swap3A_882 = arith.index_cast %scan3A_393 : i32 to index
        %swap3A_883 = arith.constant 112 : index
        %swap3A_884 = tpu.vector_load %arg15[%swap3A_882, %swap3A_883] {strides = array<i32>} : memref<16x128xf32, #tpu.memory_space<vmem>>, vector<1x16xf32>,
        %swap3A_885 = vector.shape_cast %swap3A_884 : vector<1x16xf32> to vector<16xf32>
        %swap3A_886 = vector.shape_cast %broadcast_in_dim3A_3 : vector<16xf32> to vector<1x16xf32>
        tpu.vector_store %arg15[%swap3A_882, %swap3A_883], %swap3A_886 {strides = array<i32>} : memref<16x128xf32, #tpu.memory_space<vmem>>, vector<1x16xf32>,
        %scan3A_887 = arith.constant 0 : i32
        scf.yield %scan3A_887 : i32
      }
      %scan3A_267 = arith.constant 16 : i32
      %mul3A_268 = arith.constant 512 : i32
      %mul3A_269 = arith.muli %add3A, %mul3A_268 : i32
      %mul3A_270 = arith.constant 16 : i32
      %mul3A_271 = arith.muli %mul3A_131, %mul3A_270 : i32
      %add3A_272 = arith.addi %mul3A_269, %mul3A_271 : i32
      %multiple_of3A_273 = tpu.assume_multiple %add3A_272, 16 : i32
      %dma_start3A_274 = arith.constant 0 : i32
      %dma_start3A_275 = tpu.memref_slice %arg4[%multiple_of3A_273, %dma_start3A_274] : memref<16384x128xf32, #tpu.memory_space<hbm>> -> memref<16x128xf32, #tpu.memory_space<hbm>>
      %dma_start3A_276 = arith.constant 0 : i32
      %dma_start3A_277 = tpu.memref_slice %arg4[%multiple_of3A_273, %dma_start3A_276] : memref<16384x128xf32, #tpu.memory_space<hbm>> -> memref<16x128xf32, #tpu.memory_space<hbm>>
      tpu.enqueue_dma source(%arg12 : memref<16x128xf32, #tpu.memory_space<vmem>>) target(%dma_start3A_277 : memref<16x128xf32, #tpu.memory_space<hbm>>) target_semaphore(%arg23 : memref<!tpu.dma_semaphore, #tpu.memory_space<semaphore_mem>>)
      %dma_start3A_278 = arith.constant 0 : i32
      %dma_start3A_279 = tpu.memref_slice %arg5[%multiple_of3A_273, %dma_start3A_278] : memref<16384x128xf32, #tpu.memory_space<hbm>> -> memref<16x128xf32, #tpu.memory_space<hbm>>
      %dma_start3A_280 = arith.constant 0 : i32
      %dma_start3A_281 = tpu.memref_slice %arg5[%multiple_of3A_273, %dma_start3A_280] : memref<16384x128xf32, #tpu.memory_space<hbm>> -> memref<16x128xf32, #tpu.memory_space<hbm>>
      tpu.enqueue_dma source(%arg13 : memref<16x128xf32, #tpu.memory_space<vmem>>) target(%dma_start3A_281 : memref<16x128xf32, #tpu.memory_space<hbm>>) target_semaphore(%arg23 : memref<!tpu.dma_semaphore, #tpu.memory_space<semaphore_mem>>)
      %dma_start3A_282 = arith.constant 0 : i32
      %dma_start3A_283 = tpu.memref_slice %arg6[%multiple_of3A_273, %dma_start3A_282] : memref<16384x128xf32, #tpu.memory_space<hbm>> -> memref<16x128xf32, #tpu.memory_space<hbm>>
      %dma_start3A_284 = arith.constant 0 : i32
      %dma_start3A_285 = tpu.memref_slice %arg6[%multiple_of3A_273, %dma_start3A_284] : memref<16384x128xf32, #tpu.memory_space<hbm>> -> memref<16x128xf32, #tpu.memory_space<hbm>>
      tpu.enqueue_dma source(%arg14 : memref<16x128xf32, #tpu.memory_space<vmem>>) target(%dma_start3A_285 : memref<16x128xf32, #tpu.memory_space<hbm>>) target_semaphore(%arg23 : memref<!tpu.dma_semaphore, #tpu.memory_space<semaphore_mem>>)
      %dma_start3A_286 = arith.constant 0 : i32
      %dma_start3A_287 = tpu.memref_slice %arg7[%multiple_of3A_273, %dma_start3A_286] : memref<16384x128xf32, #tpu.memory_space<hbm>> -> memref<16x128xf32, #tpu.memory_space<hbm>>
      %dma_start3A_288 = arith.constant 0 : i32
      %dma_start3A_289 = tpu.memref_slice %arg7[%multiple_of3A_273, %dma_start3A_288] : memref<16384x128xf32, #tpu.memory_space<hbm>> -> memref<16x128xf32, #tpu.memory_space<hbm>>
      tpu.enqueue_dma source(%arg15 : memref<16x128xf32, #tpu.memory_space<vmem>>) target(%dma_start3A_289 : memref<16x128xf32, #tpu.memory_space<hbm>>) target_semaphore(%arg23 : memref<!tpu.dma_semaphore, #tpu.memory_space<semaphore_mem>>)
      %lt3A_290 = arith.constant 15 : i32
      %lt3A_291 = arith.cmpi slt, %scan3A_128, %lt3A_290 : i32
      %convert_element_type3A_292 = arith.extui %lt3A_291 : i1 to i32
      %cond3A_293 = arith.constant 0 : i32
      %cond3A_294 = arith.cmpi ne, %convert_element_type3A_292, %cond3A_293 : i32
      scf.if %cond3A_294 {
        %dma_wait3A_393 = arith.constant 0 : i32
        %dma_wait3A_394 = tpu.memref_slice %arg3[%dma_wait3A_393] : memref<753664xi32, #tpu.memory_space<hbm>> -> memref<736xi32, #tpu.memory_space<hbm>>
        %dma_wait3A_395 = arith.constant 0 : i32
        %dma_wait3A_396 = tpu.memref_slice %arg3[%dma_wait3A_395] : memref<753664xi32, #tpu.memory_space<hbm>> -> memref<736xi32, #tpu.memory_space<hbm>>
        tpu.wait_dma2 semaphore(%arg22 : memref<!tpu.dma_semaphore, #tpu.memory_space<semaphore_mem>>) src(%dma_wait3A_396 : memref<736xi32, #tpu.memory_space<hbm>>) dst(%arg8 : memref<736xi32, #tpu.memory_space<vmem>>)
        %scan3A_397 = arith.constant 0 : i32
        %scan3A_398 = arith.constant 0 : i32
        %scan3A_399 = arith.constant 46 : i32
        %scan3A_400 = arith.addi %scan3A_398, %scan3A_399 : i32
        %scan3A_401 = arith.constant 1 : i32
        %scan3A_402 = scf.for %scan3A_460 = %scan3A_398 to %scan3A_400 step %scan3A_401 iter_args(%scan3A_461 = %scan3A_397) -> (i32)  : i32 {
          %mul3A_462 = arith.constant 16 : i32
          %mul3A_463 = arith.muli %scan3A_460, %mul3A_462 : i32
          %get3A = arith.index_cast %mul3A_463 : i32 to index
          %get3A_464 = tpu.vector_load %arg8[%get3A] {strides = array<i32>} : memref<736xi32, #tpu.memory_space<vmem>>, vector<16xi32>,
          %get3A_465 = vector.shape_cast %get3A_464 : vector<16xi32> to vector<16xi32>
          %and3A = arith.constant -4096 : i32
          %and3A_466 = vector.broadcast %and3A : i32 to vector<16xi32>
          %and3A_467 = arith.andi %get3A_465, %and3A_466 : vector<16xi32>
          %and3A_468 = arith.constant 511 : i32
          %and3A_469 = vector.broadcast %and3A_468 : i32 to vector<16xi32>
          %and3A_470 = arith.andi %get3A_465, %and3A_469 : vector<16xi32>
          %shift_left3A = arith.constant 3 : i32
          %shift_left3A_471 = vector.broadcast %shift_left3A : i32 to vector<16xi32>
          %shift_left3A_472 = arith.shli %and3A_470, %shift_left3A_471 : vector<16xi32>
          %or3A = arith.ori %and3A_467, %shift_left3A_472 : vector<16xi32>
          %shift_right_arithmetic3A = arith.constant 9 : i32
          %shift_right_arithmetic3A_473 = vector.broadcast %shift_right_arithmetic3A : i32 to vector<16xi32>
          %shift_right_arithmetic3A_474 = arith.shrsi %get3A_465, %shift_right_arithmetic3A_473 : vector<16xi32>
          %and3A_475 = arith.constant 7 : i32
          %and3A_476 = vector.broadcast %and3A_475 : i32 to vector<16xi32>
          %and3A_477 = arith.andi %shift_right_arithmetic3A_474, %and3A_476 : vector<16xi32>
          %or3A_478 = arith.ori %or3A, %and3A_477 : vector<16xi32>
          %mul3A_479 = arith.constant 16 : i32
          %mul3A_480 = arith.muli %scan3A_460, %mul3A_479 : i32
          %swap3A = arith.index_cast %mul3A_480 : i32 to index
          %swap3A_481 = tpu.vector_load %arg8[%swap3A] {strides = array<i32>} : memref<736xi32, #tpu.memory_space<vmem>>, vector<16xi32>,
          %swap3A_482 = vector.shape_cast %swap3A_481 : vector<16xi32> to vector<16xi32>
          %swap3A_483 = vector.shape_cast %or3A_478 : vector<16xi32> to vector<16xi32>
          tpu.vector_store %arg8[%swap3A], %swap3A_483 {strides = array<i32>} : memref<736xi32, #tpu.memory_space<vmem>>, vector<16xi32>,
          %scan3A_484 = arith.constant 0 : i32
          scf.yield %scan3A_484 : i32
        }
        %scan3A_403 = arith.constant 46 : i32
        %dma_start3A_404 = arith.constant 0 : i32
        %dma_start3A_405 = arith.constant 0 : i32
        %dma_start3A_406 = tpu.memref_slice %arg10[%dma_start3A_404, %dma_start3A_405] : memref<736x16xf32, #tpu.memory_space<vmem>> -> memref<128x16xf32, #tpu.memory_space<vmem>>
        %dma_start3A_407 = arith.constant 0 : i32
        %dma_start3A_408 = tpu.memref_slice %arg8[%dma_start3A_407] : memref<736xi32, #tpu.memory_space<vmem>> -> memref<128xi32, #tpu.memory_space<vmem>>
        %dma_start3A_409 = arith.constant 0 : i32
        %dma_start3A_410 = arith.constant 0 : i32
        %dma_start3A_411 = tpu.memref_slice %arg2[%dma_start3A_409, %dma_start3A_410] : memref<1003520x16xf32, #tpu.memory_space<hbm>> -> memref<1003520x16xf32, #tpu.memory_space<hbm>>
        tpu.enqueue_indirect_dma source(%dma_start3A_411 : memref<1003520x16xf32, #tpu.memory_space<hbm>>) target(%dma_start3A_406 : memref<128x16xf32, #tpu.memory_space<vmem>>) offsets(%dma_start3A_408 : memref<128xi32, #tpu.memory_space<vmem>>) semaphore(%arg20 : memref<!tpu.dma_semaphore, #tpu.memory_space<semaphore_mem>>)
        %dma_start3A_412 = arith.constant 128 : i32
        %dma_start3A_413 = arith.constant 0 : i32
        %dma_start3A_414 = tpu.memref_slice %arg10[%dma_start3A_412, %dma_start3A_413] : memref<736x16xf32, #tpu.memory_space<vmem>> -> memref<128x16xf32, #tpu.memory_space<vmem>>
        %dma_start3A_415 = arith.constant 128 : i32
        %dma_start3A_416 = tpu.memref_slice %arg8[%dma_start3A_415] : memref<736xi32, #tpu.memory_space<vmem>> -> memref<128xi32, #tpu.memory_space<vmem>>
        %dma_start3A_417 = arith.constant 0 : i32
        %dma_start3A_418 = arith.constant 0 : i32
        %dma_start3A_419 = tpu.memref_slice %arg2[%dma_start3A_417, %dma_start3A_418] : memref<1003520x16xf32, #tpu.memory_space<hbm>> -> memref<1003520x16xf32, #tpu.memory_space<hbm>>
        tpu.enqueue_indirect_dma source(%dma_start3A_419 : memref<1003520x16xf32, #tpu.memory_space<hbm>>) target(%dma_start3A_414 : memref<128x16xf32, #tpu.memory_space<vmem>>) offsets(%dma_start3A_416 : memref<128xi32, #tpu.memory_space<vmem>>) semaphore(%arg20 : memref<!tpu.dma_semaphore, #tpu.memory_space<semaphore_mem>>)
        %dma_start3A_420 = arith.constant 256 : i32
        %dma_start3A_421 = arith.constant 0 : i32
        %dma_start3A_422 = tpu.memref_slice %arg10[%dma_start3A_420, %dma_start3A_421] : memref<736x16xf32, #tpu.memory_space<vmem>> -> memref<128x16xf32, #tpu.memory_space<vmem>>
        %dma_start3A_423 = arith.constant 256 : i32
        %dma_start3A_424 = tpu.memref_slice %arg8[%dma_start3A_423] : memref<736xi32, #tpu.memory_space<vmem>> -> memref<128xi32, #tpu.memory_space<vmem>>
        %dma_start3A_425 = arith.constant 0 : i32
        %dma_start3A_426 = arith.constant 0 : i32
        %dma_start3A_427 = tpu.memref_slice %arg2[%dma_start3A_425, %dma_start3A_426] : memref<1003520x16xf32, #tpu.memory_space<hbm>> -> memref<1003520x16xf32, #tpu.memory_space<hbm>>
        tpu.enqueue_indirect_dma source(%dma_start3A_427 : memref<1003520x16xf32, #tpu.memory_space<hbm>>) target(%dma_start3A_422 : memref<128x16xf32, #tpu.memory_space<vmem>>) offsets(%dma_start3A_424 : memref<128xi32, #tpu.memory_space<vmem>>) semaphore(%arg20 : memref<!tpu.dma_semaphore, #tpu.memory_space<semaphore_mem>>)
        %dma_start3A_428 = arith.constant 384 : i32
        %dma_start3A_429 = arith.constant 0 : i32
        %dma_start3A_430 = tpu.memref_slice %arg10[%dma_start3A_428, %dma_start3A_429] : memref<736x16xf32, #tpu.memory_space<vmem>> -> memref<32x16xf32, #tpu.memory_space<vmem>>
        %dma_start3A_431 = arith.constant 384 : i32
        %dma_start3A_432 = tpu.memref_slice %arg8[%dma_start3A_431] : memref<736xi32, #tpu.memory_space<vmem>> -> memref<32xi32, #tpu.memory_space<vmem>>
        %dma_start3A_433 = arith.constant 0 : i32
        %dma_start3A_434 = arith.constant 0 : i32
        %dma_start3A_435 = tpu.memref_slice %arg2[%dma_start3A_433, %dma_start3A_434] : memref<1003520x16xf32, #tpu.memory_space<hbm>> -> memref<1003520x16xf32, #tpu.memory_space<hbm>>
        tpu.enqueue_indirect_dma source(%dma_start3A_435 : memref<1003520x16xf32, #tpu.memory_space<hbm>>) target(%dma_start3A_430 : memref<32x16xf32, #tpu.memory_space<vmem>>) offsets(%dma_start3A_432 : memref<32xi32, #tpu.memory_space<vmem>>) semaphore(%arg20 : memref<!tpu.dma_semaphore, #tpu.memory_space<semaphore_mem>>)
        %dma_start3A_436 = arith.constant 416 : i32
        %dma_start3A_437 = arith.constant 0 : i32
        %dma_start3A_438 = tpu.memref_slice %arg10[%dma_start3A_436, %dma_start3A_437] : memref<736x16xf32, #tpu.memory_space<vmem>> -> memref<128x16xf32, #tpu.memory_space<vmem>>
        %dma_start3A_439 = arith.constant 416 : i32
        %dma_start3A_440 = tpu.memref_slice %arg8[%dma_start3A_439] : memref<736xi32, #tpu.memory_space<vmem>> -> memref<128xi32, #tpu.memory_space<vmem>>
        %dma_start3A_441 = arith.constant 0 : i32
        %dma_start3A_442 = arith.constant 0 : i32
        %dma_start3A_443 = tpu.memref_slice %arg2[%dma_start3A_441, %dma_start3A_442] : memref<1003520x16xf32, #tpu.memory_space<hbm>> -> memref<1003520x16xf32, #tpu.memory_space<hbm>>
        tpu.enqueue_indirect_dma source(%dma_start3A_443 : memref<1003520x16xf32, #tpu.memory_space<hbm>>) target(%dma_start3A_438 : memref<128x16xf32, #tpu.memory_space<vmem>>) offsets(%dma_start3A_440 : memref<128xi32, #tpu.memory_space<vmem>>) semaphore(%arg20 : memref<!tpu.dma_semaphore, #tpu.memory_space<semaphore_mem>>)
        %dma_start3A_444 = arith.constant 544 : i32
        %dma_start3A_445 = arith.constant 0 : i32
        %dma_start3A_446 = tpu.memref_slice %arg10[%dma_start3A_444, %dma_start3A_445] : memref<736x16xf32, #tpu.memory_space<vmem>> -> memref<128x16xf32, #tpu.memory_space<vmem>>
        %dma_start3A_447 = arith.constant 544 : i32
        %dma_start3A_448 = tpu.memref_slice %arg8[%dma_start3A_447] : memref<736xi32, #tpu.memory_space<vmem>> -> memref<128xi32, #tpu.memory_space<vmem>>
        %dma_start3A_449 = arith.constant 0 : i32
        %dma_start3A_450 = arith.constant 0 : i32
        %dma_start3A_451 = tpu.memref_slice %arg2[%dma_start3A_449, %dma_start3A_450] : memref<1003520x16xf32, #tpu.memory_space<hbm>> -> memref<1003520x16xf32, #tpu.memory_space<hbm>>
        tpu.enqueue_indirect_dma source(%dma_start3A_451 : memref<1003520x16xf32, #tpu.memory_space<hbm>>) target(%dma_start3A_446 : memref<128x16xf32, #tpu.memory_space<vmem>>) offsets(%dma_start3A_448 : memref<128xi32, #tpu.memory_space<vmem>>) semaphore(%arg20 : memref<!tpu.dma_semaphore, #tpu.memory_space<semaphore_mem>>)
        %dma_start3A_452 = arith.constant 672 : i32
        %dma_start3A_453 = arith.constant 0 : i32
        %dma_start3A_454 = tpu.memref_slice %arg10[%dma_start3A_452, %dma_start3A_453] : memref<736x16xf32, #tpu.memory_space<vmem>> -> memref<64x16xf32, #tpu.memory_space<vmem>>
        %dma_start3A_455 = arith.constant 672 : i32
        %dma_start3A_456 = tpu.memref_slice %arg8[%dma_start3A_455] : memref<736xi32, #tpu.memory_space<vmem>> -> memref<64xi32, #tpu.memory_space<vmem>>
        %dma_start3A_457 = arith.constant 0 : i32
        %dma_start3A_458 = arith.constant 0 : i32
        %dma_start3A_459 = tpu.memref_slice %arg2[%dma_start3A_457, %dma_start3A_458] : memref<1003520x16xf32, #tpu.memory_space<hbm>> -> memref<1003520x16xf32, #tpu.memory_space<hbm>>
        tpu.enqueue_indirect_dma source(%dma_start3A_459 : memref<1003520x16xf32, #tpu.memory_space<hbm>>) target(%dma_start3A_454 : memref<64x16xf32, #tpu.memory_space<vmem>>) offsets(%dma_start3A_456 : memref<64xi32, #tpu.memory_space<vmem>>) semaphore(%arg20 : memref<!tpu.dma_semaphore, #tpu.memory_space<semaphore_mem>>)
      } else {
      }
      %dma_wait3A_295 = arith.constant 0 : i32
      %dma_wait3A_296 = arith.constant 0 : i32
      %dma_wait3A_297 = tpu.memref_slice %arg10[%dma_wait3A_295, %dma_wait3A_296] : memref<736x16xf32, #tpu.memory_space<vmem>> -> memref<128x16xf32, #tpu.memory_space<vmem>>
      %dma_wait3A_298 = arith.constant 0 : i32
      %dma_wait3A_299 = tpu.memref_slice %arg8[%dma_wait3A_298] : memref<736xi32, #tpu.memory_space<vmem>> -> memref<128xi32, #tpu.memory_space<vmem>>
      %dma_wait3A_300 = arith.constant 0 : i32
      %dma_wait3A_301 = arith.constant 0 : i32
      %dma_wait3A_302 = tpu.memref_slice %arg2[%dma_wait3A_300, %dma_wait3A_301] : memref<1003520x16xf32, #tpu.memory_space<hbm>> -> memref<1003520x16xf32, #tpu.memory_space<hbm>>
      tpu.wait_indirect_dma semaphore(%arg21 : memref<!tpu.dma_semaphore, #tpu.memory_space<semaphore_mem>>) src(%dma_wait3A_302 : memref<1003520x16xf32, #tpu.memory_space<hbm>>) dst(%dma_wait3A_297 : memref<128x16xf32, #tpu.memory_space<vmem>>)
      %dma_wait3A_303 = arith.constant 0 : i32
      %dma_wait3A_304 = arith.constant 0 : i32
      %dma_wait3A_305 = tpu.memref_slice %arg10[%dma_wait3A_303, %dma_wait3A_304] : memref<736x16xf32, #tpu.memory_space<vmem>> -> memref<128x16xf32, #tpu.memory_space<vmem>>
      %dma_wait3A_306 = arith.constant 0 : i32
      %dma_wait3A_307 = tpu.memref_slice %arg8[%dma_wait3A_306] : memref<736xi32, #tpu.memory_space<vmem>> -> memref<128xi32, #tpu.memory_space<vmem>>
      %dma_wait3A_308 = arith.constant 0 : i32
      %dma_wait3A_309 = arith.constant 0 : i32
      %dma_wait3A_310 = tpu.memref_slice %arg2[%dma_wait3A_308, %dma_wait3A_309] : memref<1003520x16xf32, #tpu.memory_space<hbm>> -> memref<1003520x16xf32, #tpu.memory_space<hbm>>
      tpu.wait_indirect_dma semaphore(%arg21 : memref<!tpu.dma_semaphore, #tpu.memory_space<semaphore_mem>>) src(%dma_wait3A_310 : memref<1003520x16xf32, #tpu.memory_space<hbm>>) dst(%dma_wait3A_305 : memref<128x16xf32, #tpu.memory_space<vmem>>)
      %dma_wait3A_311 = arith.constant 0 : i32
      %dma_wait3A_312 = arith.constant 0 : i32
      %dma_wait3A_313 = tpu.memref_slice %arg10[%dma_wait3A_311, %dma_wait3A_312] : memref<736x16xf32, #tpu.memory_space<vmem>> -> memref<128x16xf32, #tpu.memory_space<vmem>>
      %dma_wait3A_314 = arith.constant 0 : i32
      %dma_wait3A_315 = tpu.memref_slice %arg8[%dma_wait3A_314] : memref<736xi32, #tpu.memory_space<vmem>> -> memref<128xi32, #tpu.memory_space<vmem>>
      %dma_wait3A_316 = arith.constant 0 : i32
      %dma_wait3A_317 = arith.constant 0 : i32
      %dma_wait3A_318 = tpu.memref_slice %arg2[%dma_wait3A_316, %dma_wait3A_317] : memref<1003520x16xf32, #tpu.memory_space<hbm>> -> memref<1003520x16xf32, #tpu.memory_space<hbm>>
      tpu.wait_indirect_dma semaphore(%arg21 : memref<!tpu.dma_semaphore, #tpu.memory_space<semaphore_mem>>) src(%dma_wait3A_318 : memref<1003520x16xf32, #tpu.memory_space<hbm>>) dst(%dma_wait3A_313 : memref<128x16xf32, #tpu.memory_space<vmem>>)
      %dma_wait3A_319 = arith.constant 0 : i32
      %dma_wait3A_320 = arith.constant 0 : i32
      %dma_wait3A_321 = tpu.memref_slice %arg10[%dma_wait3A_319, %dma_wait3A_320] : memref<736x16xf32, #tpu.memory_space<vmem>> -> memref<32x16xf32, #tpu.memory_space<vmem>>
      %dma_wait3A_322 = arith.constant 0 : i32
      %dma_wait3A_323 = tpu.memref_slice %arg8[%dma_wait3A_322] : memref<736xi32, #tpu.memory_space<vmem>> -> memref<32xi32, #tpu.memory_space<vmem>>
      %dma_wait3A_324 = arith.constant 0 : i32
      %dma_wait3A_325 = arith.constant 0 : i32
      %dma_wait3A_326 = tpu.memref_slice %arg2[%dma_wait3A_324, %dma_wait3A_325] : memref<1003520x16xf32, #tpu.memory_space<hbm>> -> memref<1003520x16xf32, #tpu.memory_space<hbm>>
      tpu.wait_indirect_dma semaphore(%arg21 : memref<!tpu.dma_semaphore, #tpu.memory_space<semaphore_mem>>) src(%dma_wait3A_326 : memref<1003520x16xf32, #tpu.memory_space<hbm>>) dst(%dma_wait3A_321 : memref<32x16xf32, #tpu.memory_space<vmem>>)
      %dma_wait3A_327 = arith.constant 0 : i32
      %dma_wait3A_328 = arith.constant 0 : i32
      %dma_wait3A_329 = tpu.memref_slice %arg10[%dma_wait3A_327, %dma_wait3A_328] : memref<736x16xf32, #tpu.memory_space<vmem>> -> memref<128x16xf32, #tpu.memory_space<vmem>>
      %dma_wait3A_330 = arith.constant 0 : i32
      %dma_wait3A_331 = tpu.memref_slice %arg8[%dma_wait3A_330] : memref<736xi32, #tpu.memory_space<vmem>> -> memref<128xi32, #tpu.memory_space<vmem>>
      %dma_wait3A_332 = arith.constant 0 : i32
      %dma_wait3A_333 = arith.constant 0 : i32
      %dma_wait3A_334 = tpu.memref_slice %arg2[%dma_wait3A_332, %dma_wait3A_333] : memref<1003520x16xf32, #tpu.memory_space<hbm>> -> memref<1003520x16xf32, #tpu.memory_space<hbm>>
      tpu.wait_indirect_dma semaphore(%arg21 : memref<!tpu.dma_semaphore, #tpu.memory_space<semaphore_mem>>) src(%dma_wait3A_334 : memref<1003520x16xf32, #tpu.memory_space<hbm>>) dst(%dma_wait3A_329 : memref<128x16xf32, #tpu.memory_space<vmem>>)
      %dma_wait3A_335 = arith.constant 0 : i32
      %dma_wait3A_336 = arith.constant 0 : i32
      %dma_wait3A_337 = tpu.memref_slice %arg10[%dma_wait3A_335, %dma_wait3A_336] : memref<736x16xf32, #tpu.memory_space<vmem>> -> memref<128x16xf32, #tpu.memory_space<vmem>>
      %dma_wait3A_338 = arith.constant 0 : i32
      %dma_wait3A_339 = tpu.memref_slice %arg8[%dma_wait3A_338] : memref<736xi32, #tpu.memory_space<vmem>> -> memref<128xi32, #tpu.memory_space<vmem>>
      %dma_wait3A_340 = arith.constant 0 : i32
      %dma_wait3A_341 = arith.constant 0 : i32
      %dma_wait3A_342 = tpu.memref_slice %arg2[%dma_wait3A_340, %dma_wait3A_341] : memref<1003520x16xf32, #tpu.memory_space<hbm>> -> memref<1003520x16xf32, #tpu.memory_space<hbm>>
      tpu.wait_indirect_dma semaphore(%arg21 : memref<!tpu.dma_semaphore, #tpu.memory_space<semaphore_mem>>) src(%dma_wait3A_342 : memref<1003520x16xf32, #tpu.memory_space<hbm>>) dst(%dma_wait3A_337 : memref<128x16xf32, #tpu.memory_space<vmem>>)
      %dma_wait3A_343 = arith.constant 0 : i32
      %dma_wait3A_344 = arith.constant 0 : i32
      %dma_wait3A_345 = tpu.memref_slice %arg10[%dma_wait3A_343, %dma_wait3A_344] : memref<736x16xf32, #tpu.memory_space<vmem>> -> memref<64x16xf32, #tpu.memory_space<vmem>>
      %dma_wait3A_346 = arith.constant 0 : i32
      %dma_wait3A_347 = tpu.memref_slice %arg8[%dma_wait3A_346] : memref<736xi32, #tpu.memory_space<vmem>> -> memref<64xi32, #tpu.memory_space<vmem>>
      %dma_wait3A_348 = arith.constant 0 : i32
      %dma_wait3A_349 = arith.constant 0 : i32
      %dma_wait3A_350 = tpu.memref_slice %arg2[%dma_wait3A_348, %dma_wait3A_349] : memref<1003520x16xf32, #tpu.memory_space<hbm>> -> memref<1003520x16xf32, #tpu.memory_space<hbm>>
      tpu.wait_indirect_dma semaphore(%arg21 : memref<!tpu.dma_semaphore, #tpu.memory_space<semaphore_mem>>) src(%dma_wait3A_350 : memref<1003520x16xf32, #tpu.memory_space<hbm>>) dst(%dma_wait3A_345 : memref<64x16xf32, #tpu.memory_space<vmem>>)
      %lt3A_351 = arith.constant 15 : i32
      %lt3A_352 = arith.cmpi slt, %scan3A_128, %lt3A_351 : i32
      %convert_element_type3A_353 = arith.extui %lt3A_352 : i1 to i32
      %cond3A_354 = arith.constant 0 : i32
      %cond3A_355 = arith.cmpi ne, %convert_element_type3A_353, %cond3A_354 : i32
      scf.if %cond3A_355 {
        %add3A_393 = arith.constant 3 : i32
        %add3A_394 = arith.addi %mul3A_131, %add3A_393 : i32
        %add3A_395 = arith.addi %mul3A_2, %add3A_394 : i32
        %mul3A_396 = arith.constant 736 : i32
        %mul3A_397 = arith.muli %add3A_395, %mul3A_396 : i32
        %multiple_of3A_398 = tpu.assume_multiple %mul3A_397, 8 : i32
        %dma_start3A_399 = tpu.memref_slice %arg3[%multiple_of3A_398] : memref<753664xi32, #tpu.memory_space<hbm>> -> memref<736xi32, #tpu.memory_space<hbm>>
        %dma_start3A_400 = tpu.memref_slice %arg3[%multiple_of3A_398] : memref<753664xi32, #tpu.memory_space<hbm>> -> memref<736xi32, #tpu.memory_space<hbm>>
        tpu.enqueue_dma source(%dma_start3A_400 : memref<736xi32, #tpu.memory_space<hbm>>) target(%arg9 : memref<736xi32, #tpu.memory_space<vmem>>) target_semaphore(%arg22 : memref<!tpu.dma_semaphore, #tpu.memory_space<semaphore_mem>>)
      } else {
      }
      %gt3A_356 = arith.constant 0 : i32
      %gt3A_357 = arith.cmpi sgt, %scan3A_128, %gt3A_356 : i32
      %convert_element_type3A_358 = arith.extui %gt3A_357 : i1 to i32
      %cond3A_359 = arith.constant 0 : i32
      %cond3A_360 = arith.cmpi ne, %convert_element_type3A_358, %cond3A_359 : i32
      scf.if %cond3A_360 {
        %dma_wait3A_393 = arith.constant 0 : i32
        %dma_wait3A_394 = arith.constant 0 : i32
        %dma_wait3A_395 = tpu.memref_slice %arg4[%dma_wait3A_393, %dma_wait3A_394] : memref<16384x128xf32, #tpu.memory_space<hbm>> -> memref<16x128xf32, #tpu.memory_space<hbm>>
        %dma_wait3A_396 = arith.constant 0 : i32
        %dma_wait3A_397 = arith.constant 0 : i32
        %dma_wait3A_398 = tpu.memref_slice %arg4[%dma_wait3A_396, %dma_wait3A_397] : memref<16384x128xf32, #tpu.memory_space<hbm>> -> memref<16x128xf32, #tpu.memory_space<hbm>>
        tpu.wait_dma2 semaphore(%arg24 : memref<!tpu.dma_semaphore, #tpu.memory_space<semaphore_mem>>) src(%arg16 : memref<16x128xf32, #tpu.memory_space<vmem>>) dst(%dma_wait3A_398 : memref<16x128xf32, #tpu.memory_space<hbm>>)
        %dma_wait3A_399 = arith.constant 0 : i32
        %dma_wait3A_400 = arith.constant 0 : i32
        %dma_wait3A_401 = tpu.memref_slice %arg5[%dma_wait3A_399, %dma_wait3A_400] : memref<16384x128xf32, #tpu.memory_space<hbm>> -> memref<16x128xf32, #tpu.memory_space<hbm>>
        %dma_wait3A_402 = arith.constant 0 : i32
        %dma_wait3A_403 = arith.constant 0 : i32
        %dma_wait3A_404 = tpu.memref_slice %arg5[%dma_wait3A_402, %dma_wait3A_403] : memref<16384x128xf32, #tpu.memory_space<hbm>> -> memref<16x128xf32, #tpu.memory_space<hbm>>
        tpu.wait_dma2 semaphore(%arg24 : memref<!tpu.dma_semaphore, #tpu.memory_space<semaphore_mem>>) src(%arg17 : memref<16x128xf32, #tpu.memory_space<vmem>>) dst(%dma_wait3A_404 : memref<16x128xf32, #tpu.memory_space<hbm>>)
        %dma_wait3A_405 = arith.constant 0 : i32
        %dma_wait3A_406 = arith.constant 0 : i32
        %dma_wait3A_407 = tpu.memref_slice %arg6[%dma_wait3A_405, %dma_wait3A_406] : memref<16384x128xf32, #tpu.memory_space<hbm>> -> memref<16x128xf32, #tpu.memory_space<hbm>>
        %dma_wait3A_408 = arith.constant 0 : i32
        %dma_wait3A_409 = arith.constant 0 : i32
        %dma_wait3A_410 = tpu.memref_slice %arg6[%dma_wait3A_408, %dma_wait3A_409] : memref<16384x128xf32, #tpu.memory_space<hbm>> -> memref<16x128xf32, #tpu.memory_space<hbm>>
        tpu.wait_dma2 semaphore(%arg24 : memref<!tpu.dma_semaphore, #tpu.memory_space<semaphore_mem>>) src(%arg18 : memref<16x128xf32, #tpu.memory_space<vmem>>) dst(%dma_wait3A_410 : memref<16x128xf32, #tpu.memory_space<hbm>>)
        %dma_wait3A_411 = arith.constant 0 : i32
        %dma_wait3A_412 = arith.constant 0 : i32
        %dma_wait3A_413 = tpu.memref_slice %arg7[%dma_wait3A_411, %dma_wait3A_412] : memref<16384x128xf32, #tpu.memory_space<hbm>> -> memref<16x128xf32, #tpu.memory_space<hbm>>
        %dma_wait3A_414 = arith.constant 0 : i32
        %dma_wait3A_415 = arith.constant 0 : i32
        %dma_wait3A_416 = tpu.memref_slice %arg7[%dma_wait3A_414, %dma_wait3A_415] : memref<16384x128xf32, #tpu.memory_space<hbm>> -> memref<16x128xf32, #tpu.memory_space<hbm>>
        tpu.wait_dma2 semaphore(%arg24 : memref<!tpu.dma_semaphore, #tpu.memory_space<semaphore_mem>>) src(%arg19 : memref<16x128xf32, #tpu.memory_space<vmem>>) dst(%dma_wait3A_416 : memref<16x128xf32, #tpu.memory_space<hbm>>)
      } else {
      }
      %add3A_361 = arith.constant 1 : i32
      %add3A_362 = arith.addi %mul3A_131, %add3A_361 : i32
      %scan3A_363 = arith.constant 0 : i32
      %scan3A_364 = arith.constant 0 : i32
      %scan3A_365 = arith.constant 16 : i32
      %scan3A_366 = arith.addi %scan3A_364, %scan3A_365 : i32
      %scan3A_367 = arith.constant 1 : i32
      %scan3A_368 = scf.for %scan3A_393 = %scan3A_364 to %scan3A_366 step %scan3A_367 iter_args(%scan3A_394 = %scan3A_363) -> (i32)  : i32 {
        %mul3A_395 = arith.constant 20 : i32
        %mul3A_396 = arith.muli %scan3A_393, %mul3A_395 : i32
        %add3A_397 = arith.constant 416 : i32
        %add3A_398 = arith.addi %add3A_397, %mul3A_396 : i32
        %get3A = arith.index_cast %add3A_398 : i32 to index
        %get3A_399 = arith.constant 0 : index
        %get3A_400 = tpu.vector_load %arg11[%get3A, %get3A_399] {strides = array<i32>} : memref<736x16xf32, #tpu.memory_space<vmem>>, vector<1x16xf32>,
        %get3A_401 = vector.shape_cast %get3A_400 : vector<1x16xf32> to vector<16xf32>
        %add3A_402 = arith.constant 1 : i32
        %add3A_403 = arith.addi %add3A_398, %add3A_402 : i32
        %get3A_404 = arith.index_cast %add3A_403 : i32 to index
        %get3A_405 = arith.constant 0 : index
        %get3A_406 = tpu.vector_load %arg11[%get3A_404, %get3A_405] {strides = array<i32>} : memref<736x16xf32, #tpu.memory_space<vmem>>, vector<1x16xf32>,
        %get3A_407 = vector.shape_cast %get3A_406 : vector<1x16xf32> to vector<16xf32>
        %add3A_408 = arith.addf %get3A_401, %get3A_407 : vector<16xf32>
        %add3A_409 = arith.constant 2 : i32
        %add3A_410 = arith.addi %add3A_398, %add3A_409 : i32
        %get3A_411 = arith.index_cast %add3A_410 : i32 to index
        %get3A_412 = arith.constant 0 : index
        %get3A_413 = tpu.vector_load %arg11[%get3A_411, %get3A_412] {strides = array<i32>} : memref<736x16xf32, #tpu.memory_space<vmem>>, vector<1x16xf32>,
        %get3A_414 = vector.shape_cast %get3A_413 : vector<1x16xf32> to vector<16xf32>
        %add3A_415 = arith.addf %add3A_408, %get3A_414 : vector<16xf32>
        %add3A_416 = arith.constant 3 : i32
        %add3A_417 = arith.addi %add3A_398, %add3A_416 : i32
        %get3A_418 = arith.index_cast %add3A_417 : i32 to index
        %get3A_419 = arith.constant 0 : index
        %get3A_420 = tpu.vector_load %arg11[%get3A_418, %get3A_419] {strides = array<i32>} : memref<736x16xf32, #tpu.memory_space<vmem>>, vector<1x16xf32>,
        %get3A_421 = vector.shape_cast %get3A_420 : vector<1x16xf32> to vector<16xf32>
        %add3A_422 = arith.addf %add3A_415, %get3A_421 : vector<16xf32>
        %add3A_423 = arith.constant 4 : i32
        %add3A_424 = arith.addi %add3A_398, %add3A_423 : i32
        %get3A_425 = arith.index_cast %add3A_424 : i32 to index
        %get3A_426 = arith.constant 0 : index
        %get3A_427 = tpu.vector_load %arg11[%get3A_425, %get3A_426] {strides = array<i32>} : memref<736x16xf32, #tpu.memory_space<vmem>>, vector<1x16xf32>,
        %get3A_428 = vector.shape_cast %get3A_427 : vector<1x16xf32> to vector<16xf32>
        %add3A_429 = arith.addf %add3A_422, %get3A_428 : vector<16xf32>
        %add3A_430 = arith.constant 5 : i32
        %add3A_431 = arith.addi %add3A_398, %add3A_430 : i32
        %get3A_432 = arith.index_cast %add3A_431 : i32 to index
        %get3A_433 = arith.constant 0 : index
        %get3A_434 = tpu.vector_load %arg11[%get3A_432, %get3A_433] {strides = array<i32>} : memref<736x16xf32, #tpu.memory_space<vmem>>, vector<1x16xf32>,
        %get3A_435 = vector.shape_cast %get3A_434 : vector<1x16xf32> to vector<16xf32>
        %add3A_436 = arith.addf %add3A_429, %get3A_435 : vector<16xf32>
        %add3A_437 = arith.constant 6 : i32
        %add3A_438 = arith.addi %add3A_398, %add3A_437 : i32
        %get3A_439 = arith.index_cast %add3A_438 : i32 to index
        %get3A_440 = arith.constant 0 : index
        %get3A_441 = tpu.vector_load %arg11[%get3A_439, %get3A_440] {strides = array<i32>} : memref<736x16xf32, #tpu.memory_space<vmem>>, vector<1x16xf32>,
        %get3A_442 = vector.shape_cast %get3A_441 : vector<1x16xf32> to vector<16xf32>
        %add3A_443 = arith.addf %add3A_436, %get3A_442 : vector<16xf32>
        %add3A_444 = arith.constant 7 : i32
        %add3A_445 = arith.addi %add3A_398, %add3A_444 : i32
        %get3A_446 = arith.index_cast %add3A_445 : i32 to index
        %get3A_447 = arith.constant 0 : index
        %get3A_448 = tpu.vector_load %arg11[%get3A_446, %get3A_447] {strides = array<i32>} : memref<736x16xf32, #tpu.memory_space<vmem>>, vector<1x16xf32>,
        %get3A_449 = vector.shape_cast %get3A_448 : vector<1x16xf32> to vector<16xf32>
        %add3A_450 = arith.addf %add3A_443, %get3A_449 : vector<16xf32>
        %add3A_451 = arith.constant 8 : i32
        %add3A_452 = arith.addi %add3A_398, %add3A_451 : i32
        %get3A_453 = arith.index_cast %add3A_452 : i32 to index
        %get3A_454 = arith.constant 0 : index
        %get3A_455 = tpu.vector_load %arg11[%get3A_453, %get3A_454] {strides = array<i32>} : memref<736x16xf32, #tpu.memory_space<vmem>>, vector<1x16xf32>,
        %get3A_456 = vector.shape_cast %get3A_455 : vector<1x16xf32> to vector<16xf32>
        %add3A_457 = arith.addf %add3A_450, %get3A_456 : vector<16xf32>
        %add3A_458 = arith.constant 9 : i32
        %add3A_459 = arith.addi %add3A_398, %add3A_458 : i32
        %get3A_460 = arith.index_cast %add3A_459 : i32 to index
        %get3A_461 = arith.constant 0 : index
        %get3A_462 = tpu.vector_load %arg11[%get3A_460, %get3A_461] {strides = array<i32>} : memref<736x16xf32, #tpu.memory_space<vmem>>, vector<1x16xf32>,
        %get3A_463 = vector.shape_cast %get3A_462 : vector<1x16xf32> to vector<16xf32>
        %add3A_464 = arith.addf %add3A_457, %get3A_463 : vector<16xf32>
        %add3A_465 = arith.constant 10 : i32
        %add3A_466 = arith.addi %add3A_398, %add3A_465 : i32
        %get3A_467 = arith.index_cast %add3A_466 : i32 to index
        %get3A_468 = arith.constant 0 : index
        %get3A_469 = tpu.vector_load %arg11[%get3A_467, %get3A_468] {strides = array<i32>} : memref<736x16xf32, #tpu.memory_space<vmem>>, vector<1x16xf32>,
        %get3A_470 = vector.shape_cast %get3A_469 : vector<1x16xf32> to vector<16xf32>
        %add3A_471 = arith.addf %add3A_464, %get3A_470 : vector<16xf32>
        %add3A_472 = arith.constant 11 : i32
        %add3A_473 = arith.addi %add3A_398, %add3A_472 : i32
        %get3A_474 = arith.index_cast %add3A_473 : i32 to index
        %get3A_475 = arith.constant 0 : index
        %get3A_476 = tpu.vector_load %arg11[%get3A_474, %get3A_475] {strides = array<i32>} : memref<736x16xf32, #tpu.memory_space<vmem>>, vector<1x16xf32>,
        %get3A_477 = vector.shape_cast %get3A_476 : vector<1x16xf32> to vector<16xf32>
        %add3A_478 = arith.addf %add3A_471, %get3A_477 : vector<16xf32>
        %add3A_479 = arith.constant 12 : i32
        %add3A_480 = arith.addi %add3A_398, %add3A_479 : i32
        %get3A_481 = arith.index_cast %add3A_480 : i32 to index
        %get3A_482 = arith.constant 0 : index
        %get3A_483 = tpu.vector_load %arg11[%get3A_481, %get3A_482] {strides = array<i32>} : memref<736x16xf32, #tpu.memory_space<vmem>>, vector<1x16xf32>,
        %get3A_484 = vector.shape_cast %get3A_483 : vector<1x16xf32> to vector<16xf32>
        %add3A_485 = arith.addf %add3A_478, %get3A_484 : vector<16xf32>
        %add3A_486 = arith.constant 13 : i32
        %add3A_487 = arith.addi %add3A_398, %add3A_486 : i32
        %get3A_488 = arith.index_cast %add3A_487 : i32 to index
        %get3A_489 = arith.constant 0 : index
        %get3A_490 = tpu.vector_load %arg11[%get3A_488, %get3A_489] {strides = array<i32>} : memref<736x16xf32, #tpu.memory_space<vmem>>, vector<1x16xf32>,
        %get3A_491 = vector.shape_cast %get3A_490 : vector<1x16xf32> to vector<16xf32>
        %add3A_492 = arith.addf %add3A_485, %get3A_491 : vector<16xf32>
        %add3A_493 = arith.constant 14 : i32
        %add3A_494 = arith.addi %add3A_398, %add3A_493 : i32
        %get3A_495 = arith.index_cast %add3A_494 : i32 to index
        %get3A_496 = arith.constant 0 : index
        %get3A_497 = tpu.vector_load %arg11[%get3A_495, %get3A_496] {strides = array<i32>} : memref<736x16xf32, #tpu.memory_space<vmem>>, vector<1x16xf32>,
        %get3A_498 = vector.shape_cast %get3A_497 : vector<1x16xf32> to vector<16xf32>
        %add3A_499 = arith.addf %add3A_492, %get3A_498 : vector<16xf32>
        %add3A_500 = arith.constant 15 : i32
        %add3A_501 = arith.addi %add3A_398, %add3A_500 : i32
        %get3A_502 = arith.index_cast %add3A_501 : i32 to index
        %get3A_503 = arith.constant 0 : index
        %get3A_504 = tpu.vector_load %arg11[%get3A_502, %get3A_503] {strides = array<i32>} : memref<736x16xf32, #tpu.memory_space<vmem>>, vector<1x16xf32>,
        %get3A_505 = vector.shape_cast %get3A_504 : vector<1x16xf32> to vector<16xf32>
        %add3A_506 = arith.addf %add3A_499, %get3A_505 : vector<16xf32>
        %add3A_507 = arith.constant 16 : i32
        %add3A_508 = arith.addi %add3A_398, %add3A_507 : i32
        %get3A_509 = arith.index_cast %add3A_508 : i32 to index
        %get3A_510 = arith.constant 0 : index
        %get3A_511 = tpu.vector_load %arg11[%get3A_509, %get3A_510] {strides = array<i32>} : memref<736x16xf32, #tpu.memory_space<vmem>>, vector<1x16xf32>,
        %get3A_512 = vector.shape_cast %get3A_511 : vector<1x16xf32> to vector<16xf32>
        %add3A_513 = arith.addf %add3A_506, %get3A_512 : vector<16xf32>
        %add3A_514 = arith.constant 17 : i32
        %add3A_515 = arith.addi %add3A_398, %add3A_514 : i32
        %get3A_516 = arith.index_cast %add3A_515 : i32 to index
        %get3A_517 = arith.constant 0 : index
        %get3A_518 = tpu.vector_load %arg11[%get3A_516, %get3A_517] {strides = array<i32>} : memref<736x16xf32, #tpu.memory_space<vmem>>, vector<1x16xf32>,
        %get3A_519 = vector.shape_cast %get3A_518 : vector<1x16xf32> to vector<16xf32>
        %add3A_520 = arith.addf %add3A_513, %get3A_519 : vector<16xf32>
        %add3A_521 = arith.constant 18 : i32
        %add3A_522 = arith.addi %add3A_398, %add3A_521 : i32
        %get3A_523 = arith.index_cast %add3A_522 : i32 to index
        %get3A_524 = arith.constant 0 : index
        %get3A_525 = tpu.vector_load %arg11[%get3A_523, %get3A_524] {strides = array<i32>} : memref<736x16xf32, #tpu.memory_space<vmem>>, vector<1x16xf32>,
        %get3A_526 = vector.shape_cast %get3A_525 : vector<1x16xf32> to vector<16xf32>
        %add3A_527 = arith.addf %add3A_520, %get3A_526 : vector<16xf32>
        %add3A_528 = arith.constant 19 : i32
        %add3A_529 = arith.addi %add3A_398, %add3A_528 : i32
        %get3A_530 = arith.index_cast %add3A_529 : i32 to index
        %get3A_531 = arith.constant 0 : index
        %get3A_532 = tpu.vector_load %arg11[%get3A_530, %get3A_531] {strides = array<i32>} : memref<736x16xf32, #tpu.memory_space<vmem>>, vector<1x16xf32>,
        %get3A_533 = vector.shape_cast %get3A_532 : vector<1x16xf32> to vector<16xf32>
        %add3A_534 = arith.addf %add3A_527, %get3A_533 : vector<16xf32>
        %mul3A_535 = arith.constant 5.000000e-02 : f32
        %mul3A_536 = vector.broadcast %mul3A_535 : f32 to vector<16xf32>
        %mul3A_537 = arith.mulf %add3A_534, %mul3A_536 : vector<16xf32>
        %mul3A_538 = arith.constant 26 : i32
        %mul3A_539 = arith.muli %scan3A_393, %mul3A_538 : i32
        %add3A_540 = arith.constant 0 : i32
        %add3A_541 = arith.addi %mul3A_539, %add3A_540 : i32
        %get3A_542 = arith.index_cast %add3A_541 : i32 to index
        %get3A_543 = arith.constant 0 : index
        %get3A_544 = tpu.vector_load %arg11[%get3A_542, %get3A_543] {strides = array<i32>} : memref<736x16xf32, #tpu.memory_space<vmem>>, vector<1x16xf32>,
        %get3A_545 = vector.shape_cast %get3A_544 : vector<1x16xf32> to vector<16xf32>
        %swap3A = arith.index_cast %scan3A_393 : i32 to index
        %swap3A_546 = arith.constant 0 : index
        %swap3A_547 = tpu.vector_load %arg16[%swap3A, %swap3A_546] {strides = array<i32>} : memref<16x128xf32, #tpu.memory_space<vmem>>, vector<1x16xf32>,
        %swap3A_548 = vector.shape_cast %swap3A_547 : vector<1x16xf32> to vector<16xf32>
        %swap3A_549 = vector.shape_cast %get3A_545 : vector<16xf32> to vector<1x16xf32>
        tpu.vector_store %arg16[%swap3A, %swap3A_546], %swap3A_549 {strides = array<i32>} : memref<16x128xf32, #tpu.memory_space<vmem>>, vector<1x16xf32>,
        %add3A_550 = arith.constant 1 : i32
        %add3A_551 = arith.addi %mul3A_539, %add3A_550 : i32
        %get3A_552 = arith.index_cast %add3A_551 : i32 to index
        %get3A_553 = arith.constant 0 : index
        %get3A_554 = tpu.vector_load %arg11[%get3A_552, %get3A_553] {strides = array<i32>} : memref<736x16xf32, #tpu.memory_space<vmem>>, vector<1x16xf32>,
        %get3A_555 = vector.shape_cast %get3A_554 : vector<1x16xf32> to vector<16xf32>
        %swap3A_556 = arith.index_cast %scan3A_393 : i32 to index
        %swap3A_557 = arith.constant 16 : index
        %swap3A_558 = tpu.vector_load %arg16[%swap3A_556, %swap3A_557] {strides = array<i32>} : memref<16x128xf32, #tpu.memory_space<vmem>>, vector<1x16xf32>,
        %swap3A_559 = vector.shape_cast %swap3A_558 : vector<1x16xf32> to vector<16xf32>
        %swap3A_560 = vector.shape_cast %get3A_555 : vector<16xf32> to vector<1x16xf32>
        tpu.vector_store %arg16[%swap3A_556, %swap3A_557], %swap3A_560 {strides = array<i32>} : memref<16x128xf32, #tpu.memory_space<vmem>>, vector<1x16xf32>,
        %add3A_561 = arith.constant 2 : i32
        %add3A_562 = arith.addi %mul3A_539, %add3A_561 : i32
        %get3A_563 = arith.index_cast %add3A_562 : i32 to index
        %get3A_564 = arith.constant 0 : index
        %get3A_565 = tpu.vector_load %arg11[%get3A_563, %get3A_564] {strides = array<i32>} : memref<736x16xf32, #tpu.memory_space<vmem>>, vector<1x16xf32>,
        %get3A_566 = vector.shape_cast %get3A_565 : vector<1x16xf32> to vector<16xf32>
        %swap3A_567 = arith.index_cast %scan3A_393 : i32 to index
        %swap3A_568 = arith.constant 32 : index
        %swap3A_569 = tpu.vector_load %arg16[%swap3A_567, %swap3A_568] {strides = array<i32>} : memref<16x128xf32, #tpu.memory_space<vmem>>, vector<1x16xf32>,
        %swap3A_570 = vector.shape_cast %swap3A_569 : vector<1x16xf32> to vector<16xf32>
        %swap3A_571 = vector.shape_cast %get3A_566 : vector<16xf32> to vector<1x16xf32>
        tpu.vector_store %arg16[%swap3A_567, %swap3A_568], %swap3A_571 {strides = array<i32>} : memref<16x128xf32, #tpu.memory_space<vmem>>, vector<1x16xf32>,
        %add3A_572 = arith.constant 3 : i32
        %add3A_573 = arith.addi %mul3A_539, %add3A_572 : i32
        %get3A_574 = arith.index_cast %add3A_573 : i32 to index
        %get3A_575 = arith.constant 0 : index
        %get3A_576 = tpu.vector_load %arg11[%get3A_574, %get3A_575] {strides = array<i32>} : memref<736x16xf32, #tpu.memory_space<vmem>>, vector<1x16xf32>,
        %get3A_577 = vector.shape_cast %get3A_576 : vector<1x16xf32> to vector<16xf32>
        %swap3A_578 = arith.index_cast %scan3A_393 : i32 to index
        %swap3A_579 = arith.constant 48 : index
        %swap3A_580 = tpu.vector_load %arg16[%swap3A_578, %swap3A_579] {strides = array<i32>} : memref<16x128xf32, #tpu.memory_space<vmem>>, vector<1x16xf32>,
        %swap3A_581 = vector.shape_cast %swap3A_580 : vector<1x16xf32> to vector<16xf32>
        %swap3A_582 = vector.shape_cast %get3A_577 : vector<16xf32> to vector<1x16xf32>
        tpu.vector_store %arg16[%swap3A_578, %swap3A_579], %swap3A_582 {strides = array<i32>} : memref<16x128xf32, #tpu.memory_space<vmem>>, vector<1x16xf32>,
        %add3A_583 = arith.constant 4 : i32
        %add3A_584 = arith.addi %mul3A_539, %add3A_583 : i32
        %get3A_585 = arith.index_cast %add3A_584 : i32 to index
        %get3A_586 = arith.constant 0 : index
        %get3A_587 = tpu.vector_load %arg11[%get3A_585, %get3A_586] {strides = array<i32>} : memref<736x16xf32, #tpu.memory_space<vmem>>, vector<1x16xf32>,
        %get3A_588 = vector.shape_cast %get3A_587 : vector<1x16xf32> to vector<16xf32>
        %swap3A_589 = arith.index_cast %scan3A_393 : i32 to index
        %swap3A_590 = arith.constant 64 : index
        %swap3A_591 = tpu.vector_load %arg16[%swap3A_589, %swap3A_590] {strides = array<i32>} : memref<16x128xf32, #tpu.memory_space<vmem>>, vector<1x16xf32>,
        %swap3A_592 = vector.shape_cast %swap3A_591 : vector<1x16xf32> to vector<16xf32>
        %swap3A_593 = vector.shape_cast %get3A_588 : vector<16xf32> to vector<1x16xf32>
        tpu.vector_store %arg16[%swap3A_589, %swap3A_590], %swap3A_593 {strides = array<i32>} : memref<16x128xf32, #tpu.memory_space<vmem>>, vector<1x16xf32>,
        %add3A_594 = arith.constant 5 : i32
        %add3A_595 = arith.addi %mul3A_539, %add3A_594 : i32
        %get3A_596 = arith.index_cast %add3A_595 : i32 to index
        %get3A_597 = arith.constant 0 : index
        %get3A_598 = tpu.vector_load %arg11[%get3A_596, %get3A_597] {strides = array<i32>} : memref<736x16xf32, #tpu.memory_space<vmem>>, vector<1x16xf32>,
        %get3A_599 = vector.shape_cast %get3A_598 : vector<1x16xf32> to vector<16xf32>
        %swap3A_600 = arith.index_cast %scan3A_393 : i32 to index
        %swap3A_601 = arith.constant 80 : index
        %swap3A_602 = tpu.vector_load %arg16[%swap3A_600, %swap3A_601] {strides = array<i32>} : memref<16x128xf32, #tpu.memory_space<vmem>>, vector<1x16xf32>,
        %swap3A_603 = vector.shape_cast %swap3A_602 : vector<1x16xf32> to vector<16xf32>
        %swap3A_604 = vector.shape_cast %get3A_599 : vector<16xf32> to vector<1x16xf32>
        tpu.vector_store %arg16[%swap3A_600, %swap3A_601], %swap3A_604 {strides = array<i32>} : memref<16x128xf32, #tpu.memory_space<vmem>>, vector<1x16xf32>,
        %add3A_605 = arith.constant 6 : i32
        %add3A_606 = arith.addi %mul3A_539, %add3A_605 : i32
        %get3A_607 = arith.index_cast %add3A_606 : i32 to index
        %get3A_608 = arith.constant 0 : index
        %get3A_609 = tpu.vector_load %arg11[%get3A_607, %get3A_608] {strides = array<i32>} : memref<736x16xf32, #tpu.memory_space<vmem>>, vector<1x16xf32>,
        %get3A_610 = vector.shape_cast %get3A_609 : vector<1x16xf32> to vector<16xf32>
        %swap3A_611 = arith.index_cast %scan3A_393 : i32 to index
        %swap3A_612 = arith.constant 96 : index
        %swap3A_613 = tpu.vector_load %arg16[%swap3A_611, %swap3A_612] {strides = array<i32>} : memref<16x128xf32, #tpu.memory_space<vmem>>, vector<1x16xf32>,
        %swap3A_614 = vector.shape_cast %swap3A_613 : vector<1x16xf32> to vector<16xf32>
        %swap3A_615 = vector.shape_cast %get3A_610 : vector<16xf32> to vector<1x16xf32>
        tpu.vector_store %arg16[%swap3A_611, %swap3A_612], %swap3A_615 {strides = array<i32>} : memref<16x128xf32, #tpu.memory_space<vmem>>, vector<1x16xf32>,
        %add3A_616 = arith.constant 7 : i32
        %add3A_617 = arith.addi %mul3A_539, %add3A_616 : i32
        %get3A_618 = arith.index_cast %add3A_617 : i32 to index
        %get3A_619 = arith.constant 0 : index
        %get3A_620 = tpu.vector_load %arg11[%get3A_618, %get3A_619] {strides = array<i32>} : memref<736x16xf32, #tpu.memory_space<vmem>>, vector<1x16xf32>,
        %get3A_621 = vector.shape_cast %get3A_620 : vector<1x16xf32> to vector<16xf32>
        %swap3A_622 = arith.index_cast %scan3A_393 : i32 to index
        %swap3A_623 = arith.constant 112 : index
        %swap3A_624 = tpu.vector_load %arg16[%swap3A_622, %swap3A_623] {strides = array<i32>} : memref<16x128xf32, #tpu.memory_space<vmem>>, vector<1x16xf32>,
        %swap3A_625 = vector.shape_cast %swap3A_624 : vector<1x16xf32> to vector<16xf32>
        %swap3A_626 = vector.shape_cast %get3A_621 : vector<16xf32> to vector<1x16xf32>
        tpu.vector_store %arg16[%swap3A_622, %swap3A_623], %swap3A_626 {strides = array<i32>} : memref<16x128xf32, #tpu.memory_space<vmem>>, vector<1x16xf32>,
        %add3A_627 = arith.constant 8 : i32
        %add3A_628 = arith.addi %mul3A_539, %add3A_627 : i32
        %add3A_629 = arith.constant 0 : i32
        %add3A_630 = arith.addi %add3A_628, %add3A_629 : i32
        %get3A_631 = arith.index_cast %add3A_630 : i32 to index
        %get3A_632 = arith.constant 0 : index
        %get3A_633 = tpu.vector_load %arg11[%get3A_631, %get3A_632] {strides = array<i32>} : memref<736x16xf32, #tpu.memory_space<vmem>>, vector<1x16xf32>,
        %get3A_634 = vector.shape_cast %get3A_633 : vector<1x16xf32> to vector<16xf32>
        %swap3A_635 = arith.index_cast %scan3A_393 : i32 to index
        %swap3A_636 = arith.constant 0 : index
        %swap3A_637 = tpu.vector_load %arg17[%swap3A_635, %swap3A_636] {strides = array<i32>} : memref<16x128xf32, #tpu.memory_space<vmem>>, vector<1x16xf32>,
        %swap3A_638 = vector.shape_cast %swap3A_637 : vector<1x16xf32> to vector<16xf32>
        %swap3A_639 = vector.shape_cast %get3A_634 : vector<16xf32> to vector<1x16xf32>
        tpu.vector_store %arg17[%swap3A_635, %swap3A_636], %swap3A_639 {strides = array<i32>} : memref<16x128xf32, #tpu.memory_space<vmem>>, vector<1x16xf32>,
        %add3A_640 = arith.constant 8 : i32
        %add3A_641 = arith.addi %mul3A_539, %add3A_640 : i32
        %add3A_642 = arith.constant 1 : i32
        %add3A_643 = arith.addi %add3A_641, %add3A_642 : i32
        %get3A_644 = arith.index_cast %add3A_643 : i32 to index
        %get3A_645 = arith.constant 0 : index
        %get3A_646 = tpu.vector_load %arg11[%get3A_644, %get3A_645] {strides = array<i32>} : memref<736x16xf32, #tpu.memory_space<vmem>>, vector<1x16xf32>,
        %get3A_647 = vector.shape_cast %get3A_646 : vector<1x16xf32> to vector<16xf32>
        %swap3A_648 = arith.index_cast %scan3A_393 : i32 to index
        %swap3A_649 = arith.constant 16 : index
        %swap3A_650 = tpu.vector_load %arg17[%swap3A_648, %swap3A_649] {strides = array<i32>} : memref<16x128xf32, #tpu.memory_space<vmem>>, vector<1x16xf32>,
        %swap3A_651 = vector.shape_cast %swap3A_650 : vector<1x16xf32> to vector<16xf32>
        %swap3A_652 = vector.shape_cast %get3A_647 : vector<16xf32> to vector<1x16xf32>
        tpu.vector_store %arg17[%swap3A_648, %swap3A_649], %swap3A_652 {strides = array<i32>} : memref<16x128xf32, #tpu.memory_space<vmem>>, vector<1x16xf32>,
        %add3A_653 = arith.constant 8 : i32
        %add3A_654 = arith.addi %mul3A_539, %add3A_653 : i32
        %add3A_655 = arith.constant 2 : i32
        %add3A_656 = arith.addi %add3A_654, %add3A_655 : i32
        %get3A_657 = arith.index_cast %add3A_656 : i32 to index
        %get3A_658 = arith.constant 0 : index
        %get3A_659 = tpu.vector_load %arg11[%get3A_657, %get3A_658] {strides = array<i32>} : memref<736x16xf32, #tpu.memory_space<vmem>>, vector<1x16xf32>,
        %get3A_660 = vector.shape_cast %get3A_659 : vector<1x16xf32> to vector<16xf32>
        %swap3A_661 = arith.index_cast %scan3A_393 : i32 to index
        %swap3A_662 = arith.constant 32 : index
        %swap3A_663 = tpu.vector_load %arg17[%swap3A_661, %swap3A_662] {strides = array<i32>} : memref<16x128xf32, #tpu.memory_space<vmem>>, vector<1x16xf32>,
        %swap3A_664 = vector.shape_cast %swap3A_663 : vector<1x16xf32> to vector<16xf32>
        %swap3A_665 = vector.shape_cast %get3A_660 : vector<16xf32> to vector<1x16xf32>
        tpu.vector_store %arg17[%swap3A_661, %swap3A_662], %swap3A_665 {strides = array<i32>} : memref<16x128xf32, #tpu.memory_space<vmem>>, vector<1x16xf32>,
        %add3A_666 = arith.constant 8 : i32
        %add3A_667 = arith.addi %mul3A_539, %add3A_666 : i32
        %add3A_668 = arith.constant 3 : i32
        %add3A_669 = arith.addi %add3A_667, %add3A_668 : i32
        %get3A_670 = arith.index_cast %add3A_669 : i32 to index
        %get3A_671 = arith.constant 0 : index
        %get3A_672 = tpu.vector_load %arg11[%get3A_670, %get3A_671] {strides = array<i32>} : memref<736x16xf32, #tpu.memory_space<vmem>>, vector<1x16xf32>,
        %get3A_673 = vector.shape_cast %get3A_672 : vector<1x16xf32> to vector<16xf32>
        %swap3A_674 = arith.index_cast %scan3A_393 : i32 to index
        %swap3A_675 = arith.constant 48 : index
        %swap3A_676 = tpu.vector_load %arg17[%swap3A_674, %swap3A_675] {strides = array<i32>} : memref<16x128xf32, #tpu.memory_space<vmem>>, vector<1x16xf32>,
        %swap3A_677 = vector.shape_cast %swap3A_676 : vector<1x16xf32> to vector<16xf32>
        %swap3A_678 = vector.shape_cast %get3A_673 : vector<16xf32> to vector<1x16xf32>
        tpu.vector_store %arg17[%swap3A_674, %swap3A_675], %swap3A_678 {strides = array<i32>} : memref<16x128xf32, #tpu.memory_space<vmem>>, vector<1x16xf32>,
        %add3A_679 = arith.constant 8 : i32
        %add3A_680 = arith.addi %mul3A_539, %add3A_679 : i32
        %add3A_681 = arith.constant 4 : i32
        %add3A_682 = arith.addi %add3A_680, %add3A_681 : i32
        %get3A_683 = arith.index_cast %add3A_682 : i32 to index
        %get3A_684 = arith.constant 0 : index
        %get3A_685 = tpu.vector_load %arg11[%get3A_683, %get3A_684] {strides = array<i32>} : memref<736x16xf32, #tpu.memory_space<vmem>>, vector<1x16xf32>,
        %get3A_686 = vector.shape_cast %get3A_685 : vector<1x16xf32> to vector<16xf32>
        %swap3A_687 = arith.index_cast %scan3A_393 : i32 to index
        %swap3A_688 = arith.constant 64 : index
        %swap3A_689 = tpu.vector_load %arg17[%swap3A_687, %swap3A_688] {strides = array<i32>} : memref<16x128xf32, #tpu.memory_space<vmem>>, vector<1x16xf32>,
        %swap3A_690 = vector.shape_cast %swap3A_689 : vector<1x16xf32> to vector<16xf32>
        %swap3A_691 = vector.shape_cast %get3A_686 : vector<16xf32> to vector<1x16xf32>
        tpu.vector_store %arg17[%swap3A_687, %swap3A_688], %swap3A_691 {strides = array<i32>} : memref<16x128xf32, #tpu.memory_space<vmem>>, vector<1x16xf32>,
        %add3A_692 = arith.constant 8 : i32
        %add3A_693 = arith.addi %mul3A_539, %add3A_692 : i32
        %add3A_694 = arith.constant 5 : i32
        %add3A_695 = arith.addi %add3A_693, %add3A_694 : i32
        %get3A_696 = arith.index_cast %add3A_695 : i32 to index
        %get3A_697 = arith.constant 0 : index
        %get3A_698 = tpu.vector_load %arg11[%get3A_696, %get3A_697] {strides = array<i32>} : memref<736x16xf32, #tpu.memory_space<vmem>>, vector<1x16xf32>,
        %get3A_699 = vector.shape_cast %get3A_698 : vector<1x16xf32> to vector<16xf32>
        %swap3A_700 = arith.index_cast %scan3A_393 : i32 to index
        %swap3A_701 = arith.constant 80 : index
        %swap3A_702 = tpu.vector_load %arg17[%swap3A_700, %swap3A_701] {strides = array<i32>} : memref<16x128xf32, #tpu.memory_space<vmem>>, vector<1x16xf32>,
        %swap3A_703 = vector.shape_cast %swap3A_702 : vector<1x16xf32> to vector<16xf32>
        %swap3A_704 = vector.shape_cast %get3A_699 : vector<16xf32> to vector<1x16xf32>
        tpu.vector_store %arg17[%swap3A_700, %swap3A_701], %swap3A_704 {strides = array<i32>} : memref<16x128xf32, #tpu.memory_space<vmem>>, vector<1x16xf32>,
        %add3A_705 = arith.constant 8 : i32
        %add3A_706 = arith.addi %mul3A_539, %add3A_705 : i32
        %add3A_707 = arith.constant 6 : i32
        %add3A_708 = arith.addi %add3A_706, %add3A_707 : i32
        %get3A_709 = arith.index_cast %add3A_708 : i32 to index
        %get3A_710 = arith.constant 0 : index
        %get3A_711 = tpu.vector_load %arg11[%get3A_709, %get3A_710] {strides = array<i32>} : memref<736x16xf32, #tpu.memory_space<vmem>>, vector<1x16xf32>,
        %get3A_712 = vector.shape_cast %get3A_711 : vector<1x16xf32> to vector<16xf32>
        %swap3A_713 = arith.index_cast %scan3A_393 : i32 to index
        %swap3A_714 = arith.constant 96 : index
        %swap3A_715 = tpu.vector_load %arg17[%swap3A_713, %swap3A_714] {strides = array<i32>} : memref<16x128xf32, #tpu.memory_space<vmem>>, vector<1x16xf32>,
        %swap3A_716 = vector.shape_cast %swap3A_715 : vector<1x16xf32> to vector<16xf32>
        %swap3A_717 = vector.shape_cast %get3A_712 : vector<16xf32> to vector<1x16xf32>
        tpu.vector_store %arg17[%swap3A_713, %swap3A_714], %swap3A_717 {strides = array<i32>} : memref<16x128xf32, #tpu.memory_space<vmem>>, vector<1x16xf32>,
        %add3A_718 = arith.constant 8 : i32
        %add3A_719 = arith.addi %mul3A_539, %add3A_718 : i32
        %add3A_720 = arith.constant 7 : i32
        %add3A_721 = arith.addi %add3A_719, %add3A_720 : i32
        %get3A_722 = arith.index_cast %add3A_721 : i32 to index
        %get3A_723 = arith.constant 0 : index
        %get3A_724 = tpu.vector_load %arg11[%get3A_722, %get3A_723] {strides = array<i32>} : memref<736x16xf32, #tpu.memory_space<vmem>>, vector<1x16xf32>,
        %get3A_725 = vector.shape_cast %get3A_724 : vector<1x16xf32> to vector<16xf32>
        %swap3A_726 = arith.index_cast %scan3A_393 : i32 to index
        %swap3A_727 = arith.constant 112 : index
        %swap3A_728 = tpu.vector_load %arg17[%swap3A_726, %swap3A_727] {strides = array<i32>} : memref<16x128xf32, #tpu.memory_space<vmem>>, vector<1x16xf32>,
        %swap3A_729 = vector.shape_cast %swap3A_728 : vector<1x16xf32> to vector<16xf32>
        %swap3A_730 = vector.shape_cast %get3A_725 : vector<16xf32> to vector<1x16xf32>
        tpu.vector_store %arg17[%swap3A_726, %swap3A_727], %swap3A_730 {strides = array<i32>} : memref<16x128xf32, #tpu.memory_space<vmem>>, vector<1x16xf32>,
        %add3A_731 = arith.constant 16 : i32
        %add3A_732 = arith.addi %mul3A_539, %add3A_731 : i32
        %add3A_733 = arith.constant 0 : i32
        %add3A_734 = arith.addi %add3A_732, %add3A_733 : i32
        %get3A_735 = arith.index_cast %add3A_734 : i32 to index
        %get3A_736 = arith.constant 0 : index
        %get3A_737 = tpu.vector_load %arg11[%get3A_735, %get3A_736] {strides = array<i32>} : memref<736x16xf32, #tpu.memory_space<vmem>>, vector<1x16xf32>,
        %get3A_738 = vector.shape_cast %get3A_737 : vector<1x16xf32> to vector<16xf32>
        %swap3A_739 = arith.index_cast %scan3A_393 : i32 to index
        %swap3A_740 = arith.constant 0 : index
        %swap3A_741 = tpu.vector_load %arg18[%swap3A_739, %swap3A_740] {strides = array<i32>} : memref<16x128xf32, #tpu.memory_space<vmem>>, vector<1x16xf32>,
        %swap3A_742 = vector.shape_cast %swap3A_741 : vector<1x16xf32> to vector<16xf32>
        %swap3A_743 = vector.shape_cast %get3A_738 : vector<16xf32> to vector<1x16xf32>
        tpu.vector_store %arg18[%swap3A_739, %swap3A_740], %swap3A_743 {strides = array<i32>} : memref<16x128xf32, #tpu.memory_space<vmem>>, vector<1x16xf32>,
        %add3A_744 = arith.constant 16 : i32
        %add3A_745 = arith.addi %mul3A_539, %add3A_744 : i32
        %add3A_746 = arith.constant 1 : i32
        %add3A_747 = arith.addi %add3A_745, %add3A_746 : i32
        %get3A_748 = arith.index_cast %add3A_747 : i32 to index
        %get3A_749 = arith.constant 0 : index
        %get3A_750 = tpu.vector_load %arg11[%get3A_748, %get3A_749] {strides = array<i32>} : memref<736x16xf32, #tpu.memory_space<vmem>>, vector<1x16xf32>,
        %get3A_751 = vector.shape_cast %get3A_750 : vector<1x16xf32> to vector<16xf32>
        %swap3A_752 = arith.index_cast %scan3A_393 : i32 to index
        %swap3A_753 = arith.constant 16 : index
        %swap3A_754 = tpu.vector_load %arg18[%swap3A_752, %swap3A_753] {strides = array<i32>} : memref<16x128xf32, #tpu.memory_space<vmem>>, vector<1x16xf32>,
        %swap3A_755 = vector.shape_cast %swap3A_754 : vector<1x16xf32> to vector<16xf32>
        %swap3A_756 = vector.shape_cast %get3A_751 : vector<16xf32> to vector<1x16xf32>
        tpu.vector_store %arg18[%swap3A_752, %swap3A_753], %swap3A_756 {strides = array<i32>} : memref<16x128xf32, #tpu.memory_space<vmem>>, vector<1x16xf32>,
        %add3A_757 = arith.constant 16 : i32
        %add3A_758 = arith.addi %mul3A_539, %add3A_757 : i32
        %add3A_759 = arith.constant 2 : i32
        %add3A_760 = arith.addi %add3A_758, %add3A_759 : i32
        %get3A_761 = arith.index_cast %add3A_760 : i32 to index
        %get3A_762 = arith.constant 0 : index
        %get3A_763 = tpu.vector_load %arg11[%get3A_761, %get3A_762] {strides = array<i32>} : memref<736x16xf32, #tpu.memory_space<vmem>>, vector<1x16xf32>,
        %get3A_764 = vector.shape_cast %get3A_763 : vector<1x16xf32> to vector<16xf32>
        %swap3A_765 = arith.index_cast %scan3A_393 : i32 to index
        %swap3A_766 = arith.constant 32 : index
        %swap3A_767 = tpu.vector_load %arg18[%swap3A_765, %swap3A_766] {strides = array<i32>} : memref<16x128xf32, #tpu.memory_space<vmem>>, vector<1x16xf32>,
        %swap3A_768 = vector.shape_cast %swap3A_767 : vector<1x16xf32> to vector<16xf32>
        %swap3A_769 = vector.shape_cast %get3A_764 : vector<16xf32> to vector<1x16xf32>
        tpu.vector_store %arg18[%swap3A_765, %swap3A_766], %swap3A_769 {strides = array<i32>} : memref<16x128xf32, #tpu.memory_space<vmem>>, vector<1x16xf32>,
        %add3A_770 = arith.constant 16 : i32
        %add3A_771 = arith.addi %mul3A_539, %add3A_770 : i32
        %add3A_772 = arith.constant 3 : i32
        %add3A_773 = arith.addi %add3A_771, %add3A_772 : i32
        %get3A_774 = arith.index_cast %add3A_773 : i32 to index
        %get3A_775 = arith.constant 0 : index
        %get3A_776 = tpu.vector_load %arg11[%get3A_774, %get3A_775] {strides = array<i32>} : memref<736x16xf32, #tpu.memory_space<vmem>>, vector<1x16xf32>,
        %get3A_777 = vector.shape_cast %get3A_776 : vector<1x16xf32> to vector<16xf32>
        %swap3A_778 = arith.index_cast %scan3A_393 : i32 to index
        %swap3A_779 = arith.constant 48 : index
        %swap3A_780 = tpu.vector_load %arg18[%swap3A_778, %swap3A_779] {strides = array<i32>} : memref<16x128xf32, #tpu.memory_space<vmem>>, vector<1x16xf32>,
        %swap3A_781 = vector.shape_cast %swap3A_780 : vector<1x16xf32> to vector<16xf32>
        %swap3A_782 = vector.shape_cast %get3A_777 : vector<16xf32> to vector<1x16xf32>
        tpu.vector_store %arg18[%swap3A_778, %swap3A_779], %swap3A_782 {strides = array<i32>} : memref<16x128xf32, #tpu.memory_space<vmem>>, vector<1x16xf32>,
        %add3A_783 = arith.constant 16 : i32
        %add3A_784 = arith.addi %mul3A_539, %add3A_783 : i32
        %add3A_785 = arith.constant 4 : i32
        %add3A_786 = arith.addi %add3A_784, %add3A_785 : i32
        %get3A_787 = arith.index_cast %add3A_786 : i32 to index
        %get3A_788 = arith.constant 0 : index
        %get3A_789 = tpu.vector_load %arg11[%get3A_787, %get3A_788] {strides = array<i32>} : memref<736x16xf32, #tpu.memory_space<vmem>>, vector<1x16xf32>,
        %get3A_790 = vector.shape_cast %get3A_789 : vector<1x16xf32> to vector<16xf32>
        %swap3A_791 = arith.index_cast %scan3A_393 : i32 to index
        %swap3A_792 = arith.constant 64 : index
        %swap3A_793 = tpu.vector_load %arg18[%swap3A_791, %swap3A_792] {strides = array<i32>} : memref<16x128xf32, #tpu.memory_space<vmem>>, vector<1x16xf32>,
        %swap3A_794 = vector.shape_cast %swap3A_793 : vector<1x16xf32> to vector<16xf32>
        %swap3A_795 = vector.shape_cast %get3A_790 : vector<16xf32> to vector<1x16xf32>
        tpu.vector_store %arg18[%swap3A_791, %swap3A_792], %swap3A_795 {strides = array<i32>} : memref<16x128xf32, #tpu.memory_space<vmem>>, vector<1x16xf32>,
        %add3A_796 = arith.constant 16 : i32
        %add3A_797 = arith.addi %mul3A_539, %add3A_796 : i32
        %add3A_798 = arith.constant 5 : i32
        %add3A_799 = arith.addi %add3A_797, %add3A_798 : i32
        %get3A_800 = arith.index_cast %add3A_799 : i32 to index
        %get3A_801 = arith.constant 0 : index
        %get3A_802 = tpu.vector_load %arg11[%get3A_800, %get3A_801] {strides = array<i32>} : memref<736x16xf32, #tpu.memory_space<vmem>>, vector<1x16xf32>,
        %get3A_803 = vector.shape_cast %get3A_802 : vector<1x16xf32> to vector<16xf32>
        %swap3A_804 = arith.index_cast %scan3A_393 : i32 to index
        %swap3A_805 = arith.constant 80 : index
        %swap3A_806 = tpu.vector_load %arg18[%swap3A_804, %swap3A_805] {strides = array<i32>} : memref<16x128xf32, #tpu.memory_space<vmem>>, vector<1x16xf32>,
        %swap3A_807 = vector.shape_cast %swap3A_806 : vector<1x16xf32> to vector<16xf32>
        %swap3A_808 = vector.shape_cast %get3A_803 : vector<16xf32> to vector<1x16xf32>
        tpu.vector_store %arg18[%swap3A_804, %swap3A_805], %swap3A_808 {strides = array<i32>} : memref<16x128xf32, #tpu.memory_space<vmem>>, vector<1x16xf32>,
        %add3A_809 = arith.constant 16 : i32
        %add3A_810 = arith.addi %mul3A_539, %add3A_809 : i32
        %add3A_811 = arith.constant 6 : i32
        %add3A_812 = arith.addi %add3A_810, %add3A_811 : i32
        %get3A_813 = arith.index_cast %add3A_812 : i32 to index
        %get3A_814 = arith.constant 0 : index
        %get3A_815 = tpu.vector_load %arg11[%get3A_813, %get3A_814] {strides = array<i32>} : memref<736x16xf32, #tpu.memory_space<vmem>>, vector<1x16xf32>,
        %get3A_816 = vector.shape_cast %get3A_815 : vector<1x16xf32> to vector<16xf32>
        %swap3A_817 = arith.index_cast %scan3A_393 : i32 to index
        %swap3A_818 = arith.constant 96 : index
        %swap3A_819 = tpu.vector_load %arg18[%swap3A_817, %swap3A_818] {strides = array<i32>} : memref<16x128xf32, #tpu.memory_space<vmem>>, vector<1x16xf32>,
        %swap3A_820 = vector.shape_cast %swap3A_819 : vector<1x16xf32> to vector<16xf32>
        %swap3A_821 = vector.shape_cast %get3A_816 : vector<16xf32> to vector<1x16xf32>
        tpu.vector_store %arg18[%swap3A_817, %swap3A_818], %swap3A_821 {strides = array<i32>} : memref<16x128xf32, #tpu.memory_space<vmem>>, vector<1x16xf32>,
        %add3A_822 = arith.constant 16 : i32
        %add3A_823 = arith.addi %mul3A_539, %add3A_822 : i32
        %add3A_824 = arith.constant 7 : i32
        %add3A_825 = arith.addi %add3A_823, %add3A_824 : i32
        %get3A_826 = arith.index_cast %add3A_825 : i32 to index
        %get3A_827 = arith.constant 0 : index
        %get3A_828 = tpu.vector_load %arg11[%get3A_826, %get3A_827] {strides = array<i32>} : memref<736x16xf32, #tpu.memory_space<vmem>>, vector<1x16xf32>,
        %get3A_829 = vector.shape_cast %get3A_828 : vector<1x16xf32> to vector<16xf32>
        %swap3A_830 = arith.index_cast %scan3A_393 : i32 to index
        %swap3A_831 = arith.constant 112 : index
        %swap3A_832 = tpu.vector_load %arg18[%swap3A_830, %swap3A_831] {strides = array<i32>} : memref<16x128xf32, #tpu.memory_space<vmem>>, vector<1x16xf32>,
        %swap3A_833 = vector.shape_cast %swap3A_832 : vector<1x16xf32> to vector<16xf32>
        %swap3A_834 = vector.shape_cast %get3A_829 : vector<16xf32> to vector<1x16xf32>
        tpu.vector_store %arg18[%swap3A_830, %swap3A_831], %swap3A_834 {strides = array<i32>} : memref<16x128xf32, #tpu.memory_space<vmem>>, vector<1x16xf32>,
        %add3A_835 = arith.constant 24 : i32
        %add3A_836 = arith.addi %mul3A_539, %add3A_835 : i32
        %get3A_837 = arith.index_cast %add3A_836 : i32 to index
        %get3A_838 = arith.constant 0 : index
        %get3A_839 = tpu.vector_load %arg11[%get3A_837, %get3A_838] {strides = array<i32>} : memref<736x16xf32, #tpu.memory_space<vmem>>, vector<1x16xf32>,
        %get3A_840 = vector.shape_cast %get3A_839 : vector<1x16xf32> to vector<16xf32>
        %swap3A_841 = arith.index_cast %scan3A_393 : i32 to index
        %swap3A_842 = arith.constant 0 : index
        %swap3A_843 = tpu.vector_load %arg19[%swap3A_841, %swap3A_842] {strides = array<i32>} : memref<16x128xf32, #tpu.memory_space<vmem>>, vector<1x16xf32>,
        %swap3A_844 = vector.shape_cast %swap3A_843 : vector<1x16xf32> to vector<16xf32>
        %swap3A_845 = vector.shape_cast %get3A_840 : vector<16xf32> to vector<1x16xf32>
        tpu.vector_store %arg19[%swap3A_841, %swap3A_842], %swap3A_845 {strides = array<i32>} : memref<16x128xf32, #tpu.memory_space<vmem>>, vector<1x16xf32>,
        %add3A_846 = arith.constant 25 : i32
        %add3A_847 = arith.addi %mul3A_539, %add3A_846 : i32
        %get3A_848 = arith.index_cast %add3A_847 : i32 to index
        %get3A_849 = arith.constant 0 : index
        %get3A_850 = tpu.vector_load %arg11[%get3A_848, %get3A_849] {strides = array<i32>} : memref<736x16xf32, #tpu.memory_space<vmem>>, vector<1x16xf32>,
        %get3A_851 = vector.shape_cast %get3A_850 : vector<1x16xf32> to vector<16xf32>
        %swap3A_852 = arith.index_cast %scan3A_393 : i32 to index
        %swap3A_853 = arith.constant 16 : index
        %swap3A_854 = tpu.vector_load %arg19[%swap3A_852, %swap3A_853] {strides = array<i32>} : memref<16x128xf32, #tpu.memory_space<vmem>>, vector<1x16xf32>,
        %swap3A_855 = vector.shape_cast %swap3A_854 : vector<1x16xf32> to vector<16xf32>
        %swap3A_856 = vector.shape_cast %get3A_851 : vector<16xf32> to vector<1x16xf32>
        tpu.vector_store %arg19[%swap3A_852, %swap3A_853], %swap3A_856 {strides = array<i32>} : memref<16x128xf32, #tpu.memory_space<vmem>>, vector<1x16xf32>,
        %swap3A_857 = arith.index_cast %scan3A_393 : i32 to index
        %swap3A_858 = arith.constant 32 : index
        %swap3A_859 = tpu.vector_load %arg19[%swap3A_857, %swap3A_858] {strides = array<i32>} : memref<16x128xf32, #tpu.memory_space<vmem>>, vector<1x16xf32>,
        %swap3A_860 = vector.shape_cast %swap3A_859 : vector<1x16xf32> to vector<16xf32>
        %swap3A_861 = vector.shape_cast %mul3A_537 : vector<16xf32> to vector<1x16xf32>
        tpu.vector_store %arg19[%swap3A_857, %swap3A_858], %swap3A_861 {strides = array<i32>} : memref<16x128xf32, #tpu.memory_space<vmem>>, vector<1x16xf32>,
        %swap3A_862 = arith.index_cast %scan3A_393 : i32 to index
        %swap3A_863 = arith.constant 48 : index
        %swap3A_864 = tpu.vector_load %arg19[%swap3A_862, %swap3A_863] {strides = array<i32>} : memref<16x128xf32, #tpu.memory_space<vmem>>, vector<1x16xf32>,
        %swap3A_865 = vector.shape_cast %swap3A_864 : vector<1x16xf32> to vector<16xf32>
        %swap3A_866 = vector.shape_cast %broadcast_in_dim3A_3 : vector<16xf32> to vector<1x16xf32>
        tpu.vector_store %arg19[%swap3A_862, %swap3A_863], %swap3A_866 {strides = array<i32>} : memref<16x128xf32, #tpu.memory_space<vmem>>, vector<1x16xf32>,
        %swap3A_867 = arith.index_cast %scan3A_393 : i32 to index
        %swap3A_868 = arith.constant 64 : index
        %swap3A_869 = tpu.vector_load %arg19[%swap3A_867, %swap3A_868] {strides = array<i32>} : memref<16x128xf32, #tpu.memory_space<vmem>>, vector<1x16xf32>,
        %swap3A_870 = vector.shape_cast %swap3A_869 : vector<1x16xf32> to vector<16xf32>
        %swap3A_871 = vector.shape_cast %broadcast_in_dim3A_3 : vector<16xf32> to vector<1x16xf32>
        tpu.vector_store %arg19[%swap3A_867, %swap3A_868], %swap3A_871 {strides = array<i32>} : memref<16x128xf32, #tpu.memory_space<vmem>>, vector<1x16xf32>,
        %swap3A_872 = arith.index_cast %scan3A_393 : i32 to index
        %swap3A_873 = arith.constant 80 : index
        %swap3A_874 = tpu.vector_load %arg19[%swap3A_872, %swap3A_873] {strides = array<i32>} : memref<16x128xf32, #tpu.memory_space<vmem>>, vector<1x16xf32>,
        %swap3A_875 = vector.shape_cast %swap3A_874 : vector<1x16xf32> to vector<16xf32>
        %swap3A_876 = vector.shape_cast %broadcast_in_dim3A_3 : vector<16xf32> to vector<1x16xf32>
        tpu.vector_store %arg19[%swap3A_872, %swap3A_873], %swap3A_876 {strides = array<i32>} : memref<16x128xf32, #tpu.memory_space<vmem>>, vector<1x16xf32>,
        %swap3A_877 = arith.index_cast %scan3A_393 : i32 to index
        %swap3A_878 = arith.constant 96 : index
        %swap3A_879 = tpu.vector_load %arg19[%swap3A_877, %swap3A_878] {strides = array<i32>} : memref<16x128xf32, #tpu.memory_space<vmem>>, vector<1x16xf32>,
        %swap3A_880 = vector.shape_cast %swap3A_879 : vector<1x16xf32> to vector<16xf32>
        %swap3A_881 = vector.shape_cast %broadcast_in_dim3A_3 : vector<16xf32> to vector<1x16xf32>
        tpu.vector_store %arg19[%swap3A_877, %swap3A_878], %swap3A_881 {strides = array<i32>} : memref<16x128xf32, #tpu.memory_space<vmem>>, vector<1x16xf32>,
        %swap3A_882 = arith.index_cast %scan3A_393 : i32 to index
        %swap3A_883 = arith.constant 112 : index
        %swap3A_884 = tpu.vector_load %arg19[%swap3A_882, %swap3A_883] {strides = array<i32>} : memref<16x128xf32, #tpu.memory_space<vmem>>, vector<1x16xf32>,
        %swap3A_885 = vector.shape_cast %swap3A_884 : vector<1x16xf32> to vector<16xf32>
        %swap3A_886 = vector.shape_cast %broadcast_in_dim3A_3 : vector<16xf32> to vector<1x16xf32>
        tpu.vector_store %arg19[%swap3A_882, %swap3A_883], %swap3A_886 {strides = array<i32>} : memref<16x128xf32, #tpu.memory_space<vmem>>, vector<1x16xf32>,
        %scan3A_887 = arith.constant 0 : i32
        scf.yield %scan3A_887 : i32
      }
      %scan3A_369 = arith.constant 16 : i32
      %mul3A_370 = arith.constant 512 : i32
      %mul3A_371 = arith.muli %add3A, %mul3A_370 : i32
      %mul3A_372 = arith.constant 16 : i32
      %mul3A_373 = arith.muli %add3A_362, %mul3A_372 : i32
      %add3A_374 = arith.addi %mul3A_371, %mul3A_373 : i32
      %multiple_of3A_375 = tpu.assume_multiple %add3A_374, 16 : i32
      %dma_start3A_376 = arith.constant 0 : i32
      %dma_start3A_377 = tpu.memref_slice %arg4[%multiple_of3A_375, %dma_start3A_376] : memref<16384x128xf32, #tpu.memory_space<hbm>> -> memref<16x128xf32, #tpu.memory_space<hbm>>
      %dma_start3A_378 = arith.constant 0 : i32
      %dma_start3A_379 = tpu.memref_slice %arg4[%multiple_of3A_375, %dma_start3A_378] : memref<16384x128xf32, #tpu.memory_space<hbm>> -> memref<16x128xf32, #tpu.memory_space<hbm>>
      tpu.enqueue_dma source(%arg16 : memref<16x128xf32, #tpu.memory_space<vmem>>) target(%dma_start3A_379 : memref<16x128xf32, #tpu.memory_space<hbm>>) target_semaphore(%arg24 : memref<!tpu.dma_semaphore, #tpu.memory_space<semaphore_mem>>)
      %dma_start3A_380 = arith.constant 0 : i32
      %dma_start3A_381 = tpu.memref_slice %arg5[%multiple_of3A_375, %dma_start3A_380] : memref<16384x128xf32, #tpu.memory_space<hbm>> -> memref<16x128xf32, #tpu.memory_space<hbm>>
      %dma_start3A_382 = arith.constant 0 : i32
      %dma_start3A_383 = tpu.memref_slice %arg5[%multiple_of3A_375, %dma_start3A_382] : memref<16384x128xf32, #tpu.memory_space<hbm>> -> memref<16x128xf32, #tpu.memory_space<hbm>>
      tpu.enqueue_dma source(%arg17 : memref<16x128xf32, #tpu.memory_space<vmem>>) target(%dma_start3A_383 : memref<16x128xf32, #tpu.memory_space<hbm>>) target_semaphore(%arg24 : memref<!tpu.dma_semaphore, #tpu.memory_space<semaphore_mem>>)
      %dma_start3A_384 = arith.constant 0 : i32
      %dma_start3A_385 = tpu.memref_slice %arg6[%multiple_of3A_375, %dma_start3A_384] : memref<16384x128xf32, #tpu.memory_space<hbm>> -> memref<16x128xf32, #tpu.memory_space<hbm>>
      %dma_start3A_386 = arith.constant 0 : i32
      %dma_start3A_387 = tpu.memref_slice %arg6[%multiple_of3A_375, %dma_start3A_386] : memref<16384x128xf32, #tpu.memory_space<hbm>> -> memref<16x128xf32, #tpu.memory_space<hbm>>
      tpu.enqueue_dma source(%arg18 : memref<16x128xf32, #tpu.memory_space<vmem>>) target(%dma_start3A_387 : memref<16x128xf32, #tpu.memory_space<hbm>>) target_semaphore(%arg24 : memref<!tpu.dma_semaphore, #tpu.memory_space<semaphore_mem>>)
      %dma_start3A_388 = arith.constant 0 : i32
      %dma_start3A_389 = tpu.memref_slice %arg7[%multiple_of3A_375, %dma_start3A_388] : memref<16384x128xf32, #tpu.memory_space<hbm>> -> memref<16x128xf32, #tpu.memory_space<hbm>>
      %dma_start3A_390 = arith.constant 0 : i32
      %dma_start3A_391 = tpu.memref_slice %arg7[%multiple_of3A_375, %dma_start3A_390] : memref<16384x128xf32, #tpu.memory_space<hbm>> -> memref<16x128xf32, #tpu.memory_space<hbm>>
      tpu.enqueue_dma source(%arg19 : memref<16x128xf32, #tpu.memory_space<vmem>>) target(%dma_start3A_391 : memref<16x128xf32, #tpu.memory_space<hbm>>) target_semaphore(%arg24 : memref<!tpu.dma_semaphore, #tpu.memory_space<semaphore_mem>>)
      %scan3A_392 = arith.constant 0 : i32
      scf.yield %scan3A_392 : i32
    }
    %scan3A_80 = arith.constant 16 : i32
    %dma_wait3A = arith.constant 0 : i32
    %dma_wait3A_81 = arith.constant 0 : i32
    %dma_wait3A_82 = tpu.memref_slice %arg4[%dma_wait3A, %dma_wait3A_81] : memref<16384x128xf32, #tpu.memory_space<hbm>> -> memref<16x128xf32, #tpu.memory_space<hbm>>
    %dma_wait3A_83 = arith.constant 0 : i32
    %dma_wait3A_84 = arith.constant 0 : i32
    %dma_wait3A_85 = tpu.memref_slice %arg4[%dma_wait3A_83, %dma_wait3A_84] : memref<16384x128xf32, #tpu.memory_space<hbm>> -> memref<16x128xf32, #tpu.memory_space<hbm>>
    tpu.wait_dma2 semaphore(%arg23 : memref<!tpu.dma_semaphore, #tpu.memory_space<semaphore_mem>>) src(%arg12 : memref<16x128xf32, #tpu.memory_space<vmem>>) dst(%dma_wait3A_85 : memref<16x128xf32, #tpu.memory_space<hbm>>)
    %dma_wait3A_86 = arith.constant 0 : i32
    %dma_wait3A_87 = arith.constant 0 : i32
    %dma_wait3A_88 = tpu.memref_slice %arg5[%dma_wait3A_86, %dma_wait3A_87] : memref<16384x128xf32, #tpu.memory_space<hbm>> -> memref<16x128xf32, #tpu.memory_space<hbm>>
    %dma_wait3A_89 = arith.constant 0 : i32
    %dma_wait3A_90 = arith.constant 0 : i32
    %dma_wait3A_91 = tpu.memref_slice %arg5[%dma_wait3A_89, %dma_wait3A_90] : memref<16384x128xf32, #tpu.memory_space<hbm>> -> memref<16x128xf32, #tpu.memory_space<hbm>>
    tpu.wait_dma2 semaphore(%arg23 : memref<!tpu.dma_semaphore, #tpu.memory_space<semaphore_mem>>) src(%arg13 : memref<16x128xf32, #tpu.memory_space<vmem>>) dst(%dma_wait3A_91 : memref<16x128xf32, #tpu.memory_space<hbm>>)
    %dma_wait3A_92 = arith.constant 0 : i32
    %dma_wait3A_93 = arith.constant 0 : i32
    %dma_wait3A_94 = tpu.memref_slice %arg6[%dma_wait3A_92, %dma_wait3A_93] : memref<16384x128xf32, #tpu.memory_space<hbm>> -> memref<16x128xf32, #tpu.memory_space<hbm>>
    %dma_wait3A_95 = arith.constant 0 : i32
    %dma_wait3A_96 = arith.constant 0 : i32
    %dma_wait3A_97 = tpu.memref_slice %arg6[%dma_wait3A_95, %dma_wait3A_96] : memref<16384x128xf32, #tpu.memory_space<hbm>> -> memref<16x128xf32, #tpu.memory_space<hbm>>
    tpu.wait_dma2 semaphore(%arg23 : memref<!tpu.dma_semaphore, #tpu.memory_space<semaphore_mem>>) src(%arg14 : memref<16x128xf32, #tpu.memory_space<vmem>>) dst(%dma_wait3A_97 : memref<16x128xf32, #tpu.memory_space<hbm>>)
    %dma_wait3A_98 = arith.constant 0 : i32
    %dma_wait3A_99 = arith.constant 0 : i32
    %dma_wait3A_100 = tpu.memref_slice %arg7[%dma_wait3A_98, %dma_wait3A_99] : memref<16384x128xf32, #tpu.memory_space<hbm>> -> memref<16x128xf32, #tpu.memory_space<hbm>>
    %dma_wait3A_101 = arith.constant 0 : i32
    %dma_wait3A_102 = arith.constant 0 : i32
    %dma_wait3A_103 = tpu.memref_slice %arg7[%dma_wait3A_101, %dma_wait3A_102] : memref<16384x128xf32, #tpu.memory_space<hbm>> -> memref<16x128xf32, #tpu.memory_space<hbm>>
    tpu.wait_dma2 semaphore(%arg23 : memref<!tpu.dma_semaphore, #tpu.memory_space<semaphore_mem>>) src(%arg15 : memref<16x128xf32, #tpu.memory_space<vmem>>) dst(%dma_wait3A_103 : memref<16x128xf32, #tpu.memory_space<hbm>>)
    %dma_wait3A_104 = arith.constant 0 : i32
    %dma_wait3A_105 = arith.constant 0 : i32
    %dma_wait3A_106 = tpu.memref_slice %arg4[%dma_wait3A_104, %dma_wait3A_105] : memref<16384x128xf32, #tpu.memory_space<hbm>> -> memref<16x128xf32, #tpu.memory_space<hbm>>
    %dma_wait3A_107 = arith.constant 0 : i32
    %dma_wait3A_108 = arith.constant 0 : i32
    %dma_wait3A_109 = tpu.memref_slice %arg4[%dma_wait3A_107, %dma_wait3A_108] : memref<16384x128xf32, #tpu.memory_space<hbm>> -> memref<16x128xf32, #tpu.memory_space<hbm>>
    tpu.wait_dma2 semaphore(%arg24 : memref<!tpu.dma_semaphore, #tpu.memory_space<semaphore_mem>>) src(%arg16 : memref<16x128xf32, #tpu.memory_space<vmem>>) dst(%dma_wait3A_109 : memref<16x128xf32, #tpu.memory_space<hbm>>)
    %dma_wait3A_110 = arith.constant 0 : i32
    %dma_wait3A_111 = arith.constant 0 : i32
    %dma_wait3A_112 = tpu.memref_slice %arg5[%dma_wait3A_110, %dma_wait3A_111] : memref<16384x128xf32, #tpu.memory_space<hbm>> -> memref<16x128xf32, #tpu.memory_space<hbm>>
    %dma_wait3A_113 = arith.constant 0 : i32
    %dma_wait3A_114 = arith.constant 0 : i32
    %dma_wait3A_115 = tpu.memref_slice %arg5[%dma_wait3A_113, %dma_wait3A_114] : memref<16384x128xf32, #tpu.memory_space<hbm>> -> memref<16x128xf32, #tpu.memory_space<hbm>>
    tpu.wait_dma2 semaphore(%arg24 : memref<!tpu.dma_semaphore, #tpu.memory_space<semaphore_mem>>) src(%arg17 : memref<16x128xf32, #tpu.memory_space<vmem>>) dst(%dma_wait3A_115 : memref<16x128xf32, #tpu.memory_space<hbm>>)
    %dma_wait3A_116 = arith.constant 0 : i32
    %dma_wait3A_117 = arith.constant 0 : i32
    %dma_wait3A_118 = tpu.memref_slice %arg6[%dma_wait3A_116, %dma_wait3A_117] : memref<16384x128xf32, #tpu.memory_space<hbm>> -> memref<16x128xf32, #tpu.memory_space<hbm>>
    %dma_wait3A_119 = arith.constant 0 : i32
    %dma_wait3A_120 = arith.constant 0 : i32
    %dma_wait3A_121 = tpu.memref_slice %arg6[%dma_wait3A_119, %dma_wait3A_120] : memref<16384x128xf32, #tpu.memory_space<hbm>> -> memref<16x128xf32, #tpu.memory_space<hbm>>
    tpu.wait_dma2 semaphore(%arg24 : memref<!tpu.dma_semaphore, #tpu.memory_space<semaphore_mem>>) src(%arg18 : memref<16x128xf32, #tpu.memory_space<vmem>>) dst(%dma_wait3A_121 : memref<16x128xf32, #tpu.memory_space<hbm>>)
    %dma_wait3A_122 = arith.constant 0 : i32
    %dma_wait3A_123 = arith.constant 0 : i32
    %dma_wait3A_124 = tpu.memref_slice %arg7[%dma_wait3A_122, %dma_wait3A_123] : memref<16384x128xf32, #tpu.memory_space<hbm>> -> memref<16x128xf32, #tpu.memory_space<hbm>>
    %dma_wait3A_125 = arith.constant 0 : i32
    %dma_wait3A_126 = arith.constant 0 : i32
    %dma_wait3A_127 = tpu.memref_slice %arg7[%dma_wait3A_125, %dma_wait3A_126] : memref<16384x128xf32, #tpu.memory_space<hbm>> -> memref<16x128xf32, #tpu.memory_space<hbm>>
    tpu.wait_dma2 semaphore(%arg24 : memref<!tpu.dma_semaphore, #tpu.memory_space<semaphore_mem>>) src(%arg19 : memref<16x128xf32, #tpu.memory_space<vmem>>) dst(%dma_wait3A_127 : memref<16x128xf32, #tpu.memory_space<hbm>>)
    return
  }
}

#map = affine_map<(d0, d1) -> (0, 0)>
#map1 = affine_map<(d0, d1) -> (0)>
module attributes {stable_mosaic.version = 14 : i64} {
  func.func @body(%arg0: i32, %arg1: i32, %arg2: memref<1003520x16xf32, #tpu.memory_space<hbm>>, %arg3: memref<983040xi32, #tpu.memory_space<hbm>>, %arg4: memref<16384x128xf32, #tpu.memory_space<hbm>>, %arg5: memref<16384x128xf32, #tpu.memory_space<hbm>>, %arg6: memref<960xi32, #tpu.memory_space<vmem>>, %arg7: memref<960xi32, #tpu.memory_space<vmem>>, %arg8: memref<960x16xf32, #tpu.memory_space<vmem>>, %arg9: memref<960x16xf32, #tpu.memory_space<vmem>>, %arg10: memref<16x128xf32, #tpu.memory_space<vmem>>, %arg11: memref<16x128xf32, #tpu.memory_space<vmem>>, %arg12: memref<16x128xf32, #tpu.memory_space<vmem>>, %arg13: memref<16x128xf32, #tpu.memory_space<vmem>>, %arg14: memref<!tpu.dma_semaphore, #tpu.memory_space<semaphore_mem>>, %arg15: memref<!tpu.dma_semaphore, #tpu.memory_space<semaphore_mem>>, %arg16: memref<!tpu.dma_semaphore, #tpu.memory_space<semaphore_mem>>, %arg17: memref<!tpu.dma_semaphore, #tpu.memory_space<semaphore_mem>>, %arg18: memref<!tpu.dma_semaphore, #tpu.memory_space<semaphore_mem>>) attributes {dimension_semantics = [#tpu.dimension_semantics<core_parallel>, #tpu.dimension_semantics<subcore_parallel>], iteration_bounds = array<i64: 2, 16>, scalar_prefetch = 0 : i64, scratch_operands = 13 : i64, tpu.core_type = #tpu.core_type<sc_vector_subcore>, window_params = [{transform_indices = #map}, {transform_indices = #map1}, {transform_indices = #map}, {transform_indices = #map}]} {
    %mul3A = arith.constant 2 : i32
    %mul3A_0 = arith.muli %arg1, %mul3A : i32
    %add3A = arith.addi %mul3A_0, %arg0 : i32
    %mul3A_1 = arith.constant 32 : i32
    %mul3A_2 = arith.muli %add3A, %mul3A_1 : i32
    %broadcast_in_dim3A = arith.constant 0.000000e+00 : f32
    %broadcast_in_dim3A_3 = vector.broadcast %broadcast_in_dim3A : f32 to vector<16xf32>
    %mul3A_4 = arith.constant 960 : i32
    %mul3A_5 = arith.muli %mul3A_2, %mul3A_4 : i32
    %multiple_of3A = tpu.assume_multiple %mul3A_5, 8 : i32
    "tpu.region"() ({
      %run_scoped3A = tpu.sem_alloc : memref<!tpu.dma_semaphore, #tpu.memory_space<semaphore_mem>>
      %dma_start3A_120 = tpu.memref_slice %arg3[%multiple_of3A] : memref<983040xi32, #tpu.memory_space<hbm>> -> memref<960xi32, #tpu.memory_space<hbm>>
      %dma_start3A_121 = tpu.memref_slice %arg3[%multiple_of3A] : memref<983040xi32, #tpu.memory_space<hbm>> -> memref<960xi32, #tpu.memory_space<hbm>>
      tpu.enqueue_dma source(%dma_start3A_121 : memref<960xi32, #tpu.memory_space<hbm>>) target(%arg6 : memref<960xi32, #tpu.memory_space<vmem>>) target_semaphore(%run_scoped3A : memref<!tpu.dma_semaphore, #tpu.memory_space<semaphore_mem>>)
      %dma_wait3A_122 = tpu.memref_slice %arg3[%multiple_of3A] : memref<983040xi32, #tpu.memory_space<hbm>> -> memref<960xi32, #tpu.memory_space<hbm>>
      %dma_wait3A_123 = tpu.memref_slice %arg3[%multiple_of3A] : memref<983040xi32, #tpu.memory_space<hbm>> -> memref<960xi32, #tpu.memory_space<hbm>>
      tpu.wait_dma2 semaphore(%run_scoped3A : memref<!tpu.dma_semaphore, #tpu.memory_space<semaphore_mem>>) src(%dma_wait3A_123 : memref<960xi32, #tpu.memory_space<hbm>>) dst(%arg6 : memref<960xi32, #tpu.memory_space<vmem>>)
      tpu.yield
    }) : () -> ()
    %scan3A = arith.constant 0 : i32
    %scan3A_6 = arith.constant 0 : i32
    %scan3A_7 = arith.constant 60 : i32
    %scan3A_8 = arith.addi %scan3A_6, %scan3A_7 : i32
    %scan3A_9 = arith.constant 1 : i32
    %scan3A_10 = scf.for %scan3A_120 = %scan3A_6 to %scan3A_8 step %scan3A_9 iter_args(%scan3A_121 = %scan3A) -> (i32)  : i32 {
      %mul3A_122 = arith.constant 16 : i32
      %mul3A_123 = arith.muli %scan3A_120, %mul3A_122 : i32
      %get3A = arith.index_cast %mul3A_123 : i32 to index
      %get3A_124 = tpu.vector_load %arg6[%get3A] {strides = array<i32>} : memref<960xi32, #tpu.memory_space<vmem>>, vector<16xi32>,
      %get3A_125 = vector.shape_cast %get3A_124 : vector<16xi32> to vector<16xi32>
      %and3A = arith.constant -4096 : i32
      %and3A_126 = vector.broadcast %and3A : i32 to vector<16xi32>
      %and3A_127 = arith.andi %get3A_125, %and3A_126 : vector<16xi32>
      %and3A_128 = arith.constant 511 : i32
      %and3A_129 = vector.broadcast %and3A_128 : i32 to vector<16xi32>
      %and3A_130 = arith.andi %get3A_125, %and3A_129 : vector<16xi32>
      %shift_left3A = arith.constant 3 : i32
      %shift_left3A_131 = vector.broadcast %shift_left3A : i32 to vector<16xi32>
      %shift_left3A_132 = arith.shli %and3A_130, %shift_left3A_131 : vector<16xi32>
      %or3A = arith.ori %and3A_127, %shift_left3A_132 : vector<16xi32>
      %shift_right_arithmetic3A = arith.constant 9 : i32
      %shift_right_arithmetic3A_133 = vector.broadcast %shift_right_arithmetic3A : i32 to vector<16xi32>
      %shift_right_arithmetic3A_134 = arith.shrsi %get3A_125, %shift_right_arithmetic3A_133 : vector<16xi32>
      %and3A_135 = arith.constant 7 : i32
      %and3A_136 = vector.broadcast %and3A_135 : i32 to vector<16xi32>
      %and3A_137 = arith.andi %shift_right_arithmetic3A_134, %and3A_136 : vector<16xi32>
      %or3A_138 = arith.ori %or3A, %and3A_137 : vector<16xi32>
      %mul3A_139 = arith.constant 16 : i32
      %mul3A_140 = arith.muli %scan3A_120, %mul3A_139 : i32
      %swap3A = arith.index_cast %mul3A_140 : i32 to index
      %swap3A_141 = tpu.vector_load %arg6[%swap3A] {strides = array<i32>} : memref<960xi32, #tpu.memory_space<vmem>>, vector<16xi32>,
      %swap3A_142 = vector.shape_cast %swap3A_141 : vector<16xi32> to vector<16xi32>
      %swap3A_143 = vector.shape_cast %or3A_138 : vector<16xi32> to vector<16xi32>
      tpu.vector_store %arg6[%swap3A], %swap3A_143 {strides = array<i32>} : memref<960xi32, #tpu.memory_space<vmem>>, vector<16xi32>,
      %scan3A_144 = arith.constant 0 : i32
      scf.yield %scan3A_144 : i32
    }
    %scan3A_11 = arith.constant 60 : i32
    %dma_start3A = arith.constant 0 : i32
    %dma_start3A_12 = arith.constant 0 : i32
    %dma_start3A_13 = tpu.memref_slice %arg8[%dma_start3A, %dma_start3A_12] : memref<960x16xf32, #tpu.memory_space<vmem>> -> memref<128x16xf32, #tpu.memory_space<vmem>>
    %dma_start3A_14 = arith.constant 0 : i32
    %dma_start3A_15 = tpu.memref_slice %arg6[%dma_start3A_14] : memref<960xi32, #tpu.memory_space<vmem>> -> memref<128xi32, #tpu.memory_space<vmem>>
    %dma_start3A_16 = arith.constant 0 : i32
    %dma_start3A_17 = arith.constant 0 : i32
    %dma_start3A_18 = tpu.memref_slice %arg2[%dma_start3A_16, %dma_start3A_17] : memref<1003520x16xf32, #tpu.memory_space<hbm>> -> memref<1003520x16xf32, #tpu.memory_space<hbm>>
    tpu.enqueue_indirect_dma source(%dma_start3A_18 : memref<1003520x16xf32, #tpu.memory_space<hbm>>) target(%dma_start3A_13 : memref<128x16xf32, #tpu.memory_space<vmem>>) offsets(%dma_start3A_15 : memref<128xi32, #tpu.memory_space<vmem>>) semaphore(%arg14 : memref<!tpu.dma_semaphore, #tpu.memory_space<semaphore_mem>>)
    %dma_start3A_19 = arith.constant 128 : i32
    %dma_start3A_20 = arith.constant 0 : i32
    %dma_start3A_21 = tpu.memref_slice %arg8[%dma_start3A_19, %dma_start3A_20] : memref<960x16xf32, #tpu.memory_space<vmem>> -> memref<32x16xf32, #tpu.memory_space<vmem>>
    %dma_start3A_22 = arith.constant 128 : i32
    %dma_start3A_23 = tpu.memref_slice %arg6[%dma_start3A_22] : memref<960xi32, #tpu.memory_space<vmem>> -> memref<32xi32, #tpu.memory_space<vmem>>
    %dma_start3A_24 = arith.constant 0 : i32
    %dma_start3A_25 = arith.constant 0 : i32
    %dma_start3A_26 = tpu.memref_slice %arg2[%dma_start3A_24, %dma_start3A_25] : memref<1003520x16xf32, #tpu.memory_space<hbm>> -> memref<1003520x16xf32, #tpu.memory_space<hbm>>
    tpu.enqueue_indirect_dma source(%dma_start3A_26 : memref<1003520x16xf32, #tpu.memory_space<hbm>>) target(%dma_start3A_21 : memref<32x16xf32, #tpu.memory_space<vmem>>) offsets(%dma_start3A_23 : memref<32xi32, #tpu.memory_space<vmem>>) semaphore(%arg14 : memref<!tpu.dma_semaphore, #tpu.memory_space<semaphore_mem>>)
    %dma_start3A_27 = arith.constant 160 : i32
    %dma_start3A_28 = arith.constant 0 : i32
    %dma_start3A_29 = tpu.memref_slice %arg8[%dma_start3A_27, %dma_start3A_28] : memref<960x16xf32, #tpu.memory_space<vmem>> -> memref<128x16xf32, #tpu.memory_space<vmem>>
    %dma_start3A_30 = arith.constant 160 : i32
    %dma_start3A_31 = tpu.memref_slice %arg6[%dma_start3A_30] : memref<960xi32, #tpu.memory_space<vmem>> -> memref<128xi32, #tpu.memory_space<vmem>>
    %dma_start3A_32 = arith.constant 0 : i32
    %dma_start3A_33 = arith.constant 0 : i32
    %dma_start3A_34 = tpu.memref_slice %arg2[%dma_start3A_32, %dma_start3A_33] : memref<1003520x16xf32, #tpu.memory_space<hbm>> -> memref<1003520x16xf32, #tpu.memory_space<hbm>>
    tpu.enqueue_indirect_dma source(%dma_start3A_34 : memref<1003520x16xf32, #tpu.memory_space<hbm>>) target(%dma_start3A_29 : memref<128x16xf32, #tpu.memory_space<vmem>>) offsets(%dma_start3A_31 : memref<128xi32, #tpu.memory_space<vmem>>) semaphore(%arg14 : memref<!tpu.dma_semaphore, #tpu.memory_space<semaphore_mem>>)
    %dma_start3A_35 = arith.constant 288 : i32
    %dma_start3A_36 = arith.constant 0 : i32
    %dma_start3A_37 = tpu.memref_slice %arg8[%dma_start3A_35, %dma_start3A_36] : memref<960x16xf32, #tpu.memory_space<vmem>> -> memref<128x16xf32, #tpu.memory_space<vmem>>
    %dma_start3A_38 = arith.constant 288 : i32
    %dma_start3A_39 = tpu.memref_slice %arg6[%dma_start3A_38] : memref<960xi32, #tpu.memory_space<vmem>> -> memref<128xi32, #tpu.memory_space<vmem>>
    %dma_start3A_40 = arith.constant 0 : i32
    %dma_start3A_41 = arith.constant 0 : i32
    %dma_start3A_42 = tpu.memref_slice %arg2[%dma_start3A_40, %dma_start3A_41] : memref<1003520x16xf32, #tpu.memory_space<hbm>> -> memref<1003520x16xf32, #tpu.memory_space<hbm>>
    tpu.enqueue_indirect_dma source(%dma_start3A_42 : memref<1003520x16xf32, #tpu.memory_space<hbm>>) target(%dma_start3A_37 : memref<128x16xf32, #tpu.memory_space<vmem>>) offsets(%dma_start3A_39 : memref<128xi32, #tpu.memory_space<vmem>>) semaphore(%arg14 : memref<!tpu.dma_semaphore, #tpu.memory_space<semaphore_mem>>)
    %dma_start3A_43 = arith.constant 416 : i32
    %dma_start3A_44 = arith.constant 0 : i32
    %dma_start3A_45 = tpu.memref_slice %arg8[%dma_start3A_43, %dma_start3A_44] : memref<960x16xf32, #tpu.memory_space<vmem>> -> memref<128x16xf32, #tpu.memory_space<vmem>>
    %dma_start3A_46 = arith.constant 416 : i32
    %dma_start3A_47 = tpu.memref_slice %arg6[%dma_start3A_46] : memref<960xi32, #tpu.memory_space<vmem>> -> memref<128xi32, #tpu.memory_space<vmem>>
    %dma_start3A_48 = arith.constant 0 : i32
    %dma_start3A_49 = arith.constant 0 : i32
    %dma_start3A_50 = tpu.memref_slice %arg2[%dma_start3A_48, %dma_start3A_49] : memref<1003520x16xf32, #tpu.memory_space<hbm>> -> memref<1003520x16xf32, #tpu.memory_space<hbm>>
    tpu.enqueue_indirect_dma source(%dma_start3A_50 : memref<1003520x16xf32, #tpu.memory_space<hbm>>) target(%dma_start3A_45 : memref<128x16xf32, #tpu.memory_space<vmem>>) offsets(%dma_start3A_47 : memref<128xi32, #tpu.memory_space<vmem>>) semaphore(%arg14 : memref<!tpu.dma_semaphore, #tpu.memory_space<semaphore_mem>>)
    %dma_start3A_51 = arith.constant 544 : i32
    %dma_start3A_52 = arith.constant 0 : i32
    %dma_start3A_53 = tpu.memref_slice %arg8[%dma_start3A_51, %dma_start3A_52] : memref<960x16xf32, #tpu.memory_space<vmem>> -> memref<128x16xf32, #tpu.memory_space<vmem>>
    %dma_start3A_54 = arith.constant 544 : i32
    %dma_start3A_55 = tpu.memref_slice %arg6[%dma_start3A_54] : memref<960xi32, #tpu.memory_space<vmem>> -> memref<128xi32, #tpu.memory_space<vmem>>
    %dma_start3A_56 = arith.constant 0 : i32
    %dma_start3A_57 = arith.constant 0 : i32
    %dma_start3A_58 = tpu.memref_slice %arg2[%dma_start3A_56, %dma_start3A_57] : memref<1003520x16xf32, #tpu.memory_space<hbm>> -> memref<1003520x16xf32, #tpu.memory_space<hbm>>
    tpu.enqueue_indirect_dma source(%dma_start3A_58 : memref<1003520x16xf32, #tpu.memory_space<hbm>>) target(%dma_start3A_53 : memref<128x16xf32, #tpu.memory_space<vmem>>) offsets(%dma_start3A_55 : memref<128xi32, #tpu.memory_space<vmem>>) semaphore(%arg14 : memref<!tpu.dma_semaphore, #tpu.memory_space<semaphore_mem>>)
    %dma_start3A_59 = arith.constant 672 : i32
    %dma_start3A_60 = arith.constant 0 : i32
    %dma_start3A_61 = tpu.memref_slice %arg8[%dma_start3A_59, %dma_start3A_60] : memref<960x16xf32, #tpu.memory_space<vmem>> -> memref<128x16xf32, #tpu.memory_space<vmem>>
    %dma_start3A_62 = arith.constant 672 : i32
    %dma_start3A_63 = tpu.memref_slice %arg6[%dma_start3A_62] : memref<960xi32, #tpu.memory_space<vmem>> -> memref<128xi32, #tpu.memory_space<vmem>>
    %dma_start3A_64 = arith.constant 0 : i32
    %dma_start3A_65 = arith.constant 0 : i32
    %dma_start3A_66 = tpu.memref_slice %arg2[%dma_start3A_64, %dma_start3A_65] : memref<1003520x16xf32, #tpu.memory_space<hbm>> -> memref<1003520x16xf32, #tpu.memory_space<hbm>>
    tpu.enqueue_indirect_dma source(%dma_start3A_66 : memref<1003520x16xf32, #tpu.memory_space<hbm>>) target(%dma_start3A_61 : memref<128x16xf32, #tpu.memory_space<vmem>>) offsets(%dma_start3A_63 : memref<128xi32, #tpu.memory_space<vmem>>) semaphore(%arg14 : memref<!tpu.dma_semaphore, #tpu.memory_space<semaphore_mem>>)
    %dma_start3A_67 = arith.constant 800 : i32
    %dma_start3A_68 = arith.constant 0 : i32
    %dma_start3A_69 = tpu.memref_slice %arg8[%dma_start3A_67, %dma_start3A_68] : memref<960x16xf32, #tpu.memory_space<vmem>> -> memref<128x16xf32, #tpu.memory_space<vmem>>
    %dma_start3A_70 = arith.constant 800 : i32
    %dma_start3A_71 = tpu.memref_slice %arg6[%dma_start3A_70] : memref<960xi32, #tpu.memory_space<vmem>> -> memref<128xi32, #tpu.memory_space<vmem>>
    %dma_start3A_72 = arith.constant 0 : i32
    %dma_start3A_73 = arith.constant 0 : i32
    %dma_start3A_74 = tpu.memref_slice %arg2[%dma_start3A_72, %dma_start3A_73] : memref<1003520x16xf32, #tpu.memory_space<hbm>> -> memref<1003520x16xf32, #tpu.memory_space<hbm>>
    tpu.enqueue_indirect_dma source(%dma_start3A_74 : memref<1003520x16xf32, #tpu.memory_space<hbm>>) target(%dma_start3A_69 : memref<128x16xf32, #tpu.memory_space<vmem>>) offsets(%dma_start3A_71 : memref<128xi32, #tpu.memory_space<vmem>>) semaphore(%arg14 : memref<!tpu.dma_semaphore, #tpu.memory_space<semaphore_mem>>)
    %dma_start3A_75 = arith.constant 928 : i32
    %dma_start3A_76 = arith.constant 0 : i32
    %dma_start3A_77 = tpu.memref_slice %arg8[%dma_start3A_75, %dma_start3A_76] : memref<960x16xf32, #tpu.memory_space<vmem>> -> memref<32x16xf32, #tpu.memory_space<vmem>>
    %dma_start3A_78 = arith.constant 928 : i32
    %dma_start3A_79 = tpu.memref_slice %arg6[%dma_start3A_78] : memref<960xi32, #tpu.memory_space<vmem>> -> memref<32xi32, #tpu.memory_space<vmem>>
    %dma_start3A_80 = arith.constant 0 : i32
    %dma_start3A_81 = arith.constant 0 : i32
    %dma_start3A_82 = tpu.memref_slice %arg2[%dma_start3A_80, %dma_start3A_81] : memref<1003520x16xf32, #tpu.memory_space<hbm>> -> memref<1003520x16xf32, #tpu.memory_space<hbm>>
    tpu.enqueue_indirect_dma source(%dma_start3A_82 : memref<1003520x16xf32, #tpu.memory_space<hbm>>) target(%dma_start3A_77 : memref<32x16xf32, #tpu.memory_space<vmem>>) offsets(%dma_start3A_79 : memref<32xi32, #tpu.memory_space<vmem>>) semaphore(%arg14 : memref<!tpu.dma_semaphore, #tpu.memory_space<semaphore_mem>>)
    %add3A_83 = arith.constant 1 : i32
    %add3A_84 = arith.addi %mul3A_2, %add3A_83 : i32
    %mul3A_85 = arith.constant 960 : i32
    %mul3A_86 = arith.muli %add3A_84, %mul3A_85 : i32
    %multiple_of3A_87 = tpu.assume_multiple %mul3A_86, 8 : i32
    %dma_start3A_88 = tpu.memref_slice %arg3[%multiple_of3A_87] : memref<983040xi32, #tpu.memory_space<hbm>> -> memref<960xi32, #tpu.memory_space<hbm>>
    %dma_start3A_89 = tpu.memref_slice %arg3[%multiple_of3A_87] : memref<983040xi32, #tpu.memory_space<hbm>> -> memref<960xi32, #tpu.memory_space<hbm>>
    tpu.enqueue_dma source(%dma_start3A_89 : memref<960xi32, #tpu.memory_space<hbm>>) target(%arg7 : memref<960xi32, #tpu.memory_space<vmem>>) target_semaphore(%arg16 : memref<!tpu.dma_semaphore, #tpu.memory_space<semaphore_mem>>)
    %scan3A_90 = arith.constant 0 : i32
    %scan3A_91 = arith.constant 0 : i32
    %scan3A_92 = arith.constant 16 : i32
    %scan3A_93 = arith.addi %scan3A_91, %scan3A_92 : i32
    %scan3A_94 = arith.constant 1 : i32
    %scan3A_95 = scf.for %scan3A_120 = %scan3A_91 to %scan3A_93 step %scan3A_94 iter_args(%scan3A_121 = %scan3A_90) -> (i32)  : i32 {
      %mul3A_122 = arith.constant 2 : i32
      %mul3A_123 = arith.muli %mul3A_122, %scan3A_120 : i32
      %dma_wait3A_124 = arith.constant 0 : i32
      %dma_wait3A_125 = tpu.memref_slice %arg3[%dma_wait3A_124] : memref<983040xi32, #tpu.memory_space<hbm>> -> memref<960xi32, #tpu.memory_space<hbm>>
      %dma_wait3A_126 = arith.constant 0 : i32
      %dma_wait3A_127 = tpu.memref_slice %arg3[%dma_wait3A_126] : memref<983040xi32, #tpu.memory_space<hbm>> -> memref<960xi32, #tpu.memory_space<hbm>>
      tpu.wait_dma2 semaphore(%arg16 : memref<!tpu.dma_semaphore, #tpu.memory_space<semaphore_mem>>) src(%dma_wait3A_127 : memref<960xi32, #tpu.memory_space<hbm>>) dst(%arg7 : memref<960xi32, #tpu.memory_space<vmem>>)
      %scan3A_128 = arith.constant 0 : i32
      %scan3A_129 = arith.constant 0 : i32
      %scan3A_130 = arith.constant 60 : i32
      %scan3A_131 = arith.addi %scan3A_129, %scan3A_130 : i32
      %scan3A_132 = arith.constant 1 : i32
      %scan3A_133 = scf.for %scan3A_417 = %scan3A_129 to %scan3A_131 step %scan3A_132 iter_args(%scan3A_418 = %scan3A_128) -> (i32)  : i32 {
        %mul3A_419 = arith.constant 16 : i32
        %mul3A_420 = arith.muli %scan3A_417, %mul3A_419 : i32
        %get3A = arith.index_cast %mul3A_420 : i32 to index
        %get3A_421 = tpu.vector_load %arg7[%get3A] {strides = array<i32>} : memref<960xi32, #tpu.memory_space<vmem>>, vector<16xi32>,
        %get3A_422 = vector.shape_cast %get3A_421 : vector<16xi32> to vector<16xi32>
        %and3A = arith.constant -4096 : i32
        %and3A_423 = vector.broadcast %and3A : i32 to vector<16xi32>
        %and3A_424 = arith.andi %get3A_422, %and3A_423 : vector<16xi32>
        %and3A_425 = arith.constant 511 : i32
        %and3A_426 = vector.broadcast %and3A_425 : i32 to vector<16xi32>
        %and3A_427 = arith.andi %get3A_422, %and3A_426 : vector<16xi32>
        %shift_left3A = arith.constant 3 : i32
        %shift_left3A_428 = vector.broadcast %shift_left3A : i32 to vector<16xi32>
        %shift_left3A_429 = arith.shli %and3A_427, %shift_left3A_428 : vector<16xi32>
        %or3A = arith.ori %and3A_424, %shift_left3A_429 : vector<16xi32>
        %shift_right_arithmetic3A = arith.constant 9 : i32
        %shift_right_arithmetic3A_430 = vector.broadcast %shift_right_arithmetic3A : i32 to vector<16xi32>
        %shift_right_arithmetic3A_431 = arith.shrsi %get3A_422, %shift_right_arithmetic3A_430 : vector<16xi32>
        %and3A_432 = arith.constant 7 : i32
        %and3A_433 = vector.broadcast %and3A_432 : i32 to vector<16xi32>
        %and3A_434 = arith.andi %shift_right_arithmetic3A_431, %and3A_433 : vector<16xi32>
        %or3A_435 = arith.ori %or3A, %and3A_434 : vector<16xi32>
        %mul3A_436 = arith.constant 16 : i32
        %mul3A_437 = arith.muli %scan3A_417, %mul3A_436 : i32
        %swap3A = arith.index_cast %mul3A_437 : i32 to index
        %swap3A_438 = tpu.vector_load %arg7[%swap3A] {strides = array<i32>} : memref<960xi32, #tpu.memory_space<vmem>>, vector<16xi32>,
        %swap3A_439 = vector.shape_cast %swap3A_438 : vector<16xi32> to vector<16xi32>
        %swap3A_440 = vector.shape_cast %or3A_435 : vector<16xi32> to vector<16xi32>
        tpu.vector_store %arg7[%swap3A], %swap3A_440 {strides = array<i32>} : memref<960xi32, #tpu.memory_space<vmem>>, vector<16xi32>,
        %scan3A_441 = arith.constant 0 : i32
        scf.yield %scan3A_441 : i32
      }
      %scan3A_134 = arith.constant 60 : i32
      %dma_start3A_135 = arith.constant 0 : i32
      %dma_start3A_136 = arith.constant 0 : i32
      %dma_start3A_137 = tpu.memref_slice %arg9[%dma_start3A_135, %dma_start3A_136] : memref<960x16xf32, #tpu.memory_space<vmem>> -> memref<128x16xf32, #tpu.memory_space<vmem>>
      %dma_start3A_138 = arith.constant 0 : i32
      %dma_start3A_139 = tpu.memref_slice %arg7[%dma_start3A_138] : memref<960xi32, #tpu.memory_space<vmem>> -> memref<128xi32, #tpu.memory_space<vmem>>
      %dma_start3A_140 = arith.constant 0 : i32
      %dma_start3A_141 = arith.constant 0 : i32
      %dma_start3A_142 = tpu.memref_slice %arg2[%dma_start3A_140, %dma_start3A_141] : memref<1003520x16xf32, #tpu.memory_space<hbm>> -> memref<1003520x16xf32, #tpu.memory_space<hbm>>
      tpu.enqueue_indirect_dma source(%dma_start3A_142 : memref<1003520x16xf32, #tpu.memory_space<hbm>>) target(%dma_start3A_137 : memref<128x16xf32, #tpu.memory_space<vmem>>) offsets(%dma_start3A_139 : memref<128xi32, #tpu.memory_space<vmem>>) semaphore(%arg15 : memref<!tpu.dma_semaphore, #tpu.memory_space<semaphore_mem>>)
      %dma_start3A_143 = arith.constant 128 : i32
      %dma_start3A_144 = arith.constant 0 : i32
      %dma_start3A_145 = tpu.memref_slice %arg9[%dma_start3A_143, %dma_start3A_144] : memref<960x16xf32, #tpu.memory_space<vmem>> -> memref<32x16xf32, #tpu.memory_space<vmem>>
      %dma_start3A_146 = arith.constant 128 : i32
      %dma_start3A_147 = tpu.memref_slice %arg7[%dma_start3A_146] : memref<960xi32, #tpu.memory_space<vmem>> -> memref<32xi32, #tpu.memory_space<vmem>>
      %dma_start3A_148 = arith.constant 0 : i32
      %dma_start3A_149 = arith.constant 0 : i32
      %dma_start3A_150 = tpu.memref_slice %arg2[%dma_start3A_148, %dma_start3A_149] : memref<1003520x16xf32, #tpu.memory_space<hbm>> -> memref<1003520x16xf32, #tpu.memory_space<hbm>>
      tpu.enqueue_indirect_dma source(%dma_start3A_150 : memref<1003520x16xf32, #tpu.memory_space<hbm>>) target(%dma_start3A_145 : memref<32x16xf32, #tpu.memory_space<vmem>>) offsets(%dma_start3A_147 : memref<32xi32, #tpu.memory_space<vmem>>) semaphore(%arg15 : memref<!tpu.dma_semaphore, #tpu.memory_space<semaphore_mem>>)
      %dma_start3A_151 = arith.constant 160 : i32
      %dma_start3A_152 = arith.constant 0 : i32
      %dma_start3A_153 = tpu.memref_slice %arg9[%dma_start3A_151, %dma_start3A_152] : memref<960x16xf32, #tpu.memory_space<vmem>> -> memref<128x16xf32, #tpu.memory_space<vmem>>
      %dma_start3A_154 = arith.constant 160 : i32
      %dma_start3A_155 = tpu.memref_slice %arg7[%dma_start3A_154] : memref<960xi32, #tpu.memory_space<vmem>> -> memref<128xi32, #tpu.memory_space<vmem>>
      %dma_start3A_156 = arith.constant 0 : i32
      %dma_start3A_157 = arith.constant 0 : i32
      %dma_start3A_158 = tpu.memref_slice %arg2[%dma_start3A_156, %dma_start3A_157] : memref<1003520x16xf32, #tpu.memory_space<hbm>> -> memref<1003520x16xf32, #tpu.memory_space<hbm>>
      tpu.enqueue_indirect_dma source(%dma_start3A_158 : memref<1003520x16xf32, #tpu.memory_space<hbm>>) target(%dma_start3A_153 : memref<128x16xf32, #tpu.memory_space<vmem>>) offsets(%dma_start3A_155 : memref<128xi32, #tpu.memory_space<vmem>>) semaphore(%arg15 : memref<!tpu.dma_semaphore, #tpu.memory_space<semaphore_mem>>)
      %dma_start3A_159 = arith.constant 288 : i32
      %dma_start3A_160 = arith.constant 0 : i32
      %dma_start3A_161 = tpu.memref_slice %arg9[%dma_start3A_159, %dma_start3A_160] : memref<960x16xf32, #tpu.memory_space<vmem>> -> memref<128x16xf32, #tpu.memory_space<vmem>>
      %dma_start3A_162 = arith.constant 288 : i32
      %dma_start3A_163 = tpu.memref_slice %arg7[%dma_start3A_162] : memref<960xi32, #tpu.memory_space<vmem>> -> memref<128xi32, #tpu.memory_space<vmem>>
      %dma_start3A_164 = arith.constant 0 : i32
      %dma_start3A_165 = arith.constant 0 : i32
      %dma_start3A_166 = tpu.memref_slice %arg2[%dma_start3A_164, %dma_start3A_165] : memref<1003520x16xf32, #tpu.memory_space<hbm>> -> memref<1003520x16xf32, #tpu.memory_space<hbm>>
      tpu.enqueue_indirect_dma source(%dma_start3A_166 : memref<1003520x16xf32, #tpu.memory_space<hbm>>) target(%dma_start3A_161 : memref<128x16xf32, #tpu.memory_space<vmem>>) offsets(%dma_start3A_163 : memref<128xi32, #tpu.memory_space<vmem>>) semaphore(%arg15 : memref<!tpu.dma_semaphore, #tpu.memory_space<semaphore_mem>>)
      %dma_start3A_167 = arith.constant 416 : i32
      %dma_start3A_168 = arith.constant 0 : i32
      %dma_start3A_169 = tpu.memref_slice %arg9[%dma_start3A_167, %dma_start3A_168] : memref<960x16xf32, #tpu.memory_space<vmem>> -> memref<128x16xf32, #tpu.memory_space<vmem>>
      %dma_start3A_170 = arith.constant 416 : i32
      %dma_start3A_171 = tpu.memref_slice %arg7[%dma_start3A_170] : memref<960xi32, #tpu.memory_space<vmem>> -> memref<128xi32, #tpu.memory_space<vmem>>
      %dma_start3A_172 = arith.constant 0 : i32
      %dma_start3A_173 = arith.constant 0 : i32
      %dma_start3A_174 = tpu.memref_slice %arg2[%dma_start3A_172, %dma_start3A_173] : memref<1003520x16xf32, #tpu.memory_space<hbm>> -> memref<1003520x16xf32, #tpu.memory_space<hbm>>
      tpu.enqueue_indirect_dma source(%dma_start3A_174 : memref<1003520x16xf32, #tpu.memory_space<hbm>>) target(%dma_start3A_169 : memref<128x16xf32, #tpu.memory_space<vmem>>) offsets(%dma_start3A_171 : memref<128xi32, #tpu.memory_space<vmem>>) semaphore(%arg15 : memref<!tpu.dma_semaphore, #tpu.memory_space<semaphore_mem>>)
      %dma_start3A_175 = arith.constant 544 : i32
      %dma_start3A_176 = arith.constant 0 : i32
      %dma_start3A_177 = tpu.memref_slice %arg9[%dma_start3A_175, %dma_start3A_176] : memref<960x16xf32, #tpu.memory_space<vmem>> -> memref<128x16xf32, #tpu.memory_space<vmem>>
      %dma_start3A_178 = arith.constant 544 : i32
      %dma_start3A_179 = tpu.memref_slice %arg7[%dma_start3A_178] : memref<960xi32, #tpu.memory_space<vmem>> -> memref<128xi32, #tpu.memory_space<vmem>>
      %dma_start3A_180 = arith.constant 0 : i32
      %dma_start3A_181 = arith.constant 0 : i32
      %dma_start3A_182 = tpu.memref_slice %arg2[%dma_start3A_180, %dma_start3A_181] : memref<1003520x16xf32, #tpu.memory_space<hbm>> -> memref<1003520x16xf32, #tpu.memory_space<hbm>>
      tpu.enqueue_indirect_dma source(%dma_start3A_182 : memref<1003520x16xf32, #tpu.memory_space<hbm>>) target(%dma_start3A_177 : memref<128x16xf32, #tpu.memory_space<vmem>>) offsets(%dma_start3A_179 : memref<128xi32, #tpu.memory_space<vmem>>) semaphore(%arg15 : memref<!tpu.dma_semaphore, #tpu.memory_space<semaphore_mem>>)
      %dma_start3A_183 = arith.constant 672 : i32
      %dma_start3A_184 = arith.constant 0 : i32
      %dma_start3A_185 = tpu.memref_slice %arg9[%dma_start3A_183, %dma_start3A_184] : memref<960x16xf32, #tpu.memory_space<vmem>> -> memref<128x16xf32, #tpu.memory_space<vmem>>
      %dma_start3A_186 = arith.constant 672 : i32
      %dma_start3A_187 = tpu.memref_slice %arg7[%dma_start3A_186] : memref<960xi32, #tpu.memory_space<vmem>> -> memref<128xi32, #tpu.memory_space<vmem>>
      %dma_start3A_188 = arith.constant 0 : i32
      %dma_start3A_189 = arith.constant 0 : i32
      %dma_start3A_190 = tpu.memref_slice %arg2[%dma_start3A_188, %dma_start3A_189] : memref<1003520x16xf32, #tpu.memory_space<hbm>> -> memref<1003520x16xf32, #tpu.memory_space<hbm>>
      tpu.enqueue_indirect_dma source(%dma_start3A_190 : memref<1003520x16xf32, #tpu.memory_space<hbm>>) target(%dma_start3A_185 : memref<128x16xf32, #tpu.memory_space<vmem>>) offsets(%dma_start3A_187 : memref<128xi32, #tpu.memory_space<vmem>>) semaphore(%arg15 : memref<!tpu.dma_semaphore, #tpu.memory_space<semaphore_mem>>)
      %dma_start3A_191 = arith.constant 800 : i32
      %dma_start3A_192 = arith.constant 0 : i32
      %dma_start3A_193 = tpu.memref_slice %arg9[%dma_start3A_191, %dma_start3A_192] : memref<960x16xf32, #tpu.memory_space<vmem>> -> memref<128x16xf32, #tpu.memory_space<vmem>>
      %dma_start3A_194 = arith.constant 800 : i32
      %dma_start3A_195 = tpu.memref_slice %arg7[%dma_start3A_194] : memref<960xi32, #tpu.memory_space<vmem>> -> memref<128xi32, #tpu.memory_space<vmem>>
      %dma_start3A_196 = arith.constant 0 : i32
      %dma_start3A_197 = arith.constant 0 : i32
      %dma_start3A_198 = tpu.memref_slice %arg2[%dma_start3A_196, %dma_start3A_197] : memref<1003520x16xf32, #tpu.memory_space<hbm>> -> memref<1003520x16xf32, #tpu.memory_space<hbm>>
      tpu.enqueue_indirect_dma source(%dma_start3A_198 : memref<1003520x16xf32, #tpu.memory_space<hbm>>) target(%dma_start3A_193 : memref<128x16xf32, #tpu.memory_space<vmem>>) offsets(%dma_start3A_195 : memref<128xi32, #tpu.memory_space<vmem>>) semaphore(%arg15 : memref<!tpu.dma_semaphore, #tpu.memory_space<semaphore_mem>>)
      %dma_start3A_199 = arith.constant 928 : i32
      %dma_start3A_200 = arith.constant 0 : i32
      %dma_start3A_201 = tpu.memref_slice %arg9[%dma_start3A_199, %dma_start3A_200] : memref<960x16xf32, #tpu.memory_space<vmem>> -> memref<32x16xf32, #tpu.memory_space<vmem>>
      %dma_start3A_202 = arith.constant 928 : i32
      %dma_start3A_203 = tpu.memref_slice %arg7[%dma_start3A_202] : memref<960xi32, #tpu.memory_space<vmem>> -> memref<32xi32, #tpu.memory_space<vmem>>
      %dma_start3A_204 = arith.constant 0 : i32
      %dma_start3A_205 = arith.constant 0 : i32
      %dma_start3A_206 = tpu.memref_slice %arg2[%dma_start3A_204, %dma_start3A_205] : memref<1003520x16xf32, #tpu.memory_space<hbm>> -> memref<1003520x16xf32, #tpu.memory_space<hbm>>
      tpu.enqueue_indirect_dma source(%dma_start3A_206 : memref<1003520x16xf32, #tpu.memory_space<hbm>>) target(%dma_start3A_201 : memref<32x16xf32, #tpu.memory_space<vmem>>) offsets(%dma_start3A_203 : memref<32xi32, #tpu.memory_space<vmem>>) semaphore(%arg15 : memref<!tpu.dma_semaphore, #tpu.memory_space<semaphore_mem>>)
      %dma_wait3A_207 = arith.constant 0 : i32
      %dma_wait3A_208 = arith.constant 0 : i32
      %dma_wait3A_209 = tpu.memref_slice %arg8[%dma_wait3A_207, %dma_wait3A_208] : memref<960x16xf32, #tpu.memory_space<vmem>> -> memref<128x16xf32, #tpu.memory_space<vmem>>
      %dma_wait3A_210 = arith.constant 0 : i32
      %dma_wait3A_211 = tpu.memref_slice %arg6[%dma_wait3A_210] : memref<960xi32, #tpu.memory_space<vmem>> -> memref<128xi32, #tpu.memory_space<vmem>>
      %dma_wait3A_212 = arith.constant 0 : i32
      %dma_wait3A_213 = arith.constant 0 : i32
      %dma_wait3A_214 = tpu.memref_slice %arg2[%dma_wait3A_212, %dma_wait3A_213] : memref<1003520x16xf32, #tpu.memory_space<hbm>> -> memref<1003520x16xf32, #tpu.memory_space<hbm>>
      tpu.wait_indirect_dma semaphore(%arg14 : memref<!tpu.dma_semaphore, #tpu.memory_space<semaphore_mem>>) src(%dma_wait3A_214 : memref<1003520x16xf32, #tpu.memory_space<hbm>>) dst(%dma_wait3A_209 : memref<128x16xf32, #tpu.memory_space<vmem>>)
      %dma_wait3A_215 = arith.constant 0 : i32
      %dma_wait3A_216 = arith.constant 0 : i32
      %dma_wait3A_217 = tpu.memref_slice %arg8[%dma_wait3A_215, %dma_wait3A_216] : memref<960x16xf32, #tpu.memory_space<vmem>> -> memref<32x16xf32, #tpu.memory_space<vmem>>
      %dma_wait3A_218 = arith.constant 0 : i32
      %dma_wait3A_219 = tpu.memref_slice %arg6[%dma_wait3A_218] : memref<960xi32, #tpu.memory_space<vmem>> -> memref<32xi32, #tpu.memory_space<vmem>>
      %dma_wait3A_220 = arith.constant 0 : i32
      %dma_wait3A_221 = arith.constant 0 : i32
      %dma_wait3A_222 = tpu.memref_slice %arg2[%dma_wait3A_220, %dma_wait3A_221] : memref<1003520x16xf32, #tpu.memory_space<hbm>> -> memref<1003520x16xf32, #tpu.memory_space<hbm>>
      tpu.wait_indirect_dma semaphore(%arg14 : memref<!tpu.dma_semaphore, #tpu.memory_space<semaphore_mem>>) src(%dma_wait3A_222 : memref<1003520x16xf32, #tpu.memory_space<hbm>>) dst(%dma_wait3A_217 : memref<32x16xf32, #tpu.memory_space<vmem>>)
      %dma_wait3A_223 = arith.constant 0 : i32
      %dma_wait3A_224 = arith.constant 0 : i32
      %dma_wait3A_225 = tpu.memref_slice %arg8[%dma_wait3A_223, %dma_wait3A_224] : memref<960x16xf32, #tpu.memory_space<vmem>> -> memref<128x16xf32, #tpu.memory_space<vmem>>
      %dma_wait3A_226 = arith.constant 0 : i32
      %dma_wait3A_227 = tpu.memref_slice %arg6[%dma_wait3A_226] : memref<960xi32, #tpu.memory_space<vmem>> -> memref<128xi32, #tpu.memory_space<vmem>>
      %dma_wait3A_228 = arith.constant 0 : i32
      %dma_wait3A_229 = arith.constant 0 : i32
      %dma_wait3A_230 = tpu.memref_slice %arg2[%dma_wait3A_228, %dma_wait3A_229] : memref<1003520x16xf32, #tpu.memory_space<hbm>> -> memref<1003520x16xf32, #tpu.memory_space<hbm>>
      tpu.wait_indirect_dma semaphore(%arg14 : memref<!tpu.dma_semaphore, #tpu.memory_space<semaphore_mem>>) src(%dma_wait3A_230 : memref<1003520x16xf32, #tpu.memory_space<hbm>>) dst(%dma_wait3A_225 : memref<128x16xf32, #tpu.memory_space<vmem>>)
      %dma_wait3A_231 = arith.constant 0 : i32
      %dma_wait3A_232 = arith.constant 0 : i32
      %dma_wait3A_233 = tpu.memref_slice %arg8[%dma_wait3A_231, %dma_wait3A_232] : memref<960x16xf32, #tpu.memory_space<vmem>> -> memref<128x16xf32, #tpu.memory_space<vmem>>
      %dma_wait3A_234 = arith.constant 0 : i32
      %dma_wait3A_235 = tpu.memref_slice %arg6[%dma_wait3A_234] : memref<960xi32, #tpu.memory_space<vmem>> -> memref<128xi32, #tpu.memory_space<vmem>>
      %dma_wait3A_236 = arith.constant 0 : i32
      %dma_wait3A_237 = arith.constant 0 : i32
      %dma_wait3A_238 = tpu.memref_slice %arg2[%dma_wait3A_236, %dma_wait3A_237] : memref<1003520x16xf32, #tpu.memory_space<hbm>> -> memref<1003520x16xf32, #tpu.memory_space<hbm>>
      tpu.wait_indirect_dma semaphore(%arg14 : memref<!tpu.dma_semaphore, #tpu.memory_space<semaphore_mem>>) src(%dma_wait3A_238 : memref<1003520x16xf32, #tpu.memory_space<hbm>>) dst(%dma_wait3A_233 : memref<128x16xf32, #tpu.memory_space<vmem>>)
      %dma_wait3A_239 = arith.constant 0 : i32
      %dma_wait3A_240 = arith.constant 0 : i32
      %dma_wait3A_241 = tpu.memref_slice %arg8[%dma_wait3A_239, %dma_wait3A_240] : memref<960x16xf32, #tpu.memory_space<vmem>> -> memref<128x16xf32, #tpu.memory_space<vmem>>
      %dma_wait3A_242 = arith.constant 0 : i32
      %dma_wait3A_243 = tpu.memref_slice %arg6[%dma_wait3A_242] : memref<960xi32, #tpu.memory_space<vmem>> -> memref<128xi32, #tpu.memory_space<vmem>>
      %dma_wait3A_244 = arith.constant 0 : i32
      %dma_wait3A_245 = arith.constant 0 : i32
      %dma_wait3A_246 = tpu.memref_slice %arg2[%dma_wait3A_244, %dma_wait3A_245] : memref<1003520x16xf32, #tpu.memory_space<hbm>> -> memref<1003520x16xf32, #tpu.memory_space<hbm>>
      tpu.wait_indirect_dma semaphore(%arg14 : memref<!tpu.dma_semaphore, #tpu.memory_space<semaphore_mem>>) src(%dma_wait3A_246 : memref<1003520x16xf32, #tpu.memory_space<hbm>>) dst(%dma_wait3A_241 : memref<128x16xf32, #tpu.memory_space<vmem>>)
      %dma_wait3A_247 = arith.constant 0 : i32
      %dma_wait3A_248 = arith.constant 0 : i32
      %dma_wait3A_249 = tpu.memref_slice %arg8[%dma_wait3A_247, %dma_wait3A_248] : memref<960x16xf32, #tpu.memory_space<vmem>> -> memref<128x16xf32, #tpu.memory_space<vmem>>
      %dma_wait3A_250 = arith.constant 0 : i32
      %dma_wait3A_251 = tpu.memref_slice %arg6[%dma_wait3A_250] : memref<960xi32, #tpu.memory_space<vmem>> -> memref<128xi32, #tpu.memory_space<vmem>>
      %dma_wait3A_252 = arith.constant 0 : i32
      %dma_wait3A_253 = arith.constant 0 : i32
      %dma_wait3A_254 = tpu.memref_slice %arg2[%dma_wait3A_252, %dma_wait3A_253] : memref<1003520x16xf32, #tpu.memory_space<hbm>> -> memref<1003520x16xf32, #tpu.memory_space<hbm>>
      tpu.wait_indirect_dma semaphore(%arg14 : memref<!tpu.dma_semaphore, #tpu.memory_space<semaphore_mem>>) src(%dma_wait3A_254 : memref<1003520x16xf32, #tpu.memory_space<hbm>>) dst(%dma_wait3A_249 : memref<128x16xf32, #tpu.memory_space<vmem>>)
      %dma_wait3A_255 = arith.constant 0 : i32
      %dma_wait3A_256 = arith.constant 0 : i32
      %dma_wait3A_257 = tpu.memref_slice %arg8[%dma_wait3A_255, %dma_wait3A_256] : memref<960x16xf32, #tpu.memory_space<vmem>> -> memref<128x16xf32, #tpu.memory_space<vmem>>
      %dma_wait3A_258 = arith.constant 0 : i32
      %dma_wait3A_259 = tpu.memref_slice %arg6[%dma_wait3A_258] : memref<960xi32, #tpu.memory_space<vmem>> -> memref<128xi32, #tpu.memory_space<vmem>>
      %dma_wait3A_260 = arith.constant 0 : i32
      %dma_wait3A_261 = arith.constant 0 : i32
      %dma_wait3A_262 = tpu.memref_slice %arg2[%dma_wait3A_260, %dma_wait3A_261] : memref<1003520x16xf32, #tpu.memory_space<hbm>> -> memref<1003520x16xf32, #tpu.memory_space<hbm>>
      tpu.wait_indirect_dma semaphore(%arg14 : memref<!tpu.dma_semaphore, #tpu.memory_space<semaphore_mem>>) src(%dma_wait3A_262 : memref<1003520x16xf32, #tpu.memory_space<hbm>>) dst(%dma_wait3A_257 : memref<128x16xf32, #tpu.memory_space<vmem>>)
      %dma_wait3A_263 = arith.constant 0 : i32
      %dma_wait3A_264 = arith.constant 0 : i32
      %dma_wait3A_265 = tpu.memref_slice %arg8[%dma_wait3A_263, %dma_wait3A_264] : memref<960x16xf32, #tpu.memory_space<vmem>> -> memref<128x16xf32, #tpu.memory_space<vmem>>
      %dma_wait3A_266 = arith.constant 0 : i32
      %dma_wait3A_267 = tpu.memref_slice %arg6[%dma_wait3A_266] : memref<960xi32, #tpu.memory_space<vmem>> -> memref<128xi32, #tpu.memory_space<vmem>>
      %dma_wait3A_268 = arith.constant 0 : i32
      %dma_wait3A_269 = arith.constant 0 : i32
      %dma_wait3A_270 = tpu.memref_slice %arg2[%dma_wait3A_268, %dma_wait3A_269] : memref<1003520x16xf32, #tpu.memory_space<hbm>> -> memref<1003520x16xf32, #tpu.memory_space<hbm>>
      tpu.wait_indirect_dma semaphore(%arg14 : memref<!tpu.dma_semaphore, #tpu.memory_space<semaphore_mem>>) src(%dma_wait3A_270 : memref<1003520x16xf32, #tpu.memory_space<hbm>>) dst(%dma_wait3A_265 : memref<128x16xf32, #tpu.memory_space<vmem>>)
      %dma_wait3A_271 = arith.constant 0 : i32
      %dma_wait3A_272 = arith.constant 0 : i32
      %dma_wait3A_273 = tpu.memref_slice %arg8[%dma_wait3A_271, %dma_wait3A_272] : memref<960x16xf32, #tpu.memory_space<vmem>> -> memref<32x16xf32, #tpu.memory_space<vmem>>
      %dma_wait3A_274 = arith.constant 0 : i32
      %dma_wait3A_275 = tpu.memref_slice %arg6[%dma_wait3A_274] : memref<960xi32, #tpu.memory_space<vmem>> -> memref<32xi32, #tpu.memory_space<vmem>>
      %dma_wait3A_276 = arith.constant 0 : i32
      %dma_wait3A_277 = arith.constant 0 : i32
      %dma_wait3A_278 = tpu.memref_slice %arg2[%dma_wait3A_276, %dma_wait3A_277] : memref<1003520x16xf32, #tpu.memory_space<hbm>> -> memref<1003520x16xf32, #tpu.memory_space<hbm>>
      tpu.wait_indirect_dma semaphore(%arg14 : memref<!tpu.dma_semaphore, #tpu.memory_space<semaphore_mem>>) src(%dma_wait3A_278 : memref<1003520x16xf32, #tpu.memory_space<hbm>>) dst(%dma_wait3A_273 : memref<32x16xf32, #tpu.memory_space<vmem>>)
      %lt3A = arith.constant 15 : i32
      %lt3A_279 = arith.cmpi slt, %scan3A_120, %lt3A : i32
      %convert_element_type3A = arith.extui %lt3A_279 : i1 to i32
      %cond3A = arith.constant 0 : i32
      %cond3A_280 = arith.cmpi ne, %convert_element_type3A, %cond3A : i32
      scf.if %cond3A_280 {
        %add3A_417 = arith.constant 2 : i32
        %add3A_418 = arith.addi %mul3A_123, %add3A_417 : i32
        %add3A_419 = arith.addi %mul3A_2, %add3A_418 : i32
        %mul3A_420 = arith.constant 960 : i32
        %mul3A_421 = arith.muli %add3A_419, %mul3A_420 : i32
        %multiple_of3A_422 = tpu.assume_multiple %mul3A_421, 8 : i32
        %dma_start3A_423 = tpu.memref_slice %arg3[%multiple_of3A_422] : memref<983040xi32, #tpu.memory_space<hbm>> -> memref<960xi32, #tpu.memory_space<hbm>>
        %dma_start3A_424 = tpu.memref_slice %arg3[%multiple_of3A_422] : memref<983040xi32, #tpu.memory_space<hbm>> -> memref<960xi32, #tpu.memory_space<hbm>>
        tpu.enqueue_dma source(%dma_start3A_424 : memref<960xi32, #tpu.memory_space<hbm>>) target(%arg6 : memref<960xi32, #tpu.memory_space<vmem>>) target_semaphore(%arg16 : memref<!tpu.dma_semaphore, #tpu.memory_space<semaphore_mem>>)
      } else {
      }
      %gt3A = arith.constant 0 : i32
      %gt3A_281 = arith.cmpi sgt, %scan3A_120, %gt3A : i32
      %convert_element_type3A_282 = arith.extui %gt3A_281 : i1 to i32
      %cond3A_283 = arith.constant 0 : i32
      %cond3A_284 = arith.cmpi ne, %convert_element_type3A_282, %cond3A_283 : i32
      scf.if %cond3A_284 {
        %dma_wait3A_417 = arith.constant 0 : i32
        %dma_wait3A_418 = arith.constant 0 : i32
        %dma_wait3A_419 = tpu.memref_slice %arg4[%dma_wait3A_417, %dma_wait3A_418] : memref<16384x128xf32, #tpu.memory_space<hbm>> -> memref<16x128xf32, #tpu.memory_space<hbm>>
        %dma_wait3A_420 = arith.constant 0 : i32
        %dma_wait3A_421 = arith.constant 0 : i32
        %dma_wait3A_422 = tpu.memref_slice %arg4[%dma_wait3A_420, %dma_wait3A_421] : memref<16384x128xf32, #tpu.memory_space<hbm>> -> memref<16x128xf32, #tpu.memory_space<hbm>>
        tpu.wait_dma2 semaphore(%arg17 : memref<!tpu.dma_semaphore, #tpu.memory_space<semaphore_mem>>) src(%arg10 : memref<16x128xf32, #tpu.memory_space<vmem>>) dst(%dma_wait3A_422 : memref<16x128xf32, #tpu.memory_space<hbm>>)
        %dma_wait3A_423 = arith.constant 0 : i32
        %dma_wait3A_424 = arith.constant 0 : i32
        %dma_wait3A_425 = tpu.memref_slice %arg5[%dma_wait3A_423, %dma_wait3A_424] : memref<16384x128xf32, #tpu.memory_space<hbm>> -> memref<16x128xf32, #tpu.memory_space<hbm>>
        %dma_wait3A_426 = arith.constant 0 : i32
        %dma_wait3A_427 = arith.constant 0 : i32
        %dma_wait3A_428 = tpu.memref_slice %arg5[%dma_wait3A_426, %dma_wait3A_427] : memref<16384x128xf32, #tpu.memory_space<hbm>> -> memref<16x128xf32, #tpu.memory_space<hbm>>
        tpu.wait_dma2 semaphore(%arg17 : memref<!tpu.dma_semaphore, #tpu.memory_space<semaphore_mem>>) src(%arg11 : memref<16x128xf32, #tpu.memory_space<vmem>>) dst(%dma_wait3A_428 : memref<16x128xf32, #tpu.memory_space<hbm>>)
      } else {
      }
      %scan3A_285 = arith.constant 0 : i32
      %scan3A_286 = arith.constant 0 : i32
      %scan3A_287 = arith.constant 16 : i32
      %scan3A_288 = arith.addi %scan3A_286, %scan3A_287 : i32
      %scan3A_289 = arith.constant 1 : i32
      %scan3A_290 = scf.for %scan3A_417 = %scan3A_286 to %scan3A_288 step %scan3A_289 iter_args(%scan3A_418 = %scan3A_285) -> (i32)  : i32 {
        %mul3A_419 = arith.constant 50 : i32
        %mul3A_420 = arith.muli %scan3A_417, %mul3A_419 : i32
        %add3A_421 = arith.constant 160 : i32
        %add3A_422 = arith.addi %add3A_421, %mul3A_420 : i32
        %get3A = arith.index_cast %add3A_422 : i32 to index
        %get3A_423 = arith.constant 0 : index
        %get3A_424 = tpu.vector_load %arg8[%get3A, %get3A_423] {strides = array<i32>} : memref<960x16xf32, #tpu.memory_space<vmem>>, vector<1x16xf32>,
        %get3A_425 = vector.shape_cast %get3A_424 : vector<1x16xf32> to vector<16xf32>
        %add3A_426 = arith.constant 1 : i32
        %add3A_427 = arith.addi %add3A_422, %add3A_426 : i32
        %get3A_428 = arith.index_cast %add3A_427 : i32 to index
        %get3A_429 = arith.constant 0 : index
        %get3A_430 = tpu.vector_load %arg8[%get3A_428, %get3A_429] {strides = array<i32>} : memref<960x16xf32, #tpu.memory_space<vmem>>, vector<1x16xf32>,
        %get3A_431 = vector.shape_cast %get3A_430 : vector<1x16xf32> to vector<16xf32>
        %add3A_432 = arith.addf %get3A_425, %get3A_431 : vector<16xf32>
        %add3A_433 = arith.constant 2 : i32
        %add3A_434 = arith.addi %add3A_422, %add3A_433 : i32
        %get3A_435 = arith.index_cast %add3A_434 : i32 to index
        %get3A_436 = arith.constant 0 : index
        %get3A_437 = tpu.vector_load %arg8[%get3A_435, %get3A_436] {strides = array<i32>} : memref<960x16xf32, #tpu.memory_space<vmem>>, vector<1x16xf32>,
        %get3A_438 = vector.shape_cast %get3A_437 : vector<1x16xf32> to vector<16xf32>
        %add3A_439 = arith.addf %add3A_432, %get3A_438 : vector<16xf32>
        %add3A_440 = arith.constant 3 : i32
        %add3A_441 = arith.addi %add3A_422, %add3A_440 : i32
        %get3A_442 = arith.index_cast %add3A_441 : i32 to index
        %get3A_443 = arith.constant 0 : index
        %get3A_444 = tpu.vector_load %arg8[%get3A_442, %get3A_443] {strides = array<i32>} : memref<960x16xf32, #tpu.memory_space<vmem>>, vector<1x16xf32>,
        %get3A_445 = vector.shape_cast %get3A_444 : vector<1x16xf32> to vector<16xf32>
        %add3A_446 = arith.addf %add3A_439, %get3A_445 : vector<16xf32>
        %add3A_447 = arith.constant 4 : i32
        %add3A_448 = arith.addi %add3A_422, %add3A_447 : i32
        %get3A_449 = arith.index_cast %add3A_448 : i32 to index
        %get3A_450 = arith.constant 0 : index
        %get3A_451 = tpu.vector_load %arg8[%get3A_449, %get3A_450] {strides = array<i32>} : memref<960x16xf32, #tpu.memory_space<vmem>>, vector<1x16xf32>,
        %get3A_452 = vector.shape_cast %get3A_451 : vector<1x16xf32> to vector<16xf32>
        %add3A_453 = arith.addf %add3A_446, %get3A_452 : vector<16xf32>
        %add3A_454 = arith.constant 5 : i32
        %add3A_455 = arith.addi %add3A_422, %add3A_454 : i32
        %get3A_456 = arith.index_cast %add3A_455 : i32 to index
        %get3A_457 = arith.constant 0 : index
        %get3A_458 = tpu.vector_load %arg8[%get3A_456, %get3A_457] {strides = array<i32>} : memref<960x16xf32, #tpu.memory_space<vmem>>, vector<1x16xf32>,
        %get3A_459 = vector.shape_cast %get3A_458 : vector<1x16xf32> to vector<16xf32>
        %add3A_460 = arith.addf %add3A_453, %get3A_459 : vector<16xf32>
        %add3A_461 = arith.constant 6 : i32
        %add3A_462 = arith.addi %add3A_422, %add3A_461 : i32
        %get3A_463 = arith.index_cast %add3A_462 : i32 to index
        %get3A_464 = arith.constant 0 : index
        %get3A_465 = tpu.vector_load %arg8[%get3A_463, %get3A_464] {strides = array<i32>} : memref<960x16xf32, #tpu.memory_space<vmem>>, vector<1x16xf32>,
        %get3A_466 = vector.shape_cast %get3A_465 : vector<1x16xf32> to vector<16xf32>
        %add3A_467 = arith.addf %add3A_460, %get3A_466 : vector<16xf32>
        %add3A_468 = arith.constant 7 : i32
        %add3A_469 = arith.addi %add3A_422, %add3A_468 : i32
        %get3A_470 = arith.index_cast %add3A_469 : i32 to index
        %get3A_471 = arith.constant 0 : index
        %get3A_472 = tpu.vector_load %arg8[%get3A_470, %get3A_471] {strides = array<i32>} : memref<960x16xf32, #tpu.memory_space<vmem>>, vector<1x16xf32>,
        %get3A_473 = vector.shape_cast %get3A_472 : vector<1x16xf32> to vector<16xf32>
        %add3A_474 = arith.addf %add3A_467, %get3A_473 : vector<16xf32>
        %add3A_475 = arith.constant 8 : i32
        %add3A_476 = arith.addi %add3A_422, %add3A_475 : i32
        %get3A_477 = arith.index_cast %add3A_476 : i32 to index
        %get3A_478 = arith.constant 0 : index
        %get3A_479 = tpu.vector_load %arg8[%get3A_477, %get3A_478] {strides = array<i32>} : memref<960x16xf32, #tpu.memory_space<vmem>>, vector<1x16xf32>,
        %get3A_480 = vector.shape_cast %get3A_479 : vector<1x16xf32> to vector<16xf32>
        %add3A_481 = arith.addf %add3A_474, %get3A_480 : vector<16xf32>
        %add3A_482 = arith.constant 9 : i32
        %add3A_483 = arith.addi %add3A_422, %add3A_482 : i32
        %get3A_484 = arith.index_cast %add3A_483 : i32 to index
        %get3A_485 = arith.constant 0 : index
        %get3A_486 = tpu.vector_load %arg8[%get3A_484, %get3A_485] {strides = array<i32>} : memref<960x16xf32, #tpu.memory_space<vmem>>, vector<1x16xf32>,
        %get3A_487 = vector.shape_cast %get3A_486 : vector<1x16xf32> to vector<16xf32>
        %add3A_488 = arith.addf %add3A_481, %get3A_487 : vector<16xf32>
        %add3A_489 = arith.constant 10 : i32
        %add3A_490 = arith.addi %add3A_422, %add3A_489 : i32
        %get3A_491 = arith.index_cast %add3A_490 : i32 to index
        %get3A_492 = arith.constant 0 : index
        %get3A_493 = tpu.vector_load %arg8[%get3A_491, %get3A_492] {strides = array<i32>} : memref<960x16xf32, #tpu.memory_space<vmem>>, vector<1x16xf32>,
        %get3A_494 = vector.shape_cast %get3A_493 : vector<1x16xf32> to vector<16xf32>
        %add3A_495 = arith.addf %add3A_488, %get3A_494 : vector<16xf32>
        %add3A_496 = arith.constant 11 : i32
        %add3A_497 = arith.addi %add3A_422, %add3A_496 : i32
        %get3A_498 = arith.index_cast %add3A_497 : i32 to index
        %get3A_499 = arith.constant 0 : index
        %get3A_500 = tpu.vector_load %arg8[%get3A_498, %get3A_499] {strides = array<i32>} : memref<960x16xf32, #tpu.memory_space<vmem>>, vector<1x16xf32>,
        %get3A_501 = vector.shape_cast %get3A_500 : vector<1x16xf32> to vector<16xf32>
        %add3A_502 = arith.addf %add3A_495, %get3A_501 : vector<16xf32>
        %add3A_503 = arith.constant 12 : i32
        %add3A_504 = arith.addi %add3A_422, %add3A_503 : i32
        %get3A_505 = arith.index_cast %add3A_504 : i32 to index
        %get3A_506 = arith.constant 0 : index
        %get3A_507 = tpu.vector_load %arg8[%get3A_505, %get3A_506] {strides = array<i32>} : memref<960x16xf32, #tpu.memory_space<vmem>>, vector<1x16xf32>,
        %get3A_508 = vector.shape_cast %get3A_507 : vector<1x16xf32> to vector<16xf32>
        %add3A_509 = arith.addf %add3A_502, %get3A_508 : vector<16xf32>
        %add3A_510 = arith.constant 13 : i32
        %add3A_511 = arith.addi %add3A_422, %add3A_510 : i32
        %get3A_512 = arith.index_cast %add3A_511 : i32 to index
        %get3A_513 = arith.constant 0 : index
        %get3A_514 = tpu.vector_load %arg8[%get3A_512, %get3A_513] {strides = array<i32>} : memref<960x16xf32, #tpu.memory_space<vmem>>, vector<1x16xf32>,
        %get3A_515 = vector.shape_cast %get3A_514 : vector<1x16xf32> to vector<16xf32>
        %add3A_516 = arith.addf %add3A_509, %get3A_515 : vector<16xf32>
        %add3A_517 = arith.constant 14 : i32
        %add3A_518 = arith.addi %add3A_422, %add3A_517 : i32
        %get3A_519 = arith.index_cast %add3A_518 : i32 to index
        %get3A_520 = arith.constant 0 : index
        %get3A_521 = tpu.vector_load %arg8[%get3A_519, %get3A_520] {strides = array<i32>} : memref<960x16xf32, #tpu.memory_space<vmem>>, vector<1x16xf32>,
        %get3A_522 = vector.shape_cast %get3A_521 : vector<1x16xf32> to vector<16xf32>
        %add3A_523 = arith.addf %add3A_516, %get3A_522 : vector<16xf32>
        %add3A_524 = arith.constant 15 : i32
        %add3A_525 = arith.addi %add3A_422, %add3A_524 : i32
        %get3A_526 = arith.index_cast %add3A_525 : i32 to index
        %get3A_527 = arith.constant 0 : index
        %get3A_528 = tpu.vector_load %arg8[%get3A_526, %get3A_527] {strides = array<i32>} : memref<960x16xf32, #tpu.memory_space<vmem>>, vector<1x16xf32>,
        %get3A_529 = vector.shape_cast %get3A_528 : vector<1x16xf32> to vector<16xf32>
        %add3A_530 = arith.addf %add3A_523, %get3A_529 : vector<16xf32>
        %add3A_531 = arith.constant 16 : i32
        %add3A_532 = arith.addi %add3A_422, %add3A_531 : i32
        %get3A_533 = arith.index_cast %add3A_532 : i32 to index
        %get3A_534 = arith.constant 0 : index
        %get3A_535 = tpu.vector_load %arg8[%get3A_533, %get3A_534] {strides = array<i32>} : memref<960x16xf32, #tpu.memory_space<vmem>>, vector<1x16xf32>,
        %get3A_536 = vector.shape_cast %get3A_535 : vector<1x16xf32> to vector<16xf32>
        %add3A_537 = arith.addf %add3A_530, %get3A_536 : vector<16xf32>
        %add3A_538 = arith.constant 17 : i32
        %add3A_539 = arith.addi %add3A_422, %add3A_538 : i32
        %get3A_540 = arith.index_cast %add3A_539 : i32 to index
        %get3A_541 = arith.constant 0 : index
        %get3A_542 = tpu.vector_load %arg8[%get3A_540, %get3A_541] {strides = array<i32>} : memref<960x16xf32, #tpu.memory_space<vmem>>, vector<1x16xf32>,
        %get3A_543 = vector.shape_cast %get3A_542 : vector<1x16xf32> to vector<16xf32>
        %add3A_544 = arith.addf %add3A_537, %get3A_543 : vector<16xf32>
        %add3A_545 = arith.constant 18 : i32
        %add3A_546 = arith.addi %add3A_422, %add3A_545 : i32
        %get3A_547 = arith.index_cast %add3A_546 : i32 to index
        %get3A_548 = arith.constant 0 : index
        %get3A_549 = tpu.vector_load %arg8[%get3A_547, %get3A_548] {strides = array<i32>} : memref<960x16xf32, #tpu.memory_space<vmem>>, vector<1x16xf32>,
        %get3A_550 = vector.shape_cast %get3A_549 : vector<1x16xf32> to vector<16xf32>
        %add3A_551 = arith.addf %add3A_544, %get3A_550 : vector<16xf32>
        %add3A_552 = arith.constant 19 : i32
        %add3A_553 = arith.addi %add3A_422, %add3A_552 : i32
        %get3A_554 = arith.index_cast %add3A_553 : i32 to index
        %get3A_555 = arith.constant 0 : index
        %get3A_556 = tpu.vector_load %arg8[%get3A_554, %get3A_555] {strides = array<i32>} : memref<960x16xf32, #tpu.memory_space<vmem>>, vector<1x16xf32>,
        %get3A_557 = vector.shape_cast %get3A_556 : vector<1x16xf32> to vector<16xf32>
        %add3A_558 = arith.addf %add3A_551, %get3A_557 : vector<16xf32>
        %add3A_559 = arith.constant 20 : i32
        %add3A_560 = arith.addi %add3A_422, %add3A_559 : i32
        %get3A_561 = arith.index_cast %add3A_560 : i32 to index
        %get3A_562 = arith.constant 0 : index
        %get3A_563 = tpu.vector_load %arg8[%get3A_561, %get3A_562] {strides = array<i32>} : memref<960x16xf32, #tpu.memory_space<vmem>>, vector<1x16xf32>,
        %get3A_564 = vector.shape_cast %get3A_563 : vector<1x16xf32> to vector<16xf32>
        %add3A_565 = arith.addf %add3A_558, %get3A_564 : vector<16xf32>
        %add3A_566 = arith.constant 21 : i32
        %add3A_567 = arith.addi %add3A_422, %add3A_566 : i32
        %get3A_568 = arith.index_cast %add3A_567 : i32 to index
        %get3A_569 = arith.constant 0 : index
        %get3A_570 = tpu.vector_load %arg8[%get3A_568, %get3A_569] {strides = array<i32>} : memref<960x16xf32, #tpu.memory_space<vmem>>, vector<1x16xf32>,
        %get3A_571 = vector.shape_cast %get3A_570 : vector<1x16xf32> to vector<16xf32>
        %add3A_572 = arith.addf %add3A_565, %get3A_571 : vector<16xf32>
        %add3A_573 = arith.constant 22 : i32
        %add3A_574 = arith.addi %add3A_422, %add3A_573 : i32
        %get3A_575 = arith.index_cast %add3A_574 : i32 to index
        %get3A_576 = arith.constant 0 : index
        %get3A_577 = tpu.vector_load %arg8[%get3A_575, %get3A_576] {strides = array<i32>} : memref<960x16xf32, #tpu.memory_space<vmem>>, vector<1x16xf32>,
        %get3A_578 = vector.shape_cast %get3A_577 : vector<1x16xf32> to vector<16xf32>
        %add3A_579 = arith.addf %add3A_572, %get3A_578 : vector<16xf32>
        %add3A_580 = arith.constant 23 : i32
        %add3A_581 = arith.addi %add3A_422, %add3A_580 : i32
        %get3A_582 = arith.index_cast %add3A_581 : i32 to index
        %get3A_583 = arith.constant 0 : index
        %get3A_584 = tpu.vector_load %arg8[%get3A_582, %get3A_583] {strides = array<i32>} : memref<960x16xf32, #tpu.memory_space<vmem>>, vector<1x16xf32>,
        %get3A_585 = vector.shape_cast %get3A_584 : vector<1x16xf32> to vector<16xf32>
        %add3A_586 = arith.addf %add3A_579, %get3A_585 : vector<16xf32>
        %add3A_587 = arith.constant 24 : i32
        %add3A_588 = arith.addi %add3A_422, %add3A_587 : i32
        %get3A_589 = arith.index_cast %add3A_588 : i32 to index
        %get3A_590 = arith.constant 0 : index
        %get3A_591 = tpu.vector_load %arg8[%get3A_589, %get3A_590] {strides = array<i32>} : memref<960x16xf32, #tpu.memory_space<vmem>>, vector<1x16xf32>,
        %get3A_592 = vector.shape_cast %get3A_591 : vector<1x16xf32> to vector<16xf32>
        %add3A_593 = arith.addf %add3A_586, %get3A_592 : vector<16xf32>
        %add3A_594 = arith.constant 25 : i32
        %add3A_595 = arith.addi %add3A_422, %add3A_594 : i32
        %get3A_596 = arith.index_cast %add3A_595 : i32 to index
        %get3A_597 = arith.constant 0 : index
        %get3A_598 = tpu.vector_load %arg8[%get3A_596, %get3A_597] {strides = array<i32>} : memref<960x16xf32, #tpu.memory_space<vmem>>, vector<1x16xf32>,
        %get3A_599 = vector.shape_cast %get3A_598 : vector<1x16xf32> to vector<16xf32>
        %add3A_600 = arith.addf %add3A_593, %get3A_599 : vector<16xf32>
        %add3A_601 = arith.constant 26 : i32
        %add3A_602 = arith.addi %add3A_422, %add3A_601 : i32
        %get3A_603 = arith.index_cast %add3A_602 : i32 to index
        %get3A_604 = arith.constant 0 : index
        %get3A_605 = tpu.vector_load %arg8[%get3A_603, %get3A_604] {strides = array<i32>} : memref<960x16xf32, #tpu.memory_space<vmem>>, vector<1x16xf32>,
        %get3A_606 = vector.shape_cast %get3A_605 : vector<1x16xf32> to vector<16xf32>
        %add3A_607 = arith.addf %add3A_600, %get3A_606 : vector<16xf32>
        %add3A_608 = arith.constant 27 : i32
        %add3A_609 = arith.addi %add3A_422, %add3A_608 : i32
        %get3A_610 = arith.index_cast %add3A_609 : i32 to index
        %get3A_611 = arith.constant 0 : index
        %get3A_612 = tpu.vector_load %arg8[%get3A_610, %get3A_611] {strides = array<i32>} : memref<960x16xf32, #tpu.memory_space<vmem>>, vector<1x16xf32>,
        %get3A_613 = vector.shape_cast %get3A_612 : vector<1x16xf32> to vector<16xf32>
        %add3A_614 = arith.addf %add3A_607, %get3A_613 : vector<16xf32>
        %add3A_615 = arith.constant 28 : i32
        %add3A_616 = arith.addi %add3A_422, %add3A_615 : i32
        %get3A_617 = arith.index_cast %add3A_616 : i32 to index
        %get3A_618 = arith.constant 0 : index
        %get3A_619 = tpu.vector_load %arg8[%get3A_617, %get3A_618] {strides = array<i32>} : memref<960x16xf32, #tpu.memory_space<vmem>>, vector<1x16xf32>,
        %get3A_620 = vector.shape_cast %get3A_619 : vector<1x16xf32> to vector<16xf32>
        %add3A_621 = arith.addf %add3A_614, %get3A_620 : vector<16xf32>
        %add3A_622 = arith.constant 29 : i32
        %add3A_623 = arith.addi %add3A_422, %add3A_622 : i32
        %get3A_624 = arith.index_cast %add3A_623 : i32 to index
        %get3A_625 = arith.constant 0 : index
        %get3A_626 = tpu.vector_load %arg8[%get3A_624, %get3A_625] {strides = array<i32>} : memref<960x16xf32, #tpu.memory_space<vmem>>, vector<1x16xf32>,
        %get3A_627 = vector.shape_cast %get3A_626 : vector<1x16xf32> to vector<16xf32>
        %add3A_628 = arith.addf %add3A_621, %get3A_627 : vector<16xf32>
        %add3A_629 = arith.constant 30 : i32
        %add3A_630 = arith.addi %add3A_422, %add3A_629 : i32
        %get3A_631 = arith.index_cast %add3A_630 : i32 to index
        %get3A_632 = arith.constant 0 : index
        %get3A_633 = tpu.vector_load %arg8[%get3A_631, %get3A_632] {strides = array<i32>} : memref<960x16xf32, #tpu.memory_space<vmem>>, vector<1x16xf32>,
        %get3A_634 = vector.shape_cast %get3A_633 : vector<1x16xf32> to vector<16xf32>
        %add3A_635 = arith.addf %add3A_628, %get3A_634 : vector<16xf32>
        %add3A_636 = arith.constant 31 : i32
        %add3A_637 = arith.addi %add3A_422, %add3A_636 : i32
        %get3A_638 = arith.index_cast %add3A_637 : i32 to index
        %get3A_639 = arith.constant 0 : index
        %get3A_640 = tpu.vector_load %arg8[%get3A_638, %get3A_639] {strides = array<i32>} : memref<960x16xf32, #tpu.memory_space<vmem>>, vector<1x16xf32>,
        %get3A_641 = vector.shape_cast %get3A_640 : vector<1x16xf32> to vector<16xf32>
        %add3A_642 = arith.addf %add3A_635, %get3A_641 : vector<16xf32>
        %add3A_643 = arith.constant 32 : i32
        %add3A_644 = arith.addi %add3A_422, %add3A_643 : i32
        %get3A_645 = arith.index_cast %add3A_644 : i32 to index
        %get3A_646 = arith.constant 0 : index
        %get3A_647 = tpu.vector_load %arg8[%get3A_645, %get3A_646] {strides = array<i32>} : memref<960x16xf32, #tpu.memory_space<vmem>>, vector<1x16xf32>,
        %get3A_648 = vector.shape_cast %get3A_647 : vector<1x16xf32> to vector<16xf32>
        %add3A_649 = arith.addf %add3A_642, %get3A_648 : vector<16xf32>
        %add3A_650 = arith.constant 33 : i32
        %add3A_651 = arith.addi %add3A_422, %add3A_650 : i32
        %get3A_652 = arith.index_cast %add3A_651 : i32 to index
        %get3A_653 = arith.constant 0 : index
        %get3A_654 = tpu.vector_load %arg8[%get3A_652, %get3A_653] {strides = array<i32>} : memref<960x16xf32, #tpu.memory_space<vmem>>, vector<1x16xf32>,
        %get3A_655 = vector.shape_cast %get3A_654 : vector<1x16xf32> to vector<16xf32>
        %add3A_656 = arith.addf %add3A_649, %get3A_655 : vector<16xf32>
        %add3A_657 = arith.constant 34 : i32
        %add3A_658 = arith.addi %add3A_422, %add3A_657 : i32
        %get3A_659 = arith.index_cast %add3A_658 : i32 to index
        %get3A_660 = arith.constant 0 : index
        %get3A_661 = tpu.vector_load %arg8[%get3A_659, %get3A_660] {strides = array<i32>} : memref<960x16xf32, #tpu.memory_space<vmem>>, vector<1x16xf32>,
        %get3A_662 = vector.shape_cast %get3A_661 : vector<1x16xf32> to vector<16xf32>
        %add3A_663 = arith.addf %add3A_656, %get3A_662 : vector<16xf32>
        %add3A_664 = arith.constant 35 : i32
        %add3A_665 = arith.addi %add3A_422, %add3A_664 : i32
        %get3A_666 = arith.index_cast %add3A_665 : i32 to index
        %get3A_667 = arith.constant 0 : index
        %get3A_668 = tpu.vector_load %arg8[%get3A_666, %get3A_667] {strides = array<i32>} : memref<960x16xf32, #tpu.memory_space<vmem>>, vector<1x16xf32>,
        %get3A_669 = vector.shape_cast %get3A_668 : vector<1x16xf32> to vector<16xf32>
        %add3A_670 = arith.addf %add3A_663, %get3A_669 : vector<16xf32>
        %add3A_671 = arith.constant 36 : i32
        %add3A_672 = arith.addi %add3A_422, %add3A_671 : i32
        %get3A_673 = arith.index_cast %add3A_672 : i32 to index
        %get3A_674 = arith.constant 0 : index
        %get3A_675 = tpu.vector_load %arg8[%get3A_673, %get3A_674] {strides = array<i32>} : memref<960x16xf32, #tpu.memory_space<vmem>>, vector<1x16xf32>,
        %get3A_676 = vector.shape_cast %get3A_675 : vector<1x16xf32> to vector<16xf32>
        %add3A_677 = arith.addf %add3A_670, %get3A_676 : vector<16xf32>
        %add3A_678 = arith.constant 37 : i32
        %add3A_679 = arith.addi %add3A_422, %add3A_678 : i32
        %get3A_680 = arith.index_cast %add3A_679 : i32 to index
        %get3A_681 = arith.constant 0 : index
        %get3A_682 = tpu.vector_load %arg8[%get3A_680, %get3A_681] {strides = array<i32>} : memref<960x16xf32, #tpu.memory_space<vmem>>, vector<1x16xf32>,
        %get3A_683 = vector.shape_cast %get3A_682 : vector<1x16xf32> to vector<16xf32>
        %add3A_684 = arith.addf %add3A_677, %get3A_683 : vector<16xf32>
        %add3A_685 = arith.constant 38 : i32
        %add3A_686 = arith.addi %add3A_422, %add3A_685 : i32
        %get3A_687 = arith.index_cast %add3A_686 : i32 to index
        %get3A_688 = arith.constant 0 : index
        %get3A_689 = tpu.vector_load %arg8[%get3A_687, %get3A_688] {strides = array<i32>} : memref<960x16xf32, #tpu.memory_space<vmem>>, vector<1x16xf32>,
        %get3A_690 = vector.shape_cast %get3A_689 : vector<1x16xf32> to vector<16xf32>
        %add3A_691 = arith.addf %add3A_684, %get3A_690 : vector<16xf32>
        %add3A_692 = arith.constant 39 : i32
        %add3A_693 = arith.addi %add3A_422, %add3A_692 : i32
        %get3A_694 = arith.index_cast %add3A_693 : i32 to index
        %get3A_695 = arith.constant 0 : index
        %get3A_696 = tpu.vector_load %arg8[%get3A_694, %get3A_695] {strides = array<i32>} : memref<960x16xf32, #tpu.memory_space<vmem>>, vector<1x16xf32>,
        %get3A_697 = vector.shape_cast %get3A_696 : vector<1x16xf32> to vector<16xf32>
        %add3A_698 = arith.addf %add3A_691, %get3A_697 : vector<16xf32>
        %add3A_699 = arith.constant 40 : i32
        %add3A_700 = arith.addi %add3A_422, %add3A_699 : i32
        %get3A_701 = arith.index_cast %add3A_700 : i32 to index
        %get3A_702 = arith.constant 0 : index
        %get3A_703 = tpu.vector_load %arg8[%get3A_701, %get3A_702] {strides = array<i32>} : memref<960x16xf32, #tpu.memory_space<vmem>>, vector<1x16xf32>,
        %get3A_704 = vector.shape_cast %get3A_703 : vector<1x16xf32> to vector<16xf32>
        %add3A_705 = arith.addf %add3A_698, %get3A_704 : vector<16xf32>
        %add3A_706 = arith.constant 41 : i32
        %add3A_707 = arith.addi %add3A_422, %add3A_706 : i32
        %get3A_708 = arith.index_cast %add3A_707 : i32 to index
        %get3A_709 = arith.constant 0 : index
        %get3A_710 = tpu.vector_load %arg8[%get3A_708, %get3A_709] {strides = array<i32>} : memref<960x16xf32, #tpu.memory_space<vmem>>, vector<1x16xf32>,
        %get3A_711 = vector.shape_cast %get3A_710 : vector<1x16xf32> to vector<16xf32>
        %add3A_712 = arith.addf %add3A_705, %get3A_711 : vector<16xf32>
        %add3A_713 = arith.constant 42 : i32
        %add3A_714 = arith.addi %add3A_422, %add3A_713 : i32
        %get3A_715 = arith.index_cast %add3A_714 : i32 to index
        %get3A_716 = arith.constant 0 : index
        %get3A_717 = tpu.vector_load %arg8[%get3A_715, %get3A_716] {strides = array<i32>} : memref<960x16xf32, #tpu.memory_space<vmem>>, vector<1x16xf32>,
        %get3A_718 = vector.shape_cast %get3A_717 : vector<1x16xf32> to vector<16xf32>
        %add3A_719 = arith.addf %add3A_712, %get3A_718 : vector<16xf32>
        %add3A_720 = arith.constant 43 : i32
        %add3A_721 = arith.addi %add3A_422, %add3A_720 : i32
        %get3A_722 = arith.index_cast %add3A_721 : i32 to index
        %get3A_723 = arith.constant 0 : index
        %get3A_724 = tpu.vector_load %arg8[%get3A_722, %get3A_723] {strides = array<i32>} : memref<960x16xf32, #tpu.memory_space<vmem>>, vector<1x16xf32>,
        %get3A_725 = vector.shape_cast %get3A_724 : vector<1x16xf32> to vector<16xf32>
        %add3A_726 = arith.addf %add3A_719, %get3A_725 : vector<16xf32>
        %add3A_727 = arith.constant 44 : i32
        %add3A_728 = arith.addi %add3A_422, %add3A_727 : i32
        %get3A_729 = arith.index_cast %add3A_728 : i32 to index
        %get3A_730 = arith.constant 0 : index
        %get3A_731 = tpu.vector_load %arg8[%get3A_729, %get3A_730] {strides = array<i32>} : memref<960x16xf32, #tpu.memory_space<vmem>>, vector<1x16xf32>,
        %get3A_732 = vector.shape_cast %get3A_731 : vector<1x16xf32> to vector<16xf32>
        %add3A_733 = arith.addf %add3A_726, %get3A_732 : vector<16xf32>
        %add3A_734 = arith.constant 45 : i32
        %add3A_735 = arith.addi %add3A_422, %add3A_734 : i32
        %get3A_736 = arith.index_cast %add3A_735 : i32 to index
        %get3A_737 = arith.constant 0 : index
        %get3A_738 = tpu.vector_load %arg8[%get3A_736, %get3A_737] {strides = array<i32>} : memref<960x16xf32, #tpu.memory_space<vmem>>, vector<1x16xf32>,
        %get3A_739 = vector.shape_cast %get3A_738 : vector<1x16xf32> to vector<16xf32>
        %add3A_740 = arith.addf %add3A_733, %get3A_739 : vector<16xf32>
        %add3A_741 = arith.constant 46 : i32
        %add3A_742 = arith.addi %add3A_422, %add3A_741 : i32
        %get3A_743 = arith.index_cast %add3A_742 : i32 to index
        %get3A_744 = arith.constant 0 : index
        %get3A_745 = tpu.vector_load %arg8[%get3A_743, %get3A_744] {strides = array<i32>} : memref<960x16xf32, #tpu.memory_space<vmem>>, vector<1x16xf32>,
        %get3A_746 = vector.shape_cast %get3A_745 : vector<1x16xf32> to vector<16xf32>
        %add3A_747 = arith.addf %add3A_740, %get3A_746 : vector<16xf32>
        %add3A_748 = arith.constant 47 : i32
        %add3A_749 = arith.addi %add3A_422, %add3A_748 : i32
        %get3A_750 = arith.index_cast %add3A_749 : i32 to index
        %get3A_751 = arith.constant 0 : index
        %get3A_752 = tpu.vector_load %arg8[%get3A_750, %get3A_751] {strides = array<i32>} : memref<960x16xf32, #tpu.memory_space<vmem>>, vector<1x16xf32>,
        %get3A_753 = vector.shape_cast %get3A_752 : vector<1x16xf32> to vector<16xf32>
        %add3A_754 = arith.addf %add3A_747, %get3A_753 : vector<16xf32>
        %add3A_755 = arith.constant 48 : i32
        %add3A_756 = arith.addi %add3A_422, %add3A_755 : i32
        %get3A_757 = arith.index_cast %add3A_756 : i32 to index
        %get3A_758 = arith.constant 0 : index
        %get3A_759 = tpu.vector_load %arg8[%get3A_757, %get3A_758] {strides = array<i32>} : memref<960x16xf32, #tpu.memory_space<vmem>>, vector<1x16xf32>,
        %get3A_760 = vector.shape_cast %get3A_759 : vector<1x16xf32> to vector<16xf32>
        %add3A_761 = arith.addf %add3A_754, %get3A_760 : vector<16xf32>
        %add3A_762 = arith.constant 49 : i32
        %add3A_763 = arith.addi %add3A_422, %add3A_762 : i32
        %get3A_764 = arith.index_cast %add3A_763 : i32 to index
        %get3A_765 = arith.constant 0 : index
        %get3A_766 = tpu.vector_load %arg8[%get3A_764, %get3A_765] {strides = array<i32>} : memref<960x16xf32, #tpu.memory_space<vmem>>, vector<1x16xf32>,
        %get3A_767 = vector.shape_cast %get3A_766 : vector<1x16xf32> to vector<16xf32>
        %add3A_768 = arith.addf %add3A_761, %get3A_767 : vector<16xf32>
        %mul3A_769 = arith.constant 2.000000e-02 : f32
        %mul3A_770 = vector.broadcast %mul3A_769 : f32 to vector<16xf32>
        %mul3A_771 = arith.mulf %add3A_768, %mul3A_770 : vector<16xf32>
        %mul3A_772 = arith.constant 10 : i32
        %mul3A_773 = arith.muli %scan3A_417, %mul3A_772 : i32
        %add3A_774 = arith.constant 0 : i32
        %add3A_775 = arith.addi %mul3A_773, %add3A_774 : i32
        %get3A_776 = arith.index_cast %add3A_775 : i32 to index
        %get3A_777 = arith.constant 0 : index
        %get3A_778 = tpu.vector_load %arg8[%get3A_776, %get3A_777] {strides = array<i32>} : memref<960x16xf32, #tpu.memory_space<vmem>>, vector<1x16xf32>,
        %get3A_779 = vector.shape_cast %get3A_778 : vector<1x16xf32> to vector<16xf32>
        %swap3A = arith.index_cast %scan3A_417 : i32 to index
        %swap3A_780 = arith.constant 0 : index
        %swap3A_781 = tpu.vector_load %arg10[%swap3A, %swap3A_780] {strides = array<i32>} : memref<16x128xf32, #tpu.memory_space<vmem>>, vector<1x16xf32>,
        %swap3A_782 = vector.shape_cast %swap3A_781 : vector<1x16xf32> to vector<16xf32>
        %swap3A_783 = vector.shape_cast %get3A_779 : vector<16xf32> to vector<1x16xf32>
        tpu.vector_store %arg10[%swap3A, %swap3A_780], %swap3A_783 {strides = array<i32>} : memref<16x128xf32, #tpu.memory_space<vmem>>, vector<1x16xf32>,
        %add3A_784 = arith.constant 1 : i32
        %add3A_785 = arith.addi %mul3A_773, %add3A_784 : i32
        %get3A_786 = arith.index_cast %add3A_785 : i32 to index
        %get3A_787 = arith.constant 0 : index
        %get3A_788 = tpu.vector_load %arg8[%get3A_786, %get3A_787] {strides = array<i32>} : memref<960x16xf32, #tpu.memory_space<vmem>>, vector<1x16xf32>,
        %get3A_789 = vector.shape_cast %get3A_788 : vector<1x16xf32> to vector<16xf32>
        %swap3A_790 = arith.index_cast %scan3A_417 : i32 to index
        %swap3A_791 = arith.constant 16 : index
        %swap3A_792 = tpu.vector_load %arg10[%swap3A_790, %swap3A_791] {strides = array<i32>} : memref<16x128xf32, #tpu.memory_space<vmem>>, vector<1x16xf32>,
        %swap3A_793 = vector.shape_cast %swap3A_792 : vector<1x16xf32> to vector<16xf32>
        %swap3A_794 = vector.shape_cast %get3A_789 : vector<16xf32> to vector<1x16xf32>
        tpu.vector_store %arg10[%swap3A_790, %swap3A_791], %swap3A_794 {strides = array<i32>} : memref<16x128xf32, #tpu.memory_space<vmem>>, vector<1x16xf32>,
        %add3A_795 = arith.constant 2 : i32
        %add3A_796 = arith.addi %mul3A_773, %add3A_795 : i32
        %get3A_797 = arith.index_cast %add3A_796 : i32 to index
        %get3A_798 = arith.constant 0 : index
        %get3A_799 = tpu.vector_load %arg8[%get3A_797, %get3A_798] {strides = array<i32>} : memref<960x16xf32, #tpu.memory_space<vmem>>, vector<1x16xf32>,
        %get3A_800 = vector.shape_cast %get3A_799 : vector<1x16xf32> to vector<16xf32>
        %swap3A_801 = arith.index_cast %scan3A_417 : i32 to index
        %swap3A_802 = arith.constant 32 : index
        %swap3A_803 = tpu.vector_load %arg10[%swap3A_801, %swap3A_802] {strides = array<i32>} : memref<16x128xf32, #tpu.memory_space<vmem>>, vector<1x16xf32>,
        %swap3A_804 = vector.shape_cast %swap3A_803 : vector<1x16xf32> to vector<16xf32>
        %swap3A_805 = vector.shape_cast %get3A_800 : vector<16xf32> to vector<1x16xf32>
        tpu.vector_store %arg10[%swap3A_801, %swap3A_802], %swap3A_805 {strides = array<i32>} : memref<16x128xf32, #tpu.memory_space<vmem>>, vector<1x16xf32>,
        %add3A_806 = arith.constant 3 : i32
        %add3A_807 = arith.addi %mul3A_773, %add3A_806 : i32
        %get3A_808 = arith.index_cast %add3A_807 : i32 to index
        %get3A_809 = arith.constant 0 : index
        %get3A_810 = tpu.vector_load %arg8[%get3A_808, %get3A_809] {strides = array<i32>} : memref<960x16xf32, #tpu.memory_space<vmem>>, vector<1x16xf32>,
        %get3A_811 = vector.shape_cast %get3A_810 : vector<1x16xf32> to vector<16xf32>
        %swap3A_812 = arith.index_cast %scan3A_417 : i32 to index
        %swap3A_813 = arith.constant 48 : index
        %swap3A_814 = tpu.vector_load %arg10[%swap3A_812, %swap3A_813] {strides = array<i32>} : memref<16x128xf32, #tpu.memory_space<vmem>>, vector<1x16xf32>,
        %swap3A_815 = vector.shape_cast %swap3A_814 : vector<1x16xf32> to vector<16xf32>
        %swap3A_816 = vector.shape_cast %get3A_811 : vector<16xf32> to vector<1x16xf32>
        tpu.vector_store %arg10[%swap3A_812, %swap3A_813], %swap3A_816 {strides = array<i32>} : memref<16x128xf32, #tpu.memory_space<vmem>>, vector<1x16xf32>,
        %add3A_817 = arith.constant 4 : i32
        %add3A_818 = arith.addi %mul3A_773, %add3A_817 : i32
        %get3A_819 = arith.index_cast %add3A_818 : i32 to index
        %get3A_820 = arith.constant 0 : index
        %get3A_821 = tpu.vector_load %arg8[%get3A_819, %get3A_820] {strides = array<i32>} : memref<960x16xf32, #tpu.memory_space<vmem>>, vector<1x16xf32>,
        %get3A_822 = vector.shape_cast %get3A_821 : vector<1x16xf32> to vector<16xf32>
        %swap3A_823 = arith.index_cast %scan3A_417 : i32 to index
        %swap3A_824 = arith.constant 64 : index
        %swap3A_825 = tpu.vector_load %arg10[%swap3A_823, %swap3A_824] {strides = array<i32>} : memref<16x128xf32, #tpu.memory_space<vmem>>, vector<1x16xf32>,
        %swap3A_826 = vector.shape_cast %swap3A_825 : vector<1x16xf32> to vector<16xf32>
        %swap3A_827 = vector.shape_cast %get3A_822 : vector<16xf32> to vector<1x16xf32>
        tpu.vector_store %arg10[%swap3A_823, %swap3A_824], %swap3A_827 {strides = array<i32>} : memref<16x128xf32, #tpu.memory_space<vmem>>, vector<1x16xf32>,
        %add3A_828 = arith.constant 5 : i32
        %add3A_829 = arith.addi %mul3A_773, %add3A_828 : i32
        %get3A_830 = arith.index_cast %add3A_829 : i32 to index
        %get3A_831 = arith.constant 0 : index
        %get3A_832 = tpu.vector_load %arg8[%get3A_830, %get3A_831] {strides = array<i32>} : memref<960x16xf32, #tpu.memory_space<vmem>>, vector<1x16xf32>,
        %get3A_833 = vector.shape_cast %get3A_832 : vector<1x16xf32> to vector<16xf32>
        %swap3A_834 = arith.index_cast %scan3A_417 : i32 to index
        %swap3A_835 = arith.constant 80 : index
        %swap3A_836 = tpu.vector_load %arg10[%swap3A_834, %swap3A_835] {strides = array<i32>} : memref<16x128xf32, #tpu.memory_space<vmem>>, vector<1x16xf32>,
        %swap3A_837 = vector.shape_cast %swap3A_836 : vector<1x16xf32> to vector<16xf32>
        %swap3A_838 = vector.shape_cast %get3A_833 : vector<16xf32> to vector<1x16xf32>
        tpu.vector_store %arg10[%swap3A_834, %swap3A_835], %swap3A_838 {strides = array<i32>} : memref<16x128xf32, #tpu.memory_space<vmem>>, vector<1x16xf32>,
        %add3A_839 = arith.constant 6 : i32
        %add3A_840 = arith.addi %mul3A_773, %add3A_839 : i32
        %get3A_841 = arith.index_cast %add3A_840 : i32 to index
        %get3A_842 = arith.constant 0 : index
        %get3A_843 = tpu.vector_load %arg8[%get3A_841, %get3A_842] {strides = array<i32>} : memref<960x16xf32, #tpu.memory_space<vmem>>, vector<1x16xf32>,
        %get3A_844 = vector.shape_cast %get3A_843 : vector<1x16xf32> to vector<16xf32>
        %swap3A_845 = arith.index_cast %scan3A_417 : i32 to index
        %swap3A_846 = arith.constant 96 : index
        %swap3A_847 = tpu.vector_load %arg10[%swap3A_845, %swap3A_846] {strides = array<i32>} : memref<16x128xf32, #tpu.memory_space<vmem>>, vector<1x16xf32>,
        %swap3A_848 = vector.shape_cast %swap3A_847 : vector<1x16xf32> to vector<16xf32>
        %swap3A_849 = vector.shape_cast %get3A_844 : vector<16xf32> to vector<1x16xf32>
        tpu.vector_store %arg10[%swap3A_845, %swap3A_846], %swap3A_849 {strides = array<i32>} : memref<16x128xf32, #tpu.memory_space<vmem>>, vector<1x16xf32>,
        %add3A_850 = arith.constant 7 : i32
        %add3A_851 = arith.addi %mul3A_773, %add3A_850 : i32
        %get3A_852 = arith.index_cast %add3A_851 : i32 to index
        %get3A_853 = arith.constant 0 : index
        %get3A_854 = tpu.vector_load %arg8[%get3A_852, %get3A_853] {strides = array<i32>} : memref<960x16xf32, #tpu.memory_space<vmem>>, vector<1x16xf32>,
        %get3A_855 = vector.shape_cast %get3A_854 : vector<1x16xf32> to vector<16xf32>
        %swap3A_856 = arith.index_cast %scan3A_417 : i32 to index
        %swap3A_857 = arith.constant 112 : index
        %swap3A_858 = tpu.vector_load %arg10[%swap3A_856, %swap3A_857] {strides = array<i32>} : memref<16x128xf32, #tpu.memory_space<vmem>>, vector<1x16xf32>,
        %swap3A_859 = vector.shape_cast %swap3A_858 : vector<1x16xf32> to vector<16xf32>
        %swap3A_860 = vector.shape_cast %get3A_855 : vector<16xf32> to vector<1x16xf32>
        tpu.vector_store %arg10[%swap3A_856, %swap3A_857], %swap3A_860 {strides = array<i32>} : memref<16x128xf32, #tpu.memory_space<vmem>>, vector<1x16xf32>,
        %add3A_861 = arith.constant 8 : i32
        %add3A_862 = arith.addi %mul3A_773, %add3A_861 : i32
        %get3A_863 = arith.index_cast %add3A_862 : i32 to index
        %get3A_864 = arith.constant 0 : index
        %get3A_865 = tpu.vector_load %arg8[%get3A_863, %get3A_864] {strides = array<i32>} : memref<960x16xf32, #tpu.memory_space<vmem>>, vector<1x16xf32>,
        %get3A_866 = vector.shape_cast %get3A_865 : vector<1x16xf32> to vector<16xf32>
        %swap3A_867 = arith.index_cast %scan3A_417 : i32 to index
        %swap3A_868 = arith.constant 0 : index
        %swap3A_869 = tpu.vector_load %arg11[%swap3A_867, %swap3A_868] {strides = array<i32>} : memref<16x128xf32, #tpu.memory_space<vmem>>, vector<1x16xf32>,
        %swap3A_870 = vector.shape_cast %swap3A_869 : vector<1x16xf32> to vector<16xf32>
        %swap3A_871 = vector.shape_cast %get3A_866 : vector<16xf32> to vector<1x16xf32>
        tpu.vector_store %arg11[%swap3A_867, %swap3A_868], %swap3A_871 {strides = array<i32>} : memref<16x128xf32, #tpu.memory_space<vmem>>, vector<1x16xf32>,
        %add3A_872 = arith.constant 9 : i32
        %add3A_873 = arith.addi %mul3A_773, %add3A_872 : i32
        %get3A_874 = arith.index_cast %add3A_873 : i32 to index
        %get3A_875 = arith.constant 0 : index
        %get3A_876 = tpu.vector_load %arg8[%get3A_874, %get3A_875] {strides = array<i32>} : memref<960x16xf32, #tpu.memory_space<vmem>>, vector<1x16xf32>,
        %get3A_877 = vector.shape_cast %get3A_876 : vector<1x16xf32> to vector<16xf32>
        %swap3A_878 = arith.index_cast %scan3A_417 : i32 to index
        %swap3A_879 = arith.constant 16 : index
        %swap3A_880 = tpu.vector_load %arg11[%swap3A_878, %swap3A_879] {strides = array<i32>} : memref<16x128xf32, #tpu.memory_space<vmem>>, vector<1x16xf32>,
        %swap3A_881 = vector.shape_cast %swap3A_880 : vector<1x16xf32> to vector<16xf32>
        %swap3A_882 = vector.shape_cast %get3A_877 : vector<16xf32> to vector<1x16xf32>
        tpu.vector_store %arg11[%swap3A_878, %swap3A_879], %swap3A_882 {strides = array<i32>} : memref<16x128xf32, #tpu.memory_space<vmem>>, vector<1x16xf32>,
        %swap3A_883 = arith.index_cast %scan3A_417 : i32 to index
        %swap3A_884 = arith.constant 32 : index
        %swap3A_885 = tpu.vector_load %arg11[%swap3A_883, %swap3A_884] {strides = array<i32>} : memref<16x128xf32, #tpu.memory_space<vmem>>, vector<1x16xf32>,
        %swap3A_886 = vector.shape_cast %swap3A_885 : vector<1x16xf32> to vector<16xf32>
        %swap3A_887 = vector.shape_cast %mul3A_771 : vector<16xf32> to vector<1x16xf32>
        tpu.vector_store %arg11[%swap3A_883, %swap3A_884], %swap3A_887 {strides = array<i32>} : memref<16x128xf32, #tpu.memory_space<vmem>>, vector<1x16xf32>,
        %swap3A_888 = arith.index_cast %scan3A_417 : i32 to index
        %swap3A_889 = arith.constant 48 : index
        %swap3A_890 = tpu.vector_load %arg11[%swap3A_888, %swap3A_889] {strides = array<i32>} : memref<16x128xf32, #tpu.memory_space<vmem>>, vector<1x16xf32>,
        %swap3A_891 = vector.shape_cast %swap3A_890 : vector<1x16xf32> to vector<16xf32>
        %swap3A_892 = vector.shape_cast %broadcast_in_dim3A_3 : vector<16xf32> to vector<1x16xf32>
        tpu.vector_store %arg11[%swap3A_888, %swap3A_889], %swap3A_892 {strides = array<i32>} : memref<16x128xf32, #tpu.memory_space<vmem>>, vector<1x16xf32>,
        %swap3A_893 = arith.index_cast %scan3A_417 : i32 to index
        %swap3A_894 = arith.constant 64 : index
        %swap3A_895 = tpu.vector_load %arg11[%swap3A_893, %swap3A_894] {strides = array<i32>} : memref<16x128xf32, #tpu.memory_space<vmem>>, vector<1x16xf32>,
        %swap3A_896 = vector.shape_cast %swap3A_895 : vector<1x16xf32> to vector<16xf32>
        %swap3A_897 = vector.shape_cast %broadcast_in_dim3A_3 : vector<16xf32> to vector<1x16xf32>
        tpu.vector_store %arg11[%swap3A_893, %swap3A_894], %swap3A_897 {strides = array<i32>} : memref<16x128xf32, #tpu.memory_space<vmem>>, vector<1x16xf32>,
        %swap3A_898 = arith.index_cast %scan3A_417 : i32 to index
        %swap3A_899 = arith.constant 80 : index
        %swap3A_900 = tpu.vector_load %arg11[%swap3A_898, %swap3A_899] {strides = array<i32>} : memref<16x128xf32, #tpu.memory_space<vmem>>, vector<1x16xf32>,
        %swap3A_901 = vector.shape_cast %swap3A_900 : vector<1x16xf32> to vector<16xf32>
        %swap3A_902 = vector.shape_cast %broadcast_in_dim3A_3 : vector<16xf32> to vector<1x16xf32>
        tpu.vector_store %arg11[%swap3A_898, %swap3A_899], %swap3A_902 {strides = array<i32>} : memref<16x128xf32, #tpu.memory_space<vmem>>, vector<1x16xf32>,
        %swap3A_903 = arith.index_cast %scan3A_417 : i32 to index
        %swap3A_904 = arith.constant 96 : index
        %swap3A_905 = tpu.vector_load %arg11[%swap3A_903, %swap3A_904] {strides = array<i32>} : memref<16x128xf32, #tpu.memory_space<vmem>>, vector<1x16xf32>,
        %swap3A_906 = vector.shape_cast %swap3A_905 : vector<1x16xf32> to vector<16xf32>
        %swap3A_907 = vector.shape_cast %broadcast_in_dim3A_3 : vector<16xf32> to vector<1x16xf32>
        tpu.vector_store %arg11[%swap3A_903, %swap3A_904], %swap3A_907 {strides = array<i32>} : memref<16x128xf32, #tpu.memory_space<vmem>>, vector<1x16xf32>,
        %swap3A_908 = arith.index_cast %scan3A_417 : i32 to index
        %swap3A_909 = arith.constant 112 : index
        %swap3A_910 = tpu.vector_load %arg11[%swap3A_908, %swap3A_909] {strides = array<i32>} : memref<16x128xf32, #tpu.memory_space<vmem>>, vector<1x16xf32>,
        %swap3A_911 = vector.shape_cast %swap3A_910 : vector<1x16xf32> to vector<16xf32>
        %swap3A_912 = vector.shape_cast %broadcast_in_dim3A_3 : vector<16xf32> to vector<1x16xf32>
        tpu.vector_store %arg11[%swap3A_908, %swap3A_909], %swap3A_912 {strides = array<i32>} : memref<16x128xf32, #tpu.memory_space<vmem>>, vector<1x16xf32>,
        %scan3A_913 = arith.constant 0 : i32
        scf.yield %scan3A_913 : i32
      }
      %scan3A_291 = arith.constant 16 : i32
      %mul3A_292 = arith.constant 512 : i32
      %mul3A_293 = arith.muli %add3A, %mul3A_292 : i32
      %mul3A_294 = arith.constant 16 : i32
      %mul3A_295 = arith.muli %mul3A_123, %mul3A_294 : i32
      %add3A_296 = arith.addi %mul3A_293, %mul3A_295 : i32
      %multiple_of3A_297 = tpu.assume_multiple %add3A_296, 16 : i32
      %dma_start3A_298 = arith.constant 0 : i32
      %dma_start3A_299 = tpu.memref_slice %arg4[%multiple_of3A_297, %dma_start3A_298] : memref<16384x128xf32, #tpu.memory_space<hbm>> -> memref<16x128xf32, #tpu.memory_space<hbm>>
      %dma_start3A_300 = arith.constant 0 : i32
      %dma_start3A_301 = tpu.memref_slice %arg4[%multiple_of3A_297, %dma_start3A_300] : memref<16384x128xf32, #tpu.memory_space<hbm>> -> memref<16x128xf32, #tpu.memory_space<hbm>>
      tpu.enqueue_dma source(%arg10 : memref<16x128xf32, #tpu.memory_space<vmem>>) target(%dma_start3A_301 : memref<16x128xf32, #tpu.memory_space<hbm>>) target_semaphore(%arg17 : memref<!tpu.dma_semaphore, #tpu.memory_space<semaphore_mem>>)
      %dma_start3A_302 = arith.constant 0 : i32
      %dma_start3A_303 = tpu.memref_slice %arg5[%multiple_of3A_297, %dma_start3A_302] : memref<16384x128xf32, #tpu.memory_space<hbm>> -> memref<16x128xf32, #tpu.memory_space<hbm>>
      %dma_start3A_304 = arith.constant 0 : i32
      %dma_start3A_305 = tpu.memref_slice %arg5[%multiple_of3A_297, %dma_start3A_304] : memref<16384x128xf32, #tpu.memory_space<hbm>> -> memref<16x128xf32, #tpu.memory_space<hbm>>
      tpu.enqueue_dma source(%arg11 : memref<16x128xf32, #tpu.memory_space<vmem>>) target(%dma_start3A_305 : memref<16x128xf32, #tpu.memory_space<hbm>>) target_semaphore(%arg17 : memref<!tpu.dma_semaphore, #tpu.memory_space<semaphore_mem>>)
      %lt3A_306 = arith.constant 15 : i32
      %lt3A_307 = arith.cmpi slt, %scan3A_120, %lt3A_306 : i32
      %convert_element_type3A_308 = arith.extui %lt3A_307 : i1 to i32
      %cond3A_309 = arith.constant 0 : i32
      %cond3A_310 = arith.cmpi ne, %convert_element_type3A_308, %cond3A_309 : i32
      scf.if %cond3A_310 {
        %dma_wait3A_417 = arith.constant 0 : i32
        %dma_wait3A_418 = tpu.memref_slice %arg3[%dma_wait3A_417] : memref<983040xi32, #tpu.memory_space<hbm>> -> memref<960xi32, #tpu.memory_space<hbm>>
        %dma_wait3A_419 = arith.constant 0 : i32
        %dma_wait3A_420 = tpu.memref_slice %arg3[%dma_wait3A_419] : memref<983040xi32, #tpu.memory_space<hbm>> -> memref<960xi32, #tpu.memory_space<hbm>>
        tpu.wait_dma2 semaphore(%arg16 : memref<!tpu.dma_semaphore, #tpu.memory_space<semaphore_mem>>) src(%dma_wait3A_420 : memref<960xi32, #tpu.memory_space<hbm>>) dst(%arg6 : memref<960xi32, #tpu.memory_space<vmem>>)
        %scan3A_421 = arith.constant 0 : i32
        %scan3A_422 = arith.constant 0 : i32
        %scan3A_423 = arith.constant 60 : i32
        %scan3A_424 = arith.addi %scan3A_422, %scan3A_423 : i32
        %scan3A_425 = arith.constant 1 : i32
        %scan3A_426 = scf.for %scan3A_500 = %scan3A_422 to %scan3A_424 step %scan3A_425 iter_args(%scan3A_501 = %scan3A_421) -> (i32)  : i32 {
          %mul3A_502 = arith.constant 16 : i32
          %mul3A_503 = arith.muli %scan3A_500, %mul3A_502 : i32
          %get3A = arith.index_cast %mul3A_503 : i32 to index
          %get3A_504 = tpu.vector_load %arg6[%get3A] {strides = array<i32>} : memref<960xi32, #tpu.memory_space<vmem>>, vector<16xi32>,
          %get3A_505 = vector.shape_cast %get3A_504 : vector<16xi32> to vector<16xi32>
          %and3A = arith.constant -4096 : i32
          %and3A_506 = vector.broadcast %and3A : i32 to vector<16xi32>
          %and3A_507 = arith.andi %get3A_505, %and3A_506 : vector<16xi32>
          %and3A_508 = arith.constant 511 : i32
          %and3A_509 = vector.broadcast %and3A_508 : i32 to vector<16xi32>
          %and3A_510 = arith.andi %get3A_505, %and3A_509 : vector<16xi32>
          %shift_left3A = arith.constant 3 : i32
          %shift_left3A_511 = vector.broadcast %shift_left3A : i32 to vector<16xi32>
          %shift_left3A_512 = arith.shli %and3A_510, %shift_left3A_511 : vector<16xi32>
          %or3A = arith.ori %and3A_507, %shift_left3A_512 : vector<16xi32>
          %shift_right_arithmetic3A = arith.constant 9 : i32
          %shift_right_arithmetic3A_513 = vector.broadcast %shift_right_arithmetic3A : i32 to vector<16xi32>
          %shift_right_arithmetic3A_514 = arith.shrsi %get3A_505, %shift_right_arithmetic3A_513 : vector<16xi32>
          %and3A_515 = arith.constant 7 : i32
          %and3A_516 = vector.broadcast %and3A_515 : i32 to vector<16xi32>
          %and3A_517 = arith.andi %shift_right_arithmetic3A_514, %and3A_516 : vector<16xi32>
          %or3A_518 = arith.ori %or3A, %and3A_517 : vector<16xi32>
          %mul3A_519 = arith.constant 16 : i32
          %mul3A_520 = arith.muli %scan3A_500, %mul3A_519 : i32
          %swap3A = arith.index_cast %mul3A_520 : i32 to index
          %swap3A_521 = tpu.vector_load %arg6[%swap3A] {strides = array<i32>} : memref<960xi32, #tpu.memory_space<vmem>>, vector<16xi32>,
          %swap3A_522 = vector.shape_cast %swap3A_521 : vector<16xi32> to vector<16xi32>
          %swap3A_523 = vector.shape_cast %or3A_518 : vector<16xi32> to vector<16xi32>
          tpu.vector_store %arg6[%swap3A], %swap3A_523 {strides = array<i32>} : memref<960xi32, #tpu.memory_space<vmem>>, vector<16xi32>,
          %scan3A_524 = arith.constant 0 : i32
          scf.yield %scan3A_524 : i32
        }
        %scan3A_427 = arith.constant 60 : i32
        %dma_start3A_428 = arith.constant 0 : i32
        %dma_start3A_429 = arith.constant 0 : i32
        %dma_start3A_430 = tpu.memref_slice %arg8[%dma_start3A_428, %dma_start3A_429] : memref<960x16xf32, #tpu.memory_space<vmem>> -> memref<128x16xf32, #tpu.memory_space<vmem>>
        %dma_start3A_431 = arith.constant 0 : i32
        %dma_start3A_432 = tpu.memref_slice %arg6[%dma_start3A_431] : memref<960xi32, #tpu.memory_space<vmem>> -> memref<128xi32, #tpu.memory_space<vmem>>
        %dma_start3A_433 = arith.constant 0 : i32
        %dma_start3A_434 = arith.constant 0 : i32
        %dma_start3A_435 = tpu.memref_slice %arg2[%dma_start3A_433, %dma_start3A_434] : memref<1003520x16xf32, #tpu.memory_space<hbm>> -> memref<1003520x16xf32, #tpu.memory_space<hbm>>
        tpu.enqueue_indirect_dma source(%dma_start3A_435 : memref<1003520x16xf32, #tpu.memory_space<hbm>>) target(%dma_start3A_430 : memref<128x16xf32, #tpu.memory_space<vmem>>) offsets(%dma_start3A_432 : memref<128xi32, #tpu.memory_space<vmem>>) semaphore(%arg14 : memref<!tpu.dma_semaphore, #tpu.memory_space<semaphore_mem>>)
        %dma_start3A_436 = arith.constant 128 : i32
        %dma_start3A_437 = arith.constant 0 : i32
        %dma_start3A_438 = tpu.memref_slice %arg8[%dma_start3A_436, %dma_start3A_437] : memref<960x16xf32, #tpu.memory_space<vmem>> -> memref<32x16xf32, #tpu.memory_space<vmem>>
        %dma_start3A_439 = arith.constant 128 : i32
        %dma_start3A_440 = tpu.memref_slice %arg6[%dma_start3A_439] : memref<960xi32, #tpu.memory_space<vmem>> -> memref<32xi32, #tpu.memory_space<vmem>>
        %dma_start3A_441 = arith.constant 0 : i32
        %dma_start3A_442 = arith.constant 0 : i32
        %dma_start3A_443 = tpu.memref_slice %arg2[%dma_start3A_441, %dma_start3A_442] : memref<1003520x16xf32, #tpu.memory_space<hbm>> -> memref<1003520x16xf32, #tpu.memory_space<hbm>>
        tpu.enqueue_indirect_dma source(%dma_start3A_443 : memref<1003520x16xf32, #tpu.memory_space<hbm>>) target(%dma_start3A_438 : memref<32x16xf32, #tpu.memory_space<vmem>>) offsets(%dma_start3A_440 : memref<32xi32, #tpu.memory_space<vmem>>) semaphore(%arg14 : memref<!tpu.dma_semaphore, #tpu.memory_space<semaphore_mem>>)
        %dma_start3A_444 = arith.constant 160 : i32
        %dma_start3A_445 = arith.constant 0 : i32
        %dma_start3A_446 = tpu.memref_slice %arg8[%dma_start3A_444, %dma_start3A_445] : memref<960x16xf32, #tpu.memory_space<vmem>> -> memref<128x16xf32, #tpu.memory_space<vmem>>
        %dma_start3A_447 = arith.constant 160 : i32
        %dma_start3A_448 = tpu.memref_slice %arg6[%dma_start3A_447] : memref<960xi32, #tpu.memory_space<vmem>> -> memref<128xi32, #tpu.memory_space<vmem>>
        %dma_start3A_449 = arith.constant 0 : i32
        %dma_start3A_450 = arith.constant 0 : i32
        %dma_start3A_451 = tpu.memref_slice %arg2[%dma_start3A_449, %dma_start3A_450] : memref<1003520x16xf32, #tpu.memory_space<hbm>> -> memref<1003520x16xf32, #tpu.memory_space<hbm>>
        tpu.enqueue_indirect_dma source(%dma_start3A_451 : memref<1003520x16xf32, #tpu.memory_space<hbm>>) target(%dma_start3A_446 : memref<128x16xf32, #tpu.memory_space<vmem>>) offsets(%dma_start3A_448 : memref<128xi32, #tpu.memory_space<vmem>>) semaphore(%arg14 : memref<!tpu.dma_semaphore, #tpu.memory_space<semaphore_mem>>)
        %dma_start3A_452 = arith.constant 288 : i32
        %dma_start3A_453 = arith.constant 0 : i32
        %dma_start3A_454 = tpu.memref_slice %arg8[%dma_start3A_452, %dma_start3A_453] : memref<960x16xf32, #tpu.memory_space<vmem>> -> memref<128x16xf32, #tpu.memory_space<vmem>>
        %dma_start3A_455 = arith.constant 288 : i32
        %dma_start3A_456 = tpu.memref_slice %arg6[%dma_start3A_455] : memref<960xi32, #tpu.memory_space<vmem>> -> memref<128xi32, #tpu.memory_space<vmem>>
        %dma_start3A_457 = arith.constant 0 : i32
        %dma_start3A_458 = arith.constant 0 : i32
        %dma_start3A_459 = tpu.memref_slice %arg2[%dma_start3A_457, %dma_start3A_458] : memref<1003520x16xf32, #tpu.memory_space<hbm>> -> memref<1003520x16xf32, #tpu.memory_space<hbm>>
        tpu.enqueue_indirect_dma source(%dma_start3A_459 : memref<1003520x16xf32, #tpu.memory_space<hbm>>) target(%dma_start3A_454 : memref<128x16xf32, #tpu.memory_space<vmem>>) offsets(%dma_start3A_456 : memref<128xi32, #tpu.memory_space<vmem>>) semaphore(%arg14 : memref<!tpu.dma_semaphore, #tpu.memory_space<semaphore_mem>>)
        %dma_start3A_460 = arith.constant 416 : i32
        %dma_start3A_461 = arith.constant 0 : i32
        %dma_start3A_462 = tpu.memref_slice %arg8[%dma_start3A_460, %dma_start3A_461] : memref<960x16xf32, #tpu.memory_space<vmem>> -> memref<128x16xf32, #tpu.memory_space<vmem>>
        %dma_start3A_463 = arith.constant 416 : i32
        %dma_start3A_464 = tpu.memref_slice %arg6[%dma_start3A_463] : memref<960xi32, #tpu.memory_space<vmem>> -> memref<128xi32, #tpu.memory_space<vmem>>
        %dma_start3A_465 = arith.constant 0 : i32
        %dma_start3A_466 = arith.constant 0 : i32
        %dma_start3A_467 = tpu.memref_slice %arg2[%dma_start3A_465, %dma_start3A_466] : memref<1003520x16xf32, #tpu.memory_space<hbm>> -> memref<1003520x16xf32, #tpu.memory_space<hbm>>
        tpu.enqueue_indirect_dma source(%dma_start3A_467 : memref<1003520x16xf32, #tpu.memory_space<hbm>>) target(%dma_start3A_462 : memref<128x16xf32, #tpu.memory_space<vmem>>) offsets(%dma_start3A_464 : memref<128xi32, #tpu.memory_space<vmem>>) semaphore(%arg14 : memref<!tpu.dma_semaphore, #tpu.memory_space<semaphore_mem>>)
        %dma_start3A_468 = arith.constant 544 : i32
        %dma_start3A_469 = arith.constant 0 : i32
        %dma_start3A_470 = tpu.memref_slice %arg8[%dma_start3A_468, %dma_start3A_469] : memref<960x16xf32, #tpu.memory_space<vmem>> -> memref<128x16xf32, #tpu.memory_space<vmem>>
        %dma_start3A_471 = arith.constant 544 : i32
        %dma_start3A_472 = tpu.memref_slice %arg6[%dma_start3A_471] : memref<960xi32, #tpu.memory_space<vmem>> -> memref<128xi32, #tpu.memory_space<vmem>>
        %dma_start3A_473 = arith.constant 0 : i32
        %dma_start3A_474 = arith.constant 0 : i32
        %dma_start3A_475 = tpu.memref_slice %arg2[%dma_start3A_473, %dma_start3A_474] : memref<1003520x16xf32, #tpu.memory_space<hbm>> -> memref<1003520x16xf32, #tpu.memory_space<hbm>>
        tpu.enqueue_indirect_dma source(%dma_start3A_475 : memref<1003520x16xf32, #tpu.memory_space<hbm>>) target(%dma_start3A_470 : memref<128x16xf32, #tpu.memory_space<vmem>>) offsets(%dma_start3A_472 : memref<128xi32, #tpu.memory_space<vmem>>) semaphore(%arg14 : memref<!tpu.dma_semaphore, #tpu.memory_space<semaphore_mem>>)
        %dma_start3A_476 = arith.constant 672 : i32
        %dma_start3A_477 = arith.constant 0 : i32
        %dma_start3A_478 = tpu.memref_slice %arg8[%dma_start3A_476, %dma_start3A_477] : memref<960x16xf32, #tpu.memory_space<vmem>> -> memref<128x16xf32, #tpu.memory_space<vmem>>
        %dma_start3A_479 = arith.constant 672 : i32
        %dma_start3A_480 = tpu.memref_slice %arg6[%dma_start3A_479] : memref<960xi32, #tpu.memory_space<vmem>> -> memref<128xi32, #tpu.memory_space<vmem>>
        %dma_start3A_481 = arith.constant 0 : i32
        %dma_start3A_482 = arith.constant 0 : i32
        %dma_start3A_483 = tpu.memref_slice %arg2[%dma_start3A_481, %dma_start3A_482] : memref<1003520x16xf32, #tpu.memory_space<hbm>> -> memref<1003520x16xf32, #tpu.memory_space<hbm>>
        tpu.enqueue_indirect_dma source(%dma_start3A_483 : memref<1003520x16xf32, #tpu.memory_space<hbm>>) target(%dma_start3A_478 : memref<128x16xf32, #tpu.memory_space<vmem>>) offsets(%dma_start3A_480 : memref<128xi32, #tpu.memory_space<vmem>>) semaphore(%arg14 : memref<!tpu.dma_semaphore, #tpu.memory_space<semaphore_mem>>)
        %dma_start3A_484 = arith.constant 800 : i32
        %dma_start3A_485 = arith.constant 0 : i32
        %dma_start3A_486 = tpu.memref_slice %arg8[%dma_start3A_484, %dma_start3A_485] : memref<960x16xf32, #tpu.memory_space<vmem>> -> memref<128x16xf32, #tpu.memory_space<vmem>>
        %dma_start3A_487 = arith.constant 800 : i32
        %dma_start3A_488 = tpu.memref_slice %arg6[%dma_start3A_487] : memref<960xi32, #tpu.memory_space<vmem>> -> memref<128xi32, #tpu.memory_space<vmem>>
        %dma_start3A_489 = arith.constant 0 : i32
        %dma_start3A_490 = arith.constant 0 : i32
        %dma_start3A_491 = tpu.memref_slice %arg2[%dma_start3A_489, %dma_start3A_490] : memref<1003520x16xf32, #tpu.memory_space<hbm>> -> memref<1003520x16xf32, #tpu.memory_space<hbm>>
        tpu.enqueue_indirect_dma source(%dma_start3A_491 : memref<1003520x16xf32, #tpu.memory_space<hbm>>) target(%dma_start3A_486 : memref<128x16xf32, #tpu.memory_space<vmem>>) offsets(%dma_start3A_488 : memref<128xi32, #tpu.memory_space<vmem>>) semaphore(%arg14 : memref<!tpu.dma_semaphore, #tpu.memory_space<semaphore_mem>>)
        %dma_start3A_492 = arith.constant 928 : i32
        %dma_start3A_493 = arith.constant 0 : i32
        %dma_start3A_494 = tpu.memref_slice %arg8[%dma_start3A_492, %dma_start3A_493] : memref<960x16xf32, #tpu.memory_space<vmem>> -> memref<32x16xf32, #tpu.memory_space<vmem>>
        %dma_start3A_495 = arith.constant 928 : i32
        %dma_start3A_496 = tpu.memref_slice %arg6[%dma_start3A_495] : memref<960xi32, #tpu.memory_space<vmem>> -> memref<32xi32, #tpu.memory_space<vmem>>
        %dma_start3A_497 = arith.constant 0 : i32
        %dma_start3A_498 = arith.constant 0 : i32
        %dma_start3A_499 = tpu.memref_slice %arg2[%dma_start3A_497, %dma_start3A_498] : memref<1003520x16xf32, #tpu.memory_space<hbm>> -> memref<1003520x16xf32, #tpu.memory_space<hbm>>
        tpu.enqueue_indirect_dma source(%dma_start3A_499 : memref<1003520x16xf32, #tpu.memory_space<hbm>>) target(%dma_start3A_494 : memref<32x16xf32, #tpu.memory_space<vmem>>) offsets(%dma_start3A_496 : memref<32xi32, #tpu.memory_space<vmem>>) semaphore(%arg14 : memref<!tpu.dma_semaphore, #tpu.memory_space<semaphore_mem>>)
      } else {
      }
      %dma_wait3A_311 = arith.constant 0 : i32
      %dma_wait3A_312 = arith.constant 0 : i32
      %dma_wait3A_313 = tpu.memref_slice %arg8[%dma_wait3A_311, %dma_wait3A_312] : memref<960x16xf32, #tpu.memory_space<vmem>> -> memref<128x16xf32, #tpu.memory_space<vmem>>
      %dma_wait3A_314 = arith.constant 0 : i32
      %dma_wait3A_315 = tpu.memref_slice %arg6[%dma_wait3A_314] : memref<960xi32, #tpu.memory_space<vmem>> -> memref<128xi32, #tpu.memory_space<vmem>>
      %dma_wait3A_316 = arith.constant 0 : i32
      %dma_wait3A_317 = arith.constant 0 : i32
      %dma_wait3A_318 = tpu.memref_slice %arg2[%dma_wait3A_316, %dma_wait3A_317] : memref<1003520x16xf32, #tpu.memory_space<hbm>> -> memref<1003520x16xf32, #tpu.memory_space<hbm>>
      tpu.wait_indirect_dma semaphore(%arg15 : memref<!tpu.dma_semaphore, #tpu.memory_space<semaphore_mem>>) src(%dma_wait3A_318 : memref<1003520x16xf32, #tpu.memory_space<hbm>>) dst(%dma_wait3A_313 : memref<128x16xf32, #tpu.memory_space<vmem>>)
      %dma_wait3A_319 = arith.constant 0 : i32
      %dma_wait3A_320 = arith.constant 0 : i32
      %dma_wait3A_321 = tpu.memref_slice %arg8[%dma_wait3A_319, %dma_wait3A_320] : memref<960x16xf32, #tpu.memory_space<vmem>> -> memref<32x16xf32, #tpu.memory_space<vmem>>
      %dma_wait3A_322 = arith.constant 0 : i32
      %dma_wait3A_323 = tpu.memref_slice %arg6[%dma_wait3A_322] : memref<960xi32, #tpu.memory_space<vmem>> -> memref<32xi32, #tpu.memory_space<vmem>>
      %dma_wait3A_324 = arith.constant 0 : i32
      %dma_wait3A_325 = arith.constant 0 : i32
      %dma_wait3A_326 = tpu.memref_slice %arg2[%dma_wait3A_324, %dma_wait3A_325] : memref<1003520x16xf32, #tpu.memory_space<hbm>> -> memref<1003520x16xf32, #tpu.memory_space<hbm>>
      tpu.wait_indirect_dma semaphore(%arg15 : memref<!tpu.dma_semaphore, #tpu.memory_space<semaphore_mem>>) src(%dma_wait3A_326 : memref<1003520x16xf32, #tpu.memory_space<hbm>>) dst(%dma_wait3A_321 : memref<32x16xf32, #tpu.memory_space<vmem>>)
      %dma_wait3A_327 = arith.constant 0 : i32
      %dma_wait3A_328 = arith.constant 0 : i32
      %dma_wait3A_329 = tpu.memref_slice %arg8[%dma_wait3A_327, %dma_wait3A_328] : memref<960x16xf32, #tpu.memory_space<vmem>> -> memref<128x16xf32, #tpu.memory_space<vmem>>
      %dma_wait3A_330 = arith.constant 0 : i32
      %dma_wait3A_331 = tpu.memref_slice %arg6[%dma_wait3A_330] : memref<960xi32, #tpu.memory_space<vmem>> -> memref<128xi32, #tpu.memory_space<vmem>>
      %dma_wait3A_332 = arith.constant 0 : i32
      %dma_wait3A_333 = arith.constant 0 : i32
      %dma_wait3A_334 = tpu.memref_slice %arg2[%dma_wait3A_332, %dma_wait3A_333] : memref<1003520x16xf32, #tpu.memory_space<hbm>> -> memref<1003520x16xf32, #tpu.memory_space<hbm>>
      tpu.wait_indirect_dma semaphore(%arg15 : memref<!tpu.dma_semaphore, #tpu.memory_space<semaphore_mem>>) src(%dma_wait3A_334 : memref<1003520x16xf32, #tpu.memory_space<hbm>>) dst(%dma_wait3A_329 : memref<128x16xf32, #tpu.memory_space<vmem>>)
      %dma_wait3A_335 = arith.constant 0 : i32
      %dma_wait3A_336 = arith.constant 0 : i32
      %dma_wait3A_337 = tpu.memref_slice %arg8[%dma_wait3A_335, %dma_wait3A_336] : memref<960x16xf32, #tpu.memory_space<vmem>> -> memref<128x16xf32, #tpu.memory_space<vmem>>
      %dma_wait3A_338 = arith.constant 0 : i32
      %dma_wait3A_339 = tpu.memref_slice %arg6[%dma_wait3A_338] : memref<960xi32, #tpu.memory_space<vmem>> -> memref<128xi32, #tpu.memory_space<vmem>>
      %dma_wait3A_340 = arith.constant 0 : i32
      %dma_wait3A_341 = arith.constant 0 : i32
      %dma_wait3A_342 = tpu.memref_slice %arg2[%dma_wait3A_340, %dma_wait3A_341] : memref<1003520x16xf32, #tpu.memory_space<hbm>> -> memref<1003520x16xf32, #tpu.memory_space<hbm>>
      tpu.wait_indirect_dma semaphore(%arg15 : memref<!tpu.dma_semaphore, #tpu.memory_space<semaphore_mem>>) src(%dma_wait3A_342 : memref<1003520x16xf32, #tpu.memory_space<hbm>>) dst(%dma_wait3A_337 : memref<128x16xf32, #tpu.memory_space<vmem>>)
      %dma_wait3A_343 = arith.constant 0 : i32
      %dma_wait3A_344 = arith.constant 0 : i32
      %dma_wait3A_345 = tpu.memref_slice %arg8[%dma_wait3A_343, %dma_wait3A_344] : memref<960x16xf32, #tpu.memory_space<vmem>> -> memref<128x16xf32, #tpu.memory_space<vmem>>
      %dma_wait3A_346 = arith.constant 0 : i32
      %dma_wait3A_347 = tpu.memref_slice %arg6[%dma_wait3A_346] : memref<960xi32, #tpu.memory_space<vmem>> -> memref<128xi32, #tpu.memory_space<vmem>>
      %dma_wait3A_348 = arith.constant 0 : i32
      %dma_wait3A_349 = arith.constant 0 : i32
      %dma_wait3A_350 = tpu.memref_slice %arg2[%dma_wait3A_348, %dma_wait3A_349] : memref<1003520x16xf32, #tpu.memory_space<hbm>> -> memref<1003520x16xf32, #tpu.memory_space<hbm>>
      tpu.wait_indirect_dma semaphore(%arg15 : memref<!tpu.dma_semaphore, #tpu.memory_space<semaphore_mem>>) src(%dma_wait3A_350 : memref<1003520x16xf32, #tpu.memory_space<hbm>>) dst(%dma_wait3A_345 : memref<128x16xf32, #tpu.memory_space<vmem>>)
      %dma_wait3A_351 = arith.constant 0 : i32
      %dma_wait3A_352 = arith.constant 0 : i32
      %dma_wait3A_353 = tpu.memref_slice %arg8[%dma_wait3A_351, %dma_wait3A_352] : memref<960x16xf32, #tpu.memory_space<vmem>> -> memref<128x16xf32, #tpu.memory_space<vmem>>
      %dma_wait3A_354 = arith.constant 0 : i32
      %dma_wait3A_355 = tpu.memref_slice %arg6[%dma_wait3A_354] : memref<960xi32, #tpu.memory_space<vmem>> -> memref<128xi32, #tpu.memory_space<vmem>>
      %dma_wait3A_356 = arith.constant 0 : i32
      %dma_wait3A_357 = arith.constant 0 : i32
      %dma_wait3A_358 = tpu.memref_slice %arg2[%dma_wait3A_356, %dma_wait3A_357] : memref<1003520x16xf32, #tpu.memory_space<hbm>> -> memref<1003520x16xf32, #tpu.memory_space<hbm>>
      tpu.wait_indirect_dma semaphore(%arg15 : memref<!tpu.dma_semaphore, #tpu.memory_space<semaphore_mem>>) src(%dma_wait3A_358 : memref<1003520x16xf32, #tpu.memory_space<hbm>>) dst(%dma_wait3A_353 : memref<128x16xf32, #tpu.memory_space<vmem>>)
      %dma_wait3A_359 = arith.constant 0 : i32
      %dma_wait3A_360 = arith.constant 0 : i32
      %dma_wait3A_361 = tpu.memref_slice %arg8[%dma_wait3A_359, %dma_wait3A_360] : memref<960x16xf32, #tpu.memory_space<vmem>> -> memref<128x16xf32, #tpu.memory_space<vmem>>
      %dma_wait3A_362 = arith.constant 0 : i32
      %dma_wait3A_363 = tpu.memref_slice %arg6[%dma_wait3A_362] : memref<960xi32, #tpu.memory_space<vmem>> -> memref<128xi32, #tpu.memory_space<vmem>>
      %dma_wait3A_364 = arith.constant 0 : i32
      %dma_wait3A_365 = arith.constant 0 : i32
      %dma_wait3A_366 = tpu.memref_slice %arg2[%dma_wait3A_364, %dma_wait3A_365] : memref<1003520x16xf32, #tpu.memory_space<hbm>> -> memref<1003520x16xf32, #tpu.memory_space<hbm>>
      tpu.wait_indirect_dma semaphore(%arg15 : memref<!tpu.dma_semaphore, #tpu.memory_space<semaphore_mem>>) src(%dma_wait3A_366 : memref<1003520x16xf32, #tpu.memory_space<hbm>>) dst(%dma_wait3A_361 : memref<128x16xf32, #tpu.memory_space<vmem>>)
      %dma_wait3A_367 = arith.constant 0 : i32
      %dma_wait3A_368 = arith.constant 0 : i32
      %dma_wait3A_369 = tpu.memref_slice %arg8[%dma_wait3A_367, %dma_wait3A_368] : memref<960x16xf32, #tpu.memory_space<vmem>> -> memref<128x16xf32, #tpu.memory_space<vmem>>
      %dma_wait3A_370 = arith.constant 0 : i32
      %dma_wait3A_371 = tpu.memref_slice %arg6[%dma_wait3A_370] : memref<960xi32, #tpu.memory_space<vmem>> -> memref<128xi32, #tpu.memory_space<vmem>>
      %dma_wait3A_372 = arith.constant 0 : i32
      %dma_wait3A_373 = arith.constant 0 : i32
      %dma_wait3A_374 = tpu.memref_slice %arg2[%dma_wait3A_372, %dma_wait3A_373] : memref<1003520x16xf32, #tpu.memory_space<hbm>> -> memref<1003520x16xf32, #tpu.memory_space<hbm>>
      tpu.wait_indirect_dma semaphore(%arg15 : memref<!tpu.dma_semaphore, #tpu.memory_space<semaphore_mem>>) src(%dma_wait3A_374 : memref<1003520x16xf32, #tpu.memory_space<hbm>>) dst(%dma_wait3A_369 : memref<128x16xf32, #tpu.memory_space<vmem>>)
      %dma_wait3A_375 = arith.constant 0 : i32
      %dma_wait3A_376 = arith.constant 0 : i32
      %dma_wait3A_377 = tpu.memref_slice %arg8[%dma_wait3A_375, %dma_wait3A_376] : memref<960x16xf32, #tpu.memory_space<vmem>> -> memref<32x16xf32, #tpu.memory_space<vmem>>
      %dma_wait3A_378 = arith.constant 0 : i32
      %dma_wait3A_379 = tpu.memref_slice %arg6[%dma_wait3A_378] : memref<960xi32, #tpu.memory_space<vmem>> -> memref<32xi32, #tpu.memory_space<vmem>>
      %dma_wait3A_380 = arith.constant 0 : i32
      %dma_wait3A_381 = arith.constant 0 : i32
      %dma_wait3A_382 = tpu.memref_slice %arg2[%dma_wait3A_380, %dma_wait3A_381] : memref<1003520x16xf32, #tpu.memory_space<hbm>> -> memref<1003520x16xf32, #tpu.memory_space<hbm>>
      tpu.wait_indirect_dma semaphore(%arg15 : memref<!tpu.dma_semaphore, #tpu.memory_space<semaphore_mem>>) src(%dma_wait3A_382 : memref<1003520x16xf32, #tpu.memory_space<hbm>>) dst(%dma_wait3A_377 : memref<32x16xf32, #tpu.memory_space<vmem>>)
      %lt3A_383 = arith.constant 15 : i32
      %lt3A_384 = arith.cmpi slt, %scan3A_120, %lt3A_383 : i32
      %convert_element_type3A_385 = arith.extui %lt3A_384 : i1 to i32
      %cond3A_386 = arith.constant 0 : i32
      %cond3A_387 = arith.cmpi ne, %convert_element_type3A_385, %cond3A_386 : i32
      scf.if %cond3A_387 {
        %add3A_417 = arith.constant 3 : i32
        %add3A_418 = arith.addi %mul3A_123, %add3A_417 : i32
        %add3A_419 = arith.addi %mul3A_2, %add3A_418 : i32
        %mul3A_420 = arith.constant 960 : i32
        %mul3A_421 = arith.muli %add3A_419, %mul3A_420 : i32
        %multiple_of3A_422 = tpu.assume_multiple %mul3A_421, 8 : i32
        %dma_start3A_423 = tpu.memref_slice %arg3[%multiple_of3A_422] : memref<983040xi32, #tpu.memory_space<hbm>> -> memref<960xi32, #tpu.memory_space<hbm>>
        %dma_start3A_424 = tpu.memref_slice %arg3[%multiple_of3A_422] : memref<983040xi32, #tpu.memory_space<hbm>> -> memref<960xi32, #tpu.memory_space<hbm>>
        tpu.enqueue_dma source(%dma_start3A_424 : memref<960xi32, #tpu.memory_space<hbm>>) target(%arg7 : memref<960xi32, #tpu.memory_space<vmem>>) target_semaphore(%arg16 : memref<!tpu.dma_semaphore, #tpu.memory_space<semaphore_mem>>)
      } else {
      }
      %gt3A_388 = arith.constant 0 : i32
      %gt3A_389 = arith.cmpi sgt, %scan3A_120, %gt3A_388 : i32
      %convert_element_type3A_390 = arith.extui %gt3A_389 : i1 to i32
      %cond3A_391 = arith.constant 0 : i32
      %cond3A_392 = arith.cmpi ne, %convert_element_type3A_390, %cond3A_391 : i32
      scf.if %cond3A_392 {
        %dma_wait3A_417 = arith.constant 0 : i32
        %dma_wait3A_418 = arith.constant 0 : i32
        %dma_wait3A_419 = tpu.memref_slice %arg4[%dma_wait3A_417, %dma_wait3A_418] : memref<16384x128xf32, #tpu.memory_space<hbm>> -> memref<16x128xf32, #tpu.memory_space<hbm>>
        %dma_wait3A_420 = arith.constant 0 : i32
        %dma_wait3A_421 = arith.constant 0 : i32
        %dma_wait3A_422 = tpu.memref_slice %arg4[%dma_wait3A_420, %dma_wait3A_421] : memref<16384x128xf32, #tpu.memory_space<hbm>> -> memref<16x128xf32, #tpu.memory_space<hbm>>
        tpu.wait_dma2 semaphore(%arg18 : memref<!tpu.dma_semaphore, #tpu.memory_space<semaphore_mem>>) src(%arg12 : memref<16x128xf32, #tpu.memory_space<vmem>>) dst(%dma_wait3A_422 : memref<16x128xf32, #tpu.memory_space<hbm>>)
        %dma_wait3A_423 = arith.constant 0 : i32
        %dma_wait3A_424 = arith.constant 0 : i32
        %dma_wait3A_425 = tpu.memref_slice %arg5[%dma_wait3A_423, %dma_wait3A_424] : memref<16384x128xf32, #tpu.memory_space<hbm>> -> memref<16x128xf32, #tpu.memory_space<hbm>>
        %dma_wait3A_426 = arith.constant 0 : i32
        %dma_wait3A_427 = arith.constant 0 : i32
        %dma_wait3A_428 = tpu.memref_slice %arg5[%dma_wait3A_426, %dma_wait3A_427] : memref<16384x128xf32, #tpu.memory_space<hbm>> -> memref<16x128xf32, #tpu.memory_space<hbm>>
        tpu.wait_dma2 semaphore(%arg18 : memref<!tpu.dma_semaphore, #tpu.memory_space<semaphore_mem>>) src(%arg13 : memref<16x128xf32, #tpu.memory_space<vmem>>) dst(%dma_wait3A_428 : memref<16x128xf32, #tpu.memory_space<hbm>>)
      } else {
      }
      %add3A_393 = arith.constant 1 : i32
      %add3A_394 = arith.addi %mul3A_123, %add3A_393 : i32
      %scan3A_395 = arith.constant 0 : i32
      %scan3A_396 = arith.constant 0 : i32
      %scan3A_397 = arith.constant 16 : i32
      %scan3A_398 = arith.addi %scan3A_396, %scan3A_397 : i32
      %scan3A_399 = arith.constant 1 : i32
      %scan3A_400 = scf.for %scan3A_417 = %scan3A_396 to %scan3A_398 step %scan3A_399 iter_args(%scan3A_418 = %scan3A_395) -> (i32)  : i32 {
        %mul3A_419 = arith.constant 50 : i32
        %mul3A_420 = arith.muli %scan3A_417, %mul3A_419 : i32
        %add3A_421 = arith.constant 160 : i32
        %add3A_422 = arith.addi %add3A_421, %mul3A_420 : i32
        %get3A = arith.index_cast %add3A_422 : i32 to index
        %get3A_423 = arith.constant 0 : index
        %get3A_424 = tpu.vector_load %arg9[%get3A, %get3A_423] {strides = array<i32>} : memref<960x16xf32, #tpu.memory_space<vmem>>, vector<1x16xf32>,
        %get3A_425 = vector.shape_cast %get3A_424 : vector<1x16xf32> to vector<16xf32>
        %add3A_426 = arith.constant 1 : i32
        %add3A_427 = arith.addi %add3A_422, %add3A_426 : i32
        %get3A_428 = arith.index_cast %add3A_427 : i32 to index
        %get3A_429 = arith.constant 0 : index
        %get3A_430 = tpu.vector_load %arg9[%get3A_428, %get3A_429] {strides = array<i32>} : memref<960x16xf32, #tpu.memory_space<vmem>>, vector<1x16xf32>,
        %get3A_431 = vector.shape_cast %get3A_430 : vector<1x16xf32> to vector<16xf32>
        %add3A_432 = arith.addf %get3A_425, %get3A_431 : vector<16xf32>
        %add3A_433 = arith.constant 2 : i32
        %add3A_434 = arith.addi %add3A_422, %add3A_433 : i32
        %get3A_435 = arith.index_cast %add3A_434 : i32 to index
        %get3A_436 = arith.constant 0 : index
        %get3A_437 = tpu.vector_load %arg9[%get3A_435, %get3A_436] {strides = array<i32>} : memref<960x16xf32, #tpu.memory_space<vmem>>, vector<1x16xf32>,
        %get3A_438 = vector.shape_cast %get3A_437 : vector<1x16xf32> to vector<16xf32>
        %add3A_439 = arith.addf %add3A_432, %get3A_438 : vector<16xf32>
        %add3A_440 = arith.constant 3 : i32
        %add3A_441 = arith.addi %add3A_422, %add3A_440 : i32
        %get3A_442 = arith.index_cast %add3A_441 : i32 to index
        %get3A_443 = arith.constant 0 : index
        %get3A_444 = tpu.vector_load %arg9[%get3A_442, %get3A_443] {strides = array<i32>} : memref<960x16xf32, #tpu.memory_space<vmem>>, vector<1x16xf32>,
        %get3A_445 = vector.shape_cast %get3A_444 : vector<1x16xf32> to vector<16xf32>
        %add3A_446 = arith.addf %add3A_439, %get3A_445 : vector<16xf32>
        %add3A_447 = arith.constant 4 : i32
        %add3A_448 = arith.addi %add3A_422, %add3A_447 : i32
        %get3A_449 = arith.index_cast %add3A_448 : i32 to index
        %get3A_450 = arith.constant 0 : index
        %get3A_451 = tpu.vector_load %arg9[%get3A_449, %get3A_450] {strides = array<i32>} : memref<960x16xf32, #tpu.memory_space<vmem>>, vector<1x16xf32>,
        %get3A_452 = vector.shape_cast %get3A_451 : vector<1x16xf32> to vector<16xf32>
        %add3A_453 = arith.addf %add3A_446, %get3A_452 : vector<16xf32>
        %add3A_454 = arith.constant 5 : i32
        %add3A_455 = arith.addi %add3A_422, %add3A_454 : i32
        %get3A_456 = arith.index_cast %add3A_455 : i32 to index
        %get3A_457 = arith.constant 0 : index
        %get3A_458 = tpu.vector_load %arg9[%get3A_456, %get3A_457] {strides = array<i32>} : memref<960x16xf32, #tpu.memory_space<vmem>>, vector<1x16xf32>,
        %get3A_459 = vector.shape_cast %get3A_458 : vector<1x16xf32> to vector<16xf32>
        %add3A_460 = arith.addf %add3A_453, %get3A_459 : vector<16xf32>
        %add3A_461 = arith.constant 6 : i32
        %add3A_462 = arith.addi %add3A_422, %add3A_461 : i32
        %get3A_463 = arith.index_cast %add3A_462 : i32 to index
        %get3A_464 = arith.constant 0 : index
        %get3A_465 = tpu.vector_load %arg9[%get3A_463, %get3A_464] {strides = array<i32>} : memref<960x16xf32, #tpu.memory_space<vmem>>, vector<1x16xf32>,
        %get3A_466 = vector.shape_cast %get3A_465 : vector<1x16xf32> to vector<16xf32>
        %add3A_467 = arith.addf %add3A_460, %get3A_466 : vector<16xf32>
        %add3A_468 = arith.constant 7 : i32
        %add3A_469 = arith.addi %add3A_422, %add3A_468 : i32
        %get3A_470 = arith.index_cast %add3A_469 : i32 to index
        %get3A_471 = arith.constant 0 : index
        %get3A_472 = tpu.vector_load %arg9[%get3A_470, %get3A_471] {strides = array<i32>} : memref<960x16xf32, #tpu.memory_space<vmem>>, vector<1x16xf32>,
        %get3A_473 = vector.shape_cast %get3A_472 : vector<1x16xf32> to vector<16xf32>
        %add3A_474 = arith.addf %add3A_467, %get3A_473 : vector<16xf32>
        %add3A_475 = arith.constant 8 : i32
        %add3A_476 = arith.addi %add3A_422, %add3A_475 : i32
        %get3A_477 = arith.index_cast %add3A_476 : i32 to index
        %get3A_478 = arith.constant 0 : index
        %get3A_479 = tpu.vector_load %arg9[%get3A_477, %get3A_478] {strides = array<i32>} : memref<960x16xf32, #tpu.memory_space<vmem>>, vector<1x16xf32>,
        %get3A_480 = vector.shape_cast %get3A_479 : vector<1x16xf32> to vector<16xf32>
        %add3A_481 = arith.addf %add3A_474, %get3A_480 : vector<16xf32>
        %add3A_482 = arith.constant 9 : i32
        %add3A_483 = arith.addi %add3A_422, %add3A_482 : i32
        %get3A_484 = arith.index_cast %add3A_483 : i32 to index
        %get3A_485 = arith.constant 0 : index
        %get3A_486 = tpu.vector_load %arg9[%get3A_484, %get3A_485] {strides = array<i32>} : memref<960x16xf32, #tpu.memory_space<vmem>>, vector<1x16xf32>,
        %get3A_487 = vector.shape_cast %get3A_486 : vector<1x16xf32> to vector<16xf32>
        %add3A_488 = arith.addf %add3A_481, %get3A_487 : vector<16xf32>
        %add3A_489 = arith.constant 10 : i32
        %add3A_490 = arith.addi %add3A_422, %add3A_489 : i32
        %get3A_491 = arith.index_cast %add3A_490 : i32 to index
        %get3A_492 = arith.constant 0 : index
        %get3A_493 = tpu.vector_load %arg9[%get3A_491, %get3A_492] {strides = array<i32>} : memref<960x16xf32, #tpu.memory_space<vmem>>, vector<1x16xf32>,
        %get3A_494 = vector.shape_cast %get3A_493 : vector<1x16xf32> to vector<16xf32>
        %add3A_495 = arith.addf %add3A_488, %get3A_494 : vector<16xf32>
        %add3A_496 = arith.constant 11 : i32
        %add3A_497 = arith.addi %add3A_422, %add3A_496 : i32
        %get3A_498 = arith.index_cast %add3A_497 : i32 to index
        %get3A_499 = arith.constant 0 : index
        %get3A_500 = tpu.vector_load %arg9[%get3A_498, %get3A_499] {strides = array<i32>} : memref<960x16xf32, #tpu.memory_space<vmem>>, vector<1x16xf32>,
        %get3A_501 = vector.shape_cast %get3A_500 : vector<1x16xf32> to vector<16xf32>
        %add3A_502 = arith.addf %add3A_495, %get3A_501 : vector<16xf32>
        %add3A_503 = arith.constant 12 : i32
        %add3A_504 = arith.addi %add3A_422, %add3A_503 : i32
        %get3A_505 = arith.index_cast %add3A_504 : i32 to index
        %get3A_506 = arith.constant 0 : index
        %get3A_507 = tpu.vector_load %arg9[%get3A_505, %get3A_506] {strides = array<i32>} : memref<960x16xf32, #tpu.memory_space<vmem>>, vector<1x16xf32>,
        %get3A_508 = vector.shape_cast %get3A_507 : vector<1x16xf32> to vector<16xf32>
        %add3A_509 = arith.addf %add3A_502, %get3A_508 : vector<16xf32>
        %add3A_510 = arith.constant 13 : i32
        %add3A_511 = arith.addi %add3A_422, %add3A_510 : i32
        %get3A_512 = arith.index_cast %add3A_511 : i32 to index
        %get3A_513 = arith.constant 0 : index
        %get3A_514 = tpu.vector_load %arg9[%get3A_512, %get3A_513] {strides = array<i32>} : memref<960x16xf32, #tpu.memory_space<vmem>>, vector<1x16xf32>,
        %get3A_515 = vector.shape_cast %get3A_514 : vector<1x16xf32> to vector<16xf32>
        %add3A_516 = arith.addf %add3A_509, %get3A_515 : vector<16xf32>
        %add3A_517 = arith.constant 14 : i32
        %add3A_518 = arith.addi %add3A_422, %add3A_517 : i32
        %get3A_519 = arith.index_cast %add3A_518 : i32 to index
        %get3A_520 = arith.constant 0 : index
        %get3A_521 = tpu.vector_load %arg9[%get3A_519, %get3A_520] {strides = array<i32>} : memref<960x16xf32, #tpu.memory_space<vmem>>, vector<1x16xf32>,
        %get3A_522 = vector.shape_cast %get3A_521 : vector<1x16xf32> to vector<16xf32>
        %add3A_523 = arith.addf %add3A_516, %get3A_522 : vector<16xf32>
        %add3A_524 = arith.constant 15 : i32
        %add3A_525 = arith.addi %add3A_422, %add3A_524 : i32
        %get3A_526 = arith.index_cast %add3A_525 : i32 to index
        %get3A_527 = arith.constant 0 : index
        %get3A_528 = tpu.vector_load %arg9[%get3A_526, %get3A_527] {strides = array<i32>} : memref<960x16xf32, #tpu.memory_space<vmem>>, vector<1x16xf32>,
        %get3A_529 = vector.shape_cast %get3A_528 : vector<1x16xf32> to vector<16xf32>
        %add3A_530 = arith.addf %add3A_523, %get3A_529 : vector<16xf32>
        %add3A_531 = arith.constant 16 : i32
        %add3A_532 = arith.addi %add3A_422, %add3A_531 : i32
        %get3A_533 = arith.index_cast %add3A_532 : i32 to index
        %get3A_534 = arith.constant 0 : index
        %get3A_535 = tpu.vector_load %arg9[%get3A_533, %get3A_534] {strides = array<i32>} : memref<960x16xf32, #tpu.memory_space<vmem>>, vector<1x16xf32>,
        %get3A_536 = vector.shape_cast %get3A_535 : vector<1x16xf32> to vector<16xf32>
        %add3A_537 = arith.addf %add3A_530, %get3A_536 : vector<16xf32>
        %add3A_538 = arith.constant 17 : i32
        %add3A_539 = arith.addi %add3A_422, %add3A_538 : i32
        %get3A_540 = arith.index_cast %add3A_539 : i32 to index
        %get3A_541 = arith.constant 0 : index
        %get3A_542 = tpu.vector_load %arg9[%get3A_540, %get3A_541] {strides = array<i32>} : memref<960x16xf32, #tpu.memory_space<vmem>>, vector<1x16xf32>,
        %get3A_543 = vector.shape_cast %get3A_542 : vector<1x16xf32> to vector<16xf32>
        %add3A_544 = arith.addf %add3A_537, %get3A_543 : vector<16xf32>
        %add3A_545 = arith.constant 18 : i32
        %add3A_546 = arith.addi %add3A_422, %add3A_545 : i32
        %get3A_547 = arith.index_cast %add3A_546 : i32 to index
        %get3A_548 = arith.constant 0 : index
        %get3A_549 = tpu.vector_load %arg9[%get3A_547, %get3A_548] {strides = array<i32>} : memref<960x16xf32, #tpu.memory_space<vmem>>, vector<1x16xf32>,
        %get3A_550 = vector.shape_cast %get3A_549 : vector<1x16xf32> to vector<16xf32>
        %add3A_551 = arith.addf %add3A_544, %get3A_550 : vector<16xf32>
        %add3A_552 = arith.constant 19 : i32
        %add3A_553 = arith.addi %add3A_422, %add3A_552 : i32
        %get3A_554 = arith.index_cast %add3A_553 : i32 to index
        %get3A_555 = arith.constant 0 : index
        %get3A_556 = tpu.vector_load %arg9[%get3A_554, %get3A_555] {strides = array<i32>} : memref<960x16xf32, #tpu.memory_space<vmem>>, vector<1x16xf32>,
        %get3A_557 = vector.shape_cast %get3A_556 : vector<1x16xf32> to vector<16xf32>
        %add3A_558 = arith.addf %add3A_551, %get3A_557 : vector<16xf32>
        %add3A_559 = arith.constant 20 : i32
        %add3A_560 = arith.addi %add3A_422, %add3A_559 : i32
        %get3A_561 = arith.index_cast %add3A_560 : i32 to index
        %get3A_562 = arith.constant 0 : index
        %get3A_563 = tpu.vector_load %arg9[%get3A_561, %get3A_562] {strides = array<i32>} : memref<960x16xf32, #tpu.memory_space<vmem>>, vector<1x16xf32>,
        %get3A_564 = vector.shape_cast %get3A_563 : vector<1x16xf32> to vector<16xf32>
        %add3A_565 = arith.addf %add3A_558, %get3A_564 : vector<16xf32>
        %add3A_566 = arith.constant 21 : i32
        %add3A_567 = arith.addi %add3A_422, %add3A_566 : i32
        %get3A_568 = arith.index_cast %add3A_567 : i32 to index
        %get3A_569 = arith.constant 0 : index
        %get3A_570 = tpu.vector_load %arg9[%get3A_568, %get3A_569] {strides = array<i32>} : memref<960x16xf32, #tpu.memory_space<vmem>>, vector<1x16xf32>,
        %get3A_571 = vector.shape_cast %get3A_570 : vector<1x16xf32> to vector<16xf32>
        %add3A_572 = arith.addf %add3A_565, %get3A_571 : vector<16xf32>
        %add3A_573 = arith.constant 22 : i32
        %add3A_574 = arith.addi %add3A_422, %add3A_573 : i32
        %get3A_575 = arith.index_cast %add3A_574 : i32 to index
        %get3A_576 = arith.constant 0 : index
        %get3A_577 = tpu.vector_load %arg9[%get3A_575, %get3A_576] {strides = array<i32>} : memref<960x16xf32, #tpu.memory_space<vmem>>, vector<1x16xf32>,
        %get3A_578 = vector.shape_cast %get3A_577 : vector<1x16xf32> to vector<16xf32>
        %add3A_579 = arith.addf %add3A_572, %get3A_578 : vector<16xf32>
        %add3A_580 = arith.constant 23 : i32
        %add3A_581 = arith.addi %add3A_422, %add3A_580 : i32
        %get3A_582 = arith.index_cast %add3A_581 : i32 to index
        %get3A_583 = arith.constant 0 : index
        %get3A_584 = tpu.vector_load %arg9[%get3A_582, %get3A_583] {strides = array<i32>} : memref<960x16xf32, #tpu.memory_space<vmem>>, vector<1x16xf32>,
        %get3A_585 = vector.shape_cast %get3A_584 : vector<1x16xf32> to vector<16xf32>
        %add3A_586 = arith.addf %add3A_579, %get3A_585 : vector<16xf32>
        %add3A_587 = arith.constant 24 : i32
        %add3A_588 = arith.addi %add3A_422, %add3A_587 : i32
        %get3A_589 = arith.index_cast %add3A_588 : i32 to index
        %get3A_590 = arith.constant 0 : index
        %get3A_591 = tpu.vector_load %arg9[%get3A_589, %get3A_590] {strides = array<i32>} : memref<960x16xf32, #tpu.memory_space<vmem>>, vector<1x16xf32>,
        %get3A_592 = vector.shape_cast %get3A_591 : vector<1x16xf32> to vector<16xf32>
        %add3A_593 = arith.addf %add3A_586, %get3A_592 : vector<16xf32>
        %add3A_594 = arith.constant 25 : i32
        %add3A_595 = arith.addi %add3A_422, %add3A_594 : i32
        %get3A_596 = arith.index_cast %add3A_595 : i32 to index
        %get3A_597 = arith.constant 0 : index
        %get3A_598 = tpu.vector_load %arg9[%get3A_596, %get3A_597] {strides = array<i32>} : memref<960x16xf32, #tpu.memory_space<vmem>>, vector<1x16xf32>,
        %get3A_599 = vector.shape_cast %get3A_598 : vector<1x16xf32> to vector<16xf32>
        %add3A_600 = arith.addf %add3A_593, %get3A_599 : vector<16xf32>
        %add3A_601 = arith.constant 26 : i32
        %add3A_602 = arith.addi %add3A_422, %add3A_601 : i32
        %get3A_603 = arith.index_cast %add3A_602 : i32 to index
        %get3A_604 = arith.constant 0 : index
        %get3A_605 = tpu.vector_load %arg9[%get3A_603, %get3A_604] {strides = array<i32>} : memref<960x16xf32, #tpu.memory_space<vmem>>, vector<1x16xf32>,
        %get3A_606 = vector.shape_cast %get3A_605 : vector<1x16xf32> to vector<16xf32>
        %add3A_607 = arith.addf %add3A_600, %get3A_606 : vector<16xf32>
        %add3A_608 = arith.constant 27 : i32
        %add3A_609 = arith.addi %add3A_422, %add3A_608 : i32
        %get3A_610 = arith.index_cast %add3A_609 : i32 to index
        %get3A_611 = arith.constant 0 : index
        %get3A_612 = tpu.vector_load %arg9[%get3A_610, %get3A_611] {strides = array<i32>} : memref<960x16xf32, #tpu.memory_space<vmem>>, vector<1x16xf32>,
        %get3A_613 = vector.shape_cast %get3A_612 : vector<1x16xf32> to vector<16xf32>
        %add3A_614 = arith.addf %add3A_607, %get3A_613 : vector<16xf32>
        %add3A_615 = arith.constant 28 : i32
        %add3A_616 = arith.addi %add3A_422, %add3A_615 : i32
        %get3A_617 = arith.index_cast %add3A_616 : i32 to index
        %get3A_618 = arith.constant 0 : index
        %get3A_619 = tpu.vector_load %arg9[%get3A_617, %get3A_618] {strides = array<i32>} : memref<960x16xf32, #tpu.memory_space<vmem>>, vector<1x16xf32>,
        %get3A_620 = vector.shape_cast %get3A_619 : vector<1x16xf32> to vector<16xf32>
        %add3A_621 = arith.addf %add3A_614, %get3A_620 : vector<16xf32>
        %add3A_622 = arith.constant 29 : i32
        %add3A_623 = arith.addi %add3A_422, %add3A_622 : i32
        %get3A_624 = arith.index_cast %add3A_623 : i32 to index
        %get3A_625 = arith.constant 0 : index
        %get3A_626 = tpu.vector_load %arg9[%get3A_624, %get3A_625] {strides = array<i32>} : memref<960x16xf32, #tpu.memory_space<vmem>>, vector<1x16xf32>,
        %get3A_627 = vector.shape_cast %get3A_626 : vector<1x16xf32> to vector<16xf32>
        %add3A_628 = arith.addf %add3A_621, %get3A_627 : vector<16xf32>
        %add3A_629 = arith.constant 30 : i32
        %add3A_630 = arith.addi %add3A_422, %add3A_629 : i32
        %get3A_631 = arith.index_cast %add3A_630 : i32 to index
        %get3A_632 = arith.constant 0 : index
        %get3A_633 = tpu.vector_load %arg9[%get3A_631, %get3A_632] {strides = array<i32>} : memref<960x16xf32, #tpu.memory_space<vmem>>, vector<1x16xf32>,
        %get3A_634 = vector.shape_cast %get3A_633 : vector<1x16xf32> to vector<16xf32>
        %add3A_635 = arith.addf %add3A_628, %get3A_634 : vector<16xf32>
        %add3A_636 = arith.constant 31 : i32
        %add3A_637 = arith.addi %add3A_422, %add3A_636 : i32
        %get3A_638 = arith.index_cast %add3A_637 : i32 to index
        %get3A_639 = arith.constant 0 : index
        %get3A_640 = tpu.vector_load %arg9[%get3A_638, %get3A_639] {strides = array<i32>} : memref<960x16xf32, #tpu.memory_space<vmem>>, vector<1x16xf32>,
        %get3A_641 = vector.shape_cast %get3A_640 : vector<1x16xf32> to vector<16xf32>
        %add3A_642 = arith.addf %add3A_635, %get3A_641 : vector<16xf32>
        %add3A_643 = arith.constant 32 : i32
        %add3A_644 = arith.addi %add3A_422, %add3A_643 : i32
        %get3A_645 = arith.index_cast %add3A_644 : i32 to index
        %get3A_646 = arith.constant 0 : index
        %get3A_647 = tpu.vector_load %arg9[%get3A_645, %get3A_646] {strides = array<i32>} : memref<960x16xf32, #tpu.memory_space<vmem>>, vector<1x16xf32>,
        %get3A_648 = vector.shape_cast %get3A_647 : vector<1x16xf32> to vector<16xf32>
        %add3A_649 = arith.addf %add3A_642, %get3A_648 : vector<16xf32>
        %add3A_650 = arith.constant 33 : i32
        %add3A_651 = arith.addi %add3A_422, %add3A_650 : i32
        %get3A_652 = arith.index_cast %add3A_651 : i32 to index
        %get3A_653 = arith.constant 0 : index
        %get3A_654 = tpu.vector_load %arg9[%get3A_652, %get3A_653] {strides = array<i32>} : memref<960x16xf32, #tpu.memory_space<vmem>>, vector<1x16xf32>,
        %get3A_655 = vector.shape_cast %get3A_654 : vector<1x16xf32> to vector<16xf32>
        %add3A_656 = arith.addf %add3A_649, %get3A_655 : vector<16xf32>
        %add3A_657 = arith.constant 34 : i32
        %add3A_658 = arith.addi %add3A_422, %add3A_657 : i32
        %get3A_659 = arith.index_cast %add3A_658 : i32 to index
        %get3A_660 = arith.constant 0 : index
        %get3A_661 = tpu.vector_load %arg9[%get3A_659, %get3A_660] {strides = array<i32>} : memref<960x16xf32, #tpu.memory_space<vmem>>, vector<1x16xf32>,
        %get3A_662 = vector.shape_cast %get3A_661 : vector<1x16xf32> to vector<16xf32>
        %add3A_663 = arith.addf %add3A_656, %get3A_662 : vector<16xf32>
        %add3A_664 = arith.constant 35 : i32
        %add3A_665 = arith.addi %add3A_422, %add3A_664 : i32
        %get3A_666 = arith.index_cast %add3A_665 : i32 to index
        %get3A_667 = arith.constant 0 : index
        %get3A_668 = tpu.vector_load %arg9[%get3A_666, %get3A_667] {strides = array<i32>} : memref<960x16xf32, #tpu.memory_space<vmem>>, vector<1x16xf32>,
        %get3A_669 = vector.shape_cast %get3A_668 : vector<1x16xf32> to vector<16xf32>
        %add3A_670 = arith.addf %add3A_663, %get3A_669 : vector<16xf32>
        %add3A_671 = arith.constant 36 : i32
        %add3A_672 = arith.addi %add3A_422, %add3A_671 : i32
        %get3A_673 = arith.index_cast %add3A_672 : i32 to index
        %get3A_674 = arith.constant 0 : index
        %get3A_675 = tpu.vector_load %arg9[%get3A_673, %get3A_674] {strides = array<i32>} : memref<960x16xf32, #tpu.memory_space<vmem>>, vector<1x16xf32>,
        %get3A_676 = vector.shape_cast %get3A_675 : vector<1x16xf32> to vector<16xf32>
        %add3A_677 = arith.addf %add3A_670, %get3A_676 : vector<16xf32>
        %add3A_678 = arith.constant 37 : i32
        %add3A_679 = arith.addi %add3A_422, %add3A_678 : i32
        %get3A_680 = arith.index_cast %add3A_679 : i32 to index
        %get3A_681 = arith.constant 0 : index
        %get3A_682 = tpu.vector_load %arg9[%get3A_680, %get3A_681] {strides = array<i32>} : memref<960x16xf32, #tpu.memory_space<vmem>>, vector<1x16xf32>,
        %get3A_683 = vector.shape_cast %get3A_682 : vector<1x16xf32> to vector<16xf32>
        %add3A_684 = arith.addf %add3A_677, %get3A_683 : vector<16xf32>
        %add3A_685 = arith.constant 38 : i32
        %add3A_686 = arith.addi %add3A_422, %add3A_685 : i32
        %get3A_687 = arith.index_cast %add3A_686 : i32 to index
        %get3A_688 = arith.constant 0 : index
        %get3A_689 = tpu.vector_load %arg9[%get3A_687, %get3A_688] {strides = array<i32>} : memref<960x16xf32, #tpu.memory_space<vmem>>, vector<1x16xf32>,
        %get3A_690 = vector.shape_cast %get3A_689 : vector<1x16xf32> to vector<16xf32>
        %add3A_691 = arith.addf %add3A_684, %get3A_690 : vector<16xf32>
        %add3A_692 = arith.constant 39 : i32
        %add3A_693 = arith.addi %add3A_422, %add3A_692 : i32
        %get3A_694 = arith.index_cast %add3A_693 : i32 to index
        %get3A_695 = arith.constant 0 : index
        %get3A_696 = tpu.vector_load %arg9[%get3A_694, %get3A_695] {strides = array<i32>} : memref<960x16xf32, #tpu.memory_space<vmem>>, vector<1x16xf32>,
        %get3A_697 = vector.shape_cast %get3A_696 : vector<1x16xf32> to vector<16xf32>
        %add3A_698 = arith.addf %add3A_691, %get3A_697 : vector<16xf32>
        %add3A_699 = arith.constant 40 : i32
        %add3A_700 = arith.addi %add3A_422, %add3A_699 : i32
        %get3A_701 = arith.index_cast %add3A_700 : i32 to index
        %get3A_702 = arith.constant 0 : index
        %get3A_703 = tpu.vector_load %arg9[%get3A_701, %get3A_702] {strides = array<i32>} : memref<960x16xf32, #tpu.memory_space<vmem>>, vector<1x16xf32>,
        %get3A_704 = vector.shape_cast %get3A_703 : vector<1x16xf32> to vector<16xf32>
        %add3A_705 = arith.addf %add3A_698, %get3A_704 : vector<16xf32>
        %add3A_706 = arith.constant 41 : i32
        %add3A_707 = arith.addi %add3A_422, %add3A_706 : i32
        %get3A_708 = arith.index_cast %add3A_707 : i32 to index
        %get3A_709 = arith.constant 0 : index
        %get3A_710 = tpu.vector_load %arg9[%get3A_708, %get3A_709] {strides = array<i32>} : memref<960x16xf32, #tpu.memory_space<vmem>>, vector<1x16xf32>,
        %get3A_711 = vector.shape_cast %get3A_710 : vector<1x16xf32> to vector<16xf32>
        %add3A_712 = arith.addf %add3A_705, %get3A_711 : vector<16xf32>
        %add3A_713 = arith.constant 42 : i32
        %add3A_714 = arith.addi %add3A_422, %add3A_713 : i32
        %get3A_715 = arith.index_cast %add3A_714 : i32 to index
        %get3A_716 = arith.constant 0 : index
        %get3A_717 = tpu.vector_load %arg9[%get3A_715, %get3A_716] {strides = array<i32>} : memref<960x16xf32, #tpu.memory_space<vmem>>, vector<1x16xf32>,
        %get3A_718 = vector.shape_cast %get3A_717 : vector<1x16xf32> to vector<16xf32>
        %add3A_719 = arith.addf %add3A_712, %get3A_718 : vector<16xf32>
        %add3A_720 = arith.constant 43 : i32
        %add3A_721 = arith.addi %add3A_422, %add3A_720 : i32
        %get3A_722 = arith.index_cast %add3A_721 : i32 to index
        %get3A_723 = arith.constant 0 : index
        %get3A_724 = tpu.vector_load %arg9[%get3A_722, %get3A_723] {strides = array<i32>} : memref<960x16xf32, #tpu.memory_space<vmem>>, vector<1x16xf32>,
        %get3A_725 = vector.shape_cast %get3A_724 : vector<1x16xf32> to vector<16xf32>
        %add3A_726 = arith.addf %add3A_719, %get3A_725 : vector<16xf32>
        %add3A_727 = arith.constant 44 : i32
        %add3A_728 = arith.addi %add3A_422, %add3A_727 : i32
        %get3A_729 = arith.index_cast %add3A_728 : i32 to index
        %get3A_730 = arith.constant 0 : index
        %get3A_731 = tpu.vector_load %arg9[%get3A_729, %get3A_730] {strides = array<i32>} : memref<960x16xf32, #tpu.memory_space<vmem>>, vector<1x16xf32>,
        %get3A_732 = vector.shape_cast %get3A_731 : vector<1x16xf32> to vector<16xf32>
        %add3A_733 = arith.addf %add3A_726, %get3A_732 : vector<16xf32>
        %add3A_734 = arith.constant 45 : i32
        %add3A_735 = arith.addi %add3A_422, %add3A_734 : i32
        %get3A_736 = arith.index_cast %add3A_735 : i32 to index
        %get3A_737 = arith.constant 0 : index
        %get3A_738 = tpu.vector_load %arg9[%get3A_736, %get3A_737] {strides = array<i32>} : memref<960x16xf32, #tpu.memory_space<vmem>>, vector<1x16xf32>,
        %get3A_739 = vector.shape_cast %get3A_738 : vector<1x16xf32> to vector<16xf32>
        %add3A_740 = arith.addf %add3A_733, %get3A_739 : vector<16xf32>
        %add3A_741 = arith.constant 46 : i32
        %add3A_742 = arith.addi %add3A_422, %add3A_741 : i32
        %get3A_743 = arith.index_cast %add3A_742 : i32 to index
        %get3A_744 = arith.constant 0 : index
        %get3A_745 = tpu.vector_load %arg9[%get3A_743, %get3A_744] {strides = array<i32>} : memref<960x16xf32, #tpu.memory_space<vmem>>, vector<1x16xf32>,
        %get3A_746 = vector.shape_cast %get3A_745 : vector<1x16xf32> to vector<16xf32>
        %add3A_747 = arith.addf %add3A_740, %get3A_746 : vector<16xf32>
        %add3A_748 = arith.constant 47 : i32
        %add3A_749 = arith.addi %add3A_422, %add3A_748 : i32
        %get3A_750 = arith.index_cast %add3A_749 : i32 to index
        %get3A_751 = arith.constant 0 : index
        %get3A_752 = tpu.vector_load %arg9[%get3A_750, %get3A_751] {strides = array<i32>} : memref<960x16xf32, #tpu.memory_space<vmem>>, vector<1x16xf32>,
        %get3A_753 = vector.shape_cast %get3A_752 : vector<1x16xf32> to vector<16xf32>
        %add3A_754 = arith.addf %add3A_747, %get3A_753 : vector<16xf32>
        %add3A_755 = arith.constant 48 : i32
        %add3A_756 = arith.addi %add3A_422, %add3A_755 : i32
        %get3A_757 = arith.index_cast %add3A_756 : i32 to index
        %get3A_758 = arith.constant 0 : index
        %get3A_759 = tpu.vector_load %arg9[%get3A_757, %get3A_758] {strides = array<i32>} : memref<960x16xf32, #tpu.memory_space<vmem>>, vector<1x16xf32>,
        %get3A_760 = vector.shape_cast %get3A_759 : vector<1x16xf32> to vector<16xf32>
        %add3A_761 = arith.addf %add3A_754, %get3A_760 : vector<16xf32>
        %add3A_762 = arith.constant 49 : i32
        %add3A_763 = arith.addi %add3A_422, %add3A_762 : i32
        %get3A_764 = arith.index_cast %add3A_763 : i32 to index
        %get3A_765 = arith.constant 0 : index
        %get3A_766 = tpu.vector_load %arg9[%get3A_764, %get3A_765] {strides = array<i32>} : memref<960x16xf32, #tpu.memory_space<vmem>>, vector<1x16xf32>,
        %get3A_767 = vector.shape_cast %get3A_766 : vector<1x16xf32> to vector<16xf32>
        %add3A_768 = arith.addf %add3A_761, %get3A_767 : vector<16xf32>
        %mul3A_769 = arith.constant 2.000000e-02 : f32
        %mul3A_770 = vector.broadcast %mul3A_769 : f32 to vector<16xf32>
        %mul3A_771 = arith.mulf %add3A_768, %mul3A_770 : vector<16xf32>
        %mul3A_772 = arith.constant 10 : i32
        %mul3A_773 = arith.muli %scan3A_417, %mul3A_772 : i32
        %add3A_774 = arith.constant 0 : i32
        %add3A_775 = arith.addi %mul3A_773, %add3A_774 : i32
        %get3A_776 = arith.index_cast %add3A_775 : i32 to index
        %get3A_777 = arith.constant 0 : index
        %get3A_778 = tpu.vector_load %arg9[%get3A_776, %get3A_777] {strides = array<i32>} : memref<960x16xf32, #tpu.memory_space<vmem>>, vector<1x16xf32>,
        %get3A_779 = vector.shape_cast %get3A_778 : vector<1x16xf32> to vector<16xf32>
        %swap3A = arith.index_cast %scan3A_417 : i32 to index
        %swap3A_780 = arith.constant 0 : index
        %swap3A_781 = tpu.vector_load %arg12[%swap3A, %swap3A_780] {strides = array<i32>} : memref<16x128xf32, #tpu.memory_space<vmem>>, vector<1x16xf32>,
        %swap3A_782 = vector.shape_cast %swap3A_781 : vector<1x16xf32> to vector<16xf32>
        %swap3A_783 = vector.shape_cast %get3A_779 : vector<16xf32> to vector<1x16xf32>
        tpu.vector_store %arg12[%swap3A, %swap3A_780], %swap3A_783 {strides = array<i32>} : memref<16x128xf32, #tpu.memory_space<vmem>>, vector<1x16xf32>,
        %add3A_784 = arith.constant 1 : i32
        %add3A_785 = arith.addi %mul3A_773, %add3A_784 : i32
        %get3A_786 = arith.index_cast %add3A_785 : i32 to index
        %get3A_787 = arith.constant 0 : index
        %get3A_788 = tpu.vector_load %arg9[%get3A_786, %get3A_787] {strides = array<i32>} : memref<960x16xf32, #tpu.memory_space<vmem>>, vector<1x16xf32>,
        %get3A_789 = vector.shape_cast %get3A_788 : vector<1x16xf32> to vector<16xf32>
        %swap3A_790 = arith.index_cast %scan3A_417 : i32 to index
        %swap3A_791 = arith.constant 16 : index
        %swap3A_792 = tpu.vector_load %arg12[%swap3A_790, %swap3A_791] {strides = array<i32>} : memref<16x128xf32, #tpu.memory_space<vmem>>, vector<1x16xf32>,
        %swap3A_793 = vector.shape_cast %swap3A_792 : vector<1x16xf32> to vector<16xf32>
        %swap3A_794 = vector.shape_cast %get3A_789 : vector<16xf32> to vector<1x16xf32>
        tpu.vector_store %arg12[%swap3A_790, %swap3A_791], %swap3A_794 {strides = array<i32>} : memref<16x128xf32, #tpu.memory_space<vmem>>, vector<1x16xf32>,
        %add3A_795 = arith.constant 2 : i32
        %add3A_796 = arith.addi %mul3A_773, %add3A_795 : i32
        %get3A_797 = arith.index_cast %add3A_796 : i32 to index
        %get3A_798 = arith.constant 0 : index
        %get3A_799 = tpu.vector_load %arg9[%get3A_797, %get3A_798] {strides = array<i32>} : memref<960x16xf32, #tpu.memory_space<vmem>>, vector<1x16xf32>,
        %get3A_800 = vector.shape_cast %get3A_799 : vector<1x16xf32> to vector<16xf32>
        %swap3A_801 = arith.index_cast %scan3A_417 : i32 to index
        %swap3A_802 = arith.constant 32 : index
        %swap3A_803 = tpu.vector_load %arg12[%swap3A_801, %swap3A_802] {strides = array<i32>} : memref<16x128xf32, #tpu.memory_space<vmem>>, vector<1x16xf32>,
        %swap3A_804 = vector.shape_cast %swap3A_803 : vector<1x16xf32> to vector<16xf32>
        %swap3A_805 = vector.shape_cast %get3A_800 : vector<16xf32> to vector<1x16xf32>
        tpu.vector_store %arg12[%swap3A_801, %swap3A_802], %swap3A_805 {strides = array<i32>} : memref<16x128xf32, #tpu.memory_space<vmem>>, vector<1x16xf32>,
        %add3A_806 = arith.constant 3 : i32
        %add3A_807 = arith.addi %mul3A_773, %add3A_806 : i32
        %get3A_808 = arith.index_cast %add3A_807 : i32 to index
        %get3A_809 = arith.constant 0 : index
        %get3A_810 = tpu.vector_load %arg9[%get3A_808, %get3A_809] {strides = array<i32>} : memref<960x16xf32, #tpu.memory_space<vmem>>, vector<1x16xf32>,
        %get3A_811 = vector.shape_cast %get3A_810 : vector<1x16xf32> to vector<16xf32>
        %swap3A_812 = arith.index_cast %scan3A_417 : i32 to index
        %swap3A_813 = arith.constant 48 : index
        %swap3A_814 = tpu.vector_load %arg12[%swap3A_812, %swap3A_813] {strides = array<i32>} : memref<16x128xf32, #tpu.memory_space<vmem>>, vector<1x16xf32>,
        %swap3A_815 = vector.shape_cast %swap3A_814 : vector<1x16xf32> to vector<16xf32>
        %swap3A_816 = vector.shape_cast %get3A_811 : vector<16xf32> to vector<1x16xf32>
        tpu.vector_store %arg12[%swap3A_812, %swap3A_813], %swap3A_816 {strides = array<i32>} : memref<16x128xf32, #tpu.memory_space<vmem>>, vector<1x16xf32>,
        %add3A_817 = arith.constant 4 : i32
        %add3A_818 = arith.addi %mul3A_773, %add3A_817 : i32
        %get3A_819 = arith.index_cast %add3A_818 : i32 to index
        %get3A_820 = arith.constant 0 : index
        %get3A_821 = tpu.vector_load %arg9[%get3A_819, %get3A_820] {strides = array<i32>} : memref<960x16xf32, #tpu.memory_space<vmem>>, vector<1x16xf32>,
        %get3A_822 = vector.shape_cast %get3A_821 : vector<1x16xf32> to vector<16xf32>
        %swap3A_823 = arith.index_cast %scan3A_417 : i32 to index
        %swap3A_824 = arith.constant 64 : index
        %swap3A_825 = tpu.vector_load %arg12[%swap3A_823, %swap3A_824] {strides = array<i32>} : memref<16x128xf32, #tpu.memory_space<vmem>>, vector<1x16xf32>,
        %swap3A_826 = vector.shape_cast %swap3A_825 : vector<1x16xf32> to vector<16xf32>
        %swap3A_827 = vector.shape_cast %get3A_822 : vector<16xf32> to vector<1x16xf32>
        tpu.vector_store %arg12[%swap3A_823, %swap3A_824], %swap3A_827 {strides = array<i32>} : memref<16x128xf32, #tpu.memory_space<vmem>>, vector<1x16xf32>,
        %add3A_828 = arith.constant 5 : i32
        %add3A_829 = arith.addi %mul3A_773, %add3A_828 : i32
        %get3A_830 = arith.index_cast %add3A_829 : i32 to index
        %get3A_831 = arith.constant 0 : index
        %get3A_832 = tpu.vector_load %arg9[%get3A_830, %get3A_831] {strides = array<i32>} : memref<960x16xf32, #tpu.memory_space<vmem>>, vector<1x16xf32>,
        %get3A_833 = vector.shape_cast %get3A_832 : vector<1x16xf32> to vector<16xf32>
        %swap3A_834 = arith.index_cast %scan3A_417 : i32 to index
        %swap3A_835 = arith.constant 80 : index
        %swap3A_836 = tpu.vector_load %arg12[%swap3A_834, %swap3A_835] {strides = array<i32>} : memref<16x128xf32, #tpu.memory_space<vmem>>, vector<1x16xf32>,
        %swap3A_837 = vector.shape_cast %swap3A_836 : vector<1x16xf32> to vector<16xf32>
        %swap3A_838 = vector.shape_cast %get3A_833 : vector<16xf32> to vector<1x16xf32>
        tpu.vector_store %arg12[%swap3A_834, %swap3A_835], %swap3A_838 {strides = array<i32>} : memref<16x128xf32, #tpu.memory_space<vmem>>, vector<1x16xf32>,
        %add3A_839 = arith.constant 6 : i32
        %add3A_840 = arith.addi %mul3A_773, %add3A_839 : i32
        %get3A_841 = arith.index_cast %add3A_840 : i32 to index
        %get3A_842 = arith.constant 0 : index
        %get3A_843 = tpu.vector_load %arg9[%get3A_841, %get3A_842] {strides = array<i32>} : memref<960x16xf32, #tpu.memory_space<vmem>>, vector<1x16xf32>,
        %get3A_844 = vector.shape_cast %get3A_843 : vector<1x16xf32> to vector<16xf32>
        %swap3A_845 = arith.index_cast %scan3A_417 : i32 to index
        %swap3A_846 = arith.constant 96 : index
        %swap3A_847 = tpu.vector_load %arg12[%swap3A_845, %swap3A_846] {strides = array<i32>} : memref<16x128xf32, #tpu.memory_space<vmem>>, vector<1x16xf32>,
        %swap3A_848 = vector.shape_cast %swap3A_847 : vector<1x16xf32> to vector<16xf32>
        %swap3A_849 = vector.shape_cast %get3A_844 : vector<16xf32> to vector<1x16xf32>
        tpu.vector_store %arg12[%swap3A_845, %swap3A_846], %swap3A_849 {strides = array<i32>} : memref<16x128xf32, #tpu.memory_space<vmem>>, vector<1x16xf32>,
        %add3A_850 = arith.constant 7 : i32
        %add3A_851 = arith.addi %mul3A_773, %add3A_850 : i32
        %get3A_852 = arith.index_cast %add3A_851 : i32 to index
        %get3A_853 = arith.constant 0 : index
        %get3A_854 = tpu.vector_load %arg9[%get3A_852, %get3A_853] {strides = array<i32>} : memref<960x16xf32, #tpu.memory_space<vmem>>, vector<1x16xf32>,
        %get3A_855 = vector.shape_cast %get3A_854 : vector<1x16xf32> to vector<16xf32>
        %swap3A_856 = arith.index_cast %scan3A_417 : i32 to index
        %swap3A_857 = arith.constant 112 : index
        %swap3A_858 = tpu.vector_load %arg12[%swap3A_856, %swap3A_857] {strides = array<i32>} : memref<16x128xf32, #tpu.memory_space<vmem>>, vector<1x16xf32>,
        %swap3A_859 = vector.shape_cast %swap3A_858 : vector<1x16xf32> to vector<16xf32>
        %swap3A_860 = vector.shape_cast %get3A_855 : vector<16xf32> to vector<1x16xf32>
        tpu.vector_store %arg12[%swap3A_856, %swap3A_857], %swap3A_860 {strides = array<i32>} : memref<16x128xf32, #tpu.memory_space<vmem>>, vector<1x16xf32>,
        %add3A_861 = arith.constant 8 : i32
        %add3A_862 = arith.addi %mul3A_773, %add3A_861 : i32
        %get3A_863 = arith.index_cast %add3A_862 : i32 to index
        %get3A_864 = arith.constant 0 : index
        %get3A_865 = tpu.vector_load %arg9[%get3A_863, %get3A_864] {strides = array<i32>} : memref<960x16xf32, #tpu.memory_space<vmem>>, vector<1x16xf32>,
        %get3A_866 = vector.shape_cast %get3A_865 : vector<1x16xf32> to vector<16xf32>
        %swap3A_867 = arith.index_cast %scan3A_417 : i32 to index
        %swap3A_868 = arith.constant 0 : index
        %swap3A_869 = tpu.vector_load %arg13[%swap3A_867, %swap3A_868] {strides = array<i32>} : memref<16x128xf32, #tpu.memory_space<vmem>>, vector<1x16xf32>,
        %swap3A_870 = vector.shape_cast %swap3A_869 : vector<1x16xf32> to vector<16xf32>
        %swap3A_871 = vector.shape_cast %get3A_866 : vector<16xf32> to vector<1x16xf32>
        tpu.vector_store %arg13[%swap3A_867, %swap3A_868], %swap3A_871 {strides = array<i32>} : memref<16x128xf32, #tpu.memory_space<vmem>>, vector<1x16xf32>,
        %add3A_872 = arith.constant 9 : i32
        %add3A_873 = arith.addi %mul3A_773, %add3A_872 : i32
        %get3A_874 = arith.index_cast %add3A_873 : i32 to index
        %get3A_875 = arith.constant 0 : index
        %get3A_876 = tpu.vector_load %arg9[%get3A_874, %get3A_875] {strides = array<i32>} : memref<960x16xf32, #tpu.memory_space<vmem>>, vector<1x16xf32>,
        %get3A_877 = vector.shape_cast %get3A_876 : vector<1x16xf32> to vector<16xf32>
        %swap3A_878 = arith.index_cast %scan3A_417 : i32 to index
        %swap3A_879 = arith.constant 16 : index
        %swap3A_880 = tpu.vector_load %arg13[%swap3A_878, %swap3A_879] {strides = array<i32>} : memref<16x128xf32, #tpu.memory_space<vmem>>, vector<1x16xf32>,
        %swap3A_881 = vector.shape_cast %swap3A_880 : vector<1x16xf32> to vector<16xf32>
        %swap3A_882 = vector.shape_cast %get3A_877 : vector<16xf32> to vector<1x16xf32>
        tpu.vector_store %arg13[%swap3A_878, %swap3A_879], %swap3A_882 {strides = array<i32>} : memref<16x128xf32, #tpu.memory_space<vmem>>, vector<1x16xf32>,
        %swap3A_883 = arith.index_cast %scan3A_417 : i32 to index
        %swap3A_884 = arith.constant 32 : index
        %swap3A_885 = tpu.vector_load %arg13[%swap3A_883, %swap3A_884] {strides = array<i32>} : memref<16x128xf32, #tpu.memory_space<vmem>>, vector<1x16xf32>,
        %swap3A_886 = vector.shape_cast %swap3A_885 : vector<1x16xf32> to vector<16xf32>
        %swap3A_887 = vector.shape_cast %mul3A_771 : vector<16xf32> to vector<1x16xf32>
        tpu.vector_store %arg13[%swap3A_883, %swap3A_884], %swap3A_887 {strides = array<i32>} : memref<16x128xf32, #tpu.memory_space<vmem>>, vector<1x16xf32>,
        %swap3A_888 = arith.index_cast %scan3A_417 : i32 to index
        %swap3A_889 = arith.constant 48 : index
        %swap3A_890 = tpu.vector_load %arg13[%swap3A_888, %swap3A_889] {strides = array<i32>} : memref<16x128xf32, #tpu.memory_space<vmem>>, vector<1x16xf32>,
        %swap3A_891 = vector.shape_cast %swap3A_890 : vector<1x16xf32> to vector<16xf32>
        %swap3A_892 = vector.shape_cast %broadcast_in_dim3A_3 : vector<16xf32> to vector<1x16xf32>
        tpu.vector_store %arg13[%swap3A_888, %swap3A_889], %swap3A_892 {strides = array<i32>} : memref<16x128xf32, #tpu.memory_space<vmem>>, vector<1x16xf32>,
        %swap3A_893 = arith.index_cast %scan3A_417 : i32 to index
        %swap3A_894 = arith.constant 64 : index
        %swap3A_895 = tpu.vector_load %arg13[%swap3A_893, %swap3A_894] {strides = array<i32>} : memref<16x128xf32, #tpu.memory_space<vmem>>, vector<1x16xf32>,
        %swap3A_896 = vector.shape_cast %swap3A_895 : vector<1x16xf32> to vector<16xf32>
        %swap3A_897 = vector.shape_cast %broadcast_in_dim3A_3 : vector<16xf32> to vector<1x16xf32>
        tpu.vector_store %arg13[%swap3A_893, %swap3A_894], %swap3A_897 {strides = array<i32>} : memref<16x128xf32, #tpu.memory_space<vmem>>, vector<1x16xf32>,
        %swap3A_898 = arith.index_cast %scan3A_417 : i32 to index
        %swap3A_899 = arith.constant 80 : index
        %swap3A_900 = tpu.vector_load %arg13[%swap3A_898, %swap3A_899] {strides = array<i32>} : memref<16x128xf32, #tpu.memory_space<vmem>>, vector<1x16xf32>,
        %swap3A_901 = vector.shape_cast %swap3A_900 : vector<1x16xf32> to vector<16xf32>
        %swap3A_902 = vector.shape_cast %broadcast_in_dim3A_3 : vector<16xf32> to vector<1x16xf32>
        tpu.vector_store %arg13[%swap3A_898, %swap3A_899], %swap3A_902 {strides = array<i32>} : memref<16x128xf32, #tpu.memory_space<vmem>>, vector<1x16xf32>,
        %swap3A_903 = arith.index_cast %scan3A_417 : i32 to index
        %swap3A_904 = arith.constant 96 : index
        %swap3A_905 = tpu.vector_load %arg13[%swap3A_903, %swap3A_904] {strides = array<i32>} : memref<16x128xf32, #tpu.memory_space<vmem>>, vector<1x16xf32>,
        %swap3A_906 = vector.shape_cast %swap3A_905 : vector<1x16xf32> to vector<16xf32>
        %swap3A_907 = vector.shape_cast %broadcast_in_dim3A_3 : vector<16xf32> to vector<1x16xf32>
        tpu.vector_store %arg13[%swap3A_903, %swap3A_904], %swap3A_907 {strides = array<i32>} : memref<16x128xf32, #tpu.memory_space<vmem>>, vector<1x16xf32>,
        %swap3A_908 = arith.index_cast %scan3A_417 : i32 to index
        %swap3A_909 = arith.constant 112 : index
        %swap3A_910 = tpu.vector_load %arg13[%swap3A_908, %swap3A_909] {strides = array<i32>} : memref<16x128xf32, #tpu.memory_space<vmem>>, vector<1x16xf32>,
        %swap3A_911 = vector.shape_cast %swap3A_910 : vector<1x16xf32> to vector<16xf32>
        %swap3A_912 = vector.shape_cast %broadcast_in_dim3A_3 : vector<16xf32> to vector<1x16xf32>
        tpu.vector_store %arg13[%swap3A_908, %swap3A_909], %swap3A_912 {strides = array<i32>} : memref<16x128xf32, #tpu.memory_space<vmem>>, vector<1x16xf32>,
        %scan3A_913 = arith.constant 0 : i32
        scf.yield %scan3A_913 : i32
      }
      %scan3A_401 = arith.constant 16 : i32
      %mul3A_402 = arith.constant 512 : i32
      %mul3A_403 = arith.muli %add3A, %mul3A_402 : i32
      %mul3A_404 = arith.constant 16 : i32
      %mul3A_405 = arith.muli %add3A_394, %mul3A_404 : i32
      %add3A_406 = arith.addi %mul3A_403, %mul3A_405 : i32
      %multiple_of3A_407 = tpu.assume_multiple %add3A_406, 16 : i32
      %dma_start3A_408 = arith.constant 0 : i32
      %dma_start3A_409 = tpu.memref_slice %arg4[%multiple_of3A_407, %dma_start3A_408] : memref<16384x128xf32, #tpu.memory_space<hbm>> -> memref<16x128xf32, #tpu.memory_space<hbm>>
      %dma_start3A_410 = arith.constant 0 : i32
      %dma_start3A_411 = tpu.memref_slice %arg4[%multiple_of3A_407, %dma_start3A_410] : memref<16384x128xf32, #tpu.memory_space<hbm>> -> memref<16x128xf32, #tpu.memory_space<hbm>>
      tpu.enqueue_dma source(%arg12 : memref<16x128xf32, #tpu.memory_space<vmem>>) target(%dma_start3A_411 : memref<16x128xf32, #tpu.memory_space<hbm>>) target_semaphore(%arg18 : memref<!tpu.dma_semaphore, #tpu.memory_space<semaphore_mem>>)
      %dma_start3A_412 = arith.constant 0 : i32
      %dma_start3A_413 = tpu.memref_slice %arg5[%multiple_of3A_407, %dma_start3A_412] : memref<16384x128xf32, #tpu.memory_space<hbm>> -> memref<16x128xf32, #tpu.memory_space<hbm>>
      %dma_start3A_414 = arith.constant 0 : i32
      %dma_start3A_415 = tpu.memref_slice %arg5[%multiple_of3A_407, %dma_start3A_414] : memref<16384x128xf32, #tpu.memory_space<hbm>> -> memref<16x128xf32, #tpu.memory_space<hbm>>
      tpu.enqueue_dma source(%arg13 : memref<16x128xf32, #tpu.memory_space<vmem>>) target(%dma_start3A_415 : memref<16x128xf32, #tpu.memory_space<hbm>>) target_semaphore(%arg18 : memref<!tpu.dma_semaphore, #tpu.memory_space<semaphore_mem>>)
      %scan3A_416 = arith.constant 0 : i32
      scf.yield %scan3A_416 : i32
    }
    %scan3A_96 = arith.constant 16 : i32
    %dma_wait3A = arith.constant 0 : i32
    %dma_wait3A_97 = arith.constant 0 : i32
    %dma_wait3A_98 = tpu.memref_slice %arg4[%dma_wait3A, %dma_wait3A_97] : memref<16384x128xf32, #tpu.memory_space<hbm>> -> memref<16x128xf32, #tpu.memory_space<hbm>>
    %dma_wait3A_99 = arith.constant 0 : i32
    %dma_wait3A_100 = arith.constant 0 : i32
    %dma_wait3A_101 = tpu.memref_slice %arg4[%dma_wait3A_99, %dma_wait3A_100] : memref<16384x128xf32, #tpu.memory_space<hbm>> -> memref<16x128xf32, #tpu.memory_space<hbm>>
    tpu.wait_dma2 semaphore(%arg17 : memref<!tpu.dma_semaphore, #tpu.memory_space<semaphore_mem>>) src(%arg10 : memref<16x128xf32, #tpu.memory_space<vmem>>) dst(%dma_wait3A_101 : memref<16x128xf32, #tpu.memory_space<hbm>>)
    %dma_wait3A_102 = arith.constant 0 : i32
    %dma_wait3A_103 = arith.constant 0 : i32
    %dma_wait3A_104 = tpu.memref_slice %arg5[%dma_wait3A_102, %dma_wait3A_103] : memref<16384x128xf32, #tpu.memory_space<hbm>> -> memref<16x128xf32, #tpu.memory_space<hbm>>
    %dma_wait3A_105 = arith.constant 0 : i32
    %dma_wait3A_106 = arith.constant 0 : i32
    %dma_wait3A_107 = tpu.memref_slice %arg5[%dma_wait3A_105, %dma_wait3A_106] : memref<16384x128xf32, #tpu.memory_space<hbm>> -> memref<16x128xf32, #tpu.memory_space<hbm>>
    tpu.wait_dma2 semaphore(%arg17 : memref<!tpu.dma_semaphore, #tpu.memory_space<semaphore_mem>>) src(%arg11 : memref<16x128xf32, #tpu.memory_space<vmem>>) dst(%dma_wait3A_107 : memref<16x128xf32, #tpu.memory_space<hbm>>)
    %dma_wait3A_108 = arith.constant 0 : i32
    %dma_wait3A_109 = arith.constant 0 : i32
    %dma_wait3A_110 = tpu.memref_slice %arg4[%dma_wait3A_108, %dma_wait3A_109] : memref<16384x128xf32, #tpu.memory_space<hbm>> -> memref<16x128xf32, #tpu.memory_space<hbm>>
    %dma_wait3A_111 = arith.constant 0 : i32
    %dma_wait3A_112 = arith.constant 0 : i32
    %dma_wait3A_113 = tpu.memref_slice %arg4[%dma_wait3A_111, %dma_wait3A_112] : memref<16384x128xf32, #tpu.memory_space<hbm>> -> memref<16x128xf32, #tpu.memory_space<hbm>>
    tpu.wait_dma2 semaphore(%arg18 : memref<!tpu.dma_semaphore, #tpu.memory_space<semaphore_mem>>) src(%arg12 : memref<16x128xf32, #tpu.memory_space<vmem>>) dst(%dma_wait3A_113 : memref<16x128xf32, #tpu.memory_space<hbm>>)
    %dma_wait3A_114 = arith.constant 0 : i32
    %dma_wait3A_115 = arith.constant 0 : i32
    %dma_wait3A_116 = tpu.memref_slice %arg5[%dma_wait3A_114, %dma_wait3A_115] : memref<16384x128xf32, #tpu.memory_space<hbm>> -> memref<16x128xf32, #tpu.memory_space<hbm>>
    %dma_wait3A_117 = arith.constant 0 : i32
    %dma_wait3A_118 = arith.constant 0 : i32
    %dma_wait3A_119 = tpu.memref_slice %arg5[%dma_wait3A_117, %dma_wait3A_118] : memref<16384x128xf32, #tpu.memory_space<hbm>> -> memref<16x128xf32, #tpu.memory_space<hbm>>
    tpu.wait_dma2 semaphore(%arg18 : memref<!tpu.dma_semaphore, #tpu.memory_space<semaphore_mem>>) src(%arg13 : memref<16x128xf32, #tpu.memory_space<vmem>>) dst(%dma_wait3A_119 : memref<16x128xf32, #tpu.memory_space<hbm>>)
    return
  }
}

module attributes {stable_mosaic.version = 14 : i64} {
  func.func @_tr_body(%arg0: i32, %arg1: memref<16x4096xf32, #tpu.memory_space<vmem>>, %arg2: memref<512x128xf32, #tpu.memory_space<vmem>>) attributes {dimension_semantics = [#tpu.dimension_semantics<arbitrary>], iteration_bounds = array<i64: 245>, scalar_prefetch = 0 : i64, scratch_operands = 0 : i64, tpu.core_type = #tpu.core_type<tc>, window_params = [{transform_indices = @transform_0, window_bounds = array<i64: 16, 4096>}, {transform_indices = @transform_1, window_bounds = array<i64: 512, 128>}]} {
    %get3A = arith.constant 0 : index
    %get3A_0 = arith.constant 0 : index
    %get3A_1 = vector.load %arg1[%get3A, %get3A_0] : memref<16x4096xf32, #tpu.memory_space<vmem>>, vector<16x4096xf32>
    %slice3A = vector.extract_strided_slice %get3A_1 {offsets = [0, 0], sizes = [16, 512], strides = [1, 1]} : vector<16x4096xf32> to vector<16x512xf32>
    %slice3A_2 = vector.extract_strided_slice %get3A_1 {offsets = [0, 512], sizes = [16, 512], strides = [1, 1]} : vector<16x4096xf32> to vector<16x512xf32>
    %slice3A_3 = vector.extract_strided_slice %get3A_1 {offsets = [0, 1024], sizes = [16, 512], strides = [1, 1]} : vector<16x4096xf32> to vector<16x512xf32>
    %slice3A_4 = vector.extract_strided_slice %get3A_1 {offsets = [0, 1536], sizes = [16, 512], strides = [1, 1]} : vector<16x4096xf32> to vector<16x512xf32>
    %slice3A_5 = vector.extract_strided_slice %get3A_1 {offsets = [0, 2048], sizes = [16, 512], strides = [1, 1]} : vector<16x4096xf32> to vector<16x512xf32>
    %slice3A_6 = vector.extract_strided_slice %get3A_1 {offsets = [0, 2560], sizes = [16, 512], strides = [1, 1]} : vector<16x4096xf32> to vector<16x512xf32>
    %slice3A_7 = vector.extract_strided_slice %get3A_1 {offsets = [0, 3072], sizes = [16, 512], strides = [1, 1]} : vector<16x4096xf32> to vector<16x512xf32>
    %slice3A_8 = vector.extract_strided_slice %get3A_1 {offsets = [0, 3584], sizes = [16, 512], strides = [1, 1]} : vector<16x4096xf32> to vector<16x512xf32>
    %concatenate3A = tpu.concatenate %slice3A, %slice3A_2, %slice3A_3, %slice3A_4, %slice3A_5, %slice3A_6, %slice3A_7, %slice3A_8 in 0 : vector<16x512xf32>, vector<16x512xf32>, vector<16x512xf32>, vector<16x512xf32>, vector<16x512xf32>, vector<16x512xf32>, vector<16x512xf32>, vector<16x512xf32> -> vector<128x512xf32>
    %transpose3A = tpu.transpose %concatenate3A, [1, 0] : vector<128x512xf32> -> vector<512x128xf32>
    %swap3A = arith.constant 0 : index
    %swap3A_9 = arith.constant 0 : index
    %swap3A_10 = vector.load %arg2[%swap3A, %swap3A_9] : memref<512x128xf32, #tpu.memory_space<vmem>>, vector<512x128xf32>
    tpu.vector_store %arg2[%swap3A, %swap3A_9], %transpose3A {strides = array<i32>} : memref<512x128xf32, #tpu.memory_space<vmem>>, vector<512x128xf32>,
    return
  }
  func.func @transform_0(%arg0: i32) -> (i32, i32) {
    %c0_i32 = arith.constant 0 : i32
    %c0_i32_0 = arith.constant 0 : i32
    return %c0_i32, %arg0 : i32, i32
  }
  func.func @transform_1(%arg0: i32) -> (i32, i32) {
    %c0_i32 = arith.constant 0 : i32
    %c0_i32_0 = arith.constant 0 : i32
    return %arg0, %c0_i32 : i32, i32
  }
}

module attributes {stable_mosaic.version = 14 : i64} {
  func.func @_tc_body(%arg0: i32, %arg1: memref<512x128xf32, #tpu.memory_space<vmem>>, %arg2: memref<512x128xf32, #tpu.memory_space<vmem>>, %arg3: memref<512x128xf32, #tpu.memory_space<vmem>>, %arg4: memref<512x128xf32, #tpu.memory_space<vmem>>, %arg5: memref<512x128xf32, #tpu.memory_space<vmem>>, %arg6: memref<512x128xf32, #tpu.memory_space<vmem>>, %arg7: memref<768x128xf32, #tpu.memory_space<vmem>>, %arg8: memref<8x128xf32, #tpu.memory_space<vmem>>, %arg9: memref<512x128xf32, #tpu.memory_space<vmem>>) attributes {dimension_semantics = [#tpu.dimension_semantics<arbitrary>], iteration_bounds = array<i64: 32>, scalar_prefetch = 0 : i64, scratch_operands = 0 : i64, tpu.core_type = #tpu.core_type<tc>, window_params = [{transform_indices = @transform_0, window_bounds = array<i64: 512, 128>}, {transform_indices = @transform_1, window_bounds = array<i64: 512, 128>}, {transform_indices = @transform_2, window_bounds = array<i64: 512, 128>}, {transform_indices = @transform_3, window_bounds = array<i64: 512, 128>}, {transform_indices = @transform_4, window_bounds = array<i64: 512, 128>}, {transform_indices = @transform_5, window_bounds = array<i64: 512, 128>}, {pipeline_mode = #tpu.pipeline_mode<synchronous>, transform_indices = @transform_6, window_bounds = array<i64: 768, 128>}, {pipeline_mode = #tpu.pipeline_mode<synchronous>, transform_indices = @transform_7, window_bounds = array<i64: 8, 128>}, {transform_indices = @transform_8, window_bounds = array<i64: 512, 128>}]} {
    %get3A = arith.constant 0 : index
    %get3A_0 = arith.constant 0 : index
    %get3A_1 = vector.load %arg7[%get3A, %get3A_0] : memref<768x128xf32, #tpu.memory_space<vmem>>, vector<768x128xf32>
    %get3A_2 = arith.constant 0 : index
    %get3A_3 = arith.constant 0 : index
    %get3A_4 = vector.load %arg8[%get3A_2, %get3A_3] : memref<8x128xf32, #tpu.memory_space<vmem>>, vector<1x128xf32>
    %broadcast_in_dim3A = arith.constant 0.000000e+00 : f32
    %broadcast_in_dim3A_5 = vector.broadcast %broadcast_in_dim3A : f32 to vector<512x128xf32>
    %add3A = vector.broadcast %get3A_4 : vector<1x128xf32> to vector<512x128xf32>
    %add3A_6 = arith.addf %add3A, %broadcast_in_dim3A_5 : vector<512x128xf32>
    %get3A_7 = arith.constant 0 : index
    %get3A_8 = arith.constant 0 : index
    %get3A_9 = vector.load %arg1[%get3A_7, %get3A_8] : memref<512x128xf32, #tpu.memory_space<vmem>>, vector<512x128xf32>
    %slice3A = vector.extract_strided_slice %get3A_1 {offsets = [0, 0], sizes = [128, 128], strides = [1, 1]} : vector<768x128xf32> to vector<128x128xf32>
    %dot_general3A = arith.constant dense<0.000000e+00> : vector<512x128xf32>
    %dot_general3A_10 = tpu.matmul %get3A_9, %slice3A, %dot_general3A {dimension_numbers = #tpu.dot_dimension_numbers<[1], [0], [0], [1], [0, 0, 1, 1], [], []>, transpose_lhs_hint = false} : vector<512x128xf32>, vector<128x128xf32>, vector<512x128xf32> -> vector<512x128xf32>
    %add3A_11 = arith.addf %add3A_6, %dot_general3A_10 : vector<512x128xf32>
    %get3A_12 = arith.constant 0 : index
    %get3A_13 = arith.constant 0 : index
    %get3A_14 = vector.load %arg2[%get3A_12, %get3A_13] : memref<512x128xf32, #tpu.memory_space<vmem>>, vector<512x128xf32>
    %slice3A_15 = vector.extract_strided_slice %get3A_1 {offsets = [128, 0], sizes = [128, 128], strides = [1, 1]} : vector<768x128xf32> to vector<128x128xf32>
    %dot_general3A_16 = arith.constant dense<0.000000e+00> : vector<512x128xf32>
    %dot_general3A_17 = tpu.matmul %get3A_14, %slice3A_15, %dot_general3A_16 {dimension_numbers = #tpu.dot_dimension_numbers<[1], [0], [0], [1], [0, 0, 1, 1], [], []>, transpose_lhs_hint = false} : vector<512x128xf32>, vector<128x128xf32>, vector<512x128xf32> -> vector<512x128xf32>
    %add3A_18 = arith.addf %add3A_11, %dot_general3A_17 : vector<512x128xf32>
    %get3A_19 = arith.constant 0 : index
    %get3A_20 = arith.constant 0 : index
    %get3A_21 = vector.load %arg3[%get3A_19, %get3A_20] : memref<512x128xf32, #tpu.memory_space<vmem>>, vector<512x128xf32>
    %slice3A_22 = vector.extract_strided_slice %get3A_1 {offsets = [256, 0], sizes = [128, 128], strides = [1, 1]} : vector<768x128xf32> to vector<128x128xf32>
    %dot_general3A_23 = arith.constant dense<0.000000e+00> : vector<512x128xf32>
    %dot_general3A_24 = tpu.matmul %get3A_21, %slice3A_22, %dot_general3A_23 {dimension_numbers = #tpu.dot_dimension_numbers<[1], [0], [0], [1], [0, 0, 1, 1], [], []>, transpose_lhs_hint = false} : vector<512x128xf32>, vector<128x128xf32>, vector<512x128xf32> -> vector<512x128xf32>
    %add3A_25 = arith.addf %add3A_18, %dot_general3A_24 : vector<512x128xf32>
    %get3A_26 = arith.constant 0 : index
    %get3A_27 = arith.constant 0 : index
    %get3A_28 = vector.load %arg4[%get3A_26, %get3A_27] : memref<512x128xf32, #tpu.memory_space<vmem>>, vector<512x128xf32>
    %slice3A_29 = vector.extract_strided_slice %get3A_1 {offsets = [384, 0], sizes = [128, 128], strides = [1, 1]} : vector<768x128xf32> to vector<128x128xf32>
    %dot_general3A_30 = arith.constant dense<0.000000e+00> : vector<512x128xf32>
    %dot_general3A_31 = tpu.matmul %get3A_28, %slice3A_29, %dot_general3A_30 {dimension_numbers = #tpu.dot_dimension_numbers<[1], [0], [0], [1], [0, 0, 1, 1], [], []>, transpose_lhs_hint = false} : vector<512x128xf32>, vector<128x128xf32>, vector<512x128xf32> -> vector<512x128xf32>
    %add3A_32 = arith.addf %add3A_25, %dot_general3A_31 : vector<512x128xf32>
    %get3A_33 = arith.constant 0 : index
    %get3A_34 = arith.constant 0 : index
    %get3A_35 = vector.load %arg5[%get3A_33, %get3A_34] : memref<512x128xf32, #tpu.memory_space<vmem>>, vector<512x128xf32>
    %slice3A_36 = vector.extract_strided_slice %get3A_1 {offsets = [512, 0], sizes = [128, 128], strides = [1, 1]} : vector<768x128xf32> to vector<128x128xf32>
    %dot_general3A_37 = arith.constant dense<0.000000e+00> : vector<512x128xf32>
    %dot_general3A_38 = tpu.matmul %get3A_35, %slice3A_36, %dot_general3A_37 {dimension_numbers = #tpu.dot_dimension_numbers<[1], [0], [0], [1], [0, 0, 1, 1], [], []>, transpose_lhs_hint = false} : vector<512x128xf32>, vector<128x128xf32>, vector<512x128xf32> -> vector<512x128xf32>
    %add3A_39 = arith.addf %add3A_32, %dot_general3A_38 : vector<512x128xf32>
    %get3A_40 = arith.constant 0 : index
    %get3A_41 = arith.constant 0 : index
    %get3A_42 = vector.load %arg6[%get3A_40, %get3A_41] : memref<512x128xf32, #tpu.memory_space<vmem>>, vector<512x128xf32>
    %slice3A_43 = vector.extract_strided_slice %get3A_1 {offsets = [640, 0], sizes = [128, 128], strides = [1, 1]} : vector<768x128xf32> to vector<128x128xf32>
    %dot_general3A_44 = arith.constant dense<0.000000e+00> : vector<512x128xf32>
    %dot_general3A_45 = tpu.matmul %get3A_42, %slice3A_43, %dot_general3A_44 {dimension_numbers = #tpu.dot_dimension_numbers<[1], [0], [0], [1], [0, 0, 1, 1], [], []>, transpose_lhs_hint = false} : vector<512x128xf32>, vector<128x128xf32>, vector<512x128xf32> -> vector<512x128xf32>
    %add3A_46 = arith.addf %add3A_39, %dot_general3A_45 : vector<512x128xf32>
    %max3A = arith.constant 0.000000e+00 : f32
    %max3A_47 = vector.broadcast %max3A : f32 to vector<512x128xf32>
    %max3A_48 = arith.maximumf %add3A_46, %max3A_47 : vector<512x128xf32>
    %swap3A = arith.constant 0 : index
    %swap3A_49 = arith.constant 0 : index
    %swap3A_50 = vector.load %arg9[%swap3A, %swap3A_49] : memref<512x128xf32, #tpu.memory_space<vmem>>, vector<512x128xf32>
    tpu.vector_store %arg9[%swap3A, %swap3A_49], %max3A_48 {strides = array<i32>} : memref<512x128xf32, #tpu.memory_space<vmem>>, vector<512x128xf32>,
    return
  }
  func.func @transform_0(%arg0: i32) -> (i32, i32) {
    %c0_i32 = arith.constant 0 : i32
    %c0_i32_0 = arith.constant 0 : i32
    return %arg0, %c0_i32 : i32, i32
  }
  func.func @transform_1(%arg0: i32) -> (i32, i32) {
    %c0_i32 = arith.constant 0 : i32
    %c0_i32_0 = arith.constant 0 : i32
    return %arg0, %c0_i32 : i32, i32
  }
  func.func @transform_2(%arg0: i32) -> (i32, i32) {
    %c0_i32 = arith.constant 0 : i32
    %c0_i32_0 = arith.constant 0 : i32
    return %arg0, %c0_i32 : i32, i32
  }
  func.func @transform_3(%arg0: i32) -> (i32, i32) {
    %c0_i32 = arith.constant 0 : i32
    %c0_i32_0 = arith.constant 0 : i32
    return %arg0, %c0_i32 : i32, i32
  }
  func.func @transform_4(%arg0: i32) -> (i32, i32) {
    %c0_i32 = arith.constant 0 : i32
    %c0_i32_0 = arith.constant 0 : i32
    return %arg0, %c0_i32 : i32, i32
  }
  func.func @transform_5(%arg0: i32) -> (i32, i32) {
    %c0_i32 = arith.constant 0 : i32
    %c0_i32_0 = arith.constant 0 : i32
    return %arg0, %c0_i32 : i32, i32
  }
  func.func @transform_6(%arg0: i32) -> (i32, i32) {
    %c0_i32 = arith.constant 0 : i32
    %c0_i32_0 = arith.constant 0 : i32
    %c0_i32_1 = arith.constant 0 : i32
    return %c0_i32, %c0_i32_0 : i32, i32
  }
  func.func @transform_7(%arg0: i32) -> (i32, i32) {
    %c0_i32 = arith.constant 0 : i32
    %c0_i32_0 = arith.constant 0 : i32
    %c0_i32_1 = arith.constant 0 : i32
    return %c0_i32, %c0_i32_0 : i32, i32
  }
  func.func @transform_8(%arg0: i32) -> (i32, i32) {
    %c0_i32 = arith.constant 0 : i32
    %c0_i32_0 = arith.constant 0 : i32
    return %arg0, %c0_i32 : i32, i32
  }
}

</mosaic_0001>

<sc_bundles>
// kernel: kernel.10.cloned.1.call-start
scs
__scs_entry_jumppad:
0x0: {  	(pc) =	sbr.rel $0x88, $3  }
0x1: {  	(tag) =	ssettag $0x0;
	lr =	simm.s32 $0x1  }
0x2: {  	[smem:$0x3F99] =	sst lr;
	_ =	strace $0xD0000000  }
0x3: {  	_ = 	snop  }
0x4: {  	_ = 	snop  }
0x5: {  	_ = 	snop  }
0x6: {  	_ = 	snop  }
0x7: {  	_ = 	snop  }
__scs_overlays_trampoline_lowered:
0x8: {  	[smem:$0x3FA8] =	sst s0  }
0x9: {  	[smem:$0x3FA9] =	sst s1  }
0xa: {  	[smem:$0x3FAA] =	sst s2  }
0xb: {  	[smem:$0x3FAB] =	sst s3  }
0xc: {  	[smem:$0x3FAC] =	sst s4  }
0xd: {  	[smem:$0x3FAD] =	sst s5  }
0xe: {  	[smem:$0x3FAE] =	sst s6  }
0xf: {  	[smem:$0x3FAF] =	sst s7  }
0x10: {  	[smem:$0x3FB0] =	sst s8  }
0x11: {  	[smem:$0x3FB1] =	sst s9;
	s0 =	simm.s32 @!p0 $0x0  }
0x12: {  	s1 =	sld [smem:$0x3F97];
	s0 =	simm.s32 @p0 $0x1  }
0x13: {  	[smem:$0x3FB2] =	sst s0;
	s0 =	simm.s32 @!p1 $0x0  }
0x14: {  	s2 =	sld [smem:$0x3F96];
	s0 =	simm.s32 @p1 $0x1  }
0x15: {  	[smem:$0x3FB3] =	sst s0;
	s0 =	simm.s32 @!p2 $0x0  }
0x16: {  	s3 =	sld [smem:$0x3FDB];
	s0 =	simm.s32 @p2 $0x1  }
0x17: {  	s4 =	simm.s32 $0x1BF5;
	[smem:$0x3FB5] =	sst s0  }
0x18: {  	s0 =	sld [smem:$0x3F98];
	_ =	swait.ge [sflag:s4], $0x0  }
0x19: {  	s7 =	sld [smem:$0x3F99]  }
0x1a: {  	s8 =	sadd.s32 $0xFFFFE003, lr  }
0x1b: {  	s9 =	sadd.s32 $0xFFFFFEF7, lr;
	s5 =	simm.s32 $0xFFFFFFFF;
	p2 =	slt.u32 s8, $0xFFFFF086  }
0x1c: {  	p1 =	slt.u32 s9, $0xF7A;
	s5 =	simm.s32 @!p2 $0x0  }
0x1d: {  	s5 =	simm.s32 @p1 $0x1;
	p0 =	seq.s32 s7, s2  }
0x1e: {  	s7 =	smul.u32 @!p0 $0xF7A, s2;
	p2 =	seq.s32 @!p0 s5, $0x0  }
0x1f: {  	s9 =	smul.u32 $0xF7A, s1;
	s8 =	simm.s32 @!p0 $0x1BF5;
	p2 =	por !p2, p0  }
0x20: {  	[sflag:s8] =	ssyncset.s32 @!p0 $0xFFFFF086;
	s6 =	sadd.s32 @!p0 s3, s7;
	s7 =	simm.s32 @!p0 $0x108  }
0x21: {  	s3 =	sadd.s32 s3, s9;
	s6 =	sadd.s32 @!p0 $0x88, s6;
	s7 =	simm.s32 @p2 $0x1082  }
0x22: {  	[simem:s7], [sflag:s8] =	dma.local @!p0 [hbm:s6], $0xF7A  }
0x23: {  	s9 =	sor.u32 $0xD0000000, s2;
	s6 =	simm.s32 $0x108;
	_ =	swait.ge @!p0 [sflag:s8], $0x0  }
0x24: {  	s3 =	sadd.s32 $0x88, s3;
	s6 =	simm.s32 @!p1 $0x1082;
	[sflag:s4] =	ssyncset.s32 $0xFFFFF086  }
0x25: {  	[simem:s6], [sflag:s4] =	dma.local [hbm:s3], $0xF7A  }
0x26: {  	[smem:$0x3F99] =	sst s1;
	(tag) =	ssettag s2;
	_ =	strace s9  }
0x27: {  	s1 =	sld [smem:$0x3FA9]  }
0x28: {  	s2 =	sld [smem:$0x3FAA]  }
0x29: {  	s4 =	sld [smem:$0x3FAC]  }
0x2a: {  	p0 =	seq.s32 s5, $0x0;
	s5 =	sld [smem:$0x3FAD]  }
0x2b: {  	s6 =	sld [smem:$0x3FAE]  }
0x2c: {  	s7 =	sld [smem:$0x3FAF]  }
0x2d: {  	s3 =	simm.s32 $0x108;
	s8 =	sld [smem:$0x3FB0]  }
0x2e: {  	s3 =	simm.s32 @!p0 $0x1082;
	s9 =	sld [smem:$0x3FB1]  }
0x2f: {  	lr =	sadd.s32 s0, s3;
	s0 =	sld [smem:$0x3FA8]  }
0x30: {  	s3 =	sld [smem:$0x3FAB]  }
0x31: {  	[smem:$0x3FB4] =	sst s10  }
0x32: {  	s10 =	sld [smem:$0x3FB2];
	_ =	sdelay $0x3  }
0x33: {  	p0 =	seq.s32 s10, $0x1;
	s10 =	sld [smem:$0x3FB4];
	_ =	sdelay $0x3  }
0x34: {  	[smem:$0x3FB4] =	sst s10  }
0x35: {  	s10 =	sld [smem:$0x3FB3];
	_ =	sdelay $0x3  }
0x36: {  	p1 =	seq.s32 s10, $0x1;
	s10 =	sld [smem:$0x3FB4];
	_ =	sdelay $0x3  }
0x37: {  	[smem:$0x3FB4] =	sst s10  }
0x38: {  	s10 =	sld [smem:$0x3FB5]  }
0x39: {  	_ = 	snop;
	(pc) =	sbr.ind lr, $3  }
0x3a: {  	_ = 	snop  }
0x3b: {  	_ = 	snop  }
0x3c: {  	p2 =	seq.s32 s10, $0x1;
	s10 =	sld [smem:$0x3FB4]  }
0x3d: {  	_ =	shalt  }
0x3e: {  	_ =	shalt  }
0x3f: {  	_ =	shalt  }
0x40: {  	_ =	shalt  }
0x41: {  	_ =	shalt  }
0x42: {  	_ =	shalt  }
0x43: {  	_ =	shalt  }
0x44: {  	_ =	shalt  }
0x45: {  	_ =	shalt  }
0x46: {  	_ =	shalt  }
0x47: {  	_ =	shalt  }
0x48: {  	_ =	shalt  }
0x49: {  	_ =	shalt  }
0x4a: {  	_ =	shalt  }
0x4b: {  	_ =	shalt  }
0x4c: {  	_ =	shalt  }
0x4d: {  	_ =	shalt  }
0x4e: {  	_ =	shalt  }
0x4f: {  	_ =	shalt  }
0x50: {  	_ =	shalt  }
0x51: {  	_ =	shalt  }
0x52: {  	_ =	shalt  }
0x53: {  	_ =	shalt  }
0x54: {  	_ =	shalt  }
0x55: {  	_ =	shalt  }
0x56: {  	_ =	shalt  }
0x57: {  	_ =	shalt  }
0x58: {  	_ =	shalt  }
0x59: {  	_ =	shalt  }
0x5a: {  	_ =	shalt  }
0x5b: {  	_ =	shalt  }
0x5c: {  	_ =	shalt  }
0x5d: {  	_ =	shalt  }
0x5e: {  	_ =	shalt  }
0x5f: {  	_ =	shalt  }
0x60: {  	_ =	shalt  }
0x61: {  	_ =	shalt  }
0x62: {  	_ =	shalt  }
0x63: {  	_ =	shalt  }
0x64: {  	_ =	shalt  }
0x65: {  	_ =	shalt  }
0x66: {  	_ =	shalt  }
0x67: {  	_ =	shalt  }
0x68: {  	_ =	shalt  }
0x69: {  	_ =	shalt  }
0x6a: {  	_ =	shalt  }
0x6b: {  	_ =	shalt  }
0x6c: {  	_ =	shalt  }
0x6d: {  	_ =	shalt  }
0x6e: {  	_ =	shalt  }
0x6f: {  	_ =	shalt  }
0x70: {  	_ =	shalt  }
0x71: {  	_ =	shalt  }
0x72: {  	_ =	shalt  }
0x73: {  	_ =	shalt  }
0x74: {  	_ =	shalt  }
0x75: {  	_ =	shalt  }
0x76: {  	_ =	shalt  }
0x77: {  	_ =	shalt  }
0x78: {  	_ =	shalt  }
0x79: {  	_ =	shalt  }
0x7a: {  	_ =	shalt  }
0x7b: {  	_ =	shalt  }
0x7c: {  	_ =	shalt  }
0x7d: {  	_ =	shalt  }
0x7e: {  	_ =	shalt  }
0x7f: {  	_ =	shalt  }
0x80: {  	_ =	shalt  }
0x81: {  	_ =	shalt  }
0x82: {  	_ =	shalt  }
0x83: {  	_ =	shalt  }
0x84: {  	_ =	shalt  }
0x85: {  	_ =	shalt  }
0x86: {  	_ =	shalt  }
0x87: {  	_ =	shalt  }
.Lfunc_end0:
.L_simem_size_0:
called_computation.1_lowered:
.L_overlay_start_0:
0x88: {  	s2 =	sld [smem:$0x3FD9]  }
0x89: {  	s3 =	sld [smem:$0x3FFE];
	_ =	sdelay $0x1  }
0x8a: {  	s1 =	srdreg.scid  }
0x8b: {  	s0 =	sand.u32 $0x1, s1  }
0x8c: {  	s17 =	sshll.u32 s0, $0xA;
	s2 =	sadd.s32 s3, s2  }
0x8d: {  	s2 =	sadd.s32 s2, s17  }
0x8e: {  	[smem:$0x3FC0] =	sst s2  }
0x8f: {  	_ = 	snop  }
0x90: {  	(tm) =	ssettm $0x1  }
0x91: {  	s18 =	sld [smem:$0x3FFB];
	_ =	sdelay $0x3  }
0x92: {  	_ =	strace s18  }
0x93: {  	s2 =	sld [smem:$0x3FFC];
	_ =	sdelay $0x3  }
0x94: {  	_ =	strace s2  }
0x95: {  	s2 =	sld [smem:$0x3FFD];
	_ =	sdelay $0x3  }
0x96: {  	_ =	strace s2  }
0x97: {  	_ =	strace $0x8FFFFFFF  }
0x98: {  	s19 =	sld [smem:$0x3FDB];
	_ =	sdelay $0x1  }
0x99: {  	s20 =	simm.s32 $_scs_section_size  }
0x9a: {  	s4 =	simm.s32 $_size__tile_overlayer_lowered;
	s5 =	simm.s32 $_tile_overlayer_lowered  }
0x9b: {  	s6 =	simm.s32 $0x1BFF;
	s21 =	sshll.u32 s5, $0x1;
	s3 =	sadd.s32 s20, s19  }
0x9c: {  	s22 =	simm.s32 $0x0;
	s4 =	sshll.u32 s4, $0x1;
	s5 =	sadd.s32 s21, s3  }
0x9d: {  	[timem:s22], [sflag:s6] =	dma.local [hbm:s5], s4  }
0x9e: {  	_ =	swait.ge [sflag:s6], s4  }
0x9f: {  	s4 =	ssub.s32 $0x0, s4;
	[sflag:s6] =	ssyncset.done $0x0  }
0xa0: {  	[sflag:s6] =	ssyncadd.s32 s4;
	_ =	sdelay $0x1  }
0xa1: {  	s23 =	simm.s32 $0x1B8B  }
0xa2: {  	_ =	swait.ge [sflag:s23], $0x1  }
0xa3: {  	[sflag:s23] =	ssyncset.done $0x0  }
0xa4: {  	[sflag:s23] =	ssyncadd.s32 $0xFFFFFFFF  }
0xa5: {  	s4 =	sld [smem:$0x0]  }
0xa6: {  	s5 =	sand.u32 $0xFFFFFFFE, s1  }
0xa7: {  	p0 =	sne.s32 s1, s5  }
0xa8: {  	s5 =	sshll.u32 @p0 s5, $0xE  }
0xa9: {  	s5 =	sadd.s32 @p0 $0x11B8D, s5;
	s6 =	sshll.u32 @p0 s4, $0x11  }
0xaa: {  	s5 =	sor.u32 @p0 s6, s5  }
0xab: {  	[sflag:s5] =	ssyncadd.remote.s32 @p0 $0x1;
	_ =	sdelay $0x1  }
0xac: {  	s5 =	simm.s32 @p0 $0x1B8D  }
0xad: {  	_ =	swait.eq @p0 [sflag:s5], $0x1  }
0xae: {  	[sflag:s5] =	ssyncadd.s32 @p0 $0xFFFFFFFF  }
0xaf: {  	s6 =	sshll.u32 @!p0 s1, $0xE  }
0xb0: {  	s6 =	sor.u32 @!p0 $0x4000, s6;
	s5 =	simm.s32 @!p0 $0x1B8D  }
0xb1: {  	s4 =	sshll.u32 @!p0 s4, $0x11;
	s6 =	sadd.s32 @!p0 $0x11B8D, s6;
	_ =	swait.eq @!p0 [sflag:s5], $0x1  }
0xb2: {  	s4 =	sor.u32 @!p0 s4, s6;
	[sflag:s5] =	ssyncadd.s32 @!p0 $0xFFFFFFFF  }
0xb3: {  	s25 =	simm.s32 $0x1B8E;
	s24 =	sld [smem:$0x3FFE];
	[sflag:s4] =	ssyncadd.remote.s32 @!p0 $0x1  }
0xb4: {  	s26 =	simm.s32 $execute0_lowered;
	[smem:$0x3FD2] =	sst s25  }
0xb5: {  	s5 =	sshll.u32 s26, $0x1;
	_ =	strace $0x80000049;
	[dreg:$0x1] =	wrdreg $0xFFFFFFFF  }
0xb6: {  	s28 =	simm.s32 $_size_execute0_lowered;
	s3 =	sadd.s32 s3, s5;
	[dreg:$0x0] =	wrdreg $0x0  }
0xb7: {  	s5 =	sshll.u32 s28, $0x1;
	[dreg:$0x2] =	wrdreg s3  }
0xb8: {  	[dreg:$0x3] =	wrdreg s5  }
0xb9: {  	[dreg:$0x4] =	wrdreg $0xC0  }
0xba: {  	_ =	task [dreg:s22], $0x5FFFF  }
0xbb: {  	[dreg:$0x1] =	wrdreg $0xFFFFFFFF  }
0xbc: {  	[dreg:$0x0] =	wrdreg $0x60  }
0xbd: {  	[dreg:$0x2] =	wrdreg s24  }
0xbe: {  	[dreg:$0x3] =	wrdreg $0xA  }
0xbf: {  	_ =	task.clear_ibuf [dreg:s22], $0x4FFFF;
	_ =	strace $0x90000049  }
0xc0: {  	s29 =	simm.s32 $0xA;
	_ =	strace $0x8000004B  }
0xc1: {  	_ =	swait.ge [sflag:s29], $0x1  }
0xc2: {  	[sflag:s29] =	ssyncadd.s32 $0xFFFFFFFF  }
0xc3: {  	_ =	strace $0x9000004B  }
0xc4: {  	_ =	sfence  }
0xc5: {  	s30 =	sld [smem:$0x0];
	_ =	sdelay $0x2  }
0xc6: {  	s31 =	sshll.u32 s1, $0xD;
	s1 =	sshrl.u32 s1, $0x2  }
0xc7: {  	s4 =	sand.u32 $0x4000, s31;
	s1 =	sadd.s32 s1, s30  }
0xc8: {  	s0 =	sor.u32 s4, s0;
	s1 =	sshll.u32 s1, $0x11  }
0xc9: {  	s0 =	sor.u32 s1, s0  }
0xca: {  	s0 =	sadd.s32 $0x8F2B, s0  }
0xcb: {  	[sflag:s0] =	ssyncadd.remote.s32 $0x1  }
0xcc: {  	_ =	sfence.sel $0xFFFF  }
0xcd: {  	[dreg:$0x0] =	wrdreg $0xFFFFFFFF;
	(pc) =	sbr.abs _section_cstart, $3  }
0xce: {  	[dreg:$0x1] =	wrdreg $0xFFFFFFFF  }
0xcf: {  	_ =	task.clear_ibuf [dreg:s22], $0x2FFFF;
	_ =	strace $0x9FFFFFFF  }
0xd0: {  	(tm) =	ssettm $0x7FFFFFFF  }
0xd1: {  	_ =	shalt  }
tec
execute0_lowered:
.L_overlay_start_1:
0x0: {  	(tag) =	ssettag $0x1  }
0x1: {  	s0 =	rddreg [dreg:$0x0];
	s2 =	simm.s32 $0x0  }
0x2: {  	s1 =	srdreg.scid;
	s3 =	stileid.u32;
	s17 =	simm.s32 $0x80  }
0x3: {  	s22 =	simm.s32 $0x20;
	s30 =	simm.s32 $0x40;
	s31 =	simm.s32 $0x1  }
0x4: {  	s16 =	simm.s32 $0x79C0;
	s18 =	simm.s32 $0x2;
	s19 =	simm.s32 $0x81C0  }
0x5: {  	s20 =	simm.s32 $0x89C0;
	s21 =	simm.s32 $0x91C0;
	s23 =	simm.s32 $0x99C0  }
0x6: {  	s24 =	simm.s32 $0x4;
	s15 =	simm.s32 $0x0;
	[smem:$0x7FF] =	sst s2  }
0x7: {  	s5 =	sshll.u32 s3, $0x1;
	s3 =	sadd.s32 $0x24A600, s0;
	s4 =	sadd.s32 $0x434600, s0  }
0x8: {  	s1 =	sand.u32 $0x1, s1;
	s6 =	sadd.s32 $0x48B600, s0;
	s7 =	sadd.s32 $0x4CB600, s0  }
0x9: {  	s8 =	sadd.s32 $0x50B600, s0;
	s9 =	sor.u32 s1, s5;
	s1 =	ssub.s32 $0x2, s1  }
0xa: {  	_ =	strace $0x8000004A;
	s10 =	smul.u32 $0xB80, s9;
	s11 =	sshrl.u32 s1, $0x1  }
0xb: {  	s5 =	sadd.s32 $0x44B600, s0;
	s29 =	sshll.u32 s9, $0x5;
	s28 =	ssub.s32 s1, s11  }
0xc: {  	s11 =	sshll.u32 s9, $0xD;
	s12 =	sor.u32 $0x2, s29;
	s10 =	sadd.s32 s4, s10  }
0xd: {  	s13 =	sor.u32 $0x3, s29;
	s0 =	smax.u32 s28, $0x1;
	[dreg:$0x2] =	wrdreg s10  }
0xe: {  	s1 =	simm.s32 $0x2E0;
	s10 =	sadd.s32 $0x5C, s10;
	[dreg:$0x4] =	wrdreg s0  }
0xf: {  	v0 =	vimm.f32 $0.0e+00;
	s14 =	sor.u32 $0x100, s11;
	[dreg:$0x3] =	wrdreg s10;
	s10 =	simm.s32 $0x3  }
.LBB2_1:
0x10: {  	[dreg:$0x5] =	wrdreg s15  }
0x11: {  	s0 =	rddreg [dreg:$0x2];
	s29 =	simm.s32 $0x6  }
0x12: {  	[tilespmem:s2], [sflag:$0x6] =	stream.linear.gather [hbm4b:s0+s2], $0x2E0, $0x38;
	[tilespmem:$0xA1C0] =	vst v63  }
0x13: {  	_ =	swait.ge [sflag:s29], $0x2E0  }
0x14: {  	[sflag:s29] =	ssyncset.done $0x0  }
0x15: {  	s15 =	simm.s32 $0x40;
	s0 =	simm.s32 $0x0;
	[sflag:s29] =	ssyncadd.s32 $0xFFFFFD20  }
.LBB2_2:
0x16: {  	p0 =	sne.s32 s15, $0xB40;
	v1 =	vld [tilespmem:s0+$0x0];
	_ =	sdelay $0x4  }
.Ltmp0:
0x17: {  	v2 =	vshll.u32 v1, $0x3;
	(pc) =	sbr.rel @p0 .LBB2_2-.Ltmp0, $4  }
0x18: {  	v3 =	vand.u32 $0xFFFFF000, v1;
	v1 =	vshrl.u32 v1, $0x9;
	v2 =	vand.u32 $0xFF8, v2  }
0x19: {  	v1 =	vand.u32 $0x7, v1;
	v2 =	vor.u32 v3, v2  }
0x1a: {  	v1 =	vor.u32 v1, v2  }
0x1b: {  	[tilespmem:s0+$0x0] =	vst v1;
	s0 =	sshra.s32 s15, $0x2;
	s15 =	sadd.s32 $0x40, s15  }
0x1c: {  	v1 =	vld [tilespmem:s0+$0x0];
	_ =	sdelay $0x4  }
0x1d: {  	v2 =	vshll.u32 v1, $0x3  }
0x1e: {  	v3 =	vand.u32 $0xFFFFF000, v1;
	v1 =	vshrl.u32 v1, $0x9;
	v2 =	vand.u32 $0xFF8, v2  }
0x1f: {  	v1 =	vand.u32 $0x7, v1;
	v2 =	vor.u32 v3, v2  }
0x20: {  	v1 =	vor.u32 v1, v2  }
0x21: {  	s25 =	simm.s32 $0x0;
	s26 =	simm.s32 $0x5C0;
	[tilespmem:s0+$0x0] =	vst v1  }
0x22: {  	[tilespmem:s26], [sflag:$0x1] =	stream.indirect.gather [hbm4b:s3+s17], $0x10, s25, s17, $0xb8;
	[tilespmem:$0xA1C0] =	vst v63  }
0x23: {  	s28 =	simm.s32 $0xDC0  }
0x24: {  	[tilespmem:s28], [sflag:$0x1] =	stream.indirect.gather [hbm4b:s3+s17], $0x10, s17, s17, $0xb8;
	[tilespmem:$0xA1C0] =	vst v63  }
0x25: {  	s29 =	simm.s32 $0x100;
	s9 =	simm.s32 $0x15C0  }
0x26: {  	[tilespmem:s9], [sflag:$0x1] =	stream.indirect.gather [hbm4b:s3+s17], $0x10, s29, s17, $0xb8;
	[tilespmem:$0xA1C0] =	vst v63  }
0x27: {  	s15 =	simm.s32 $0x180;
	s26 =	simm.s32 $0x1DC0  }
0x28: {  	[tilespmem:s26], [sflag:$0x1] =	stream.indirect.gather [hbm4b:s3+s22], $0x10, s15, s22, $0xb8;
	[tilespmem:$0xA1C0] =	vst v63  }
0x29: {  	s28 =	simm.s32 $0x1A0;
	s29 =	simm.s32 $0x1FC0  }
0x2a: {  	[tilespmem:s29], [sflag:$0x1] =	stream.indirect.gather [hbm4b:s3+s17], $0x10, s28, s17, $0xb8;
	[tilespmem:$0xA1C0] =	vst v63  }
0x2b: {  	s9 =	simm.s32 $0x220;
	s15 =	simm.s32 $0x27C0  }
0x2c: {  	[tilespmem:s15], [sflag:$0x1] =	stream.indirect.gather [hbm4b:s3+s17], $0x10, s9, s17, $0xb8;
	[tilespmem:$0xA1C0] =	vst v63  }
0x2d: {  	s26 =	simm.s32 $0x2A0;
	s28 =	simm.s32 $0x2FC0  }
0x2e: {  	[tilespmem:s28], [sflag:$0x1] =	stream.indirect.gather [hbm4b:s3+s30], $0x10, s26, s30, $0xb8;
	[tilespmem:$0xA1C0] =	vst v63  }
0x2f: {  	s29 =	rddreg [dreg:$0x3]  }
0x30: {  	[tilespmem:s1], [sflag:$0x3] =	stream.linear.gather [hbm4b:s29+s25], $0x2E0, $0x38;
	[tilespmem:$0xA1C0] =	vst v63  }
.LBB2_4:
0x31: {  	_ =	swait.ge [sflag:s10], $0x2E0  }
0x32: {  	[sflag:s10] =	ssyncset.done $0x0  }
0x33: {  	s0 =	simm.s32 $0x0;
	s15 =	simm.s32 $0x40;
	[sflag:s10] =	ssyncadd.s32 $0xFFFFFD20  }
.LBB2_5:
0x34: {  	p0 =	sne.s32 s15, $0xB40;
	v1 =	vld [tilespmem:s0+$0x2E0];
	_ =	sdelay $0x4  }
.Ltmp1:
0x35: {  	v2 =	vshll.u32 v1, $0x3;
	(pc) =	sbr.rel @p0 .LBB2_5-.Ltmp1, $4  }
0x36: {  	v3 =	vand.u32 $0xFFFFF000, v1;
	v1 =	vshrl.u32 v1, $0x9;
	v2 =	vand.u32 $0xFF8, v2  }
0x37: {  	v1 =	vand.u32 $0x7, v1;
	v2 =	vor.u32 v3, v2  }
0x38: {  	v1 =	vor.u32 v1, v2  }
0x39: {  	[tilespmem:s0+$0x2E0] =	vst v1;
	s0 =	sshra.s32 s15, $0x2;
	s15 =	sadd.s32 $0x40, s15  }
0x3a: {  	v1 =	vld [tilespmem:s0+$0x2E0];
	_ =	sdelay $0x4  }
0x3b: {  	v2 =	vshll.u32 v1, $0x3  }
0x3c: {  	v3 =	vand.u32 $0xFFFFF000, v1;
	v1 =	vshrl.u32 v1, $0x9;
	v2 =	vand.u32 $0xFF8, v2  }
0x3d: {  	v1 =	vand.u32 $0x7, v1;
	v2 =	vor.u32 v3, v2  }
0x3e: {  	v1 =	vor.u32 v1, v2  }
0x3f: {  	s15 =	simm.s32 $0x33C0;
	[tilespmem:s0+$0x2E0] =	vst v1  }
0x40: {  	[tilespmem:s15], [sflag:$0x2] =	stream.indirect.gather [hbm4b:s3+s17], $0x10, s1, s17, $0xb8;
	[tilespmem:$0xA1C0] =	vst v63  }
0x41: {  	s26 =	simm.s32 $0x360;
	s9 =	simm.s32 $0x3BC0  }
0x42: {  	[tilespmem:s9], [sflag:$0x2] =	stream.indirect.gather [hbm4b:s3+s17], $0x10, s26, s17, $0xb8;
	[tilespmem:$0xA1C0] =	vst v63  }
0x43: {  	s28 =	simm.s32 $0x3E0;
	s29 =	simm.s32 $0x43C0  }
0x44: {  	[tilespmem:s29], [sflag:$0x2] =	stream.indirect.gather [hbm4b:s3+s17], $0x10, s28, s17, $0xb8;
	[tilespmem:$0xA1C0] =	vst v63  }
0x45: {  	s15 =	simm.s32 $0x460;
	s26 =	simm.s32 $0x4BC0  }
0x46: {  	[tilespmem:s26], [sflag:$0x2] =	stream.indirect.gather [hbm4b:s3+s22], $0x10, s15, s22, $0xb8;
	[tilespmem:$0xA1C0] =	vst v63  }
0x47: {  	s28 =	simm.s32 $0x480;
	s29 =	simm.s32 $0x4DC0  }
0x48: {  	[tilespmem:s29], [sflag:$0x2] =	stream.indirect.gather [hbm4b:s3+s17], $0x10, s28, s17, $0xb8;
	[tilespmem:$0xA1C0] =	vst v63  }
0x49: {  	s15 =	simm.s32 $0x500;
	s26 =	simm.s32 $0x55C0  }
0x4a: {  	[tilespmem:s26], [sflag:$0x2] =	stream.indirect.gather [hbm4b:s3+s17], $0x10, s15, s17, $0xb8;
	[tilespmem:$0xA1C0] =	vst v63  }
0x4b: {  	s28 =	simm.s32 $0x580;
	s29 =	simm.s32 $0x5DC0  }
0x4c: {  	[tilespmem:s29], [sflag:$0x2] =	stream.indirect.gather [hbm4b:s3+s30], $0x10, s28, s30, $0xb8;
	[tilespmem:$0xA1C0] =	vst v63  }
0x4d: {  	_ =	swait.ge [sflag:s31], $0x800  }
0x4e: {  	[sflag:s31] =	ssyncset.done $0x0  }
0x4f: {  	[sflag:s31] =	ssyncadd.s32 $0xFFFFF800  }
0x50: {  	_ =	swait.ge [sflag:s31], $0x800  }
0x51: {  	[sflag:s31] =	ssyncset.done $0x0  }
0x52: {  	[sflag:s31] =	ssyncadd.s32 $0xFFFFF800  }
0x53: {  	_ =	swait.ge [sflag:s31], $0x800  }
0x54: {  	[sflag:s31] =	ssyncset.done $0x0  }
0x55: {  	[sflag:s31] =	ssyncadd.s32 $0xFFFFF800  }
0x56: {  	_ =	swait.ge [sflag:s31], $0x200  }
0x57: {  	[sflag:s31] =	ssyncset.done $0x0  }
0x58: {  	[sflag:s31] =	ssyncadd.s32 $0xFFFFFE00  }
0x59: {  	_ =	swait.ge [sflag:s31], $0x800  }
0x5a: {  	[sflag:s31] =	ssyncset.done $0x0  }
0x5b: {  	p0 =	seq.s32 s25, $0xF;
	[sflag:s31] =	ssyncadd.s32 $0xFFFFF800  }
0x5c: {  	p1 =	seq.s32 @!p0 s25, $0x0;
	_ =	swait.ge [sflag:s31], $0x800  }
0x5d: {  	p1 =	por p0, !p1;
	s26 =	sshll.u32 s25, $0x1;
	[sflag:s31] =	ssyncset.done $0x0  }
.Ltmp2:
0x5e: {  	s0 =	sadd.s32 @!p0 s26, s12;
	[sflag:s31] =	ssyncadd.s32 $0xFFFFF800;
	(pc) =	sbr.rel @!p1 .LBB2_7-.Ltmp2, $4  }
0x5f: {  	s0 =	smul.u32 @!p0 $0x5C, s0;
	_ =	swait.ge [sflag:s31], $0x400  }
0x60: {  	[sflag:s31] =	ssyncset.done $0x0  }
0x61: {  	s15 =	simm.s32 @!p0 $0x0;
	s0 =	sadd.s32 @!p0 s4, s0;
	[sflag:s31] =	ssyncadd.s32 $0xFFFFFC00  }
0x62: {  	[tilespmem:s15], [sflag:$0x3] =	stream.linear.gather @!p0 [hbm4b:s0+s15], $0x2E0, $0x38;
	[tilespmem:$0xA1C0] =	vst v63  }
0x63: {  	_ =	swait.ge [sflag:s24], $0x800  }
0x64: {  	[sflag:s24] =	ssyncset.done $0x0  }
0x65: {  	[sflag:s24] =	ssyncadd.s32 $0xFFFFF800  }
0x66: {  	_ =	swait.ge [sflag:s24], $0x800  }
0x67: {  	[sflag:s24] =	ssyncset.done $0x0  }
0x68: {  	[sflag:s24] =	ssyncadd.s32 $0xFFFFF800  }
0x69: {  	_ =	swait.ge [sflag:s24], $0x800  }
.Ltmp3:
0x6a: {  	[sflag:s24] =	ssyncset.done $0x0;
	(pc) =	sbr.rel .LBB2_9-.Ltmp3, $4  }
0x6b: {  	[sflag:s24] =	ssyncadd.s32 $0xFFFFF800  }
0x6c: {  	_ =	swait.ge [sflag:s24], $0x800  }
0x6d: {  	[sflag:s24] =	ssyncset.done $0x0  }
0x6e: {  	p1 =	por $0x0, $0x0;
	[sflag:s24] =	ssyncadd.s32 $0xFFFFF800  }
.LBB2_7:
0x6f: {  	p1 =	por @!p0 $0x1, $0x1  }
.LBB2_9:
0x70: {  	s28 =	simm.s32 $0x20F0  }
0x71: {  	v1 =	vld [tilespmem:s28+$0xFFFFFED0]  }
0x72: {  	v3 =	vld [tilespmem:s28+$0x0]  }
0x73: {  	v2 =	vld [tilespmem:s28+$0xFFFFFFF0]  }
0x74: {  	v4 =	vld [tilespmem:s28+$0xFFFFFFE0]  }
0x75: {  	v5 =	vld [tilespmem:s28+$0xFFFFFFD0]  }
0x76: {  	v6 =	vld [tilespmem:s28+$0xFFFFFFC0]  }
0x77: {  	v7 =	vld [tilespmem:s28+$0xFFFFFFB0]  }
0x78: {  	v8 =	vld [tilespmem:s28+$0xFFFFFFA0]  }
0x79: {  	v9 =	vld [tilespmem:s28+$0xFFFFFF90]  }
0x7a: {  	v10 =	vld [tilespmem:s28+$0xFFFFFF80]  }
0x7b: {  	v11 =	vld [tilespmem:s28+$0xFFFFFF70]  }
0x7c: {  	v12 =	vld [tilespmem:s28+$0xFFFFFF60]  }
0x7d: {  	v13 =	vld [tilespmem:s28+$0xFFFFFF50]  }
0x7e: {  	v14 =	vld [tilespmem:s28+$0xFFFFFF40]  }
0x7f: {  	s29 =	simm.s32 $0x690;
	v15 =	vld [tilespmem:s28+$0xFFFFFF30]  }
0x80: {  	v17 =	vld [tilespmem:s29+$0xFFFFFF30]  }
0x81: {  	v16 =	vld [tilespmem:s28+$0xFFFFFF20]  }
0x82: {  	v18 =	vld [tilespmem:s28+$0xFFFFFF10]  }
0x83: {  	v19 =	vld [tilespmem:s28+$0xFFFFFF00]  }
0x84: {  	s0 =	simm.s32 $0x0;
	v20 =	vld [tilespmem:s28+$0xFFFFFEF0]  }
0x85: {  	v21 =	vld [tilespmem:s28+$0xFFFFFEE0];
	[tilespmem:s0+$0x61C0] =	vst v17  }
0x86: {  	v17 =	vld [tilespmem:s29+$0xFFFFFF40];
	_ =	sdelay $0x4  }
0x87: {  	[tilespmem:s0+$0x61D0] =	vst v17  }
0x88: {  	v17 =	vld [tilespmem:s29+$0xFFFFFF50];
	_ =	sdelay $0x4  }
0x89: {  	[tilespmem:s0+$0x61E0] =	vst v17  }
0x8a: {  	v17 =	vld [tilespmem:s29+$0xFFFFFF60];
	_ =	sdelay $0x4  }
0x8b: {  	[tilespmem:s0+$0x61F0] =	vst v17  }
0x8c: {  	v17 =	vld [tilespmem:s29+$0xFFFFFF70];
	_ =	sdelay $0x4  }
0x8d: {  	[tilespmem:s0+$0x6200] =	vst v17  }
0x8e: {  	v17 =	vld [tilespmem:s29+$0xFFFFFF80];
	_ =	sdelay $0x4  }
0x8f: {  	[tilespmem:s0+$0x6210] =	vst v17  }
0x90: {  	v17 =	vld [tilespmem:s29+$0xFFFFFF90];
	_ =	sdelay $0x4  }
0x91: {  	[tilespmem:s0+$0x6220] =	vst v17  }
0x92: {  	v17 =	vld [tilespmem:s29+$0xFFFFFFA0];
	_ =	sdelay $0x4  }
0x93: {  	[tilespmem:s0+$0x6230] =	vst v17  }
0x94: {  	v17 =	vld [tilespmem:s29+$0xFFFFFFB0];
	_ =	sdelay $0x4  }
0x95: {  	[tilespmem:s0+$0x69C0] =	vst v17  }
0x96: {  	v17 =	vld [tilespmem:s29+$0xFFFFFFC0];
	_ =	sdelay $0x4  }
0x97: {  	[tilespmem:s0+$0x69D0] =	vst v17  }
0x98: {  	v17 =	vld [tilespmem:s29+$0xFFFFFFD0];
	_ =	sdelay $0x4  }
0x99: {  	[tilespmem:s0+$0x69E0] =	vst v17  }
0x9a: {  	v17 =	vld [tilespmem:s29+$0xFFFFFFE0];
	_ =	sdelay $0x4  }
0x9b: {  	[tilespmem:s0+$0x69F0] =	vst v17  }
0x9c: {  	v17 =	vld [tilespmem:s29+$0xFFFFFFF0];
	_ =	sdelay $0x4  }
0x9d: {  	[tilespmem:s0+$0x6A00] =	vst v17  }
0x9e: {  	v17 =	vld [tilespmem:s29+$0x0];
	_ =	sdelay $0x4  }
0x9f: {  	[tilespmem:s0+$0x6A10] =	vst v17  }
0xa0: {  	v17 =	vld [tilespmem:s29+$0x10];
	_ =	sdelay $0x4  }
0xa1: {  	[tilespmem:s0+$0x6A20] =	vst v17  }
0xa2: {  	v17 =	vld [tilespmem:s29+$0x20];
	_ =	sdelay $0x4  }
0xa3: {  	[tilespmem:s0+$0x6A30] =	vst v17  }
0xa4: {  	v17 =	vld [tilespmem:s29+$0x30];
	_ =	sdelay $0x4  }
0xa5: {  	[tilespmem:s0+$0x71C0] =	vst v17  }
0xa6: {  	v17 =	vld [tilespmem:s29+$0x40];
	_ =	sdelay $0x4  }
0xa7: {  	[tilespmem:s0+$0x71D0] =	vst v17  }
0xa8: {  	v17 =	vld [tilespmem:s29+$0x50];
	_ =	sdelay $0x4  }
0xa9: {  	[tilespmem:s0+$0x71E0] =	vst v17  }
0xaa: {  	v17 =	vld [tilespmem:s29+$0x60]  }
0xab: {  	v1 =	vadd.f32 v21, v1;
	_ =	sdelay $0x1  }
0xac: {  	v1 =	vadd.f32 v20, v1;
	_ =	sdelay $0x1  }
0xad: {  	v1 =	vadd.f32 v19, v1;
	[tilespmem:s0+$0x71F0] =	vst v17  }
0xae: {  	v17 =	vld [tilespmem:s29+$0x70]  }
0xaf: {  	v1 =	vadd.f32 v18, v1;
	_ =	sdelay $0x1  }
0xb0: {  	v1 =	vadd.f32 v16, v1;
	_ =	sdelay $0x1  }
0xb1: {  	v1 =	vadd.f32 v15, v1;
	[tilespmem:s0+$0x7200] =	vst v17  }
0xb2: {  	v60 =	vld [tilespmem:s29+$0x80]  }
0xb3: {  	v1 =	vadd.f32 v14, v1;
	_ =	sdelay $0x1  }
0xb4: {  	v1 =	vadd.f32 v13, v1;
	_ =	sdelay $0x1  }
0xb5: {  	v1 =	vadd.f32 v12, v1;
	[tilespmem:s0+$0x7210] =	vst v60  }
0xb6: {  	v61 =	vld [tilespmem:s29+$0x90]  }
0xb7: {  	v1 =	vadd.f32 v11, v1;
	_ =	sdelay $0x1  }
0xb8: {  	v1 =	vadd.f32 v10, v1;
	_ =	sdelay $0x1  }
0xb9: {  	v1 =	vadd.f32 v9, v1;
	[tilespmem:s0+$0x7220] =	vst v61  }
0xba: {  	v62 =	vld [tilespmem:s29+$0xA0]  }
0xbb: {  	v1 =	vadd.f32 v8, v1;
	_ =	sdelay $0x1  }
0xbc: {  	v1 =	vadd.f32 v7, v1;
	_ =	sdelay $0x1  }
0xbd: {  	v1 =	vadd.f32 v6, v1;
	[tilespmem:s0+$0x7230] =	vst v62  }
0xbe: {  	v63 =	vld [tilespmem:s29+$0xB0]  }
0xbf: {  	v1 =	vadd.f32 v5, v1;
	_ =	sdelay $0x1  }
0xc0: {  	v1 =	vadd.f32 v4, v1;
	_ =	sdelay $0x1  }
0xc1: {  	v1 =	vadd.f32 v2, v1;
	[tilespmem:s0+$0x79C0] =	vst v63  }
0xc2: {  	v2 =	vld [tilespmem:s29+$0xC0];
	[tilespmem:s0+$0x7A20] =	vst v0  }
0xc3: {  	v1 =	vadd.f32 v3, v1;
	[tilespmem:s0+$0x7A30] =	vst v0  }
0xc4: {  	[tilespmem:s0+$0x7A10] =	vst v0  }
0xc5: {  	s15 =	simm.s32 $0x200;
	v1 =	vmul.f32 $5.000000070e-02, v1;
	[tilespmem:s0+$0x79F0] =	vst v0  }
.LBB2_10:
0xc6: {  	p2 =	sne.s32 s15, $0x1E00;
	[tilespmem:s0+$0x7A00] =	vst v0;
	s28 =	sadd.s32 $0x140, s28;
	s29 =	sadd.s32 $0x1A0, s29  }
0xc7: {  	s9 =	smov.u32 s15;
	s15 =	sadd.s32 $0x200, s15;
	[tilespmem:s0+$0x79D0] =	vst v2  }
0xc8: {  	[tilespmem:s0+$0x79E0] =	vst v1  }
0xc9: {  	v1 =	vld [tilespmem:s28+$0xFFFFFED0]  }
0xca: {  	v2 =	vld [tilespmem:s28+$0x0]  }
0xcb: {  	v3 =	vld [tilespmem:s28+$0xFFFFFFF0]  }
0xcc: {  	v4 =	vld [tilespmem:s28+$0xFFFFFFE0]  }
0xcd: {  	v5 =	vld [tilespmem:s28+$0xFFFFFFD0]  }
0xce: {  	v6 =	vld [tilespmem:s28+$0xFFFFFFC0]  }
0xcf: {  	v7 =	vld [tilespmem:s28+$0xFFFFFFB0]  }
0xd0: {  	v8 =	vld [tilespmem:s28+$0xFFFFFFA0]  }
0xd1: {  	v9 =	vld [tilespmem:s28+$0xFFFFFF90]  }
0xd2: {  	v10 =	vld [tilespmem:s28+$0xFFFFFF80]  }
0xd3: {  	v11 =	vld [tilespmem:s28+$0xFFFFFF70]  }
0xd4: {  	v12 =	vld [tilespmem:s28+$0xFFFFFF60]  }
0xd5: {  	v13 =	vld [tilespmem:s28+$0xFFFFFF50]  }
0xd6: {  	v14 =	vld [tilespmem:s28+$0xFFFFFF40]  }
0xd7: {  	v15 =	vld [tilespmem:s28+$0xFFFFFF30]  }
0xd8: {  	v16 =	vld [tilespmem:s28+$0xFFFFFF20]  }
0xd9: {  	v17 =	vld [tilespmem:s29+$0xFFFFFF30]  }
0xda: {  	v18 =	vld [tilespmem:s28+$0xFFFFFF10]  }
0xdb: {  	v19 =	vld [tilespmem:s28+$0xFFFFFF00]  }
0xdc: {  	v20 =	vld [tilespmem:s28+$0xFFFFFEF0]  }
0xdd: {  	s0 =	sshra.s32 s9, $0x2;
	v21 =	vld [tilespmem:s28+$0xFFFFFEE0]  }
0xde: {  	[tilespmem:s0+$0x61C0] =	vst v17  }
0xdf: {  	v17 =	vld [tilespmem:s29+$0xFFFFFF40];
	_ =	sdelay $0x2  }
0xe0: {  	v1 =	vadd.f32 v21, v1;
	_ =	sdelay $0x1  }
0xe1: {  	v1 =	vadd.f32 v20, v1;
	[tilespmem:s0+$0x61D0] =	vst v17  }
0xe2: {  	v17 =	vld [tilespmem:s29+$0xFFFFFF50]  }
0xe3: {  	v1 =	vadd.f32 v19, v1;
	_ =	sdelay $0x1  }
0xe4: {  	v1 =	vadd.f32 v18, v1;
	_ =	sdelay $0x1  }
0xe5: {  	v1 =	vadd.f32 v16, v1;
	[tilespmem:s0+$0x61E0] =	vst v17  }
0xe6: {  	v16 =	vld [tilespmem:s29+$0xFFFFFF60]  }
0xe7: {  	v1 =	vadd.f32 v15, v1;
	_ =	sdelay $0x1  }
0xe8: {  	v1 =	vadd.f32 v14, v1;
	_ =	sdelay $0x1  }
0xe9: {  	v1 =	vadd.f32 v13, v1;
	[tilespmem:s0+$0x61F0] =	vst v16  }
0xea: {  	v13 =	vld [tilespmem:s29+$0xFFFFFF70]  }
0xeb: {  	v1 =	vadd.f32 v12, v1;
	_ =	sdelay $0x1  }
0xec: {  	v1 =	vadd.f32 v11, v1;
	_ =	sdelay $0x1  }
0xed: {  	v1 =	vadd.f32 v10, v1;
	[tilespmem:s0+$0x6200] =	vst v13  }
0xee: {  	v10 =	vld [tilespmem:s29+$0xFFFFFF80]  }
0xef: {  	v1 =	vadd.f32 v9, v1;
	_ =	sdelay $0x1  }
0xf0: {  	v1 =	vadd.f32 v8, v1;
	_ =	sdelay $0x1  }
0xf1: {  	v1 =	vadd.f32 v7, v1;
	[tilespmem:s0+$0x6210] =	vst v10  }
0xf2: {  	v7 =	vld [tilespmem:s29+$0xFFFFFF90]  }
0xf3: {  	v1 =	vadd.f32 v6, v1;
	_ =	sdelay $0x1  }
0xf4: {  	v1 =	vadd.f32 v5, v1;
	_ =	sdelay $0x1  }
0xf5: {  	v1 =	vadd.f32 v4, v1;
	[tilespmem:s0+$0x6220] =	vst v7  }
0xf6: {  	v4 =	vld [tilespmem:s29+$0xFFFFFFA0]  }
0xf7: {  	v1 =	vadd.f32 v3, v1;
	_ =	sdelay $0x1  }
0xf8: {  	v1 =	vadd.f32 v2, v1;
	_ =	sdelay $0x1  }
0xf9: {  	[tilespmem:s0+$0x6230] =	vst v4  }
0xfa: {  	v2 =	vld [tilespmem:s29+$0xFFFFFFB0];
	_ =	sdelay $0x4  }
0xfb: {  	[tilespmem:s0+$0x69C0] =	vst v2  }
0xfc: {  	v2 =	vld [tilespmem:s29+$0xFFFFFFC0];
	_ =	sdelay $0x4  }
0xfd: {  	[tilespmem:s0+$0x69D0] =	vst v2  }
0xfe: {  	v2 =	vld [tilespmem:s29+$0xFFFFFFD0];
	_ =	sdelay $0x4  }
0xff: {  	[tilespmem:s0+$0x69E0] =	vst v2  }
0x100: {  	v2 =	vld [tilespmem:s29+$0xFFFFFFE0];
	_ =	sdelay $0x4  }
0x101: {  	[tilespmem:s0+$0x69F0] =	vst v2  }
0x102: {  	v2 =	vld [tilespmem:s29+$0xFFFFFFF0];
	_ =	sdelay $0x4  }
0x103: {  	[tilespmem:s0+$0x6A00] =	vst v2  }
0x104: {  	v2 =	vld [tilespmem:s29+$0x0];
	_ =	sdelay $0x4  }
0x105: {  	[tilespmem:s0+$0x6A10] =	vst v2  }
0x106: {  	v2 =	vld [tilespmem:s29+$0x10];
	_ =	sdelay $0x4  }
0x107: {  	[tilespmem:s0+$0x6A20] =	vst v2  }
0x108: {  	v2 =	vld [tilespmem:s29+$0x20];
	_ =	sdelay $0x4  }
0x109: {  	[tilespmem:s0+$0x6A30] =	vst v2  }
0x10a: {  	v2 =	vld [tilespmem:s29+$0x30];
	_ =	sdelay $0x4  }
0x10b: {  	[tilespmem:s0+$0x71C0] =	vst v2  }
0x10c: {  	v2 =	vld [tilespmem:s29+$0x40];
	_ =	sdelay $0x4  }
0x10d: {  	[tilespmem:s0+$0x71D0] =	vst v2  }
0x10e: {  	v2 =	vld [tilespmem:s29+$0x50];
	_ =	sdelay $0x4  }
0x10f: {  	[tilespmem:s0+$0x71E0] =	vst v2  }
0x110: {  	v2 =	vld [tilespmem:s29+$0x60];
	_ =	sdelay $0x4  }
0x111: {  	[tilespmem:s0+$0x71F0] =	vst v2  }
0x112: {  	v2 =	vld [tilespmem:s29+$0x70];
	_ =	sdelay $0x4  }
0x113: {  	[tilespmem:s0+$0x7200] =	vst v2  }
0x114: {  	v2 =	vld [tilespmem:s29+$0x80];
	_ =	sdelay $0x4  }
0x115: {  	[tilespmem:s0+$0x7210] =	vst v2  }
0x116: {  	v2 =	vld [tilespmem:s29+$0x90];
	_ =	sdelay $0x4  }
0x117: {  	[tilespmem:s0+$0x7220] =	vst v2  }
0x118: {  	v2 =	vld [tilespmem:s29+$0xA0];
	_ =	sdelay $0x4  }
0x119: {  	[tilespmem:s0+$0x7230] =	vst v2  }
0x11a: {  	v2 =	vld [tilespmem:s29+$0xB0];
	_ =	sdelay $0x4  }
0x11b: {  	[tilespmem:s0+$0x79C0] =	vst v2  }
.Ltmp4:
0x11c: {  	v2 =	vld [tilespmem:s29+$0xC0];
	(pc) =	sbr.rel @p2 .LBB2_10-.Ltmp4, $4  }
0x11d: {  	[tilespmem:s0+$0x7A20] =	vst v0  }
0x11e: {  	[tilespmem:s0+$0x7A30] =	vst v0  }
0x11f: {  	[tilespmem:s0+$0x7A10] =	vst v0  }
0x120: {  	v1 =	vmul.f32 $5.000000070e-02, v1;
	[tilespmem:s0+$0x79F0] =	vst v0  }
0x121: {  	[tilespmem:s0+$0x7A00] =	vst v0;
	s28 =	sshll.u32 s25, $0x9  }
0x122: {  	[tilespmem:s0+$0x79D0] =	vst v2;
	s9 =	sor.u32 s11, s28  }
0x123: {  	s15 =	simm.s32 $0x61C0;
	[tilespmem:s0+$0x79E0] =	vst v1;
	s29 =	sadd.s32 s5, s9  }
0x124: {  	[hbm4b:s29+s2] =	stream.linear.scatter [tilespmem:s15], [sflag:$0x4], $0x800, $0x38;
	[tilespmem:$0xA1C0] =	vst v63  }
0x125: {  	s15 =	sadd.s32 s6, s9;
	s29 =	simm.s32 $0x69C0  }
0x126: {  	[hbm4b:s15+s2] =	stream.linear.scatter [tilespmem:s29], [sflag:$0x4], $0x800, $0x38;
	[tilespmem:$0xA1C0] =	vst v63  }
.Ltmp5:
0x127: {  	_ = 	snop;
	(pc) =	sbr.rel @p0 .LBB2_15-.Ltmp5, $4  }
0x128: {  	s15 =	sadd.s32 s7, s9;
	s29 =	simm.s32 $0x71C0  }
0x129: {  	[hbm4b:s15+s2] =	stream.linear.scatter [tilespmem:s29], [sflag:$0x4], $0x800, $0x38;
	[tilespmem:$0xA1C0] =	vst v63  }
0x12a: {  	s29 =	sadd.s32 s8, s9  }
0x12b: {  	[hbm4b:s29+s2] =	stream.linear.scatter [tilespmem:s16], [sflag:$0x4], $0x800, $0x38;
	[tilespmem:$0xA1C0] =	vst v63  }
0x12c: {  	_ =	swait.ge [sflag:s10], $0x2E0  }
0x12d: {  	[sflag:s10] =	ssyncset.done $0x0  }
0x12e: {  	s0 =	simm.s32 $0x0;
	s15 =	simm.s32 $0x40;
	[sflag:s10] =	ssyncadd.s32 $0xFFFFFD20  }
.LBB2_13:
0x12f: {  	p2 =	sne.s32 s15, $0xB40;
	v1 =	vld [tilespmem:s0+$0x0];
	_ =	sdelay $0x4  }
.Ltmp6:
0x130: {  	v2 =	vshll.u32 v1, $0x3;
	(pc) =	sbr.rel @p2 .LBB2_13-.Ltmp6, $4  }
0x131: {  	v3 =	vand.u32 $0xFFFFF000, v1;
	v1 =	vshrl.u32 v1, $0x9;
	v2 =	vand.u32 $0xFF8, v2  }
0x132: {  	v1 =	vand.u32 $0x7, v1;
	v2 =	vor.u32 v3, v2  }
0x133: {  	v1 =	vor.u32 v1, v2  }
0x134: {  	[tilespmem:s0+$0x0] =	vst v1;
	s0 =	sshra.s32 s15, $0x2;
	s15 =	sadd.s32 $0x40, s15  }
0x135: {  	v1 =	vld [tilespmem:s0+$0x0];
	_ =	sdelay $0x4  }
0x136: {  	v2 =	vshll.u32 v1, $0x3  }
0x137: {  	v3 =	vand.u32 $0xFFFFF000, v1;
	v1 =	vshrl.u32 v1, $0x9;
	v2 =	vand.u32 $0xFF8, v2  }
0x138: {  	v1 =	vand.u32 $0x7, v1;
	v2 =	vor.u32 v3, v2  }
0x139: {  	v1 =	vor.u32 v1, v2  }
0x13a: {  	s9 =	simm.s32 $0x5C0;
	[tilespmem:s0+$0x0] =	vst v1  }
0x13b: {  	[tilespmem:s9], [sflag:$0x1] =	stream.indirect.gather [hbm4b:s3+s17], $0x10, s2, s17, $0xb8;
	[tilespmem:$0xA1C0] =	vst v63  }
0x13c: {  	s15 =	simm.s32 $0xDC0  }
0x13d: {  	[tilespmem:s15], [sflag:$0x1] =	stream.indirect.gather [hbm4b:s3+s17], $0x10, s17, s17, $0xb8;
	[tilespmem:$0xA1C0] =	vst v63  }
0x13e: {  	s29 =	simm.s32 $0x100;
	s9 =	simm.s32 $0x15C0  }
0x13f: {  	[tilespmem:s9], [sflag:$0x1] =	stream.indirect.gather [hbm4b:s3+s17], $0x10, s29, s17, $0xb8;
	[tilespmem:$0xA1C0] =	vst v63  }
0x140: {  	s15 =	simm.s32 $0x180;
	s29 =	simm.s32 $0x1DC0  }
0x141: {  	[tilespmem:s29], [sflag:$0x1] =	stream.indirect.gather [hbm4b:s3+s22], $0x10, s15, s22, $0xb8;
	[tilespmem:$0xA1C0] =	vst v63  }
0x142: {  	s15 =	simm.s32 $0x1A0;
	s29 =	simm.s32 $0x1FC0  }
0x143: {  	[tilespmem:s29], [sflag:$0x1] =	stream.indirect.gather [hbm4b:s3+s17], $0x10, s15, s17, $0xb8;
	[tilespmem:$0xA1C0] =	vst v63  }
0x144: {  	s15 =	simm.s32 $0x220;
	s29 =	simm.s32 $0x27C0  }
0x145: {  	[tilespmem:s29], [sflag:$0x1] =	stream.indirect.gather [hbm4b:s3+s17], $0x10, s15, s17, $0xb8;
	[tilespmem:$0xA1C0] =	vst v63  }
0x146: {  	s15 =	simm.s32 $0x2A0;
	s29 =	simm.s32 $0x2FC0  }
0x147: {  	[tilespmem:s29], [sflag:$0x1] =	stream.indirect.gather [hbm4b:s3+s30], $0x10, s15, s30, $0xb8;
	[tilespmem:$0xA1C0] =	vst v63  }
.LBB2_15:
0x148: {  	_ =	swait.ge [sflag:s18], $0x800  }
0x149: {  	[sflag:s18] =	ssyncset.done $0x0  }
0x14a: {  	[sflag:s18] =	ssyncadd.s32 $0xFFFFF800  }
0x14b: {  	_ =	swait.ge [sflag:s18], $0x800  }
0x14c: {  	[sflag:s18] =	ssyncset.done $0x0  }
0x14d: {  	[sflag:s18] =	ssyncadd.s32 $0xFFFFF800  }
0x14e: {  	_ =	swait.ge [sflag:s18], $0x800  }
0x14f: {  	[sflag:s18] =	ssyncset.done $0x0  }
0x150: {  	[sflag:s18] =	ssyncadd.s32 $0xFFFFF800  }
0x151: {  	_ =	swait.ge [sflag:s18], $0x200  }
0x152: {  	[sflag:s18] =	ssyncset.done $0x0  }
0x153: {  	[sflag:s18] =	ssyncadd.s32 $0xFFFFFE00  }
0x154: {  	_ =	swait.ge [sflag:s18], $0x800  }
0x155: {  	[sflag:s18] =	ssyncset.done $0x0  }
0x156: {  	[sflag:s18] =	ssyncadd.s32 $0xFFFFF800  }
0x157: {  	_ =	swait.ge [sflag:s18], $0x800  }
0x158: {  	[sflag:s18] =	ssyncset.done $0x0  }
0x159: {  	s0 =	sadd.s32 @!p0 s26, s13;
	[sflag:s18] =	ssyncadd.s32 $0xFFFFF800  }
0x15a: {  	s0 =	smul.u32 @!p0 $0x5C, s0;
	_ =	swait.ge [sflag:s18], $0x400  }
0x15b: {  	s9 =	simm.s32 @!p0 $0x0;
	[sflag:s18] =	ssyncset.done $0x0  }
0x15c: {  	s15 =	simm.s32 @!p0 $0x2E0;
	s0 =	sadd.s32 @!p0 s4, s0;
	[sflag:s18] =	ssyncadd.s32 $0xFFFFFC00  }
0x15d: {  	[tilespmem:s15], [sflag:$0x3] =	stream.linear.gather @!p0 [hbm4b:s0+s9], $0x2E0, $0x38;
	[tilespmem:$0xA1C0] =	vst v63  }
0x15e: {  	s0 =	simm.s32 @!p1 $0x5  }
0x15f: {  	_ =	swait.ge @!p1 [sflag:s0], $0x800  }
0x160: {  	[sflag:s0] =	ssyncset.done @!p1 $0x0  }
0x161: {  	[sflag:s0] =	ssyncadd.s32 @!p1 $0xFFFFF800  }
0x162: {  	_ =	swait.ge @!p1 [sflag:s0], $0x800  }
0x163: {  	[sflag:s0] =	ssyncset.done @!p1 $0x0  }
0x164: {  	[sflag:s0] =	ssyncadd.s32 @!p1 $0xFFFFF800  }
0x165: {  	_ =	swait.ge @!p1 [sflag:s0], $0x800  }
0x166: {  	[sflag:s0] =	ssyncset.done @!p1 $0x0  }
0x167: {  	[sflag:s0] =	ssyncadd.s32 @!p1 $0xFFFFF800  }
0x168: {  	_ =	swait.ge @!p1 [sflag:s0], $0x800  }
0x169: {  	[sflag:s0] =	ssyncset.done @!p1 $0x0  }
0x16a: {  	s26 =	simm.s32 $0x4EF0;
	[sflag:s0] =	ssyncadd.s32 @!p1 $0xFFFFF800  }
0x16b: {  	v1 =	vld [tilespmem:s26+$0xFFFFFED0]  }
0x16c: {  	v3 =	vld [tilespmem:s26+$0x0]  }
0x16d: {  	v2 =	vld [tilespmem:s26+$0xFFFFFFF0]  }
0x16e: {  	v4 =	vld [tilespmem:s26+$0xFFFFFFE0]  }
0x16f: {  	v5 =	vld [tilespmem:s26+$0xFFFFFFD0]  }
0x170: {  	v6 =	vld [tilespmem:s26+$0xFFFFFFC0]  }
0x171: {  	v7 =	vld [tilespmem:s26+$0xFFFFFFB0]  }
0x172: {  	v8 =	vld [tilespmem:s26+$0xFFFFFFA0]  }
0x173: {  	v9 =	vld [tilespmem:s26+$0xFFFFFF90]  }
0x174: {  	v10 =	vld [tilespmem:s26+$0xFFFFFF80]  }
0x175: {  	v11 =	vld [tilespmem:s26+$0xFFFFFF70]  }
0x176: {  	v12 =	vld [tilespmem:s26+$0xFFFFFF60]  }
0x177: {  	v13 =	vld [tilespmem:s26+$0xFFFFFF50]  }
0x178: {  	v14 =	vld [tilespmem:s26+$0xFFFFFF40]  }
0x179: {  	s29 =	simm.s32 $0x3490;
	v15 =	vld [tilespmem:s26+$0xFFFFFF30]  }
0x17a: {  	v17 =	vld [tilespmem:s29+$0xFFFFFF30]  }
0x17b: {  	v16 =	vld [tilespmem:s26+$0xFFFFFF20]  }
0x17c: {  	v18 =	vld [tilespmem:s26+$0xFFFFFF10]  }
0x17d: {  	v19 =	vld [tilespmem:s26+$0xFFFFFF00]  }
0x17e: {  	s0 =	simm.s32 $0x0;
	v20 =	vld [tilespmem:s26+$0xFFFFFEF0]  }
0x17f: {  	v21 =	vld [tilespmem:s26+$0xFFFFFEE0];
	[tilespmem:s0+$0x81C0] =	vst v17  }
0x180: {  	v17 =	vld [tilespmem:s29+$0xFFFFFF40];
	_ =	sdelay $0x4  }
0x181: {  	[tilespmem:s0+$0x81D0] =	vst v17  }
0x182: {  	v17 =	vld [tilespmem:s29+$0xFFFFFF50];
	_ =	sdelay $0x4  }
0x183: {  	[tilespmem:s0+$0x81E0] =	vst v17  }
0x184: {  	v17 =	vld [tilespmem:s29+$0xFFFFFF60];
	_ =	sdelay $0x4  }
0x185: {  	[tilespmem:s0+$0x81F0] =	vst v17  }
0x186: {  	v17 =	vld [tilespmem:s29+$0xFFFFFF70];
	_ =	sdelay $0x4  }
0x187: {  	[tilespmem:s0+$0x8200] =	vst v17  }
0x188: {  	v17 =	vld [tilespmem:s29+$0xFFFFFF80];
	_ =	sdelay $0x4  }
0x189: {  	[tilespmem:s0+$0x8210] =	vst v17  }
0x18a: {  	v17 =	vld [tilespmem:s29+$0xFFFFFF90];
	_ =	sdelay $0x4  }
0x18b: {  	[tilespmem:s0+$0x8220] =	vst v17  }
0x18c: {  	v17 =	vld [tilespmem:s29+$0xFFFFFFA0];
	_ =	sdelay $0x4  }
0x18d: {  	[tilespmem:s0+$0x8230] =	vst v17  }
0x18e: {  	v17 =	vld [tilespmem:s29+$0xFFFFFFB0];
	_ =	sdelay $0x4  }
0x18f: {  	[tilespmem:s0+$0x89C0] =	vst v17  }
0x190: {  	v17 =	vld [tilespmem:s29+$0xFFFFFFC0];
	_ =	sdelay $0x4  }
0x191: {  	[tilespmem:s0+$0x89D0] =	vst v17  }
0x192: {  	v17 =	vld [tilespmem:s29+$0xFFFFFFD0];
	_ =	sdelay $0x4  }
0x193: {  	[tilespmem:s0+$0x89E0] =	vst v17  }
0x194: {  	v17 =	vld [tilespmem:s29+$0xFFFFFFE0];
	_ =	sdelay $0x4  }
0x195: {  	[tilespmem:s0+$0x89F0] =	vst v17  }
0x196: {  	v17 =	vld [tilespmem:s29+$0xFFFFFFF0];
	_ =	sdelay $0x4  }
0x197: {  	[tilespmem:s0+$0x8A00] =	vst v17  }
0x198: {  	v17 =	vld [tilespmem:s29+$0x0];
	_ =	sdelay $0x4  }
0x199: {  	[tilespmem:s0+$0x8A10] =	vst v17  }
0x19a: {  	v17 =	vld [tilespmem:s29+$0x10];
	_ =	sdelay $0x4  }
0x19b: {  	[tilespmem:s0+$0x8A20] =	vst v17  }
0x19c: {  	v17 =	vld [tilespmem:s29+$0x20];
	_ =	sdelay $0x4  }
0x19d: {  	[tilespmem:s0+$0x8A30] =	vst v17  }
0x19e: {  	v17 =	vld [tilespmem:s29+$0x30];
	_ =	sdelay $0x4  }
0x19f: {  	[tilespmem:s0+$0x91C0] =	vst v17  }
0x1a0: {  	v17 =	vld [tilespmem:s29+$0x40];
	_ =	sdelay $0x4  }
0x1a1: {  	[tilespmem:s0+$0x91D0] =	vst v17  }
0x1a2: {  	v17 =	vld [tilespmem:s29+$0x50];
	_ =	sdelay $0x4  }
0x1a3: {  	[tilespmem:s0+$0x91E0] =	vst v17  }
0x1a4: {  	v17 =	vld [tilespmem:s29+$0x60]  }
0x1a5: {  	v1 =	vadd.f32 v21, v1;
	_ =	sdelay $0x1  }
0x1a6: {  	v1 =	vadd.f32 v20, v1;
	_ =	sdelay $0x1  }
0x1a7: {  	v1 =	vadd.f32 v19, v1;
	[tilespmem:s0+$0x91F0] =	vst v17  }
0x1a8: {  	v17 =	vld [tilespmem:s29+$0x70]  }
0x1a9: {  	v1 =	vadd.f32 v18, v1;
	_ =	sdelay $0x1  }
0x1aa: {  	v1 =	vadd.f32 v16, v1;
	_ =	sdelay $0x1  }
0x1ab: {  	v1 =	vadd.f32 v15, v1;
	[tilespmem:s0+$0x9200] =	vst v17  }
0x1ac: {  	v60 =	vld [tilespmem:s29+$0x80]  }
0x1ad: {  	v1 =	vadd.f32 v14, v1;
	_ =	sdelay $0x1  }
0x1ae: {  	v1 =	vadd.f32 v13, v1;
	_ =	sdelay $0x1  }
0x1af: {  	v1 =	vadd.f32 v12, v1;
	[tilespmem:s0+$0x9210] =	vst v60  }
0x1b0: {  	v61 =	vld [tilespmem:s29+$0x90]  }
0x1b1: {  	v1 =	vadd.f32 v11, v1;
	_ =	sdelay $0x1  }
0x1b2: {  	v1 =	vadd.f32 v10, v1;
	_ =	sdelay $0x1  }
0x1b3: {  	v1 =	vadd.f32 v9, v1;
	[tilespmem:s0+$0x9220] =	vst v61  }
0x1b4: {  	v62 =	vld [tilespmem:s29+$0xA0]  }
0x1b5: {  	v1 =	vadd.f32 v8, v1;
	_ =	sdelay $0x1  }
0x1b6: {  	v1 =	vadd.f32 v7, v1;
	_ =	sdelay $0x1  }
0x1b7: {  	v1 =	vadd.f32 v6, v1;
	[tilespmem:s0+$0x9230] =	vst v62  }
0x1b8: {  	v63 =	vld [tilespmem:s29+$0xB0]  }
0x1b9: {  	v1 =	vadd.f32 v5, v1;
	_ =	sdelay $0x1  }
0x1ba: {  	v1 =	vadd.f32 v4, v1;
	_ =	sdelay $0x1  }
0x1bb: {  	v1 =	vadd.f32 v2, v1;
	[tilespmem:s0+$0x99C0] =	vst v63  }
0x1bc: {  	v2 =	vld [tilespmem:s29+$0xC0];
	[tilespmem:s0+$0x9A20] =	vst v0  }
0x1bd: {  	v1 =	vadd.f32 v3, v1;
	[tilespmem:s0+$0x9A30] =	vst v0  }
0x1be: {  	[tilespmem:s0+$0x9A10] =	vst v0  }
0x1bf: {  	s15 =	simm.s32 $0x200;
	v1 =	vmul.f32 $5.000000070e-02, v1;
	[tilespmem:s0+$0x99F0] =	vst v0  }
.LBB2_16:
0x1c0: {  	p0 =	sne.s32 s15, $0x1E00;
	[tilespmem:s0+$0x9A00] =	vst v0;
	s26 =	sadd.s32 $0x140, s26;
	s29 =	sadd.s32 $0x1A0, s29  }
0x1c1: {  	s9 =	smov.u32 s15;
	s15 =	sadd.s32 $0x200, s15;
	[tilespmem:s0+$0x99D0] =	vst v2  }
0x1c2: {  	[tilespmem:s0+$0x99E0] =	vst v1  }
0x1c3: {  	v1 =	vld [tilespmem:s26+$0xFFFFFED0]  }
0x1c4: {  	v2 =	vld [tilespmem:s26+$0x0]  }
0x1c5: {  	v3 =	vld [tilespmem:s26+$0xFFFFFFF0]  }
0x1c6: {  	v4 =	vld [tilespmem:s26+$0xFFFFFFE0]  }
0x1c7: {  	v5 =	vld [tilespmem:s26+$0xFFFFFFD0]  }
0x1c8: {  	v6 =	vld [tilespmem:s26+$0xFFFFFFC0]  }
0x1c9: {  	v7 =	vld [tilespmem:s26+$0xFFFFFFB0]  }
0x1ca: {  	v8 =	vld [tilespmem:s26+$0xFFFFFFA0]  }
0x1cb: {  	v9 =	vld [tilespmem:s26+$0xFFFFFF90]  }
0x1cc: {  	v10 =	vld [tilespmem:s26+$0xFFFFFF80]  }
0x1cd: {  	v11 =	vld [tilespmem:s26+$0xFFFFFF70]  }
0x1ce: {  	v12 =	vld [tilespmem:s26+$0xFFFFFF60]  }
0x1cf: {  	v13 =	vld [tilespmem:s26+$0xFFFFFF50]  }
0x1d0: {  	v14 =	vld [tilespmem:s26+$0xFFFFFF40]  }
0x1d1: {  	v15 =	vld [tilespmem:s26+$0xFFFFFF30]  }
0x1d2: {  	v16 =	vld [tilespmem:s26+$0xFFFFFF20]  }
0x1d3: {  	v17 =	vld [tilespmem:s29+$0xFFFFFF30]  }
0x1d4: {  	v18 =	vld [tilespmem:s26+$0xFFFFFF10]  }
0x1d5: {  	v19 =	vld [tilespmem:s26+$0xFFFFFF00]  }
0x1d6: {  	v20 =	vld [tilespmem:s26+$0xFFFFFEF0]  }
0x1d7: {  	s0 =	sshra.s32 s9, $0x2;
	v21 =	vld [tilespmem:s26+$0xFFFFFEE0]  }
0x1d8: {  	[tilespmem:s0+$0x81C0] =	vst v17  }
0x1d9: {  	v17 =	vld [tilespmem:s29+$0xFFFFFF40];
	_ =	sdelay $0x2  }
0x1da: {  	v1 =	vadd.f32 v21, v1;
	_ =	sdelay $0x1  }
0x1db: {  	v1 =	vadd.f32 v20, v1;
	[tilespmem:s0+$0x81D0] =	vst v17  }
0x1dc: {  	v17 =	vld [tilespmem:s29+$0xFFFFFF50]  }
0x1dd: {  	v1 =	vadd.f32 v19, v1;
	_ =	sdelay $0x1  }
0x1de: {  	v1 =	vadd.f32 v18, v1;
	_ =	sdelay $0x1  }
0x1df: {  	v1 =	vadd.f32 v16, v1;
	[tilespmem:s0+$0x81E0] =	vst v17  }
0x1e0: {  	v16 =	vld [tilespmem:s29+$0xFFFFFF60]  }
0x1e1: {  	v1 =	vadd.f32 v15, v1;
	_ =	sdelay $0x1  }
0x1e2: {  	v1 =	vadd.f32 v14, v1;
	_ =	sdelay $0x1  }
0x1e3: {  	v1 =	vadd.f32 v13, v1;
	[tilespmem:s0+$0x81F0] =	vst v16  }
0x1e4: {  	v13 =	vld [tilespmem:s29+$0xFFFFFF70]  }
0x1e5: {  	v1 =	vadd.f32 v12, v1;
	_ =	sdelay $0x1  }
0x1e6: {  	v1 =	vadd.f32 v11, v1;
	_ =	sdelay $0x1  }
0x1e7: {  	v1 =	vadd.f32 v10, v1;
	[tilespmem:s0+$0x8200] =	vst v13  }
0x1e8: {  	v10 =	vld [tilespmem:s29+$0xFFFFFF80]  }
0x1e9: {  	v1 =	vadd.f32 v9, v1;
	_ =	sdelay $0x1  }
0x1ea: {  	v1 =	vadd.f32 v8, v1;
	_ =	sdelay $0x1  }
0x1eb: {  	v1 =	vadd.f32 v7, v1;
	[tilespmem:s0+$0x8210] =	vst v10  }
0x1ec: {  	v7 =	vld [tilespmem:s29+$0xFFFFFF90]  }
0x1ed: {  	v1 =	vadd.f32 v6, v1;
	_ =	sdelay $0x1  }
0x1ee: {  	v1 =	vadd.f32 v5, v1;
	_ =	sdelay $0x1  }
0x1ef: {  	v1 =	vadd.f32 v4, v1;
	[tilespmem:s0+$0x8220] =	vst v7  }
0x1f0: {  	v4 =	vld [tilespmem:s29+$0xFFFFFFA0]  }
0x1f1: {  	v1 =	vadd.f32 v3, v1;
	_ =	sdelay $0x1  }
0x1f2: {  	v1 =	vadd.f32 v2, v1;
	_ =	sdelay $0x1  }
0x1f3: {  	[tilespmem:s0+$0x8230] =	vst v4  }
0x1f4: {  	v2 =	vld [tilespmem:s29+$0xFFFFFFB0];
	_ =	sdelay $0x4  }
0x1f5: {  	[tilespmem:s0+$0x89C0] =	vst v2  }
0x1f6: {  	v2 =	vld [tilespmem:s29+$0xFFFFFFC0];
	_ =	sdelay $0x4  }
0x1f7: {  	[tilespmem:s0+$0x89D0] =	vst v2  }
0x1f8: {  	v2 =	vld [tilespmem:s29+$0xFFFFFFD0];
	_ =	sdelay $0x4  }
0x1f9: {  	[tilespmem:s0+$0x89E0] =	vst v2  }
0x1fa: {  	v2 =	vld [tilespmem:s29+$0xFFFFFFE0];
	_ =	sdelay $0x4  }
0x1fb: {  	[tilespmem:s0+$0x89F0] =	vst v2  }
0x1fc: {  	v2 =	vld [tilespmem:s29+$0xFFFFFFF0];
	_ =	sdelay $0x4  }
0x1fd: {  	[tilespmem:s0+$0x8A00] =	vst v2  }
0x1fe: {  	v2 =	vld [tilespmem:s29+$0x0];
	_ =	sdelay $0x4  }
0x1ff: {  	[tilespmem:s0+$0x8A10] =	vst v2  }
0x200: {  	v2 =	vld [tilespmem:s29+$0x10];
	_ =	sdelay $0x4  }
0x201: {  	[tilespmem:s0+$0x8A20] =	vst v2  }
0x202: {  	v2 =	vld [tilespmem:s29+$0x20];
	_ =	sdelay $0x4  }
0x203: {  	[tilespmem:s0+$0x8A30] =	vst v2  }
0x204: {  	v2 =	vld [tilespmem:s29+$0x30];
	_ =	sdelay $0x4  }
0x205: {  	[tilespmem:s0+$0x91C0] =	vst v2  }
0x206: {  	v2 =	vld [tilespmem:s29+$0x40];
	_ =	sdelay $0x4  }
0x207: {  	[tilespmem:s0+$0x91D0] =	vst v2  }
0x208: {  	v2 =	vld [tilespmem:s29+$0x50];
	_ =	sdelay $0x4  }
0x209: {  	[tilespmem:s0+$0x91E0] =	vst v2  }
0x20a: {  	v2 =	vld [tilespmem:s29+$0x60];
	_ =	sdelay $0x4  }
0x20b: {  	[tilespmem:s0+$0x91F0] =	vst v2  }
0x20c: {  	v2 =	vld [tilespmem:s29+$0x70];
	_ =	sdelay $0x4  }
0x20d: {  	[tilespmem:s0+$0x9200] =	vst v2  }
0x20e: {  	v2 =	vld [tilespmem:s29+$0x80];
	_ =	sdelay $0x4  }
0x20f: {  	[tilespmem:s0+$0x9210] =	vst v2  }
0x210: {  	v2 =	vld [tilespmem:s29+$0x90];
	_ =	sdelay $0x4  }
0x211: {  	[tilespmem:s0+$0x9220] =	vst v2  }
0x212: {  	v2 =	vld [tilespmem:s29+$0xA0];
	_ =	sdelay $0x4  }
0x213: {  	[tilespmem:s0+$0x9230] =	vst v2  }
0x214: {  	v2 =	vld [tilespmem:s29+$0xB0];
	_ =	sdelay $0x4  }
0x215: {  	[tilespmem:s0+$0x99C0] =	vst v2  }
.Ltmp7:
0x216: {  	v2 =	vld [tilespmem:s29+$0xC0];
	(pc) =	sbr.rel @p0 .LBB2_16-.Ltmp7, $4  }
0x217: {  	[tilespmem:s0+$0x9A20] =	vst v0  }
0x218: {  	[tilespmem:s0+$0x9A30] =	vst v0  }
0x219: {  	[tilespmem:s0+$0x9A10] =	vst v0  }
0x21a: {  	v1 =	vmul.f32 $5.000000070e-02, v1;
	[tilespmem:s0+$0x99F0] =	vst v0  }
0x21b: {  	[tilespmem:s0+$0x9A00] =	vst v0  }
0x21c: {  	[tilespmem:s0+$0x99D0] =	vst v2;
	s9 =	sor.u32 s14, s28  }
0x21d: {  	s25 =	sadd.s32 $0x1, s25;
	[tilespmem:s0+$0x99E0] =	vst v1;
	s15 =	sadd.s32 s5, s9  }
0x21e: {  	[hbm4b:s15+s2] =	stream.linear.scatter [tilespmem:s19], [sflag:$0x5], $0x800, $0x38;
	[tilespmem:$0xA1C0] =	vst v63  }
0x21f: {  	s26 =	sadd.s32 s6, s9;
	p0 =	sne.s32 s25, $0x10  }
0x220: {  	[hbm4b:s26+s2] =	stream.linear.scatter [tilespmem:s20], [sflag:$0x5], $0x800, $0x38;
	[tilespmem:$0xA1C0] =	vst v63  }
.Ltmp8:
0x221: {  	_ = 	snop;
	(pc) =	sbr.rel @p0 .LBB2_4-.Ltmp8, $4  }
0x222: {  	s28 =	sadd.s32 s7, s9  }
0x223: {  	[hbm4b:s28+s2] =	stream.linear.scatter [tilespmem:s21], [sflag:$0x5], $0x800, $0x38;
	[tilespmem:$0xA1C0] =	vst v63  }
0x224: {  	s29 =	sadd.s32 s8, s9  }
0x225: {  	[hbm4b:s29+s2] =	stream.linear.scatter [tilespmem:s23], [sflag:$0x5], $0x800, $0x38;
	[tilespmem:$0xA1C0] =	vst v63  }
0x226: {  	_ =	swait.ge [sflag:s24], $0x800  }
0x227: {  	[sflag:s24] =	ssyncset.done $0x0  }
0x228: {  	[sflag:s24] =	ssyncadd.s32 $0xFFFFF800  }
0x229: {  	_ =	swait.ge [sflag:s24], $0x800  }
0x22a: {  	[sflag:s24] =	ssyncset.done $0x0  }
0x22b: {  	[sflag:s24] =	ssyncadd.s32 $0xFFFFF800  }
0x22c: {  	_ =	swait.ge [sflag:s24], $0x800  }
0x22d: {  	[sflag:s24] =	ssyncset.done $0x0  }
0x22e: {  	[sflag:s24] =	ssyncadd.s32 $0xFFFFF800  }
0x22f: {  	_ =	swait.ge [sflag:s24], $0x800  }
0x230: {  	[sflag:s24] =	ssyncset.done $0x0  }
0x231: {  	s9 =	simm.s32 $0x5;
	[sflag:s24] =	ssyncadd.s32 $0xFFFFF800  }
0x232: {  	_ =	swait.ge [sflag:s9], $0x800  }
0x233: {  	[sflag:s9] =	ssyncset.done $0x0  }
0x234: {  	[sflag:s9] =	ssyncadd.s32 $0xFFFFF800  }
0x235: {  	_ =	swait.ge [sflag:s9], $0x800  }
0x236: {  	[sflag:s9] =	ssyncset.done $0x0  }
0x237: {  	[sflag:s9] =	ssyncadd.s32 $0xFFFFF800  }
0x238: {  	_ =	swait.ge [sflag:s9], $0x800  }
0x239: {  	[sflag:s9] =	ssyncset.done $0x0  }
0x23a: {  	[sflag:s9] =	ssyncadd.s32 $0xFFFFF800  }
0x23b: {  	_ =	swait.ge [sflag:s9], $0x800  }
0x23c: {  	s15 =	rddreg [dreg:$0x5]  }
0x23d: {  	s0 =	rddreg [dreg:$0x4];
	s15 =	sadd.s32 $0x1, s15  }
0x23e: {  	p0 =	sne.s32 s15, s0  }
.Ltmp9:
0x23f: {  	_ = 	snop;
	(pc) =	sbr.rel @p0 .LBB2_1-.Ltmp9, $3  }
0x240: {  	_ =	sdelay $0x1  }
0x241: {  	[sflag:s9] =	ssyncset.done $0x0  }
0x242: {  	[sflag:s9] =	ssyncadd.s32 $0xFFFFF800  }
0x243: {  	_ =	sfence.sel $0x180000  }
0x244: {  	[bflag:$0x0] =	sbarrier.arrive $0xFFFF  }
0x245: {  	_ =	strace $0x9000004A  }
0x246: {  	s0 =	stileid.u32;
	[bflag:$0x2] =	sbarrier.arrive $0xFFFF  }
0x247: {  	p0 =	sne.s32 s0, $0x0;
	s0 =	rddreg [dreg:$0x1]  }
0x248: {  	s0 =	sadd.s32 @!p0 $0x100000, s0  }
0x249: {  	[sflag:s0] =	ssyncadd.tile.s32 @!p0 $0x1;
	_ =	shalt  }
.Lfunc_end2:
_tile_overlayer_lowered:
.L_overlay_start_2:
0x24a: {  	(tag) =	ssettag $0x2  }
0x24b: {  	s0 =	rddreg [dreg:$0x0];
	s2 =	stileid.u32  }
0x24c: {  	s1 =	rddreg [dreg:$0x1];
	p0 =	sne.s32 s2, $0x0  }
0x24d: {  	s3 =	rddreg [dreg:$0x2];
	[bflag:$0x3] =	sbarrier.arrive $0xFFFF;
	s2 =	simm.s32 @!p0 $0x1C06  }
0x24e: {  	[timem:s3], [sflag:s2] =	dma.local @!p0 [hbm:s0], s1  }
0x24f: {  	s0 =	simm.s32 @!p0 $0x6  }
0x250: {  	_ =	swait.ge @!p0 [sflag:s0], s1  }
0x251: {  	s1 =	ssub.s32 @!p0 $0x0, s1;
	[sflag:s0] =	ssyncset.done @!p0 $0x0  }
0x252: {  	[sflag:s0] =	ssyncadd.s32 @!p0 s1  }
0x253: {  	[bflag:$0x3] =	sbarrier.arrive $0xFFFF  }
0x254: {  	_ =	shalt  }

// kernel: kernel.7.cloned.1.call-start
scs
__scs_entry_jumppad:
0x0: {  	(pc) =	sbr.rel $0x88, $3  }
0x1: {  	(tag) =	ssettag $0x0;
	lr =	simm.s32 $0x1  }
0x2: {  	[smem:$0x3F99] =	sst lr;
	_ =	strace $0xD0000000  }
0x3: {  	_ = 	snop  }
0x4: {  	_ = 	snop  }
0x5: {  	_ = 	snop  }
0x6: {  	_ = 	snop  }
0x7: {  	_ = 	snop  }
__scs_overlays_trampoline_lowered:
0x8: {  	[smem:$0x3FA8] =	sst s0  }
0x9: {  	[smem:$0x3FA9] =	sst s1  }
0xa: {  	[smem:$0x3FAA] =	sst s2  }
0xb: {  	[smem:$0x3FAB] =	sst s3  }
0xc: {  	[smem:$0x3FAC] =	sst s4  }
0xd: {  	[smem:$0x3FAD] =	sst s5  }
0xe: {  	[smem:$0x3FAE] =	sst s6  }
0xf: {  	[smem:$0x3FAF] =	sst s7  }
0x10: {  	[smem:$0x3FB0] =	sst s8  }
0x11: {  	[smem:$0x3FB1] =	sst s9;
	s0 =	simm.s32 @!p0 $0x0  }
0x12: {  	s1 =	sld [smem:$0x3F97];
	s0 =	simm.s32 @p0 $0x1  }
0x13: {  	[smem:$0x3FB2] =	sst s0;
	s0 =	simm.s32 @!p1 $0x0  }
0x14: {  	s2 =	sld [smem:$0x3F96];
	s0 =	simm.s32 @p1 $0x1  }
0x15: {  	[smem:$0x3FB3] =	sst s0;
	s0 =	simm.s32 @!p2 $0x0  }
0x16: {  	s3 =	sld [smem:$0x3FDB];
	s0 =	simm.s32 @p2 $0x1  }
0x17: {  	s4 =	simm.s32 $0x1BF5;
	[smem:$0x3FB5] =	sst s0  }
0x18: {  	s0 =	sld [smem:$0x3F98];
	_ =	swait.ge [sflag:s4], $0x0  }
0x19: {  	s7 =	sld [smem:$0x3F99]  }
0x1a: {  	s8 =	sadd.s32 $0xFFFFE003, lr  }
0x1b: {  	s9 =	sadd.s32 $0xFFFFFEF7, lr;
	s5 =	simm.s32 $0xFFFFFFFF;
	p2 =	slt.u32 s8, $0xFFFFF086  }
0x1c: {  	p1 =	slt.u32 s9, $0xF7A;
	s5 =	simm.s32 @!p2 $0x0  }
0x1d: {  	s5 =	simm.s32 @p1 $0x1;
	p0 =	seq.s32 s7, s2  }
0x1e: {  	s7 =	smul.u32 @!p0 $0xF7A, s2;
	p2 =	seq.s32 @!p0 s5, $0x0  }
0x1f: {  	s9 =	smul.u32 $0xF7A, s1;
	s8 =	simm.s32 @!p0 $0x1BF5;
	p2 =	por !p2, p0  }
0x20: {  	[sflag:s8] =	ssyncset.s32 @!p0 $0xFFFFF086;
	s6 =	sadd.s32 @!p0 s3, s7;
	s7 =	simm.s32 @!p0 $0x108  }
0x21: {  	s3 =	sadd.s32 s3, s9;
	s6 =	sadd.s32 @!p0 $0x88, s6;
	s7 =	simm.s32 @p2 $0x1082  }
0x22: {  	[simem:s7], [sflag:s8] =	dma.local @!p0 [hbm:s6], $0xF7A  }
0x23: {  	s9 =	sor.u32 $0xD0000000, s2;
	s6 =	simm.s32 $0x108;
	_ =	swait.ge @!p0 [sflag:s8], $0x0  }
0x24: {  	s3 =	sadd.s32 $0x88, s3;
	s6 =	simm.s32 @!p1 $0x1082;
	[sflag:s4] =	ssyncset.s32 $0xFFFFF086  }
0x25: {  	[simem:s6], [sflag:s4] =	dma.local [hbm:s3], $0xF7A  }
0x26: {  	[smem:$0x3F99] =	sst s1;
	(tag) =	ssettag s2;
	_ =	strace s9  }
0x27: {  	s1 =	sld [smem:$0x3FA9]  }
0x28: {  	s2 =	sld [smem:$0x3FAA]  }
0x29: {  	s4 =	sld [smem:$0x3FAC]  }
0x2a: {  	p0 =	seq.s32 s5, $0x0;
	s5 =	sld [smem:$0x3FAD]  }
0x2b: {  	s6 =	sld [smem:$0x3FAE]  }
0x2c: {  	s7 =	sld [smem:$0x3FAF]  }
0x2d: {  	s3 =	simm.s32 $0x108;
	s8 =	sld [smem:$0x3FB0]  }
0x2e: {  	s3 =	simm.s32 @!p0 $0x1082;
	s9 =	sld [smem:$0x3FB1]  }
0x2f: {  	lr =	sadd.s32 s0, s3;
	s0 =	sld [smem:$0x3FA8]  }
0x30: {  	s3 =	sld [smem:$0x3FAB]  }
0x31: {  	[smem:$0x3FB4] =	sst s10  }
0x32: {  	s10 =	sld [smem:$0x3FB2];
	_ =	sdelay $0x3  }
0x33: {  	p0 =	seq.s32 s10, $0x1;
	s10 =	sld [smem:$0x3FB4];
	_ =	sdelay $0x3  }
0x34: {  	[smem:$0x3FB4] =	sst s10  }
0x35: {  	s10 =	sld [smem:$0x3FB3];
	_ =	sdelay $0x3  }
0x36: {  	p1 =	seq.s32 s10, $0x1;
	s10 =	sld [smem:$0x3FB4];
	_ =	sdelay $0x3  }
0x37: {  	[smem:$0x3FB4] =	sst s10  }
0x38: {  	s10 =	sld [smem:$0x3FB5]  }
0x39: {  	_ = 	snop;
	(pc) =	sbr.ind lr, $3  }
0x3a: {  	_ = 	snop  }
0x3b: {  	_ = 	snop  }
0x3c: {  	p2 =	seq.s32 s10, $0x1;
	s10 =	sld [smem:$0x3FB4]  }
0x3d: {  	_ =	shalt  }
0x3e: {  	_ =	shalt  }
0x3f: {  	_ =	shalt  }
0x40: {  	_ =	shalt  }
0x41: {  	_ =	shalt  }
0x42: {  	_ =	shalt  }
0x43: {  	_ =	shalt  }
0x44: {  	_ =	shalt  }
0x45: {  	_ =	shalt  }
0x46: {  	_ =	shalt  }
0x47: {  	_ =	shalt  }
0x48: {  	_ =	shalt  }
0x49: {  	_ =	shalt  }
0x4a: {  	_ =	shalt  }
0x4b: {  	_ =	shalt  }
0x4c: {  	_ =	shalt  }
0x4d: {  	_ =	shalt  }
0x4e: {  	_ =	shalt  }
0x4f: {  	_ =	shalt  }
0x50: {  	_ =	shalt  }
0x51: {  	_ =	shalt  }
0x52: {  	_ =	shalt  }
0x53: {  	_ =	shalt  }
0x54: {  	_ =	shalt  }
0x55: {  	_ =	shalt  }
0x56: {  	_ =	shalt  }
0x57: {  	_ =	shalt  }
0x58: {  	_ =	shalt  }
0x59: {  	_ =	shalt  }
0x5a: {  	_ =	shalt  }
0x5b: {  	_ =	shalt  }
0x5c: {  	_ =	shalt  }
0x5d: {  	_ =	shalt  }
0x5e: {  	_ =	shalt  }
0x5f: {  	_ =	shalt  }
0x60: {  	_ =	shalt  }
0x61: {  	_ =	shalt  }
0x62: {  	_ =	shalt  }
0x63: {  	_ =	shalt  }
0x64: {  	_ =	shalt  }
0x65: {  	_ =	shalt  }
0x66: {  	_ =	shalt  }
0x67: {  	_ =	shalt  }
0x68: {  	_ =	shalt  }
0x69: {  	_ =	shalt  }
0x6a: {  	_ =	shalt  }
0x6b: {  	_ =	shalt  }
0x6c: {  	_ =	shalt  }
0x6d: {  	_ =	shalt  }
0x6e: {  	_ =	shalt  }
0x6f: {  	_ =	shalt  }
0x70: {  	_ =	shalt  }
0x71: {  	_ =	shalt  }
0x72: {  	_ =	shalt  }
0x73: {  	_ =	shalt  }
0x74: {  	_ =	shalt  }
0x75: {  	_ =	shalt  }
0x76: {  	_ =	shalt  }
0x77: {  	_ =	shalt  }
0x78: {  	_ =	shalt  }
0x79: {  	_ =	shalt  }
0x7a: {  	_ =	shalt  }
0x7b: {  	_ =	shalt  }
0x7c: {  	_ =	shalt  }
0x7d: {  	_ =	shalt  }
0x7e: {  	_ =	shalt  }
0x7f: {  	_ =	shalt  }
0x80: {  	_ =	shalt  }
0x81: {  	_ =	shalt  }
0x82: {  	_ =	shalt  }
0x83: {  	_ =	shalt  }
0x84: {  	_ =	shalt  }
0x85: {  	_ =	shalt  }
0x86: {  	_ =	shalt  }
0x87: {  	_ =	shalt  }
.Lfunc_end0:
.L_simem_size_0:
called_computation_lowered:
.L_overlay_start_0:
0x88: {  	s2 =	sld [smem:$0x3FD9]  }
0x89: {  	s3 =	sld [smem:$0x3FFE];
	_ =	sdelay $0x1  }
0x8a: {  	s1 =	srdreg.scid  }
0x8b: {  	s0 =	sand.u32 $0x1, s1  }
0x8c: {  	s17 =	sshll.u32 s0, $0xA;
	s2 =	sadd.s32 s3, s2  }
0x8d: {  	s2 =	sadd.s32 s2, s17  }
0x8e: {  	[smem:$0x3FC0] =	sst s2  }
0x8f: {  	_ = 	snop  }
0x90: {  	s2 =	sld [smem:$0x3FD0];
	(tm) =	ssettm $0x1  }
0x91: {  	s18 =	sld [smem:$0x3FFB];
	_ =	sdelay $0x3  }
0x92: {  	_ =	strace s18  }
0x93: {  	s3 =	sld [smem:$0x3FFC];
	_ =	sdelay $0x3  }
0x94: {  	_ =	strace s3  }
0x95: {  	s3 =	sld [smem:$0x3FFD];
	_ =	sdelay $0x3  }
0x96: {  	_ =	strace s3  }
0x97: {  	_ =	strace $0x8FFFFFFF  }
0x98: {  	s19 =	sld [smem:$0x3FDB];
	_ =	sdelay $0x1  }
0x99: {  	s4 =	simm.s32 $_scs_section_size  }
0x9a: {  	s5 =	simm.s32 $_size__tile_overlayer_lowered;
	s6 =	simm.s32 $_tile_overlayer_lowered  }
0x9b: {  	s22 =	simm.s32 $0x1BFF;
	s21 =	sshll.u32 s6, $0x1;
	s3 =	sadd.s32 s4, s19  }
0x9c: {  	s7 =	simm.s32 $0x0;
	s20 =	sshll.u32 s5, $0x1;
	s5 =	sadd.s32 s21, s3  }
0x9d: {  	[timem:s7], [sflag:s22] =	dma.local [hbm:s5], s20  }
0x9e: {  	_ =	swait.ge [sflag:s22], s20  }
0x9f: {  	s4 =	ssub.s32 $0x0, s20;
	[sflag:s22] =	ssyncset.done $0x0  }
0xa0: {  	[sflag:s22] =	ssyncadd.s32 s4;
	_ =	sdelay $0x1  }
0xa1: {  	s23 =	simm.s32 $0x1B8B  }
0xa2: {  	_ =	swait.ge [sflag:s23], $0x1  }
0xa3: {  	[sflag:s23] =	ssyncset.done $0x0  }
0xa4: {  	s25 =	simm.s32 $0x1B8E;
	s24 =	sld [smem:$0x3FFE];
	[sflag:s23] =	ssyncadd.s32 $0xFFFFFFFF  }
0xa5: {  	s26 =	simm.s32 $execute0_lowered;
	[smem:$0x3FD2] =	sst s25  }
0xa6: {  	s5 =	sshll.u32 s26, $0x1;
	_ =	strace $0x80000046;
	[dreg:$0x1] =	wrdreg $0xFFFFFFFF  }
0xa7: {  	s28 =	simm.s32 $_size_execute0_lowered;
	s3 =	sadd.s32 s3, s5;
	[dreg:$0x0] =	wrdreg $0x0  }
0xa8: {  	s5 =	sshll.u32 s28, $0x1;
	[dreg:$0x2] =	wrdreg s3  }
0xa9: {  	[dreg:$0x3] =	wrdreg s5  }
0xaa: {  	[dreg:$0x4] =	wrdreg $0xC0  }
0xab: {  	_ =	task [dreg:s7], $0x5FFFF  }
0xac: {  	[dreg:$0x1] =	wrdreg $0xFFFFFFFF  }
0xad: {  	[dreg:$0x0] =	wrdreg $0x60  }
0xae: {  	[dreg:$0x2] =	wrdreg s24  }
0xaf: {  	[dreg:$0x3] =	wrdreg s2  }
0xb0: {  	[dreg:$0x4] =	wrdreg $0x9  }
0xb1: {  	_ =	task.clear_ibuf [dreg:s7], $0x5FFFF;
	_ =	strace $0x90000046  }
0xb2: {  	s29 =	simm.s32 $0x9;
	_ =	strace $0x80000048  }
0xb3: {  	_ =	swait.ge [sflag:s29], $0x1  }
0xb4: {  	[sflag:s29] =	ssyncadd.s32 $0xFFFFFFFF  }
0xb5: {  	_ =	strace $0x90000048  }
0xb6: {  	_ =	sfence  }
0xb7: {  	s30 =	sld [smem:$0x0];
	_ =	sdelay $0x2  }
0xb8: {  	s31 =	sshll.u32 s1, $0xD;
	s1 =	sshrl.u32 s1, $0x2  }
0xb9: {  	s3 =	sand.u32 $0x4000, s31;
	s1 =	sadd.s32 s1, s30  }
0xba: {  	s0 =	sor.u32 s3, s0;
	s1 =	sshll.u32 s1, $0x11  }
0xbb: {  	s0 =	sor.u32 s1, s0  }
0xbc: {  	s0 =	sadd.s32 $0x8F2B, s0  }
0xbd: {  	[sflag:s0] =	ssyncadd.remote.s32 $0x1  }
0xbe: {  	_ =	sfence.sel $0xFFFF  }
0xbf: {  	[dreg:$0x0] =	wrdreg $0xFFFFFFFF;
	(pc) =	sbr.abs _section_cstart, $3  }
0xc0: {  	[dreg:$0x1] =	wrdreg $0xFFFFFFFF  }
0xc1: {  	_ =	task.clear_ibuf [dreg:s7], $0x2FFFF;
	_ =	strace $0x9FFFFFFF  }
0xc2: {  	(tm) =	ssettm $0x7FFFFFFF  }
0xc3: {  	_ =	shalt  }
tec
execute0_lowered:
.L_overlay_start_1:
0x0: {  	(tag) =	ssettag $0x1  }
0x1: {  	s0 =	rddreg [dreg:$0x0]  }
0x2: {  	s2 =	rddreg [dreg:$0x1];
	s1 =	srdreg.scid  }
0x3: {  	s4 =	stileid.u32;
	s3 =	simm.s32 $0x0;
	s15 =	simm.s32 $0x80  }
0x4: {  	s17 =	simm.s32 $0x20;
	s13 =	simm.s32 $0x3;
	s28 =	simm.s32 $0x6D80  }
0x5: {  	s29 =	simm.s32 $0x6E0;
	s30 =	simm.s32 $0x7580;
	s31 =	simm.s32 $0x760  }
0x6: {  	s14 =	simm.s32 $0x8780;
	s16 =	simm.s32 $0x2;
	s18 =	simm.s32 $0x8F80  }
0x7: {  	s19 =	simm.s32 $0x9780;
	s20 =	simm.s32 $0x4;
	s23 =	simm.s32 $0x0  }
0x8: {  	s1 =	sand.u32 $0x1, s1;
	s4 =	sshll.u32 s4, $0x1;
	[smem:$0x7FF] =	sst s3  }
0x9: {  	s5 =	sadd.s32 $0x1EC600, s0;
	s6 =	sadd.s32 $0x20A600, s0;
	s7 =	sor.u32 s1, s4  }
0xa: {  	_ =	strace $0x80000047;
	s1 =	ssub.s32 $0x2, s1;
	s4 =	sadd.s32 $0x2600, s0  }
0xb: {  	s8 =	smul.u32 $0xF00, s7;
	s9 =	sshrl.u32 s1, $0x1;
	s26 =	sshll.u32 s7, $0x5  }
0xc: {  	s25 =	ssub.s32 s1, s9;
	s9 =	sshll.u32 s7, $0xD;
	s10 =	sor.u32 $0x2, s26  }
0xd: {  	s11 =	sor.u32 $0x3, s26;
	s1 =	simm.s32 $0x1;
	s8 =	sadd.s32 s5, s8  }
0xe: {  	s7 =	simm.s32 $0x7F80;
	s0 =	smax.u32 s25, $0x1;
	[dreg:$0x3] =	wrdreg s8  }
0xf: {  	s12 =	sor.u32 $0x100, s9;
	s8 =	sadd.s32 $0x78, s8;
	[dreg:$0x5] =	wrdreg s0  }
0x10: {  	v0 =	vimm.f32 $0.0e+00;
	s0 =	simm.s32 $0x7D80;
	[dreg:$0x4] =	wrdreg s8;
	s8 =	simm.s32 $0x3C0  }
.LBB2_1:
0x11: {  	[dreg:$0x6] =	wrdreg s23  }
0x12: {  	s21 =	rddreg [dreg:$0x3];
	s26 =	simm.s32 $0x6  }
0x13: {  	[tilespmem:s3], [sflag:$0x6] =	stream.linear.gather [hbm4b:s21+s3], $0x3C0, $0x38;
	[tilespmem:$0x9F80] =	vst v63  }
0x14: {  	_ =	swait.ge [sflag:s26], $0x3C0  }
0x15: {  	[sflag:s26] =	ssyncset.done $0x0  }
0x16: {  	s22 =	simm.s32 $0x40;
	s21 =	simm.s32 $0x0;
	[sflag:s26] =	ssyncadd.s32 $0xFFFFFC40  }
.LBB2_2:
0x17: {  	p0 =	sne.s32 s22, $0xEC0;
	v1 =	vld [tilespmem:s21+$0x0];
	_ =	sdelay $0x4  }
.Ltmp0:
0x18: {  	v2 =	vshll.u32 v1, $0x3;
	(pc) =	sbr.rel @p0 .LBB2_2-.Ltmp0, $4  }
0x19: {  	v3 =	vand.u32 $0xFFFFF000, v1;
	v1 =	vshrl.u32 v1, $0x9;
	v2 =	vand.u32 $0xFF8, v2  }
0x1a: {  	v1 =	vand.u32 $0x7, v1;
	v2 =	vor.u32 v3, v2  }
0x1b: {  	v1 =	vor.u32 v1, v2  }
0x1c: {  	[tilespmem:s21+$0x0] =	vst v1;
	s21 =	sshra.s32 s22, $0x2;
	s22 =	sadd.s32 $0x40, s22  }
0x1d: {  	v1 =	vld [tilespmem:s21+$0x0];
	_ =	sdelay $0x4  }
0x1e: {  	v2 =	vshll.u32 v1, $0x3  }
0x1f: {  	v3 =	vand.u32 $0xFFFFF000, v1;
	v1 =	vshrl.u32 v1, $0x9;
	v2 =	vand.u32 $0xFF8, v2  }
0x20: {  	v1 =	vand.u32 $0x7, v1;
	v2 =	vor.u32 v3, v2  }
0x21: {  	v1 =	vor.u32 v1, v2  }
0x22: {  	s22 =	simm.s32 $0x780;
	[tilespmem:s21+$0x0] =	vst v1;
	s21 =	simm.s32 $0x0  }
0x23: {  	[tilespmem:s22], [sflag:$0x1] =	stream.indirect.gather [hbm4b:s4+s15], $0x10, s21, s15, $0xb8;
	[tilespmem:$0x9F80] =	vst v63  }
0x24: {  	s23 =	simm.s32 $0xF80  }
0x25: {  	[tilespmem:s23], [sflag:$0x1] =	stream.indirect.gather [hbm4b:s4+s17], $0x10, s15, s17, $0xb8;
	[tilespmem:$0x9F80] =	vst v63  }
0x26: {  	s24 =	simm.s32 $0xA0;
	s23 =	simm.s32 $0x1180  }
0x27: {  	[tilespmem:s23], [sflag:$0x1] =	stream.indirect.gather [hbm4b:s4+s15], $0x10, s24, s15, $0xb8;
	[tilespmem:$0x9F80] =	vst v63  }
0x28: {  	s25 =	simm.s32 $0x120;
	s26 =	simm.s32 $0x1980  }
0x29: {  	[tilespmem:s26], [sflag:$0x1] =	stream.indirect.gather [hbm4b:s4+s15], $0x10, s25, s15, $0xb8;
	[tilespmem:$0x9F80] =	vst v63  }
0x2a: {  	s23 =	simm.s32 $0x1A0;
	s24 =	simm.s32 $0x2180  }
0x2b: {  	[tilespmem:s24], [sflag:$0x1] =	stream.indirect.gather [hbm4b:s4+s15], $0x10, s23, s15, $0xb8;
	[tilespmem:$0x9F80] =	vst v63  }
0x2c: {  	s25 =	simm.s32 $0x220;
	s26 =	simm.s32 $0x2980  }
0x2d: {  	[tilespmem:s26], [sflag:$0x1] =	stream.indirect.gather [hbm4b:s4+s15], $0x10, s25, s15, $0xb8;
	[tilespmem:$0x9F80] =	vst v63  }
0x2e: {  	s23 =	simm.s32 $0x2A0;
	s24 =	simm.s32 $0x3180  }
0x2f: {  	[tilespmem:s24], [sflag:$0x1] =	stream.indirect.gather [hbm4b:s4+s15], $0x10, s23, s15, $0xb8;
	[tilespmem:$0x9F80] =	vst v63  }
0x30: {  	s25 =	simm.s32 $0x320;
	s26 =	simm.s32 $0x3980  }
0x31: {  	[tilespmem:s26], [sflag:$0x1] =	stream.indirect.gather [hbm4b:s4+s15], $0x10, s25, s15, $0xb8;
	[tilespmem:$0x9F80] =	vst v63  }
0x32: {  	s24 =	simm.s32 $0x3A0;
	s25 =	simm.s32 $0x4180  }
0x33: {  	[tilespmem:s25], [sflag:$0x1] =	stream.indirect.gather [hbm4b:s4+s17], $0x10, s24, s17, $0xb8;
	[tilespmem:$0x9F80] =	vst v63  }
0x34: {  	s26 =	rddreg [dreg:$0x4]  }
0x35: {  	[tilespmem:s8], [sflag:$0x3] =	stream.linear.gather [hbm4b:s26+s21], $0x3C0, $0x38;
	[tilespmem:$0x9F80] =	vst v63  }
.LBB2_4:
0x36: {  	_ =	swait.ge [sflag:s13], $0x3C0  }
0x37: {  	[sflag:s13] =	ssyncset.done $0x0  }
0x38: {  	s22 =	simm.s32 $0x0;
	s23 =	simm.s32 $0x40;
	[sflag:s13] =	ssyncadd.s32 $0xFFFFFC40  }
.LBB2_5:
0x39: {  	p0 =	sne.s32 s23, $0xEC0;
	v1 =	vld [tilespmem:s22+$0x3C0];
	_ =	sdelay $0x4  }
.Ltmp1:
0x3a: {  	v2 =	vshll.u32 v1, $0x3;
	(pc) =	sbr.rel @p0 .LBB2_5-.Ltmp1, $4  }
0x3b: {  	v3 =	vand.u32 $0xFFFFF000, v1;
	v1 =	vshrl.u32 v1, $0x9;
	v2 =	vand.u32 $0xFF8, v2  }
0x3c: {  	v1 =	vand.u32 $0x7, v1;
	v2 =	vor.u32 v3, v2  }
0x3d: {  	v1 =	vor.u32 v1, v2  }
0x3e: {  	[tilespmem:s22+$0x3C0] =	vst v1;
	s22 =	sshra.s32 s23, $0x2;
	s23 =	sadd.s32 $0x40, s23  }
0x3f: {  	v1 =	vld [tilespmem:s22+$0x3C0];
	_ =	sdelay $0x4  }
0x40: {  	v2 =	vshll.u32 v1, $0x3  }
0x41: {  	v3 =	vand.u32 $0xFFFFF000, v1;
	v1 =	vshrl.u32 v1, $0x9;
	v2 =	vand.u32 $0xFF8, v2  }
0x42: {  	v1 =	vand.u32 $0x7, v1;
	v2 =	vor.u32 v3, v2  }
0x43: {  	v1 =	vor.u32 v1, v2  }
0x44: {  	s23 =	simm.s32 $0x4380;
	[tilespmem:s22+$0x3C0] =	vst v1  }
0x45: {  	[tilespmem:s23], [sflag:$0x2] =	stream.indirect.gather [hbm4b:s4+s15], $0x10, s8, s15, $0xb8;
	[tilespmem:$0x9F80] =	vst v63  }
0x46: {  	s24 =	simm.s32 $0x440;
	s23 =	simm.s32 $0x4B80  }
0x47: {  	[tilespmem:s23], [sflag:$0x2] =	stream.indirect.gather [hbm4b:s4+s17], $0x10, s24, s17, $0xb8;
	[tilespmem:$0x9F80] =	vst v63  }
0x48: {  	s25 =	simm.s32 $0x460;
	s26 =	simm.s32 $0x4D80  }
0x49: {  	[tilespmem:s26], [sflag:$0x2] =	stream.indirect.gather [hbm4b:s4+s15], $0x10, s25, s15, $0xb8;
	[tilespmem:$0x9F80] =	vst v63  }
0x4a: {  	s23 =	simm.s32 $0x4E0;
	s24 =	simm.s32 $0x5580  }
0x4b: {  	[tilespmem:s24], [sflag:$0x2] =	stream.indirect.gather [hbm4b:s4+s15], $0x10, s23, s15, $0xb8;
	[tilespmem:$0x9F80] =	vst v63  }
0x4c: {  	s25 =	simm.s32 $0x560;
	s26 =	simm.s32 $0x5D80  }
0x4d: {  	[tilespmem:s26], [sflag:$0x2] =	stream.indirect.gather [hbm4b:s4+s15], $0x10, s25, s15, $0xb8;
	[tilespmem:$0x9F80] =	vst v63  }
0x4e: {  	s24 =	simm.s32 $0x5E0;
	s25 =	simm.s32 $0x6580  }
0x4f: {  	[tilespmem:s25], [sflag:$0x2] =	stream.indirect.gather [hbm4b:s4+s15], $0x10, s24, s15, $0xb8;
	[tilespmem:$0x9F80] =	vst v63  }
0x50: {  	s26 =	simm.s32 $0x660  }
0x51: {  	[tilespmem:s28], [sflag:$0x2] =	stream.indirect.gather [hbm4b:s4+s15], $0x10, s26, s15, $0xb8;
	[tilespmem:$0x9F80] =	vst v63  }
0x52: {  	_ = 	snop  }
0x53: {  	[tilespmem:s30], [sflag:$0x2] =	stream.indirect.gather [hbm4b:s4+s15], $0x10, s29, s15, $0xb8;
	[tilespmem:$0x9F80] =	vst v63  }
0x54: {  	_ = 	snop  }
0x55: {  	[tilespmem:s0], [sflag:$0x2] =	stream.indirect.gather [hbm4b:s4+s17], $0x10, s31, s17, $0xb8;
	[tilespmem:$0x9F80] =	vst v63  }
0x56: {  	_ =	swait.ge [sflag:s1], $0x800  }
0x57: {  	[sflag:s1] =	ssyncset.done $0x0  }
0x58: {  	[sflag:s1] =	ssyncadd.s32 $0xFFFFF800  }
0x59: {  	_ =	swait.ge [sflag:s1], $0x200  }
0x5a: {  	[sflag:s1] =	ssyncset.done $0x0  }
0x5b: {  	[sflag:s1] =	ssyncadd.s32 $0xFFFFFE00  }
0x5c: {  	_ =	swait.ge [sflag:s1], $0x800  }
0x5d: {  	[sflag:s1] =	ssyncset.done $0x0  }
0x5e: {  	[sflag:s1] =	ssyncadd.s32 $0xFFFFF800  }
0x5f: {  	_ =	swait.ge [sflag:s1], $0x800  }
0x60: {  	[sflag:s1] =	ssyncset.done $0x0  }
0x61: {  	[sflag:s1] =	ssyncadd.s32 $0xFFFFF800  }
0x62: {  	_ =	swait.ge [sflag:s1], $0x800  }
0x63: {  	[sflag:s1] =	ssyncset.done $0x0  }
0x64: {  	[sflag:s1] =	ssyncadd.s32 $0xFFFFF800  }
0x65: {  	_ =	swait.ge [sflag:s1], $0x800  }
0x66: {  	[sflag:s1] =	ssyncset.done $0x0  }
0x67: {  	[sflag:s1] =	ssyncadd.s32 $0xFFFFF800  }
0x68: {  	_ =	swait.ge [sflag:s1], $0x800  }
0x69: {  	[sflag:s1] =	ssyncset.done $0x0  }
0x6a: {  	p0 =	seq.s32 s21, $0xF;
	[sflag:s1] =	ssyncadd.s32 $0xFFFFF800  }
0x6b: {  	p1 =	seq.s32 @!p0 s21, $0x0;
	_ =	swait.ge [sflag:s1], $0x800  }
0x6c: {  	p1 =	por p0, !p1;
	s22 =	sshll.u32 s21, $0x1;
	[sflag:s1] =	ssyncset.done $0x0  }
.Ltmp2:
0x6d: {  	s23 =	sadd.s32 @!p0 s22, s10;
	[sflag:s1] =	ssyncadd.s32 $0xFFFFF800;
	(pc) =	sbr.rel @!p1 .LBB2_7-.Ltmp2, $4  }
0x6e: {  	s23 =	smul.u32 @!p0 $0x78, s23;
	_ =	swait.ge [sflag:s1], $0x200  }
0x6f: {  	[sflag:s1] =	ssyncset.done $0x0  }
0x70: {  	s23 =	sadd.s32 @!p0 s5, s23;
	s24 =	simm.s32 @!p0 $0x0;
	[sflag:s1] =	ssyncadd.s32 $0xFFFFFE00  }
0x71: {  	[tilespmem:s24], [sflag:$0x3] =	stream.linear.gather @!p0 [hbm4b:s23+s24], $0x3C0, $0x38;
	[tilespmem:$0x9F80] =	vst v63  }
0x72: {  	_ =	swait.ge [sflag:s20], $0x800  }
.Ltmp3:
0x73: {  	[sflag:s20] =	ssyncset.done $0x0;
	(pc) =	sbr.rel .LBB2_9-.Ltmp3, $4  }
0x74: {  	[sflag:s20] =	ssyncadd.s32 $0xFFFFF800  }
0x75: {  	_ =	swait.ge [sflag:s20], $0x800  }
0x76: {  	[sflag:s20] =	ssyncset.done $0x0  }
0x77: {  	p1 =	por $0x0, $0x0;
	[sflag:s20] =	ssyncadd.s32 $0xFFFFF800  }
.LBB2_7:
0x78: {  	p1 =	por @!p0 $0x1, $0x1  }
.LBB2_9:
0x79: {  	s23 =	simm.s32 $0x0;
	s24 =	simm.s32 $0x1490;
	s25 =	simm.s32 $0x7D0  }
.LBB2_10:
0x7a: {  	v1 =	vld [tilespmem:s24+$0xFFFFFCF0]  }
0x7b: {  	v2 =	vld [tilespmem:s24+$0xFFFFFD00];
	_ =	sdelay $0x1  }
0x7c: {  	v3 =	vld [tilespmem:s24+$0xFFFFFD10]  }
0x7d: {  	v4 =	vld [tilespmem:s24+$0xFFFFFD20]  }
0x7e: {  	v5 =	vld [tilespmem:s24+$0xFFFFFD30]  }
0x7f: {  	v6 =	vld [tilespmem:s24+$0xFFFFFD40];
	v1 =	vadd.f32 v2, v1  }
0x80: {  	v7 =	vld [tilespmem:s24+$0xFFFFFD60]  }
0x81: {  	v8 =	vld [tilespmem:s24+$0xFFFFFD80];
	v1 =	vadd.f32 v3, v1  }
0x82: {  	v46 =	vld [tilespmem:s24+$0xFFFFFD90]  }
0x83: {  	v9 =	vld [tilespmem:s24+$0xFFFFFDA0];
	v1 =	vadd.f32 v4, v1  }
0x84: {  	v2 =	vld [tilespmem:s24+$0xFFFFFD50]  }
0x85: {  	v47 =	vld [tilespmem:s24+$0xFFFFFDB0];
	v1 =	vadd.f32 v5, v1  }
0x86: {  	v10 =	vld [tilespmem:s24+$0xFFFFFDC0]  }
0x87: {  	v48 =	vld [tilespmem:s24+$0xFFFFFDD0];
	v1 =	vadd.f32 v6, v1  }
0x88: {  	v3 =	vld [tilespmem:s24+$0xFFFFFD70]  }
0x89: {  	v11 =	vld [tilespmem:s24+$0xFFFFFDE0];
	v1 =	vadd.f32 v2, v1  }
0x8a: {  	v12 =	vld [tilespmem:s24+$0xFFFFFE00]  }
0x8b: {  	v49 =	vld [tilespmem:s24+$0xFFFFFE10];
	v1 =	vadd.f32 v7, v1  }
0x8c: {  	v13 =	vld [tilespmem:s24+$0xFFFFFE20]  }
0x8d: {  	v14 =	vld [tilespmem:s24+$0xFFFFFE40];
	v1 =	vadd.f32 v3, v1  }
0x8e: {  	v50 =	vld [tilespmem:s24+$0xFFFFFE50]  }
0x8f: {  	v15 =	vld [tilespmem:s24+$0xFFFFFE60];
	v1 =	vadd.f32 v8, v1  }
0x90: {  	v51 =	vld [tilespmem:s24+$0xFFFFFE70]  }
0x91: {  	v16 =	vld [tilespmem:s24+$0xFFFFFE80];
	v1 =	vadd.f32 v46, v1  }
0x92: {  	v52 =	vld [tilespmem:s24+$0xFFFFFE90]  }
0x93: {  	v17 =	vld [tilespmem:s24+$0xFFFFFEA0];
	v1 =	vadd.f32 v9, v1  }
0x94: {  	v53 =	vld [tilespmem:s24+$0xFFFFFEB0]  }
0x95: {  	v18 =	vld [tilespmem:s24+$0xFFFFFEC0];
	v1 =	vadd.f32 v47, v1  }
0x96: {  	v54 =	vld [tilespmem:s24+$0xFFFFFED0]  }
0x97: {  	v19 =	vld [tilespmem:s24+$0xFFFFFEE0];
	v1 =	vadd.f32 v10, v1  }
0x98: {  	v2 =	vld [tilespmem:s24+$0xFFFFFDF0]  }
0x99: {  	v55 =	vld [tilespmem:s24+$0xFFFFFEF0];
	v1 =	vadd.f32 v48, v1  }
0x9a: {  	v20 =	vld [tilespmem:s24+$0xFFFFFF00]  }
0x9b: {  	v56 =	vld [tilespmem:s24+$0xFFFFFF10];
	v1 =	vadd.f32 v11, v1  }
0x9c: {  	v21 =	vld [tilespmem:s24+$0xFFFFFF20]  }
0x9d: {  	v22 =	vld [tilespmem:s24+$0xFFFFFF40];
	v1 =	vadd.f32 v2, v1  }
0x9e: {  	v57 =	vld [tilespmem:s24+$0xFFFFFF50]  }
0x9f: {  	v23 =	vld [tilespmem:s24+$0xFFFFFF60];
	v1 =	vadd.f32 v12, v1  }
0xa0: {  	v3 =	vld [tilespmem:s24+$0xFFFFFE30]  }
0xa1: {  	v58 =	vld [tilespmem:s24+$0xFFFFFF70];
	v1 =	vadd.f32 v49, v1  }
0xa2: {  	v24 =	vld [tilespmem:s24+$0xFFFFFF80]  }
0xa3: {  	v59 =	vld [tilespmem:s24+$0xFFFFFF90];
	v1 =	vadd.f32 v13, v1  }
0xa4: {  	v25 =	vld [tilespmem:s24+$0xFFFFFFA0]  }
0xa5: {  	v26 =	vld [tilespmem:s24+$0xFFFFFFC0];
	v1 =	vadd.f32 v3, v1  }
0xa6: {  	v60 =	vld [tilespmem:s25+$0xFFFFFFB0]  }
0xa7: {  	v27 =	vld [tilespmem:s24+$0xFFFFFFD0];
	v1 =	vadd.f32 v14, v1  }
0xa8: {  	v61 =	vld [tilespmem:s24+$0xFFFFFFE0]  }
0xa9: {  	v28 =	vld [tilespmem:s24+$0xFFFFFFF0];
	v1 =	vadd.f32 v50, v1  }
0xaa: {  	v62 =	vld [tilespmem:s24+$0x0]  }
0xab: {  	s26 =	sshra.s32 s23, $0x2;
	v2 =	vld [tilespmem:s24+$0xFFFFFF30];
	v1 =	vadd.f32 v15, v1  }
0xac: {  	v3 =	vld [tilespmem:s24+$0xFFFFFFB0];
	[tilespmem:s26+$0x7F80] =	vst v60  }
0xad: {  	v63 =	vld [tilespmem:s25+$0xFFFFFFC0];
	v1 =	vadd.f32 v51, v1;
	_ =	sdelay $0x1  }
0xae: {  	v1 =	vadd.f32 v16, v1;
	_ =	sdelay $0x1  }
0xaf: {  	v1 =	vadd.f32 v52, v1  }
0xb0: {  	[tilespmem:s26+$0x7F90] =	vst v63  }
0xb1: {  	v4 =	vld [tilespmem:s25+$0xFFFFFFD0];
	v1 =	vadd.f32 v17, v1;
	_ =	sdelay $0x1  }
0xb2: {  	v1 =	vadd.f32 v53, v1;
	_ =	sdelay $0x1  }
0xb3: {  	v1 =	vadd.f32 v18, v1  }
0xb4: {  	[tilespmem:s26+$0x7FA0] =	vst v4  }
0xb5: {  	v4 =	vld [tilespmem:s25+$0xFFFFFFE0];
	v1 =	vadd.f32 v54, v1;
	_ =	sdelay $0x1  }
0xb6: {  	v1 =	vadd.f32 v19, v1;
	_ =	sdelay $0x1  }
0xb7: {  	v1 =	vadd.f32 v55, v1  }
0xb8: {  	[tilespmem:s26+$0x7FB0] =	vst v4  }
0xb9: {  	v4 =	vld [tilespmem:s25+$0xFFFFFFF0];
	v1 =	vadd.f32 v20, v1;
	_ =	sdelay $0x1  }
0xba: {  	v1 =	vadd.f32 v56, v1;
	_ =	sdelay $0x1  }
0xbb: {  	v1 =	vadd.f32 v21, v1  }
0xbc: {  	[tilespmem:s26+$0x7FC0] =	vst v4  }
0xbd: {  	v1 =	vadd.f32 v2, v1;
	v2 =	vld [tilespmem:s25+$0x0];
	_ =	sdelay $0x1  }
0xbe: {  	v1 =	vadd.f32 v22, v1;
	_ =	sdelay $0x1  }
0xbf: {  	v1 =	vadd.f32 v57, v1  }
0xc0: {  	[tilespmem:s26+$0x7FD0] =	vst v2  }
0xc1: {  	v1 =	vadd.f32 v23, v1;
	v2 =	vld [tilespmem:s25+$0x10];
	_ =	sdelay $0x1  }
0xc2: {  	v1 =	vadd.f32 v58, v1;
	_ =	sdelay $0x1  }
0xc3: {  	v1 =	vadd.f32 v24, v1  }
0xc4: {  	[tilespmem:s26+$0x7FE0] =	vst v2  }
0xc5: {  	v1 =	vadd.f32 v59, v1;
	v2 =	vld [tilespmem:s25+$0x20];
	_ =	sdelay $0x1  }
0xc6: {  	v1 =	vadd.f32 v25, v1;
	_ =	sdelay $0x1  }
0xc7: {  	v1 =	vadd.f32 v3, v1  }
0xc8: {  	[tilespmem:s26+$0x7FF0] =	vst v2  }
0xc9: {  	v1 =	vadd.f32 v26, v1;
	v2 =	vld [tilespmem:s25+$0x30];
	_ =	sdelay $0x1  }
0xca: {  	v1 =	vadd.f32 v27, v1;
	_ =	sdelay $0x1  }
0xcb: {  	v1 =	vadd.f32 v61, v1  }
0xcc: {  	[tilespmem:s26+$0x8780] =	vst v2  }
0xcd: {  	v1 =	vadd.f32 v28, v1;
	v2 =	vld [tilespmem:s25+$0x40];
	[tilespmem:s26+$0x87B0] =	vst v0  }
0xce: {  	p2 =	sne.s32 s23, $0x1E00;
	[tilespmem:s26+$0x87C0] =	vst v0  }
.Ltmp4:
0xcf: {  	[tilespmem:s26+$0x87D0] =	vst v0;
	v1 =	vadd.f32 v62, v1;
	(pc) =	sbr.rel @p2 .LBB2_10-.Ltmp4, $4  }
0xd0: {  	[tilespmem:s26+$0x87E0] =	vst v0  }
0xd1: {  	[tilespmem:s26+$0x87F0] =	vst v0;
	v1 =	vmul.f32 $1.999999960e-02, v1  }
0xd2: {  	[tilespmem:s26+$0x8790] =	vst v2  }
0xd3: {  	s23 =	sadd.s32 $0x200, s23;
	s24 =	sadd.s32 $0x320, s24;
	s25 =	sadd.s32 $0xA0, s25;
	[tilespmem:s26+$0x87A0] =	vst v1  }
0xd4: {  	s23 =	sshll.u32 s21, $0x9  }
.Ltmp5:
0xd5: {  	s24 =	sor.u32 s9, s23;
	(pc) =	sbr.rel @p0 .LBB2_15-.Ltmp5, $4  }
0xd6: {  	s25 =	sadd.s32 s2, s24  }
0xd7: {  	[hbm4b:s25+s3] =	stream.linear.scatter [tilespmem:s7], [sflag:$0x4], $0x800, $0x38;
	[tilespmem:$0x9F80] =	vst v63  }
0xd8: {  	s24 =	sadd.s32 s6, s24  }
0xd9: {  	[hbm4b:s24+s3] =	stream.linear.scatter [tilespmem:s14], [sflag:$0x4], $0x800, $0x38;
	[tilespmem:$0x9F80] =	vst v63  }
0xda: {  	_ =	swait.ge [sflag:s13], $0x3C0  }
0xdb: {  	[sflag:s13] =	ssyncset.done $0x0  }
0xdc: {  	s24 =	simm.s32 $0x0;
	s25 =	simm.s32 $0x40;
	[sflag:s13] =	ssyncadd.s32 $0xFFFFFC40  }
.LBB2_13:
0xdd: {  	p2 =	sne.s32 s25, $0xEC0;
	v1 =	vld [tilespmem:s24+$0x0];
	_ =	sdelay $0x4  }
.Ltmp6:
0xde: {  	v2 =	vshll.u32 v1, $0x3;
	(pc) =	sbr.rel @p2 .LBB2_13-.Ltmp6, $4  }
0xdf: {  	v3 =	vand.u32 $0xFFFFF000, v1;
	v1 =	vshrl.u32 v1, $0x9;
	v2 =	vand.u32 $0xFF8, v2  }
0xe0: {  	v1 =	vand.u32 $0x7, v1;
	v2 =	vor.u32 v3, v2  }
0xe1: {  	v1 =	vor.u32 v1, v2  }
0xe2: {  	[tilespmem:s24+$0x0] =	vst v1;
	s24 =	sshra.s32 s25, $0x2;
	s25 =	sadd.s32 $0x40, s25  }
0xe3: {  	v1 =	vld [tilespmem:s24+$0x0];
	_ =	sdelay $0x4  }
0xe4: {  	v2 =	vshll.u32 v1, $0x3  }
0xe5: {  	v3 =	vand.u32 $0xFFFFF000, v1;
	v1 =	vshrl.u32 v1, $0x9;
	v2 =	vand.u32 $0xFF8, v2  }
0xe6: {  	v1 =	vand.u32 $0x7, v1;
	v2 =	vor.u32 v3, v2  }
0xe7: {  	v1 =	vor.u32 v1, v2  }
0xe8: {  	s26 =	simm.s32 $0x780;
	[tilespmem:s24+$0x0] =	vst v1  }
0xe9: {  	[tilespmem:s26], [sflag:$0x1] =	stream.indirect.gather [hbm4b:s4+s15], $0x10, s3, s15, $0xb8;
	[tilespmem:$0x9F80] =	vst v63  }
0xea: {  	s25 =	simm.s32 $0xF80  }
0xeb: {  	[tilespmem:s25], [sflag:$0x1] =	stream.indirect.gather [hbm4b:s4+s17], $0x10, s15, s17, $0xb8;
	[tilespmem:$0x9F80] =	vst v63  }
0xec: {  	s26 =	simm.s32 $0xA0;
	s25 =	simm.s32 $0x1180  }
0xed: {  	[tilespmem:s25], [sflag:$0x1] =	stream.indirect.gather [hbm4b:s4+s15], $0x10, s26, s15, $0xb8;
	[tilespmem:$0x9F80] =	vst v63  }
0xee: {  	s25 =	simm.s32 $0x120;
	s26 =	simm.s32 $0x1980  }
0xef: {  	[tilespmem:s26], [sflag:$0x1] =	stream.indirect.gather [hbm4b:s4+s15], $0x10, s25, s15, $0xb8;
	[tilespmem:$0x9F80] =	vst v63  }
0xf0: {  	s25 =	simm.s32 $0x1A0;
	s26 =	simm.s32 $0x2180  }
0xf1: {  	[tilespmem:s26], [sflag:$0x1] =	stream.indirect.gather [hbm4b:s4+s15], $0x10, s25, s15, $0xb8;
	[tilespmem:$0x9F80] =	vst v63  }
0xf2: {  	s25 =	simm.s32 $0x220;
	s26 =	simm.s32 $0x2980  }
0xf3: {  	[tilespmem:s26], [sflag:$0x1] =	stream.indirect.gather [hbm4b:s4+s15], $0x10, s25, s15, $0xb8;
	[tilespmem:$0x9F80] =	vst v63  }
0xf4: {  	s25 =	simm.s32 $0x2A0;
	s26 =	simm.s32 $0x3180  }
0xf5: {  	[tilespmem:s26], [sflag:$0x1] =	stream.indirect.gather [hbm4b:s4+s15], $0x10, s25, s15, $0xb8;
	[tilespmem:$0x9F80] =	vst v63  }
0xf6: {  	s25 =	simm.s32 $0x320;
	s26 =	simm.s32 $0x3980  }
0xf7: {  	[tilespmem:s26], [sflag:$0x1] =	stream.indirect.gather [hbm4b:s4+s15], $0x10, s25, s15, $0xb8;
	[tilespmem:$0x9F80] =	vst v63  }
0xf8: {  	s25 =	simm.s32 $0x3A0;
	s26 =	simm.s32 $0x4180  }
0xf9: {  	[tilespmem:s26], [sflag:$0x1] =	stream.indirect.gather [hbm4b:s4+s17], $0x10, s25, s17, $0xb8;
	[tilespmem:$0x9F80] =	vst v63  }
.LBB2_15:
0xfa: {  	_ =	swait.ge [sflag:s16], $0x800  }
0xfb: {  	[sflag:s16] =	ssyncset.done $0x0  }
0xfc: {  	[sflag:s16] =	ssyncadd.s32 $0xFFFFF800  }
0xfd: {  	_ =	swait.ge [sflag:s16], $0x200  }
0xfe: {  	[sflag:s16] =	ssyncset.done $0x0  }
0xff: {  	[sflag:s16] =	ssyncadd.s32 $0xFFFFFE00  }
0x100: {  	_ =	swait.ge [sflag:s16], $0x800  }
0x101: {  	[sflag:s16] =	ssyncset.done $0x0  }
0x102: {  	[sflag:s16] =	ssyncadd.s32 $0xFFFFF800  }
0x103: {  	_ =	swait.ge [sflag:s16], $0x800  }
0x104: {  	[sflag:s16] =	ssyncset.done $0x0  }
0x105: {  	[sflag:s16] =	ssyncadd.s32 $0xFFFFF800  }
0x106: {  	_ =	swait.ge [sflag:s16], $0x800  }
0x107: {  	[sflag:s16] =	ssyncset.done $0x0  }
0x108: {  	[sflag:s16] =	ssyncadd.s32 $0xFFFFF800  }
0x109: {  	_ =	swait.ge [sflag:s16], $0x800  }
0x10a: {  	[sflag:s16] =	ssyncset.done $0x0  }
0x10b: {  	[sflag:s16] =	ssyncadd.s32 $0xFFFFF800  }
0x10c: {  	_ =	swait.ge [sflag:s16], $0x800  }
0x10d: {  	[sflag:s16] =	ssyncset.done $0x0  }
0x10e: {  	[sflag:s16] =	ssyncadd.s32 $0xFFFFF800  }
0x10f: {  	_ =	swait.ge [sflag:s16], $0x800  }
0x110: {  	[sflag:s16] =	ssyncset.done $0x0  }
0x111: {  	s22 =	sadd.s32 @!p0 s22, s11;
	[sflag:s16] =	ssyncadd.s32 $0xFFFFF800  }
0x112: {  	s22 =	smul.u32 @!p0 $0x78, s22;
	_ =	swait.ge [sflag:s16], $0x200  }
0x113: {  	s24 =	simm.s32 @!p0 $0x0;
	[sflag:s16] =	ssyncset.done $0x0  }
0x114: {  	s25 =	simm.s32 @!p0 $0x3C0;
	s22 =	sadd.s32 @!p0 s5, s22;
	[sflag:s16] =	ssyncadd.s32 $0xFFFFFE00  }
0x115: {  	[tilespmem:s25], [sflag:$0x3] =	stream.linear.gather @!p0 [hbm4b:s22+s24], $0x3C0, $0x38;
	[tilespmem:$0x9F80] =	vst v63  }
0x116: {  	s22 =	simm.s32 @!p1 $0x5  }
0x117: {  	_ =	swait.ge @!p1 [sflag:s22], $0x800  }
0x118: {  	[sflag:s22] =	ssyncset.done @!p1 $0x0  }
0x119: {  	[sflag:s22] =	ssyncadd.s32 @!p1 $0xFFFFF800  }
0x11a: {  	_ =	swait.ge @!p1 [sflag:s22], $0x800  }
0x11b: {  	s24 =	simm.s32 $0x5090;
	[sflag:s22] =	ssyncset.done @!p1 $0x0  }
0x11c: {  	s25 =	simm.s32 $0x43D0;
	[sflag:s22] =	ssyncadd.s32 @!p1 $0xFFFFF800;
	s22 =	simm.s32 $0x0  }
.LBB2_16:
0x11d: {  	v1 =	vld [tilespmem:s24+$0xFFFFFCF0]  }
0x11e: {  	v2 =	vld [tilespmem:s24+$0xFFFFFD00];
	_ =	sdelay $0x1  }
0x11f: {  	v3 =	vld [tilespmem:s24+$0xFFFFFD10]  }
0x120: {  	v4 =	vld [tilespmem:s24+$0xFFFFFD20]  }
0x121: {  	v5 =	vld [tilespmem:s24+$0xFFFFFD30]  }
0x122: {  	v6 =	vld [tilespmem:s24+$0xFFFFFD40];
	v1 =	vadd.f32 v2, v1  }
0x123: {  	v7 =	vld [tilespmem:s24+$0xFFFFFD60]  }
0x124: {  	v8 =	vld [tilespmem:s24+$0xFFFFFD80];
	v1 =	vadd.f32 v3, v1  }
0x125: {  	v46 =	vld [tilespmem:s24+$0xFFFFFD90]  }
0x126: {  	v9 =	vld [tilespmem:s24+$0xFFFFFDA0];
	v1 =	vadd.f32 v4, v1  }
0x127: {  	v2 =	vld [tilespmem:s24+$0xFFFFFD50]  }
0x128: {  	v47 =	vld [tilespmem:s24+$0xFFFFFDB0];
	v1 =	vadd.f32 v5, v1  }
0x129: {  	v10 =	vld [tilespmem:s24+$0xFFFFFDC0]  }
0x12a: {  	v48 =	vld [tilespmem:s24+$0xFFFFFDD0];
	v1 =	vadd.f32 v6, v1  }
0x12b: {  	v3 =	vld [tilespmem:s24+$0xFFFFFD70]  }
0x12c: {  	v11 =	vld [tilespmem:s24+$0xFFFFFDE0];
	v1 =	vadd.f32 v2, v1  }
0x12d: {  	v12 =	vld [tilespmem:s24+$0xFFFFFE00]  }
0x12e: {  	v49 =	vld [tilespmem:s24+$0xFFFFFE10];
	v1 =	vadd.f32 v7, v1  }
0x12f: {  	v13 =	vld [tilespmem:s24+$0xFFFFFE20]  }
0x130: {  	v14 =	vld [tilespmem:s24+$0xFFFFFE40];
	v1 =	vadd.f32 v3, v1  }
0x131: {  	v50 =	vld [tilespmem:s24+$0xFFFFFE50]  }
0x132: {  	v15 =	vld [tilespmem:s24+$0xFFFFFE60];
	v1 =	vadd.f32 v8, v1  }
0x133: {  	v51 =	vld [tilespmem:s24+$0xFFFFFE70]  }
0x134: {  	v16 =	vld [tilespmem:s24+$0xFFFFFE80];
	v1 =	vadd.f32 v46, v1  }
0x135: {  	v52 =	vld [tilespmem:s24+$0xFFFFFE90]  }
0x136: {  	v17 =	vld [tilespmem:s24+$0xFFFFFEA0];
	v1 =	vadd.f32 v9, v1  }
0x137: {  	v53 =	vld [tilespmem:s24+$0xFFFFFEB0]  }
0x138: {  	v18 =	vld [tilespmem:s24+$0xFFFFFEC0];
	v1 =	vadd.f32 v47, v1  }
0x139: {  	v54 =	vld [tilespmem:s24+$0xFFFFFED0]  }
0x13a: {  	v19 =	vld [tilespmem:s24+$0xFFFFFEE0];
	v1 =	vadd.f32 v10, v1  }
0x13b: {  	v2 =	vld [tilespmem:s24+$0xFFFFFDF0]  }
0x13c: {  	v55 =	vld [tilespmem:s24+$0xFFFFFEF0];
	v1 =	vadd.f32 v48, v1  }
0x13d: {  	v20 =	vld [tilespmem:s24+$0xFFFFFF00]  }
0x13e: {  	v56 =	vld [tilespmem:s24+$0xFFFFFF10];
	v1 =	vadd.f32 v11, v1  }
0x13f: {  	v21 =	vld [tilespmem:s24+$0xFFFFFF20]  }
0x140: {  	v22 =	vld [tilespmem:s24+$0xFFFFFF40];
	v1 =	vadd.f32 v2, v1  }
0x141: {  	v57 =	vld [tilespmem:s24+$0xFFFFFF50]  }
0x142: {  	v23 =	vld [tilespmem:s24+$0xFFFFFF60];
	v1 =	vadd.f32 v12, v1  }
0x143: {  	v3 =	vld [tilespmem:s24+$0xFFFFFE30]  }
0x144: {  	v58 =	vld [tilespmem:s24+$0xFFFFFF70];
	v1 =	vadd.f32 v49, v1  }
0x145: {  	v24 =	vld [tilespmem:s24+$0xFFFFFF80]  }
0x146: {  	v59 =	vld [tilespmem:s24+$0xFFFFFF90];
	v1 =	vadd.f32 v13, v1  }
0x147: {  	v25 =	vld [tilespmem:s24+$0xFFFFFFA0]  }
0x148: {  	v26 =	vld [tilespmem:s24+$0xFFFFFFC0];
	v1 =	vadd.f32 v3, v1  }
0x149: {  	v60 =	vld [tilespmem:s25+$0xFFFFFFB0]  }
0x14a: {  	v27 =	vld [tilespmem:s24+$0xFFFFFFD0];
	v1 =	vadd.f32 v14, v1  }
0x14b: {  	v61 =	vld [tilespmem:s24+$0xFFFFFFE0]  }
0x14c: {  	v28 =	vld [tilespmem:s24+$0xFFFFFFF0];
	v1 =	vadd.f32 v50, v1  }
0x14d: {  	v62 =	vld [tilespmem:s24+$0x0]  }
0x14e: {  	s26 =	sshra.s32 s22, $0x2;
	v2 =	vld [tilespmem:s24+$0xFFFFFF30];
	v1 =	vadd.f32 v15, v1  }
0x14f: {  	v3 =	vld [tilespmem:s24+$0xFFFFFFB0];
	[tilespmem:s26+$0x8F80] =	vst v60  }
0x150: {  	v63 =	vld [tilespmem:s25+$0xFFFFFFC0];
	v1 =	vadd.f32 v51, v1;
	_ =	sdelay $0x1  }
0x151: {  	v1 =	vadd.f32 v16, v1;
	_ =	sdelay $0x1  }
0x152: {  	v1 =	vadd.f32 v52, v1  }
0x153: {  	[tilespmem:s26+$0x8F90] =	vst v63  }
0x154: {  	v4 =	vld [tilespmem:s25+$0xFFFFFFD0];
	v1 =	vadd.f32 v17, v1;
	_ =	sdelay $0x1  }
0x155: {  	v1 =	vadd.f32 v53, v1;
	_ =	sdelay $0x1  }
0x156: {  	v1 =	vadd.f32 v18, v1  }
0x157: {  	[tilespmem:s26+$0x8FA0] =	vst v4  }
0x158: {  	v4 =	vld [tilespmem:s25+$0xFFFFFFE0];
	v1 =	vadd.f32 v54, v1;
	_ =	sdelay $0x1  }
0x159: {  	v1 =	vadd.f32 v19, v1;
	_ =	sdelay $0x1  }
0x15a: {  	v1 =	vadd.f32 v55, v1  }
0x15b: {  	[tilespmem:s26+$0x8FB0] =	vst v4  }
0x15c: {  	v4 =	vld [tilespmem:s25+$0xFFFFFFF0];
	v1 =	vadd.f32 v20, v1;
	_ =	sdelay $0x1  }
0x15d: {  	v1 =	vadd.f32 v56, v1;
	_ =	sdelay $0x1  }
0x15e: {  	v1 =	vadd.f32 v21, v1  }
0x15f: {  	[tilespmem:s26+$0x8FC0] =	vst v4  }
0x160: {  	v1 =	vadd.f32 v2, v1;
	v2 =	vld [tilespmem:s25+$0x0];
	_ =	sdelay $0x1  }
0x161: {  	v1 =	vadd.f32 v22, v1;
	_ =	sdelay $0x1  }
0x162: {  	v1 =	vadd.f32 v57, v1  }
0x163: {  	[tilespmem:s26+$0x8FD0] =	vst v2  }
0x164: {  	v1 =	vadd.f32 v23, v1;
	v2 =	vld [tilespmem:s25+$0x10];
	_ =	sdelay $0x1  }
0x165: {  	v1 =	vadd.f32 v58, v1;
	_ =	sdelay $0x1  }
0x166: {  	v1 =	vadd.f32 v24, v1  }
0x167: {  	[tilespmem:s26+$0x8FE0] =	vst v2  }
0x168: {  	v1 =	vadd.f32 v59, v1;
	v2 =	vld [tilespmem:s25+$0x20];
	_ =	sdelay $0x1  }
0x169: {  	v1 =	vadd.f32 v25, v1;
	_ =	sdelay $0x1  }
0x16a: {  	v1 =	vadd.f32 v3, v1  }
0x16b: {  	[tilespmem:s26+$0x8FF0] =	vst v2  }
0x16c: {  	v1 =	vadd.f32 v26, v1;
	v2 =	vld [tilespmem:s25+$0x30];
	_ =	sdelay $0x1  }
0x16d: {  	v1 =	vadd.f32 v27, v1;
	_ =	sdelay $0x1  }
0x16e: {  	v1 =	vadd.f32 v61, v1  }
0x16f: {  	[tilespmem:s26+$0x9780] =	vst v2  }
0x170: {  	v1 =	vadd.f32 v28, v1;
	v2 =	vld [tilespmem:s25+$0x40];
	[tilespmem:s26+$0x97B0] =	vst v0  }
0x171: {  	p0 =	sne.s32 s22, $0x1E00;
	[tilespmem:s26+$0x97C0] =	vst v0  }
.Ltmp7:
0x172: {  	[tilespmem:s26+$0x97D0] =	vst v0;
	v1 =	vadd.f32 v62, v1;
	(pc) =	sbr.rel @p0 .LBB2_16-.Ltmp7, $4  }
0x173: {  	[tilespmem:s26+$0x97E0] =	vst v0  }
0x174: {  	[tilespmem:s26+$0x97F0] =	vst v0;
	v1 =	vmul.f32 $1.999999960e-02, v1  }
0x175: {  	[tilespmem:s26+$0x9790] =	vst v2  }
0x176: {  	s22 =	sadd.s32 $0x200, s22;
	s24 =	sadd.s32 $0x320, s24;
	s25 =	sadd.s32 $0xA0, s25;
	[tilespmem:s26+$0x97A0] =	vst v1  }
0x177: {  	s21 =	sadd.s32 $0x1, s21  }
0x178: {  	p0 =	sne.s32 s21, $0x10  }
.Ltmp8:
0x179: {  	s22 =	sor.u32 s12, s23;
	(pc) =	sbr.rel @p0 .LBB2_4-.Ltmp8, $4  }
0x17a: {  	s23 =	sadd.s32 s2, s22  }
0x17b: {  	[hbm4b:s23+s3] =	stream.linear.scatter [tilespmem:s18], [sflag:$0x5], $0x800, $0x38;
	[tilespmem:$0x9F80] =	vst v63  }
0x17c: {  	s22 =	sadd.s32 s6, s22  }
0x17d: {  	[hbm4b:s22+s3] =	stream.linear.scatter [tilespmem:s19], [sflag:$0x5], $0x800, $0x38;
	[tilespmem:$0x9F80] =	vst v63  }
0x17e: {  	_ =	swait.ge [sflag:s20], $0x800  }
0x17f: {  	[sflag:s20] =	ssyncset.done $0x0  }
0x180: {  	[sflag:s20] =	ssyncadd.s32 $0xFFFFF800  }
0x181: {  	_ =	swait.ge [sflag:s20], $0x800  }
0x182: {  	[sflag:s20] =	ssyncset.done $0x0  }
0x183: {  	s22 =	simm.s32 $0x5;
	[sflag:s20] =	ssyncadd.s32 $0xFFFFF800  }
0x184: {  	_ =	swait.ge [sflag:s22], $0x800  }
0x185: {  	[sflag:s22] =	ssyncset.done $0x0  }
0x186: {  	[sflag:s22] =	ssyncadd.s32 $0xFFFFF800  }
0x187: {  	_ =	swait.ge [sflag:s22], $0x800  }
0x188: {  	s23 =	rddreg [dreg:$0x6]  }
0x189: {  	s21 =	rddreg [dreg:$0x5];
	s23 =	sadd.s32 $0x1, s23  }
0x18a: {  	p0 =	sne.s32 s23, s21  }
.Ltmp9:
0x18b: {  	_ = 	snop;
	(pc) =	sbr.rel @p0 .LBB2_1-.Ltmp9, $3  }
0x18c: {  	_ =	sdelay $0x1  }
0x18d: {  	[sflag:s22] =	ssyncset.done $0x0  }
0x18e: {  	[sflag:s22] =	ssyncadd.s32 $0xFFFFF800  }
0x18f: {  	_ =	sfence.sel $0x180000  }
0x190: {  	[bflag:$0x0] =	sbarrier.arrive $0xFFFF  }
0x191: {  	_ =	strace $0x90000047  }
0x192: {  	s0 =	stileid.u32;
	[bflag:$0x2] =	sbarrier.arrive $0xFFFF  }
0x193: {  	p0 =	sne.s32 s0, $0x0;
	s0 =	rddreg [dreg:$0x2]  }
0x194: {  	s0 =	sadd.s32 @!p0 $0x100000, s0  }
0x195: {  	[sflag:s0] =	ssyncadd.tile.s32 @!p0 $0x1;
	_ =	shalt  }
.Lfunc_end2:
_tile_overlayer_lowered:
.L_overlay_start_2:
0x196: {  	(tag) =	ssettag $0x2  }
0x197: {  	s0 =	rddreg [dreg:$0x0];
	s2 =	stileid.u32  }
0x198: {  	s1 =	rddreg [dreg:$0x1];
	p0 =	sne.s32 s2, $0x0  }
0x199: {  	s3 =	rddreg [dreg:$0x2];
	[bflag:$0x3] =	sbarrier.arrive $0xFFFF;
	s2 =	simm.s32 @!p0 $0x1C06  }
0x19a: {  	[timem:s3], [sflag:s2] =	dma.local @!p0 [hbm:s0], s1  }
0x19b: {  	s0 =	simm.s32 @!p0 $0x6  }
0x19c: {  	_ =	swait.ge @!p0 [sflag:s0], s1  }
0x19d: {  	s1 =	ssub.s32 @!p0 $0x0, s1;
	[sflag:s0] =	ssyncset.done @!p0 $0x0  }
0x19e: {  	[sflag:s0] =	ssyncadd.s32 @!p0 s1  }
0x19f: {  	[bflag:$0x3] =	sbarrier.arrive $0xFFFF  }
0x1a0: {  	_ =	shalt  }

</sc_bundles>
